<compile_context>
chip_gen: v7x
topology: tpu7x:2x2x1
jax: 0.10.2.dev20260603
libtpu: 0.0.44.dev20260713+nightly
codegen_flags: <defaults>
</compile_context>

<pallas_src>
import functools

import jax
import jax.numpy as jnp
from jax import lax
from jax.experimental import pallas as pl
from jax.experimental.pallas import tpu as pltpu
from jax.experimental.pallas import tpu_sc as plsc

B = 16384
L = 200
EMBED = 16
NW = 32
ROWS_PER_W = B // NW
CH = 16
IDX_PER_CH = CH * L
GW = 128
G = IDX_PER_CH // GW
NCH = ROWS_PER_W // CH
NP = NCH // 2


VOCAB = 1000000
VB = 512
NT = VB // 128
NFULL = VOCAB // VB
TAIL = VOCAB - NFULL * VB


def _make_reformat():
    mesh = plsc.VectorSubcoreMesh(core_axis_name="c", subcore_axis_name="s")

    @functools.partial(
        pl.kernel,
        mesh=mesh,
        out_type=jax.ShapeDtypeStruct((VOCAB * EMBED,), jnp.float32),
        compiler_params=pltpu.CompilerParams(
            use_tc_tiling_on_sc=True, needs_layout_passes=False
        ),
        scratch_types=(
            [pltpu.VMEM((EMBED, VB), jnp.float32)] * 4
            + [pltpu.VMEM((VB * EMBED,), jnp.float32)] * 4
            + [pltpu.SemaphoreType.DMA] * 8
        ),
    )
    def k(tbl_t, out_hbm, st0, st1, st2, st3, ot0, ot1, ot2, ot3,
          si0, si1, si2, si3, so0, so1, so2, so3):
        sts = [st0, st1, st2, st3]
        ots = [ot0, ot1, ot2, ot3]
        sis = [si0, si1, si2, si3]
        sos = [so0, so1, so2, so3]
        cid = lax.axis_index("c")
        sid = lax.axis_index("s")
        wid = sid * 2 + cid
        nblocks = (NFULL // NW) + jnp.where(wid < NFULL % NW, 1, 0)

        e_iota = jax.lax.iota(jnp.int32, 16)
        e_base = e_iota * VB

        def stage(g, st_v, sem):
            col0 = pl.multiple_of(g * VB, VB)
            pltpu.make_async_copy(
                tbl_t.at[:, pl.ds(col0, VB)], st_v, sem
            ).start()

        def stage_wait(st_v, sem):
            pltpu.make_async_copy(
                tbl_t.at[:, pl.ds(0, VB)], st_v, sem
            ).wait()

        zero16 = jnp.zeros((16,), jnp.int32)
        diag = [(e_iota + d) % 16 for d in range(16)]
        gbase = [e_iota * VB + diag[d] for d in range(16)]
        sbase = [diag[d] * EMBED + e_iota for d in range(16)]

        def transpose_sub(st_v, ot_v, ncols):
            def tile_body(i, carry):
                goff, soff = carry
                for d in range(16):
                    vec = plsc.load_gather(st_v, [zero16, gbase[d] + goff])
                    plsc.store_scatter(ot_v, [sbase[d] + soff], vec)
                return (goff + 16, soff + 16 * EMBED)

            lax.fori_loop(0, ncols // 16, tile_body, (0, 0))

        def transpose_block(st_v, ot_v):
            transpose_sub(st_v, ot_v, VB)

        def write(g, ot_v, sem):
            o0 = pl.multiple_of(g * (VB * EMBED), VB * EMBED)
            pltpu.make_async_copy(
                ot_v, out_hbm.at[pl.ds(o0, VB * EMBED)], sem
            ).start()

        def write_wait(ot_v, sem):
            pltpu.make_async_copy(
                ot_v, out_hbm.at[pl.ds(0, VB * EMBED)], sem
            ).wait()

        for p in range(4):
            stage(wid + p * NW, sts[p], sis[p])

        def quad_body(t, carry):
            for p in range(4):
                j = 4 * t + p

                @pl.when(j < nblocks)
                def _do(p=p, j=j):
                    g = wid + j * NW
                    stage_wait(sts[p], sis[p])

                    @pl.when(t > 0)
                    def _ww():
                        write_wait(ots[p], sos[p])

                    transpose_block(sts[p], ots[p])
                    write(g, ots[p], sos[p])

                    @pl.when(j + 4 < nblocks)
                    def _st():
                        stage(g + 4 * NW, sts[p], sis[p])

            return carry

        nquads = (nblocks + 3) // 4
        lax.fori_loop(0, nquads, quad_body, 0)
        for p in range(4):
            write_wait(ots[p], sos[p])

        @pl.when(wid == NW - 1)
        def _tail():
            col0 = pl.multiple_of(NFULL * VB, 128)
            pltpu.sync_copy(
                tbl_t.at[:, pl.ds(col0, 128)], st0.at[:, pl.ds(0, 128)]
            )
            transpose_sub(st0, ot0, TAIL)
            pltpu.sync_copy(
                ot0.at[pl.ds(0, TAIL * EMBED)],
                out_hbm.at[pl.ds(NFULL * VB * EMBED, TAIL * EMBED)],
            )

    return k


def _make_kernel():
    mesh = plsc.VectorSubcoreMesh(core_axis_name="c", subcore_axis_name="s")

    @functools.partial(
        pl.kernel,
        mesh=mesh,
        out_type=jax.ShapeDtypeStruct((B, EMBED), jnp.float32),
        compiler_params=pltpu.CompilerParams(use_tc_tiling_on_sc=False),
        scratch_types=[
            pltpu.VMEM((IDX_PER_CH,), jnp.int32),
            pltpu.VMEM((IDX_PER_CH,), jnp.int32),
            pltpu.VMEM((IDX_PER_CH, EMBED), jnp.float32),
            pltpu.VMEM((IDX_PER_CH, EMBED), jnp.float32),
            pltpu.VMEM((CH, EMBED), jnp.float32),
            pltpu.SemaphoreType.DMA,
            pltpu.SemaphoreType.DMA,
        ],
    )
    def k(x_hbm, table_hbm, out_hbm, idx0, idx1, buf0, buf1, out_v, sem0, sem1):
        cid = lax.axis_index("c")
        sid = lax.axis_index("s")
        wid = sid * 2 + cid

        def stage_and_fire(c, idx_v, buf_v, sem):
            i0 = (wid * NCH + c) * IDX_PER_CH
            pltpu.sync_copy(x_hbm.at[pl.ds(i0, IDX_PER_CH)], idx_v)

            def fire(j, _):
                pltpu.make_async_copy(
                    table_hbm.at[idx_v.at[pl.ds(j * GW, GW)]],
                    buf_v.at[pl.ds(j * GW, GW)],
                    sem,
                ).start()
                return _

            lax.fori_loop(0, G, fire, 0)

        def drain(idx_v, buf_v, sem):
            def drain_one(j, _):
                pltpu.make_async_copy(
                    table_hbm.at[idx_v.at[pl.ds(j * GW, GW)]],
                    buf_v.at[pl.ds(j * GW, GW)],
                    sem,
                ).wait()
                return _

            lax.fori_loop(0, G, drain_one, 0)

        def consume(c, buf_v):
            def row_body(r, _):
                base = r * L

                def acc_body(i, accs):
                    a0, a1, a2, a3 = accs
                    o = base + i * 40
                    for u in range(10):
                        a0 = a0 + buf_v[o + 4 * u + 0]
                        a1 = a1 + buf_v[o + 4 * u + 1]
                        a2 = a2 + buf_v[o + 4 * u + 2]
                        a3 = a3 + buf_v[o + 4 * u + 3]
                    return (a0, a1, a2, a3)

                z = jnp.zeros((16,), jnp.float32)
                a0, a1, a2, a3 = lax.fori_loop(0, L // 40, acc_body, (z, z, z, z))
                out_v[r] = ((a0 + a1) + (a2 + a3)) * (1.0 / L)
                return _

            lax.fori_loop(0, CH, row_body, 0)

            out0 = wid * ROWS_PER_W + c * CH
            pltpu.sync_copy(out_v, out_hbm.at[pl.ds(out0, CH)])

        stage_and_fire(0, idx0, buf0, sem0)

        def pair_body(t, _):
            c0 = 2 * t
            stage_and_fire(c0 + 1, idx1, buf1, sem1)
            drain(idx0, buf0, sem0)
            consume(c0, buf0)

            @pl.when(t < NP - 1)
            def _prefetch():
                stage_and_fire(c0 + 2, idx0, buf0, sem0)

            drain(idx1, buf1, sem1)
            consume(c0 + 1, buf1)
            return _

        lax.fori_loop(0, NP, pair_body, 0)

    return k


_sc_reformat = _make_reformat()
_sc_kernel = _make_kernel()


@jax.jit
def kernel(x, table):
    x_flat = x.reshape(B * L)
    table_lin = _sc_reformat(table.T).reshape(VOCAB, EMBED)
    return _sc_kernel(x_flat, table_lin)

# --- scband reference (transcript-rebuilt; emitter-appended) ---
"""Pipeline reference for scband-char-level-embedding-70076686401876 (READ-ONLY COPY).

The authoritative reference and input builder live on the scoring server;
editing this copy changes nothing except your own understanding.
"""

import jax, jax.numpy as jnp
import numpy as np

VOCAB = 1000000
EMBED = 16
B = 16384
L = 200


def setup_inputs(seed: int = 0) -> dict:
    key = jax.random.key(seed)
    k1, k2 = jax.random.split(key)
    x = jax.random.randint(k1, (B, L), 0, VOCAB, dtype=jnp.int32)
    table = jax.random.normal(k2, (VOCAB, EMBED), dtype=jnp.float32)
    # padding_idx=0 -> embedding row 0 initialized to zeros
    table = table.at[0].set(0.0)
    return {"x": x, "table": table}


def reference(x, table):
    # embedded_chars = self.char_embedding(x)  -> gather rows
    embedded_chars = jnp.take(table, x, axis=0)  # [B, L, EMBED]
    # return embedded_chars.mean(dim=1)
    return embedded_chars.mean(axis=1)  # [B, EMBED]

if __name__ == "__main__":
    import jax
    _d = setup_inputs()
    print(jax.jit(kernel)(*tuple(_d.values())))

</pallas_src>

<mosaic_0001>
#map = affine_map<(d0, d1) -> (0)>
#map1 = affine_map<(d0, d1) -> (0, 0)>
module attributes {stable_mosaic.version = 14 : i64} {
  func.func @k(%arg0: i32, %arg1: i32, %arg2: memref<3276800xi32, #tpu.memory_space<hbm>>, %arg3: memref<1000000x16xf32, #tpu.memory_space<hbm>>, %arg4: memref<16384x16xf32, #tpu.memory_space<hbm>>, %arg5: memref<3200xi32, #tpu.memory_space<vmem>>, %arg6: memref<3200xi32, #tpu.memory_space<vmem>>, %arg7: memref<3200x16xf32, #tpu.memory_space<vmem>>, %arg8: memref<3200x16xf32, #tpu.memory_space<vmem>>, %arg9: memref<16x16xf32, #tpu.memory_space<vmem>>, %arg10: memref<!tpu.dma_semaphore, #tpu.memory_space<semaphore_mem>>, %arg11: memref<!tpu.dma_semaphore, #tpu.memory_space<semaphore_mem>>) attributes {dimension_semantics = [#tpu.dimension_semantics<core_parallel>, #tpu.dimension_semantics<subcore_parallel>], iteration_bounds = array<i64: 2, 16>, scalar_prefetch = 0 : i64, scratch_operands = 7 : i64, tpu.core_type = #tpu.core_type<sc_vector_subcore>, window_params = [{transform_indices = #map}, {transform_indices = #map1}, {transform_indices = #map1}]} {
    %mul3A = arith.constant 2 : i32
    %mul3A_0 = arith.muli %arg1, %mul3A : i32
    %add3A = arith.addi %mul3A_0, %arg0 : i32
    %mul3A_1 = arith.constant 32 : i32
    %mul3A_2 = arith.muli %add3A, %mul3A_1 : i32
    %add3A_3 = arith.constant 0 : i32
    %add3A_4 = arith.addi %mul3A_2, %add3A_3 : i32
    %mul3A_5 = arith.constant 3200 : i32
    %mul3A_6 = arith.muli %add3A_4, %mul3A_5 : i32
    "tpu.region"() ({
      %run_scoped3A = tpu.sem_alloc : memref<!tpu.dma_semaphore, #tpu.memory_space<semaphore_mem>>
      %dma_start3A = tpu.memref_slice %arg2[%mul3A_6] : memref<3276800xi32, #tpu.memory_space<hbm>> -> memref<3200xi32, #tpu.memory_space<hbm>>
      %dma_start3A_18 = tpu.memref_slice %arg2[%mul3A_6] : memref<3276800xi32, #tpu.memory_space<hbm>> -> memref<3200xi32, #tpu.memory_space<hbm>>
      tpu.enqueue_dma source(%dma_start3A_18 : memref<3200xi32, #tpu.memory_space<hbm>>) target(%arg5 : memref<3200xi32, #tpu.memory_space<vmem>>) target_semaphore(%run_scoped3A : memref<!tpu.dma_semaphore, #tpu.memory_space<semaphore_mem>>)
      %dma_wait3A = tpu.memref_slice %arg2[%mul3A_6] : memref<3276800xi32, #tpu.memory_space<hbm>> -> memref<3200xi32, #tpu.memory_space<hbm>>
      %dma_wait3A_19 = tpu.memref_slice %arg2[%mul3A_6] : memref<3276800xi32, #tpu.memory_space<hbm>> -> memref<3200xi32, #tpu.memory_space<hbm>>
      tpu.wait_dma2 semaphore(%run_scoped3A : memref<!tpu.dma_semaphore, #tpu.memory_space<semaphore_mem>>) src(%dma_wait3A_19 : memref<3200xi32, #tpu.memory_space<hbm>>) dst(%arg5 : memref<3200xi32, #tpu.memory_space<vmem>>)
      tpu.yield
    }) : () -> ()
    %scan3A = arith.constant 0 : i32
    %scan3A_7 = arith.constant 0 : i32
    %scan3A_8 = arith.constant 25 : i32
    %scan3A_9 = arith.addi %scan3A_7, %scan3A_8 : i32
    %scan3A_10 = arith.constant 1 : i32
    scf.for %scan3A_18 = %scan3A_7 to %scan3A_9 step %scan3A_10  : i32 {
      %mul3A_19 = arith.constant 128 : i32
      %mul3A_20 = arith.muli %scan3A_18, %mul3A_19 : i32
      %mul3A_21 = arith.constant 128 : i32
      %mul3A_22 = arith.muli %scan3A_18, %mul3A_21 : i32
      %dma_start3A = arith.constant 0 : i32
      %dma_start3A_23 = tpu.memref_slice %arg7[%mul3A_22, %dma_start3A] : memref<3200x16xf32, #tpu.memory_space<vmem>> -> memref<128x16xf32, #tpu.memory_space<vmem>>
      %dma_start3A_24 = tpu.memref_slice %arg5[%mul3A_20] : memref<3200xi32, #tpu.memory_space<vmem>> -> memref<128xi32, #tpu.memory_space<vmem>>
      %dma_start3A_25 = arith.constant 0 : i32
      %dma_start3A_26 = arith.constant 0 : i32
      %dma_start3A_27 = tpu.memref_slice %arg3[%dma_start3A_25, %dma_start3A_26] : memref<1000000x16xf32, #tpu.memory_space<hbm>> -> memref<1000000x16xf32, #tpu.memory_space<hbm>>
      tpu.enqueue_indirect_dma source(%dma_start3A_27 : memref<1000000x16xf32, #tpu.memory_space<hbm>>) target(%dma_start3A_23 : memref<128x16xf32, #tpu.memory_space<vmem>>) offsets(%dma_start3A_24 : memref<128xi32, #tpu.memory_space<vmem>>) semaphore(%arg10 : memref<!tpu.dma_semaphore, #tpu.memory_space<semaphore_mem>>)
    }
    %scan3A_11 = arith.constant 25 : i32
    %scan3A_12 = arith.constant 0 : i32
    %scan3A_13 = arith.constant 0 : i32
    %scan3A_14 = arith.constant 16 : i32
    %scan3A_15 = arith.addi %scan3A_13, %scan3A_14 : i32
    %scan3A_16 = arith.constant 1 : i32
    scf.for %scan3A_18 = %scan3A_13 to %scan3A_15 step %scan3A_16  : i32 {
      %mul3A_19 = arith.constant 2 : i32
      %mul3A_20 = arith.muli %mul3A_19, %scan3A_18 : i32
      %add3A_21 = arith.constant 1 : i32
      %add3A_22 = arith.addi %mul3A_20, %add3A_21 : i32
      %mul3A_23 = arith.constant 32 : i32
      %mul3A_24 = arith.muli %add3A, %mul3A_23 : i32
      %add3A_25 = arith.addi %mul3A_24, %add3A_22 : i32
      %mul3A_26 = arith.constant 3200 : i32
      %mul3A_27 = arith.muli %add3A_25, %mul3A_26 : i32
      "tpu.region"() ({
        %run_scoped3A = tpu.sem_alloc : memref<!tpu.dma_semaphore, #tpu.memory_space<semaphore_mem>>
        %dma_start3A = tpu.memref_slice %arg2[%mul3A_27] : memref<3276800xi32, #tpu.memory_space<hbm>> -> memref<3200xi32, #tpu.memory_space<hbm>>
        %dma_start3A_72 = tpu.memref_slice %arg2[%mul3A_27] : memref<3276800xi32, #tpu.memory_space<hbm>> -> memref<3200xi32, #tpu.memory_space<hbm>>
        tpu.enqueue_dma source(%dma_start3A_72 : memref<3200xi32, #tpu.memory_space<hbm>>) target(%arg6 : memref<3200xi32, #tpu.memory_space<vmem>>) target_semaphore(%run_scoped3A : memref<!tpu.dma_semaphore, #tpu.memory_space<semaphore_mem>>)
        %dma_wait3A = tpu.memref_slice %arg2[%mul3A_27] : memref<3276800xi32, #tpu.memory_space<hbm>> -> memref<3200xi32, #tpu.memory_space<hbm>>
        %dma_wait3A_73 = tpu.memref_slice %arg2[%mul3A_27] : memref<3276800xi32, #tpu.memory_space<hbm>> -> memref<3200xi32, #tpu.memory_space<hbm>>
        tpu.wait_dma2 semaphore(%run_scoped3A : memref<!tpu.dma_semaphore, #tpu.memory_space<semaphore_mem>>) src(%dma_wait3A_73 : memref<3200xi32, #tpu.memory_space<hbm>>) dst(%arg6 : memref<3200xi32, #tpu.memory_space<vmem>>)
        tpu.yield
      }) : () -> ()
      %scan3A_28 = arith.constant 0 : i32
      %scan3A_29 = arith.constant 0 : i32
      %scan3A_30 = arith.constant 25 : i32
      %scan3A_31 = arith.addi %scan3A_29, %scan3A_30 : i32
      %scan3A_32 = arith.constant 1 : i32
      scf.for %scan3A_72 = %scan3A_29 to %scan3A_31 step %scan3A_32  : i32 {
        %mul3A_73 = arith.constant 128 : i32
        %mul3A_74 = arith.muli %scan3A_72, %mul3A_73 : i32
        %mul3A_75 = arith.constant 128 : i32
        %mul3A_76 = arith.muli %scan3A_72, %mul3A_75 : i32
        %dma_start3A = arith.constant 0 : i32
        %dma_start3A_77 = tpu.memref_slice %arg8[%mul3A_76, %dma_start3A] : memref<3200x16xf32, #tpu.memory_space<vmem>> -> memref<128x16xf32, #tpu.memory_space<vmem>>
        %dma_start3A_78 = tpu.memref_slice %arg6[%mul3A_74] : memref<3200xi32, #tpu.memory_space<vmem>> -> memref<128xi32, #tpu.memory_space<vmem>>
        %dma_start3A_79 = arith.constant 0 : i32
        %dma_start3A_80 = arith.constant 0 : i32
        %dma_start3A_81 = tpu.memref_slice %arg3[%dma_start3A_79, %dma_start3A_80] : memref<1000000x16xf32, #tpu.memory_space<hbm>> -> memref<1000000x16xf32, #tpu.memory_space<hbm>>
        tpu.enqueue_indirect_dma source(%dma_start3A_81 : memref<1000000x16xf32, #tpu.memory_space<hbm>>) target(%dma_start3A_77 : memref<128x16xf32, #tpu.memory_space<vmem>>) offsets(%dma_start3A_78 : memref<128xi32, #tpu.memory_space<vmem>>) semaphore(%arg11 : memref<!tpu.dma_semaphore, #tpu.memory_space<semaphore_mem>>)
      }
      %scan3A_33 = arith.constant 25 : i32
      %scan3A_34 = arith.constant 0 : i32
      %scan3A_35 = arith.constant 0 : i32
      %scan3A_36 = arith.constant 25 : i32
      %scan3A_37 = arith.addi %scan3A_35, %scan3A_36 : i32
      %scan3A_38 = arith.constant 1 : i32
      scf.for %scan3A_72 = %scan3A_35 to %scan3A_37 step %scan3A_38  : i32 {
        %mul3A_73 = arith.constant 128 : i32
        %mul3A_74 = arith.muli %scan3A_72, %mul3A_73 : i32
        %mul3A_75 = arith.constant 128 : i32
        %mul3A_76 = arith.muli %scan3A_72, %mul3A_75 : i32
        %dma_wait3A = arith.constant 0 : i32
        %dma_wait3A_77 = tpu.memref_slice %arg7[%mul3A_76, %dma_wait3A] : memref<3200x16xf32, #tpu.memory_space<vmem>> -> memref<128x16xf32, #tpu.memory_space<vmem>>
        %dma_wait3A_78 = tpu.memref_slice %arg5[%mul3A_74] : memref<3200xi32, #tpu.memory_space<vmem>> -> memref<128xi32, #tpu.memory_space<vmem>>
        %dma_wait3A_79 = arith.constant 0 : i32
        %dma_wait3A_80 = arith.constant 0 : i32
        %dma_wait3A_81 = tpu.memref_slice %arg3[%dma_wait3A_79, %dma_wait3A_80] : memref<1000000x16xf32, #tpu.memory_space<hbm>> -> memref<1000000x16xf32, #tpu.memory_space<hbm>>
        tpu.wait_indirect_dma semaphore(%arg10 : memref<!tpu.dma_semaphore, #tpu.memory_space<semaphore_mem>>) src(%dma_wait3A_81 : memref<1000000x16xf32, #tpu.memory_space<hbm>>) dst(%dma_wait3A_77 : memref<128x16xf32, #tpu.memory_space<vmem>>)
      }
      %scan3A_39 = arith.constant 25 : i32
      %scan3A_40 = arith.constant 0 : i32
      %scan3A_41 = arith.constant 0 : i32
      %scan3A_42 = arith.constant 16 : i32
      %scan3A_43 = arith.addi %scan3A_41, %scan3A_42 : i32
      %scan3A_44 = arith.constant 1 : i32
      scf.for %scan3A_72 = %scan3A_41 to %scan3A_43 step %scan3A_44  : i32 {
        %mul3A_73 = arith.constant 200 : i32
        %mul3A_74 = arith.muli %scan3A_72, %mul3A_73 : i32
        %broadcast_in_dim3A = arith.constant 0.000000e+00 : f32
        %broadcast_in_dim3A_75 = vector.broadcast %broadcast_in_dim3A : f32 to vector<16xf32>
        %scan3A_76 = arith.constant 0 : i32
        %scan3A_77 = arith.constant 5 : i32
        %scan3A_78 = arith.addi %scan3A_76, %scan3A_77 : i32
        %scan3A_79 = arith.constant 1 : i32
        %scan3A_80:4 = scf.for %scan3A_92 = %scan3A_76 to %scan3A_78 step %scan3A_79 iter_args(%scan3A_93 = %broadcast_in_dim3A_75, %scan3A_94 = %broadcast_in_dim3A_75, %scan3A_95 = %broadcast_in_dim3A_75, %scan3A_96 = %broadcast_in_dim3A_75) -> (vector<16xf32>, vector<16xf32>, vector<16xf32>, vector<16xf32>)  : i32 {
          %mul3A_97 = arith.constant 40 : i32
          %mul3A_98 = arith.muli %scan3A_92, %mul3A_97 : i32
          %add3A_99 = arith.addi %mul3A_74, %mul3A_98 : i32
          %add3A_100 = arith.constant 0 : i32
          %add3A_101 = arith.addi %add3A_99, %add3A_100 : i32
          %add3A_102 = arith.constant 0 : i32
          %add3A_103 = arith.addi %add3A_101, %add3A_102 : i32
          %get3A = arith.index_cast %add3A_103 : i32 to index
          %get3A_104 = arith.constant 0 : index
          %get3A_105 = tpu.vector_load %arg7[%get3A, %get3A_104] {strides = array<i32>} : memref<3200x16xf32, #tpu.memory_space<vmem>>, vector<1x16xf32>,
          %get3A_106 = vector.shape_cast %get3A_105 : vector<1x16xf32> to vector<16xf32>
          %add3A_107 = arith.addf %scan3A_93, %get3A_106 : vector<16xf32>
          %add3A_108 = arith.constant 0 : i32
          %add3A_109 = arith.addi %add3A_99, %add3A_108 : i32
          %add3A_110 = arith.constant 1 : i32
          %add3A_111 = arith.addi %add3A_109, %add3A_110 : i32
          %get3A_112 = arith.index_cast %add3A_111 : i32 to index
          %get3A_113 = arith.constant 0 : index
          %get3A_114 = tpu.vector_load %arg7[%get3A_112, %get3A_113] {strides = array<i32>} : memref<3200x16xf32, #tpu.memory_space<vmem>>, vector<1x16xf32>,
          %get3A_115 = vector.shape_cast %get3A_114 : vector<1x16xf32> to vector<16xf32>
          %add3A_116 = arith.addf %scan3A_94, %get3A_115 : vector<16xf32>
          %add3A_117 = arith.constant 0 : i32
          %add3A_118 = arith.addi %add3A_99, %add3A_117 : i32
          %add3A_119 = arith.constant 2 : i32
          %add3A_120 = arith.addi %add3A_118, %add3A_119 : i32
          %get3A_121 = arith.index_cast %add3A_120 : i32 to index
          %get3A_122 = arith.constant 0 : index
          %get3A_123 = tpu.vector_load %arg7[%get3A_121, %get3A_122] {strides = array<i32>} : memref<3200x16xf32, #tpu.memory_space<vmem>>, vector<1x16xf32>,
          %get3A_124 = vector.shape_cast %get3A_123 : vector<1x16xf32> to vector<16xf32>
          %add3A_125 = arith.addf %scan3A_95, %get3A_124 : vector<16xf32>
          %add3A_126 = arith.constant 0 : i32
          %add3A_127 = arith.addi %add3A_99, %add3A_126 : i32
          %add3A_128 = arith.constant 3 : i32
          %add3A_129 = arith.addi %add3A_127, %add3A_128 : i32
          %get3A_130 = arith.index_cast %add3A_129 : i32 to index
          %get3A_131 = arith.constant 0 : index
          %get3A_132 = tpu.vector_load %arg7[%get3A_130, %get3A_131] {strides = array<i32>} : memref<3200x16xf32, #tpu.memory_space<vmem>>, vector<1x16xf32>,
          %get3A_133 = vector.shape_cast %get3A_132 : vector<1x16xf32> to vector<16xf32>
          %add3A_134 = arith.addf %scan3A_96, %get3A_133 : vector<16xf32>
          %add3A_135 = arith.constant 4 : i32
          %add3A_136 = arith.addi %add3A_99, %add3A_135 : i32
          %add3A_137 = arith.constant 0 : i32
          %add3A_138 = arith.addi %add3A_136, %add3A_137 : i32
          %get3A_139 = arith.index_cast %add3A_138 : i32 to index
          %get3A_140 = arith.constant 0 : index
          %get3A_141 = tpu.vector_load %arg7[%get3A_139, %get3A_140] {strides = array<i32>} : memref<3200x16xf32, #tpu.memory_space<vmem>>, vector<1x16xf32>,
          %get3A_142 = vector.shape_cast %get3A_141 : vector<1x16xf32> to vector<16xf32>
          %add3A_143 = arith.addf %add3A_107, %get3A_142 : vector<16xf32>
          %add3A_144 = arith.constant 4 : i32
          %add3A_145 = arith.addi %add3A_99, %add3A_144 : i32
          %add3A_146 = arith.constant 1 : i32
          %add3A_147 = arith.addi %add3A_145, %add3A_146 : i32
          %get3A_148 = arith.index_cast %add3A_147 : i32 to index
          %get3A_149 = arith.constant 0 : index
          %get3A_150 = tpu.vector_load %arg7[%get3A_148, %get3A_149] {strides = array<i32>} : memref<3200x16xf32, #tpu.memory_space<vmem>>, vector<1x16xf32>,
          %get3A_151 = vector.shape_cast %get3A_150 : vector<1x16xf32> to vector<16xf32>
          %add3A_152 = arith.addf %add3A_116, %get3A_151 : vector<16xf32>
          %add3A_153 = arith.constant 4 : i32
          %add3A_154 = arith.addi %add3A_99, %add3A_153 : i32
          %add3A_155 = arith.constant 2 : i32
          %add3A_156 = arith.addi %add3A_154, %add3A_155 : i32
          %get3A_157 = arith.index_cast %add3A_156 : i32 to index
          %get3A_158 = arith.constant 0 : index
          %get3A_159 = tpu.vector_load %arg7[%get3A_157, %get3A_158] {strides = array<i32>} : memref<3200x16xf32, #tpu.memory_space<vmem>>, vector<1x16xf32>,
          %get3A_160 = vector.shape_cast %get3A_159 : vector<1x16xf32> to vector<16xf32>
          %add3A_161 = arith.addf %add3A_125, %get3A_160 : vector<16xf32>
          %add3A_162 = arith.constant 4 : i32
          %add3A_163 = arith.addi %add3A_99, %add3A_162 : i32
          %add3A_164 = arith.constant 3 : i32
          %add3A_165 = arith.addi %add3A_163, %add3A_164 : i32
          %get3A_166 = arith.index_cast %add3A_165 : i32 to index
          %get3A_167 = arith.constant 0 : index
          %get3A_168 = tpu.vector_load %arg7[%get3A_166, %get3A_167] {strides = array<i32>} : memref<3200x16xf32, #tpu.memory_space<vmem>>, vector<1x16xf32>,
          %get3A_169 = vector.shape_cast %get3A_168 : vector<1x16xf32> to vector<16xf32>
          %add3A_170 = arith.addf %add3A_134, %get3A_169 : vector<16xf32>
          %add3A_171 = arith.constant 8 : i32
          %add3A_172 = arith.addi %add3A_99, %add3A_171 : i32
          %add3A_173 = arith.constant 0 : i32
          %add3A_174 = arith.addi %add3A_172, %add3A_173 : i32
          %get3A_175 = arith.index_cast %add3A_174 : i32 to index
          %get3A_176 = arith.constant 0 : index
          %get3A_177 = tpu.vector_load %arg7[%get3A_175, %get3A_176] {strides = array<i32>} : memref<3200x16xf32, #tpu.memory_space<vmem>>, vector<1x16xf32>,
          %get3A_178 = vector.shape_cast %get3A_177 : vector<1x16xf32> to vector<16xf32>
          %add3A_179 = arith.addf %add3A_143, %get3A_178 : vector<16xf32>
          %add3A_180 = arith.constant 8 : i32
          %add3A_181 = arith.addi %add3A_99, %add3A_180 : i32
          %add3A_182 = arith.constant 1 : i32
          %add3A_183 = arith.addi %add3A_181, %add3A_182 : i32
          %get3A_184 = arith.index_cast %add3A_183 : i32 to index
          %get3A_185 = arith.constant 0 : index
          %get3A_186 = tpu.vector_load %arg7[%get3A_184, %get3A_185] {strides = array<i32>} : memref<3200x16xf32, #tpu.memory_space<vmem>>, vector<1x16xf32>,
          %get3A_187 = vector.shape_cast %get3A_186 : vector<1x16xf32> to vector<16xf32>
          %add3A_188 = arith.addf %add3A_152, %get3A_187 : vector<16xf32>
          %add3A_189 = arith.constant 8 : i32
          %add3A_190 = arith.addi %add3A_99, %add3A_189 : i32
          %add3A_191 = arith.constant 2 : i32
          %add3A_192 = arith.addi %add3A_190, %add3A_191 : i32
          %get3A_193 = arith.index_cast %add3A_192 : i32 to index
          %get3A_194 = arith.constant 0 : index
          %get3A_195 = tpu.vector_load %arg7[%get3A_193, %get3A_194] {strides = array<i32>} : memref<3200x16xf32, #tpu.memory_space<vmem>>, vector<1x16xf32>,
          %get3A_196 = vector.shape_cast %get3A_195 : vector<1x16xf32> to vector<16xf32>
          %add3A_197 = arith.addf %add3A_161, %get3A_196 : vector<16xf32>
          %add3A_198 = arith.constant 8 : i32
          %add3A_199 = arith.addi %add3A_99, %add3A_198 : i32
          %add3A_200 = arith.constant 3 : i32
          %add3A_201 = arith.addi %add3A_199, %add3A_200 : i32
          %get3A_202 = arith.index_cast %add3A_201 : i32 to index
          %get3A_203 = arith.constant 0 : index
          %get3A_204 = tpu.vector_load %arg7[%get3A_202, %get3A_203] {strides = array<i32>} : memref<3200x16xf32, #tpu.memory_space<vmem>>, vector<1x16xf32>,
          %get3A_205 = vector.shape_cast %get3A_204 : vector<1x16xf32> to vector<16xf32>
          %add3A_206 = arith.addf %add3A_170, %get3A_205 : vector<16xf32>
          %add3A_207 = arith.constant 12 : i32
          %add3A_208 = arith.addi %add3A_99, %add3A_207 : i32
          %add3A_209 = arith.constant 0 : i32
          %add3A_210 = arith.addi %add3A_208, %add3A_209 : i32
          %get3A_211 = arith.index_cast %add3A_210 : i32 to index
          %get3A_212 = arith.constant 0 : index
          %get3A_213 = tpu.vector_load %arg7[%get3A_211, %get3A_212] {strides = array<i32>} : memref<3200x16xf32, #tpu.memory_space<vmem>>, vector<1x16xf32>,
          %get3A_214 = vector.shape_cast %get3A_213 : vector<1x16xf32> to vector<16xf32>
          %add3A_215 = arith.addf %add3A_179, %get3A_214 : vector<16xf32>
          %add3A_216 = arith.constant 12 : i32
          %add3A_217 = arith.addi %add3A_99, %add3A_216 : i32
          %add3A_218 = arith.constant 1 : i32
          %add3A_219 = arith.addi %add3A_217, %add3A_218 : i32
          %get3A_220 = arith.index_cast %add3A_219 : i32 to index
          %get3A_221 = arith.constant 0 : index
          %get3A_222 = tpu.vector_load %arg7[%get3A_220, %get3A_221] {strides = array<i32>} : memref<3200x16xf32, #tpu.memory_space<vmem>>, vector<1x16xf32>,
          %get3A_223 = vector.shape_cast %get3A_222 : vector<1x16xf32> to vector<16xf32>
          %add3A_224 = arith.addf %add3A_188, %get3A_223 : vector<16xf32>
          %add3A_225 = arith.constant 12 : i32
          %add3A_226 = arith.addi %add3A_99, %add3A_225 : i32
          %add3A_227 = arith.constant 2 : i32
          %add3A_228 = arith.addi %add3A_226, %add3A_227 : i32
          %get3A_229 = arith.index_cast %add3A_228 : i32 to index
          %get3A_230 = arith.constant 0 : index
          %get3A_231 = tpu.vector_load %arg7[%get3A_229, %get3A_230] {strides = array<i32>} : memref<3200x16xf32, #tpu.memory_space<vmem>>, vector<1x16xf32>,
          %get3A_232 = vector.shape_cast %get3A_231 : vector<1x16xf32> to vector<16xf32>
          %add3A_233 = arith.addf %add3A_197, %get3A_232 : vector<16xf32>
          %add3A_234 = arith.constant 12 : i32
          %add3A_235 = arith.addi %add3A_99, %add3A_234 : i32
          %add3A_236 = arith.constant 3 : i32
          %add3A_237 = arith.addi %add3A_235, %add3A_236 : i32
          %get3A_238 = arith.index_cast %add3A_237 : i32 to index
          %get3A_239 = arith.constant 0 : index
          %get3A_240 = tpu.vector_load %arg7[%get3A_238, %get3A_239] {strides = array<i32>} : memref<3200x16xf32, #tpu.memory_space<vmem>>, vector<1x16xf32>,
          %get3A_241 = vector.shape_cast %get3A_240 : vector<1x16xf32> to vector<16xf32>
          %add3A_242 = arith.addf %add3A_206, %get3A_241 : vector<16xf32>
          %add3A_243 = arith.constant 16 : i32
          %add3A_244 = arith.addi %add3A_99, %add3A_243 : i32
          %add3A_245 = arith.constant 0 : i32
          %add3A_246 = arith.addi %add3A_244, %add3A_245 : i32
          %get3A_247 = arith.index_cast %add3A_246 : i32 to index
          %get3A_248 = arith.constant 0 : index
          %get3A_249 = tpu.vector_load %arg7[%get3A_247, %get3A_248] {strides = array<i32>} : memref<3200x16xf32, #tpu.memory_space<vmem>>, vector<1x16xf32>,
          %get3A_250 = vector.shape_cast %get3A_249 : vector<1x16xf32> to vector<16xf32>
          %add3A_251 = arith.addf %add3A_215, %get3A_250 : vector<16xf32>
          %add3A_252 = arith.constant 16 : i32
          %add3A_253 = arith.addi %add3A_99, %add3A_252 : i32
          %add3A_254 = arith.constant 1 : i32
          %add3A_255 = arith.addi %add3A_253, %add3A_254 : i32
          %get3A_256 = arith.index_cast %add3A_255 : i32 to index
          %get3A_257 = arith.constant 0 : index
          %get3A_258 = tpu.vector_load %arg7[%get3A_256, %get3A_257] {strides = array<i32>} : memref<3200x16xf32, #tpu.memory_space<vmem>>, vector<1x16xf32>,
          %get3A_259 = vector.shape_cast %get3A_258 : vector<1x16xf32> to vector<16xf32>
          %add3A_260 = arith.addf %add3A_224, %get3A_259 : vector<16xf32>
          %add3A_261 = arith.constant 16 : i32
          %add3A_262 = arith.addi %add3A_99, %add3A_261 : i32
          %add3A_263 = arith.constant 2 : i32
          %add3A_264 = arith.addi %add3A_262, %add3A_263 : i32
          %get3A_265 = arith.index_cast %add3A_264 : i32 to index
          %get3A_266 = arith.constant 0 : index
          %get3A_267 = tpu.vector_load %arg7[%get3A_265, %get3A_266] {strides = array<i32>} : memref<3200x16xf32, #tpu.memory_space<vmem>>, vector<1x16xf32>,
          %get3A_268 = vector.shape_cast %get3A_267 : vector<1x16xf32> to vector<16xf32>
          %add3A_269 = arith.addf %add3A_233, %get3A_268 : vector<16xf32>
          %add3A_270 = arith.constant 16 : i32
          %add3A_271 = arith.addi %add3A_99, %add3A_270 : i32
          %add3A_272 = arith.constant 3 : i32
          %add3A_273 = arith.addi %add3A_271, %add3A_272 : i32
          %get3A_274 = arith.index_cast %add3A_273 : i32 to index
          %get3A_275 = arith.constant 0 : index
          %get3A_276 = tpu.vector_load %arg7[%get3A_274, %get3A_275] {strides = array<i32>} : memref<3200x16xf32, #tpu.memory_space<vmem>>, vector<1x16xf32>,
          %get3A_277 = vector.shape_cast %get3A_276 : vector<1x16xf32> to vector<16xf32>
          %add3A_278 = arith.addf %add3A_242, %get3A_277 : vector<16xf32>
          %add3A_279 = arith.constant 20 : i32
          %add3A_280 = arith.addi %add3A_99, %add3A_279 : i32
          %add3A_281 = arith.constant 0 : i32
          %add3A_282 = arith.addi %add3A_280, %add3A_281 : i32
          %get3A_283 = arith.index_cast %add3A_282 : i32 to index
          %get3A_284 = arith.constant 0 : index
          %get3A_285 = tpu.vector_load %arg7[%get3A_283, %get3A_284] {strides = array<i32>} : memref<3200x16xf32, #tpu.memory_space<vmem>>, vector<1x16xf32>,
          %get3A_286 = vector.shape_cast %get3A_285 : vector<1x16xf32> to vector<16xf32>
          %add3A_287 = arith.addf %add3A_251, %get3A_286 : vector<16xf32>
          %add3A_288 = arith.constant 20 : i32
          %add3A_289 = arith.addi %add3A_99, %add3A_288 : i32
          %add3A_290 = arith.constant 1 : i32
          %add3A_291 = arith.addi %add3A_289, %add3A_290 : i32
          %get3A_292 = arith.index_cast %add3A_291 : i32 to index
          %get3A_293 = arith.constant 0 : index
          %get3A_294 = tpu.vector_load %arg7[%get3A_292, %get3A_293] {strides = array<i32>} : memref<3200x16xf32, #tpu.memory_space<vmem>>, vector<1x16xf32>,
          %get3A_295 = vector.shape_cast %get3A_294 : vector<1x16xf32> to vector<16xf32>
          %add3A_296 = arith.addf %add3A_260, %get3A_295 : vector<16xf32>
          %add3A_297 = arith.constant 20 : i32
          %add3A_298 = arith.addi %add3A_99, %add3A_297 : i32
          %add3A_299 = arith.constant 2 : i32
          %add3A_300 = arith.addi %add3A_298, %add3A_299 : i32
          %get3A_301 = arith.index_cast %add3A_300 : i32 to index
          %get3A_302 = arith.constant 0 : index
          %get3A_303 = tpu.vector_load %arg7[%get3A_301, %get3A_302] {strides = array<i32>} : memref<3200x16xf32, #tpu.memory_space<vmem>>, vector<1x16xf32>,
          %get3A_304 = vector.shape_cast %get3A_303 : vector<1x16xf32> to vector<16xf32>
          %add3A_305 = arith.addf %add3A_269, %get3A_304 : vector<16xf32>
          %add3A_306 = arith.constant 20 : i32
          %add3A_307 = arith.addi %add3A_99, %add3A_306 : i32
          %add3A_308 = arith.constant 3 : i32
          %add3A_309 = arith.addi %add3A_307, %add3A_308 : i32
          %get3A_310 = arith.index_cast %add3A_309 : i32 to index
          %get3A_311 = arith.constant 0 : index
          %get3A_312 = tpu.vector_load %arg7[%get3A_310, %get3A_311] {strides = array<i32>} : memref<3200x16xf32, #tpu.memory_space<vmem>>, vector<1x16xf32>,
          %get3A_313 = vector.shape_cast %get3A_312 : vector<1x16xf32> to vector<16xf32>
          %add3A_314 = arith.addf %add3A_278, %get3A_313 : vector<16xf32>
          %add3A_315 = arith.constant 24 : i32
          %add3A_316 = arith.addi %add3A_99, %add3A_315 : i32
          %add3A_317 = arith.constant 0 : i32
          %add3A_318 = arith.addi %add3A_316, %add3A_317 : i32
          %get3A_319 = arith.index_cast %add3A_318 : i32 to index
          %get3A_320 = arith.constant 0 : index
          %get3A_321 = tpu.vector_load %arg7[%get3A_319, %get3A_320] {strides = array<i32>} : memref<3200x16xf32, #tpu.memory_space<vmem>>, vector<1x16xf32>,
          %get3A_322 = vector.shape_cast %get3A_321 : vector<1x16xf32> to vector<16xf32>
          %add3A_323 = arith.addf %add3A_287, %get3A_322 : vector<16xf32>
          %add3A_324 = arith.constant 24 : i32
          %add3A_325 = arith.addi %add3A_99, %add3A_324 : i32
          %add3A_326 = arith.constant 1 : i32
          %add3A_327 = arith.addi %add3A_325, %add3A_326 : i32
          %get3A_328 = arith.index_cast %add3A_327 : i32 to index
          %get3A_329 = arith.constant 0 : index
          %get3A_330 = tpu.vector_load %arg7[%get3A_328, %get3A_329] {strides = array<i32>} : memref<3200x16xf32, #tpu.memory_space<vmem>>, vector<1x16xf32>,
          %get3A_331 = vector.shape_cast %get3A_330 : vector<1x16xf32> to vector<16xf32>
          %add3A_332 = arith.addf %add3A_296, %get3A_331 : vector<16xf32>
          %add3A_333 = arith.constant 24 : i32
          %add3A_334 = arith.addi %add3A_99, %add3A_333 : i32
          %add3A_335 = arith.constant 2 : i32
          %add3A_336 = arith.addi %add3A_334, %add3A_335 : i32
          %get3A_337 = arith.index_cast %add3A_336 : i32 to index
          %get3A_338 = arith.constant 0 : index
          %get3A_339 = tpu.vector_load %arg7[%get3A_337, %get3A_338] {strides = array<i32>} : memref<3200x16xf32, #tpu.memory_space<vmem>>, vector<1x16xf32>,
          %get3A_340 = vector.shape_cast %get3A_339 : vector<1x16xf32> to vector<16xf32>
          %add3A_341 = arith.addf %add3A_305, %get3A_340 : vector<16xf32>
          %add3A_342 = arith.constant 24 : i32
          %add3A_343 = arith.addi %add3A_99, %add3A_342 : i32
          %add3A_344 = arith.constant 3 : i32
          %add3A_345 = arith.addi %add3A_343, %add3A_344 : i32
          %get3A_346 = arith.index_cast %add3A_345 : i32 to index
          %get3A_347 = arith.constant 0 : index
          %get3A_348 = tpu.vector_load %arg7[%get3A_346, %get3A_347] {strides = array<i32>} : memref<3200x16xf32, #tpu.memory_space<vmem>>, vector<1x16xf32>,
          %get3A_349 = vector.shape_cast %get3A_348 : vector<1x16xf32> to vector<16xf32>
          %add3A_350 = arith.addf %add3A_314, %get3A_349 : vector<16xf32>
          %add3A_351 = arith.constant 28 : i32
          %add3A_352 = arith.addi %add3A_99, %add3A_351 : i32
          %add3A_353 = arith.constant 0 : i32
          %add3A_354 = arith.addi %add3A_352, %add3A_353 : i32
          %get3A_355 = arith.index_cast %add3A_354 : i32 to index
          %get3A_356 = arith.constant 0 : index
          %get3A_357 = tpu.vector_load %arg7[%get3A_355, %get3A_356] {strides = array<i32>} : memref<3200x16xf32, #tpu.memory_space<vmem>>, vector<1x16xf32>,
          %get3A_358 = vector.shape_cast %get3A_357 : vector<1x16xf32> to vector<16xf32>
          %add3A_359 = arith.addf %add3A_323, %get3A_358 : vector<16xf32>
          %add3A_360 = arith.constant 28 : i32
          %add3A_361 = arith.addi %add3A_99, %add3A_360 : i32
          %add3A_362 = arith.constant 1 : i32
          %add3A_363 = arith.addi %add3A_361, %add3A_362 : i32
          %get3A_364 = arith.index_cast %add3A_363 : i32 to index
          %get3A_365 = arith.constant 0 : index
          %get3A_366 = tpu.vector_load %arg7[%get3A_364, %get3A_365] {strides = array<i32>} : memref<3200x16xf32, #tpu.memory_space<vmem>>, vector<1x16xf32>,
          %get3A_367 = vector.shape_cast %get3A_366 : vector<1x16xf32> to vector<16xf32>
          %add3A_368 = arith.addf %add3A_332, %get3A_367 : vector<16xf32>
          %add3A_369 = arith.constant 28 : i32
          %add3A_370 = arith.addi %add3A_99, %add3A_369 : i32
          %add3A_371 = arith.constant 2 : i32
          %add3A_372 = arith.addi %add3A_370, %add3A_371 : i32
          %get3A_373 = arith.index_cast %add3A_372 : i32 to index
          %get3A_374 = arith.constant 0 : index
          %get3A_375 = tpu.vector_load %arg7[%get3A_373, %get3A_374] {strides = array<i32>} : memref<3200x16xf32, #tpu.memory_space<vmem>>, vector<1x16xf32>,
          %get3A_376 = vector.shape_cast %get3A_375 : vector<1x16xf32> to vector<16xf32>
          %add3A_377 = arith.addf %add3A_341, %get3A_376 : vector<16xf32>
          %add3A_378 = arith.constant 28 : i32
          %add3A_379 = arith.addi %add3A_99, %add3A_378 : i32
          %add3A_380 = arith.constant 3 : i32
          %add3A_381 = arith.addi %add3A_379, %add3A_380 : i32
          %get3A_382 = arith.index_cast %add3A_381 : i32 to index
          %get3A_383 = arith.constant 0 : index
          %get3A_384 = tpu.vector_load %arg7[%get3A_382, %get3A_383] {strides = array<i32>} : memref<3200x16xf32, #tpu.memory_space<vmem>>, vector<1x16xf32>,
          %get3A_385 = vector.shape_cast %get3A_384 : vector<1x16xf32> to vector<16xf32>
          %add3A_386 = arith.addf %add3A_350, %get3A_385 : vector<16xf32>
          %add3A_387 = arith.constant 32 : i32
          %add3A_388 = arith.addi %add3A_99, %add3A_387 : i32
          %add3A_389 = arith.constant 0 : i32
          %add3A_390 = arith.addi %add3A_388, %add3A_389 : i32
          %get3A_391 = arith.index_cast %add3A_390 : i32 to index
          %get3A_392 = arith.constant 0 : index
          %get3A_393 = tpu.vector_load %arg7[%get3A_391, %get3A_392] {strides = array<i32>} : memref<3200x16xf32, #tpu.memory_space<vmem>>, vector<1x16xf32>,
          %get3A_394 = vector.shape_cast %get3A_393 : vector<1x16xf32> to vector<16xf32>
          %add3A_395 = arith.addf %add3A_359, %get3A_394 : vector<16xf32>
          %add3A_396 = arith.constant 32 : i32
          %add3A_397 = arith.addi %add3A_99, %add3A_396 : i32
          %add3A_398 = arith.constant 1 : i32
          %add3A_399 = arith.addi %add3A_397, %add3A_398 : i32
          %get3A_400 = arith.index_cast %add3A_399 : i32 to index
          %get3A_401 = arith.constant 0 : index
          %get3A_402 = tpu.vector_load %arg7[%get3A_400, %get3A_401] {strides = array<i32>} : memref<3200x16xf32, #tpu.memory_space<vmem>>, vector<1x16xf32>,
          %get3A_403 = vector.shape_cast %get3A_402 : vector<1x16xf32> to vector<16xf32>
          %add3A_404 = arith.addf %add3A_368, %get3A_403 : vector<16xf32>
          %add3A_405 = arith.constant 32 : i32
          %add3A_406 = arith.addi %add3A_99, %add3A_405 : i32
          %add3A_407 = arith.constant 2 : i32
          %add3A_408 = arith.addi %add3A_406, %add3A_407 : i32
          %get3A_409 = arith.index_cast %add3A_408 : i32 to index
          %get3A_410 = arith.constant 0 : index
          %get3A_411 = tpu.vector_load %arg7[%get3A_409, %get3A_410] {strides = array<i32>} : memref<3200x16xf32, #tpu.memory_space<vmem>>, vector<1x16xf32>,
          %get3A_412 = vector.shape_cast %get3A_411 : vector<1x16xf32> to vector<16xf32>
          %add3A_413 = arith.addf %add3A_377, %get3A_412 : vector<16xf32>
          %add3A_414 = arith.constant 32 : i32
          %add3A_415 = arith.addi %add3A_99, %add3A_414 : i32
          %add3A_416 = arith.constant 3 : i32
          %add3A_417 = arith.addi %add3A_415, %add3A_416 : i32
          %get3A_418 = arith.index_cast %add3A_417 : i32 to index
          %get3A_419 = arith.constant 0 : index
          %get3A_420 = tpu.vector_load %arg7[%get3A_418, %get3A_419] {strides = array<i32>} : memref<3200x16xf32, #tpu.memory_space<vmem>>, vector<1x16xf32>,
          %get3A_421 = vector.shape_cast %get3A_420 : vector<1x16xf32> to vector<16xf32>
          %add3A_422 = arith.addf %add3A_386, %get3A_421 : vector<16xf32>
          %add3A_423 = arith.constant 36 : i32
          %add3A_424 = arith.addi %add3A_99, %add3A_423 : i32
          %add3A_425 = arith.constant 0 : i32
          %add3A_426 = arith.addi %add3A_424, %add3A_425 : i32
          %get3A_427 = arith.index_cast %add3A_426 : i32 to index
          %get3A_428 = arith.constant 0 : index
          %get3A_429 = tpu.vector_load %arg7[%get3A_427, %get3A_428] {strides = array<i32>} : memref<3200x16xf32, #tpu.memory_space<vmem>>, vector<1x16xf32>,
          %get3A_430 = vector.shape_cast %get3A_429 : vector<1x16xf32> to vector<16xf32>
          %add3A_431 = arith.addf %add3A_395, %get3A_430 : vector<16xf32>
          %add3A_432 = arith.constant 36 : i32
          %add3A_433 = arith.addi %add3A_99, %add3A_432 : i32
          %add3A_434 = arith.constant 1 : i32
          %add3A_435 = arith.addi %add3A_433, %add3A_434 : i32
          %get3A_436 = arith.index_cast %add3A_435 : i32 to index
          %get3A_437 = arith.constant 0 : index
          %get3A_438 = tpu.vector_load %arg7[%get3A_436, %get3A_437] {strides = array<i32>} : memref<3200x16xf32, #tpu.memory_space<vmem>>, vector<1x16xf32>,
          %get3A_439 = vector.shape_cast %get3A_438 : vector<1x16xf32> to vector<16xf32>
          %add3A_440 = arith.addf %add3A_404, %get3A_439 : vector<16xf32>
          %add3A_441 = arith.constant 36 : i32
          %add3A_442 = arith.addi %add3A_99, %add3A_441 : i32
          %add3A_443 = arith.constant 2 : i32
          %add3A_444 = arith.addi %add3A_442, %add3A_443 : i32
          %get3A_445 = arith.index_cast %add3A_444 : i32 to index
          %get3A_446 = arith.constant 0 : index
          %get3A_447 = tpu.vector_load %arg7[%get3A_445, %get3A_446] {strides = array<i32>} : memref<3200x16xf32, #tpu.memory_space<vmem>>, vector<1x16xf32>,
          %get3A_448 = vector.shape_cast %get3A_447 : vector<1x16xf32> to vector<16xf32>
          %add3A_449 = arith.addf %add3A_413, %get3A_448 : vector<16xf32>
          %add3A_450 = arith.constant 36 : i32
          %add3A_451 = arith.addi %add3A_99, %add3A_450 : i32
          %add3A_452 = arith.constant 3 : i32
          %add3A_453 = arith.addi %add3A_451, %add3A_452 : i32
          %get3A_454 = arith.index_cast %add3A_453 : i32 to index
          %get3A_455 = arith.constant 0 : index
          %get3A_456 = tpu.vector_load %arg7[%get3A_454, %get3A_455] {strides = array<i32>} : memref<3200x16xf32, #tpu.memory_space<vmem>>, vector<1x16xf32>,
          %get3A_457 = vector.shape_cast %get3A_456 : vector<1x16xf32> to vector<16xf32>
          %add3A_458 = arith.addf %add3A_422, %get3A_457 : vector<16xf32>
          scf.yield %add3A_431, %add3A_440, %add3A_449, %add3A_458 : vector<16xf32>, vector<16xf32>, vector<16xf32>, vector<16xf32>
        }
        %scan3A_81 = arith.constant 5 : i32
        %add3A_82 = arith.addf %scan3A_80#0, %scan3A_80#1 : vector<16xf32>
        %add3A_83 = arith.addf %scan3A_80#2, %scan3A_80#3 : vector<16xf32>
        %add3A_84 = arith.addf %add3A_82, %add3A_83 : vector<16xf32>
        %mul3A_85 = arith.constant 5.000000e-03 : f32
        %mul3A_86 = vector.broadcast %mul3A_85 : f32 to vector<16xf32>
        %mul3A_87 = arith.mulf %add3A_84, %mul3A_86 : vector<16xf32>
        %swap3A = arith.index_cast %scan3A_72 : i32 to index
        %swap3A_88 = arith.constant 0 : index
        %swap3A_89 = tpu.vector_load %arg9[%swap3A, %swap3A_88] {strides = array<i32>} : memref<16x16xf32, #tpu.memory_space<vmem>>, vector<1x16xf32>,
        %swap3A_90 = vector.shape_cast %swap3A_89 : vector<1x16xf32> to vector<16xf32>
        %swap3A_91 = vector.shape_cast %mul3A_87 : vector<16xf32> to vector<1x16xf32>
        tpu.vector_store %arg9[%swap3A, %swap3A_88], %swap3A_91 {strides = array<i32>} : memref<16x16xf32, #tpu.memory_space<vmem>>, vector<1x16xf32>,
      }
      %scan3A_45 = arith.constant 16 : i32
      %mul3A_46 = arith.constant 512 : i32
      %mul3A_47 = arith.muli %add3A, %mul3A_46 : i32
      %mul3A_48 = arith.constant 16 : i32
      %mul3A_49 = arith.muli %mul3A_20, %mul3A_48 : i32
      %add3A_50 = arith.addi %mul3A_47, %mul3A_49 : i32
      "tpu.region"() ({
        %run_scoped3A = tpu.sem_alloc : memref<!tpu.dma_semaphore, #tpu.memory_space<semaphore_mem>>
        %dma_start3A = arith.constant 0 : i32
        %dma_start3A_72 = tpu.memref_slice %arg4[%add3A_50, %dma_start3A] : memref<16384x16xf32, #tpu.memory_space<hbm>> -> memref<16x16xf32, #tpu.memory_space<hbm>>
        %dma_start3A_73 = arith.constant 0 : i32
        %dma_start3A_74 = tpu.memref_slice %arg4[%add3A_50, %dma_start3A_73] : memref<16384x16xf32, #tpu.memory_space<hbm>> -> memref<16x16xf32, #tpu.memory_space<hbm>>
        tpu.enqueue_dma source(%arg9 : memref<16x16xf32, #tpu.memory_space<vmem>>) target(%dma_start3A_74 : memref<16x16xf32, #tpu.memory_space<hbm>>) target_semaphore(%run_scoped3A : memref<!tpu.dma_semaphore, #tpu.memory_space<semaphore_mem>>)
        %dma_wait3A = arith.constant 0 : i32
        %dma_wait3A_75 = tpu.memref_slice %arg4[%add3A_50, %dma_wait3A] : memref<16384x16xf32, #tpu.memory_space<hbm>> -> memref<16x16xf32, #tpu.memory_space<hbm>>
        %dma_wait3A_76 = arith.constant 0 : i32
        %dma_wait3A_77 = tpu.memref_slice %arg4[%add3A_50, %dma_wait3A_76] : memref<16384x16xf32, #tpu.memory_space<hbm>> -> memref<16x16xf32, #tpu.memory_space<hbm>>
        tpu.wait_dma2 semaphore(%run_scoped3A : memref<!tpu.dma_semaphore, #tpu.memory_space<semaphore_mem>>) src(%arg9 : memref<16x16xf32, #tpu.memory_space<vmem>>) dst(%dma_wait3A_77 : memref<16x16xf32, #tpu.memory_space<hbm>>)
        tpu.yield
      }) : () -> ()
      %lt3A = arith.constant 15 : i32
      %lt3A_51 = arith.cmpi slt, %scan3A_18, %lt3A : i32
      %convert_element_type3A = arith.extui %lt3A_51 : i1 to i32
      %cond3A = arith.constant 0 : i32
      %cond3A_52 = arith.cmpi ne, %convert_element_type3A, %cond3A : i32
      scf.if %cond3A_52 {
        %add3A_72 = arith.constant 2 : i32
        %add3A_73 = arith.addi %mul3A_20, %add3A_72 : i32
        %mul3A_74 = arith.constant 32 : i32
        %mul3A_75 = arith.muli %add3A, %mul3A_74 : i32
        %add3A_76 = arith.addi %mul3A_75, %add3A_73 : i32
        %mul3A_77 = arith.constant 3200 : i32
        %mul3A_78 = arith.muli %add3A_76, %mul3A_77 : i32
        "tpu.region"() ({
          %run_scoped3A = tpu.sem_alloc : memref<!tpu.dma_semaphore, #tpu.memory_space<semaphore_mem>>
          %dma_start3A = tpu.memref_slice %arg2[%mul3A_78] : memref<3276800xi32, #tpu.memory_space<hbm>> -> memref<3200xi32, #tpu.memory_space<hbm>>
          %dma_start3A_85 = tpu.memref_slice %arg2[%mul3A_78] : memref<3276800xi32, #tpu.memory_space<hbm>> -> memref<3200xi32, #tpu.memory_space<hbm>>
          tpu.enqueue_dma source(%dma_start3A_85 : memref<3200xi32, #tpu.memory_space<hbm>>) target(%arg5 : memref<3200xi32, #tpu.memory_space<vmem>>) target_semaphore(%run_scoped3A : memref<!tpu.dma_semaphore, #tpu.memory_space<semaphore_mem>>)
          %dma_wait3A = tpu.memref_slice %arg2[%mul3A_78] : memref<3276800xi32, #tpu.memory_space<hbm>> -> memref<3200xi32, #tpu.memory_space<hbm>>
          %dma_wait3A_86 = tpu.memref_slice %arg2[%mul3A_78] : memref<3276800xi32, #tpu.memory_space<hbm>> -> memref<3200xi32, #tpu.memory_space<hbm>>
          tpu.wait_dma2 semaphore(%run_scoped3A : memref<!tpu.dma_semaphore, #tpu.memory_space<semaphore_mem>>) src(%dma_wait3A_86 : memref<3200xi32, #tpu.memory_space<hbm>>) dst(%arg5 : memref<3200xi32, #tpu.memory_space<vmem>>)
          tpu.yield
        }) : () -> ()
        %scan3A_79 = arith.constant 0 : i32
        %scan3A_80 = arith.constant 0 : i32
        %scan3A_81 = arith.constant 25 : i32
        %scan3A_82 = arith.addi %scan3A_80, %scan3A_81 : i32
        %scan3A_83 = arith.constant 1 : i32
        scf.for %scan3A_85 = %scan3A_80 to %scan3A_82 step %scan3A_83  : i32 {
          %mul3A_86 = arith.constant 128 : i32
          %mul3A_87 = arith.muli %scan3A_85, %mul3A_86 : i32
          %mul3A_88 = arith.constant 128 : i32
          %mul3A_89 = arith.muli %scan3A_85, %mul3A_88 : i32
          %dma_start3A = arith.constant 0 : i32
          %dma_start3A_90 = tpu.memref_slice %arg7[%mul3A_89, %dma_start3A] : memref<3200x16xf32, #tpu.memory_space<vmem>> -> memref<128x16xf32, #tpu.memory_space<vmem>>
          %dma_start3A_91 = tpu.memref_slice %arg5[%mul3A_87] : memref<3200xi32, #tpu.memory_space<vmem>> -> memref<128xi32, #tpu.memory_space<vmem>>
          %dma_start3A_92 = arith.constant 0 : i32
          %dma_start3A_93 = arith.constant 0 : i32
          %dma_start3A_94 = tpu.memref_slice %arg3[%dma_start3A_92, %dma_start3A_93] : memref<1000000x16xf32, #tpu.memory_space<hbm>> -> memref<1000000x16xf32, #tpu.memory_space<hbm>>
          tpu.enqueue_indirect_dma source(%dma_start3A_94 : memref<1000000x16xf32, #tpu.memory_space<hbm>>) target(%dma_start3A_90 : memref<128x16xf32, #tpu.memory_space<vmem>>) offsets(%dma_start3A_91 : memref<128xi32, #tpu.memory_space<vmem>>) semaphore(%arg10 : memref<!tpu.dma_semaphore, #tpu.memory_space<semaphore_mem>>)
        }
        %scan3A_84 = arith.constant 25 : i32
      } else {
      }
      %scan3A_53 = arith.constant 0 : i32
      %scan3A_54 = arith.constant 0 : i32
      %scan3A_55 = arith.constant 25 : i32
      %scan3A_56 = arith.addi %scan3A_54, %scan3A_55 : i32
      %scan3A_57 = arith.constant 1 : i32
      scf.for %scan3A_72 = %scan3A_54 to %scan3A_56 step %scan3A_57  : i32 {
        %mul3A_73 = arith.constant 128 : i32
        %mul3A_74 = arith.muli %scan3A_72, %mul3A_73 : i32
        %mul3A_75 = arith.constant 128 : i32
        %mul3A_76 = arith.muli %scan3A_72, %mul3A_75 : i32
        %dma_wait3A = arith.constant 0 : i32
        %dma_wait3A_77 = tpu.memref_slice %arg8[%mul3A_76, %dma_wait3A] : memref<3200x16xf32, #tpu.memory_space<vmem>> -> memref<128x16xf32, #tpu.memory_space<vmem>>
        %dma_wait3A_78 = tpu.memref_slice %arg6[%mul3A_74] : memref<3200xi32, #tpu.memory_space<vmem>> -> memref<128xi32, #tpu.memory_space<vmem>>
        %dma_wait3A_79 = arith.constant 0 : i32
        %dma_wait3A_80 = arith.constant 0 : i32
        %dma_wait3A_81 = tpu.memref_slice %arg3[%dma_wait3A_79, %dma_wait3A_80] : memref<1000000x16xf32, #tpu.memory_space<hbm>> -> memref<1000000x16xf32, #tpu.memory_space<hbm>>
        tpu.wait_indirect_dma semaphore(%arg11 : memref<!tpu.dma_semaphore, #tpu.memory_space<semaphore_mem>>) src(%dma_wait3A_81 : memref<1000000x16xf32, #tpu.memory_space<hbm>>) dst(%dma_wait3A_77 : memref<128x16xf32, #tpu.memory_space<vmem>>)
      }
      %scan3A_58 = arith.constant 25 : i32
      %add3A_59 = arith.constant 1 : i32
      %add3A_60 = arith.addi %mul3A_20, %add3A_59 : i32
      %scan3A_61 = arith.constant 0 : i32
      %scan3A_62 = arith.constant 0 : i32
      %scan3A_63 = arith.constant 16 : i32
      %scan3A_64 = arith.addi %scan3A_62, %scan3A_63 : i32
      %scan3A_65 = arith.constant 1 : i32
      scf.for %scan3A_72 = %scan3A_62 to %scan3A_64 step %scan3A_65  : i32 {
        %mul3A_73 = arith.constant 200 : i32
        %mul3A_74 = arith.muli %scan3A_72, %mul3A_73 : i32
        %broadcast_in_dim3A = arith.constant 0.000000e+00 : f32
        %broadcast_in_dim3A_75 = vector.broadcast %broadcast_in_dim3A : f32 to vector<16xf32>
        %scan3A_76 = arith.constant 0 : i32
        %scan3A_77 = arith.constant 5 : i32
        %scan3A_78 = arith.addi %scan3A_76, %scan3A_77 : i32
        %scan3A_79 = arith.constant 1 : i32
        %scan3A_80:4 = scf.for %scan3A_92 = %scan3A_76 to %scan3A_78 step %scan3A_79 iter_args(%scan3A_93 = %broadcast_in_dim3A_75, %scan3A_94 = %broadcast_in_dim3A_75, %scan3A_95 = %broadcast_in_dim3A_75, %scan3A_96 = %broadcast_in_dim3A_75) -> (vector<16xf32>, vector<16xf32>, vector<16xf32>, vector<16xf32>)  : i32 {
          %mul3A_97 = arith.constant 40 : i32
          %mul3A_98 = arith.muli %scan3A_92, %mul3A_97 : i32
          %add3A_99 = arith.addi %mul3A_74, %mul3A_98 : i32
          %add3A_100 = arith.constant 0 : i32
          %add3A_101 = arith.addi %add3A_99, %add3A_100 : i32
          %add3A_102 = arith.constant 0 : i32
          %add3A_103 = arith.addi %add3A_101, %add3A_102 : i32
          %get3A = arith.index_cast %add3A_103 : i32 to index
          %get3A_104 = arith.constant 0 : index
          %get3A_105 = tpu.vector_load %arg8[%get3A, %get3A_104] {strides = array<i32>} : memref<3200x16xf32, #tpu.memory_space<vmem>>, vector<1x16xf32>,
          %get3A_106 = vector.shape_cast %get3A_105 : vector<1x16xf32> to vector<16xf32>
          %add3A_107 = arith.addf %scan3A_93, %get3A_106 : vector<16xf32>
          %add3A_108 = arith.constant 0 : i32
          %add3A_109 = arith.addi %add3A_99, %add3A_108 : i32
          %add3A_110 = arith.constant 1 : i32
          %add3A_111 = arith.addi %add3A_109, %add3A_110 : i32
          %get3A_112 = arith.index_cast %add3A_111 : i32 to index
          %get3A_113 = arith.constant 0 : index
          %get3A_114 = tpu.vector_load %arg8[%get3A_112, %get3A_113] {strides = array<i32>} : memref<3200x16xf32, #tpu.memory_space<vmem>>, vector<1x16xf32>,
          %get3A_115 = vector.shape_cast %get3A_114 : vector<1x16xf32> to vector<16xf32>
          %add3A_116 = arith.addf %scan3A_94, %get3A_115 : vector<16xf32>
          %add3A_117 = arith.constant 0 : i32
          %add3A_118 = arith.addi %add3A_99, %add3A_117 : i32
          %add3A_119 = arith.constant 2 : i32
          %add3A_120 = arith.addi %add3A_118, %add3A_119 : i32
          %get3A_121 = arith.index_cast %add3A_120 : i32 to index
          %get3A_122 = arith.constant 0 : index
          %get3A_123 = tpu.vector_load %arg8[%get3A_121, %get3A_122] {strides = array<i32>} : memref<3200x16xf32, #tpu.memory_space<vmem>>, vector<1x16xf32>,
          %get3A_124 = vector.shape_cast %get3A_123 : vector<1x16xf32> to vector<16xf32>
          %add3A_125 = arith.addf %scan3A_95, %get3A_124 : vector<16xf32>
          %add3A_126 = arith.constant 0 : i32
          %add3A_127 = arith.addi %add3A_99, %add3A_126 : i32
          %add3A_128 = arith.constant 3 : i32
          %add3A_129 = arith.addi %add3A_127, %add3A_128 : i32
          %get3A_130 = arith.index_cast %add3A_129 : i32 to index
          %get3A_131 = arith.constant 0 : index
          %get3A_132 = tpu.vector_load %arg8[%get3A_130, %get3A_131] {strides = array<i32>} : memref<3200x16xf32, #tpu.memory_space<vmem>>, vector<1x16xf32>,
          %get3A_133 = vector.shape_cast %get3A_132 : vector<1x16xf32> to vector<16xf32>
          %add3A_134 = arith.addf %scan3A_96, %get3A_133 : vector<16xf32>
          %add3A_135 = arith.constant 4 : i32
          %add3A_136 = arith.addi %add3A_99, %add3A_135 : i32
          %add3A_137 = arith.constant 0 : i32
          %add3A_138 = arith.addi %add3A_136, %add3A_137 : i32
          %get3A_139 = arith.index_cast %add3A_138 : i32 to index
          %get3A_140 = arith.constant 0 : index
          %get3A_141 = tpu.vector_load %arg8[%get3A_139, %get3A_140] {strides = array<i32>} : memref<3200x16xf32, #tpu.memory_space<vmem>>, vector<1x16xf32>,
          %get3A_142 = vector.shape_cast %get3A_141 : vector<1x16xf32> to vector<16xf32>
          %add3A_143 = arith.addf %add3A_107, %get3A_142 : vector<16xf32>
          %add3A_144 = arith.constant 4 : i32
          %add3A_145 = arith.addi %add3A_99, %add3A_144 : i32
          %add3A_146 = arith.constant 1 : i32
          %add3A_147 = arith.addi %add3A_145, %add3A_146 : i32
          %get3A_148 = arith.index_cast %add3A_147 : i32 to index
          %get3A_149 = arith.constant 0 : index
          %get3A_150 = tpu.vector_load %arg8[%get3A_148, %get3A_149] {strides = array<i32>} : memref<3200x16xf32, #tpu.memory_space<vmem>>, vector<1x16xf32>,
          %get3A_151 = vector.shape_cast %get3A_150 : vector<1x16xf32> to vector<16xf32>
          %add3A_152 = arith.addf %add3A_116, %get3A_151 : vector<16xf32>
          %add3A_153 = arith.constant 4 : i32
          %add3A_154 = arith.addi %add3A_99, %add3A_153 : i32
          %add3A_155 = arith.constant 2 : i32
          %add3A_156 = arith.addi %add3A_154, %add3A_155 : i32
          %get3A_157 = arith.index_cast %add3A_156 : i32 to index
          %get3A_158 = arith.constant 0 : index
          %get3A_159 = tpu.vector_load %arg8[%get3A_157, %get3A_158] {strides = array<i32>} : memref<3200x16xf32, #tpu.memory_space<vmem>>, vector<1x16xf32>,
          %get3A_160 = vector.shape_cast %get3A_159 : vector<1x16xf32> to vector<16xf32>
          %add3A_161 = arith.addf %add3A_125, %get3A_160 : vector<16xf32>
          %add3A_162 = arith.constant 4 : i32
          %add3A_163 = arith.addi %add3A_99, %add3A_162 : i32
          %add3A_164 = arith.constant 3 : i32
          %add3A_165 = arith.addi %add3A_163, %add3A_164 : i32
          %get3A_166 = arith.index_cast %add3A_165 : i32 to index
          %get3A_167 = arith.constant 0 : index
          %get3A_168 = tpu.vector_load %arg8[%get3A_166, %get3A_167] {strides = array<i32>} : memref<3200x16xf32, #tpu.memory_space<vmem>>, vector<1x16xf32>,
          %get3A_169 = vector.shape_cast %get3A_168 : vector<1x16xf32> to vector<16xf32>
          %add3A_170 = arith.addf %add3A_134, %get3A_169 : vector<16xf32>
          %add3A_171 = arith.constant 8 : i32
          %add3A_172 = arith.addi %add3A_99, %add3A_171 : i32
          %add3A_173 = arith.constant 0 : i32
          %add3A_174 = arith.addi %add3A_172, %add3A_173 : i32
          %get3A_175 = arith.index_cast %add3A_174 : i32 to index
          %get3A_176 = arith.constant 0 : index
          %get3A_177 = tpu.vector_load %arg8[%get3A_175, %get3A_176] {strides = array<i32>} : memref<3200x16xf32, #tpu.memory_space<vmem>>, vector<1x16xf32>,
          %get3A_178 = vector.shape_cast %get3A_177 : vector<1x16xf32> to vector<16xf32>
          %add3A_179 = arith.addf %add3A_143, %get3A_178 : vector<16xf32>
          %add3A_180 = arith.constant 8 : i32
          %add3A_181 = arith.addi %add3A_99, %add3A_180 : i32
          %add3A_182 = arith.constant 1 : i32
          %add3A_183 = arith.addi %add3A_181, %add3A_182 : i32
          %get3A_184 = arith.index_cast %add3A_183 : i32 to index
          %get3A_185 = arith.constant 0 : index
          %get3A_186 = tpu.vector_load %arg8[%get3A_184, %get3A_185] {strides = array<i32>} : memref<3200x16xf32, #tpu.memory_space<vmem>>, vector<1x16xf32>,
          %get3A_187 = vector.shape_cast %get3A_186 : vector<1x16xf32> to vector<16xf32>
          %add3A_188 = arith.addf %add3A_152, %get3A_187 : vector<16xf32>
          %add3A_189 = arith.constant 8 : i32
          %add3A_190 = arith.addi %add3A_99, %add3A_189 : i32
          %add3A_191 = arith.constant 2 : i32
          %add3A_192 = arith.addi %add3A_190, %add3A_191 : i32
          %get3A_193 = arith.index_cast %add3A_192 : i32 to index
          %get3A_194 = arith.constant 0 : index
          %get3A_195 = tpu.vector_load %arg8[%get3A_193, %get3A_194] {strides = array<i32>} : memref<3200x16xf32, #tpu.memory_space<vmem>>, vector<1x16xf32>,
          %get3A_196 = vector.shape_cast %get3A_195 : vector<1x16xf32> to vector<16xf32>
          %add3A_197 = arith.addf %add3A_161, %get3A_196 : vector<16xf32>
          %add3A_198 = arith.constant 8 : i32
          %add3A_199 = arith.addi %add3A_99, %add3A_198 : i32
          %add3A_200 = arith.constant 3 : i32
          %add3A_201 = arith.addi %add3A_199, %add3A_200 : i32
          %get3A_202 = arith.index_cast %add3A_201 : i32 to index
          %get3A_203 = arith.constant 0 : index
          %get3A_204 = tpu.vector_load %arg8[%get3A_202, %get3A_203] {strides = array<i32>} : memref<3200x16xf32, #tpu.memory_space<vmem>>, vector<1x16xf32>,
          %get3A_205 = vector.shape_cast %get3A_204 : vector<1x16xf32> to vector<16xf32>
          %add3A_206 = arith.addf %add3A_170, %get3A_205 : vector<16xf32>
          %add3A_207 = arith.constant 12 : i32
          %add3A_208 = arith.addi %add3A_99, %add3A_207 : i32
          %add3A_209 = arith.constant 0 : i32
          %add3A_210 = arith.addi %add3A_208, %add3A_209 : i32
          %get3A_211 = arith.index_cast %add3A_210 : i32 to index
          %get3A_212 = arith.constant 0 : index
          %get3A_213 = tpu.vector_load %arg8[%get3A_211, %get3A_212] {strides = array<i32>} : memref<3200x16xf32, #tpu.memory_space<vmem>>, vector<1x16xf32>,
          %get3A_214 = vector.shape_cast %get3A_213 : vector<1x16xf32> to vector<16xf32>
          %add3A_215 = arith.addf %add3A_179, %get3A_214 : vector<16xf32>
          %add3A_216 = arith.constant 12 : i32
          %add3A_217 = arith.addi %add3A_99, %add3A_216 : i32
          %add3A_218 = arith.constant 1 : i32
          %add3A_219 = arith.addi %add3A_217, %add3A_218 : i32
          %get3A_220 = arith.index_cast %add3A_219 : i32 to index
          %get3A_221 = arith.constant 0 : index
          %get3A_222 = tpu.vector_load %arg8[%get3A_220, %get3A_221] {strides = array<i32>} : memref<3200x16xf32, #tpu.memory_space<vmem>>, vector<1x16xf32>,
          %get3A_223 = vector.shape_cast %get3A_222 : vector<1x16xf32> to vector<16xf32>
          %add3A_224 = arith.addf %add3A_188, %get3A_223 : vector<16xf32>
          %add3A_225 = arith.constant 12 : i32
          %add3A_226 = arith.addi %add3A_99, %add3A_225 : i32
          %add3A_227 = arith.constant 2 : i32
          %add3A_228 = arith.addi %add3A_226, %add3A_227 : i32
          %get3A_229 = arith.index_cast %add3A_228 : i32 to index
          %get3A_230 = arith.constant 0 : index
          %get3A_231 = tpu.vector_load %arg8[%get3A_229, %get3A_230] {strides = array<i32>} : memref<3200x16xf32, #tpu.memory_space<vmem>>, vector<1x16xf32>,
          %get3A_232 = vector.shape_cast %get3A_231 : vector<1x16xf32> to vector<16xf32>
          %add3A_233 = arith.addf %add3A_197, %get3A_232 : vector<16xf32>
          %add3A_234 = arith.constant 12 : i32
          %add3A_235 = arith.addi %add3A_99, %add3A_234 : i32
          %add3A_236 = arith.constant 3 : i32
          %add3A_237 = arith.addi %add3A_235, %add3A_236 : i32
          %get3A_238 = arith.index_cast %add3A_237 : i32 to index
          %get3A_239 = arith.constant 0 : index
          %get3A_240 = tpu.vector_load %arg8[%get3A_238, %get3A_239] {strides = array<i32>} : memref<3200x16xf32, #tpu.memory_space<vmem>>, vector<1x16xf32>,
          %get3A_241 = vector.shape_cast %get3A_240 : vector<1x16xf32> to vector<16xf32>
          %add3A_242 = arith.addf %add3A_206, %get3A_241 : vector<16xf32>
          %add3A_243 = arith.constant 16 : i32
          %add3A_244 = arith.addi %add3A_99, %add3A_243 : i32
          %add3A_245 = arith.constant 0 : i32
          %add3A_246 = arith.addi %add3A_244, %add3A_245 : i32
          %get3A_247 = arith.index_cast %add3A_246 : i32 to index
          %get3A_248 = arith.constant 0 : index
          %get3A_249 = tpu.vector_load %arg8[%get3A_247, %get3A_248] {strides = array<i32>} : memref<3200x16xf32, #tpu.memory_space<vmem>>, vector<1x16xf32>,
          %get3A_250 = vector.shape_cast %get3A_249 : vector<1x16xf32> to vector<16xf32>
          %add3A_251 = arith.addf %add3A_215, %get3A_250 : vector<16xf32>
          %add3A_252 = arith.constant 16 : i32
          %add3A_253 = arith.addi %add3A_99, %add3A_252 : i32
          %add3A_254 = arith.constant 1 : i32
          %add3A_255 = arith.addi %add3A_253, %add3A_254 : i32
          %get3A_256 = arith.index_cast %add3A_255 : i32 to index
          %get3A_257 = arith.constant 0 : index
          %get3A_258 = tpu.vector_load %arg8[%get3A_256, %get3A_257] {strides = array<i32>} : memref<3200x16xf32, #tpu.memory_space<vmem>>, vector<1x16xf32>,
          %get3A_259 = vector.shape_cast %get3A_258 : vector<1x16xf32> to vector<16xf32>
          %add3A_260 = arith.addf %add3A_224, %get3A_259 : vector<16xf32>
          %add3A_261 = arith.constant 16 : i32
          %add3A_262 = arith.addi %add3A_99, %add3A_261 : i32
          %add3A_263 = arith.constant 2 : i32
          %add3A_264 = arith.addi %add3A_262, %add3A_263 : i32
          %get3A_265 = arith.index_cast %add3A_264 : i32 to index
          %get3A_266 = arith.constant 0 : index
          %get3A_267 = tpu.vector_load %arg8[%get3A_265, %get3A_266] {strides = array<i32>} : memref<3200x16xf32, #tpu.memory_space<vmem>>, vector<1x16xf32>,
          %get3A_268 = vector.shape_cast %get3A_267 : vector<1x16xf32> to vector<16xf32>
          %add3A_269 = arith.addf %add3A_233, %get3A_268 : vector<16xf32>
          %add3A_270 = arith.constant 16 : i32
          %add3A_271 = arith.addi %add3A_99, %add3A_270 : i32
          %add3A_272 = arith.constant 3 : i32
          %add3A_273 = arith.addi %add3A_271, %add3A_272 : i32
          %get3A_274 = arith.index_cast %add3A_273 : i32 to index
          %get3A_275 = arith.constant 0 : index
          %get3A_276 = tpu.vector_load %arg8[%get3A_274, %get3A_275] {strides = array<i32>} : memref<3200x16xf32, #tpu.memory_space<vmem>>, vector<1x16xf32>,
          %get3A_277 = vector.shape_cast %get3A_276 : vector<1x16xf32> to vector<16xf32>
          %add3A_278 = arith.addf %add3A_242, %get3A_277 : vector<16xf32>
          %add3A_279 = arith.constant 20 : i32
          %add3A_280 = arith.addi %add3A_99, %add3A_279 : i32
          %add3A_281 = arith.constant 0 : i32
          %add3A_282 = arith.addi %add3A_280, %add3A_281 : i32
          %get3A_283 = arith.index_cast %add3A_282 : i32 to index
          %get3A_284 = arith.constant 0 : index
          %get3A_285 = tpu.vector_load %arg8[%get3A_283, %get3A_284] {strides = array<i32>} : memref<3200x16xf32, #tpu.memory_space<vmem>>, vector<1x16xf32>,
          %get3A_286 = vector.shape_cast %get3A_285 : vector<1x16xf32> to vector<16xf32>
          %add3A_287 = arith.addf %add3A_251, %get3A_286 : vector<16xf32>
          %add3A_288 = arith.constant 20 : i32
          %add3A_289 = arith.addi %add3A_99, %add3A_288 : i32
          %add3A_290 = arith.constant 1 : i32
          %add3A_291 = arith.addi %add3A_289, %add3A_290 : i32
          %get3A_292 = arith.index_cast %add3A_291 : i32 to index
          %get3A_293 = arith.constant 0 : index
          %get3A_294 = tpu.vector_load %arg8[%get3A_292, %get3A_293] {strides = array<i32>} : memref<3200x16xf32, #tpu.memory_space<vmem>>, vector<1x16xf32>,
          %get3A_295 = vector.shape_cast %get3A_294 : vector<1x16xf32> to vector<16xf32>
          %add3A_296 = arith.addf %add3A_260, %get3A_295 : vector<16xf32>
          %add3A_297 = arith.constant 20 : i32
          %add3A_298 = arith.addi %add3A_99, %add3A_297 : i32
          %add3A_299 = arith.constant 2 : i32
          %add3A_300 = arith.addi %add3A_298, %add3A_299 : i32
          %get3A_301 = arith.index_cast %add3A_300 : i32 to index
          %get3A_302 = arith.constant 0 : index
          %get3A_303 = tpu.vector_load %arg8[%get3A_301, %get3A_302] {strides = array<i32>} : memref<3200x16xf32, #tpu.memory_space<vmem>>, vector<1x16xf32>,
          %get3A_304 = vector.shape_cast %get3A_303 : vector<1x16xf32> to vector<16xf32>
          %add3A_305 = arith.addf %add3A_269, %get3A_304 : vector<16xf32>
          %add3A_306 = arith.constant 20 : i32
          %add3A_307 = arith.addi %add3A_99, %add3A_306 : i32
          %add3A_308 = arith.constant 3 : i32
          %add3A_309 = arith.addi %add3A_307, %add3A_308 : i32
          %get3A_310 = arith.index_cast %add3A_309 : i32 to index
          %get3A_311 = arith.constant 0 : index
          %get3A_312 = tpu.vector_load %arg8[%get3A_310, %get3A_311] {strides = array<i32>} : memref<3200x16xf32, #tpu.memory_space<vmem>>, vector<1x16xf32>,
          %get3A_313 = vector.shape_cast %get3A_312 : vector<1x16xf32> to vector<16xf32>
          %add3A_314 = arith.addf %add3A_278, %get3A_313 : vector<16xf32>
          %add3A_315 = arith.constant 24 : i32
          %add3A_316 = arith.addi %add3A_99, %add3A_315 : i32
          %add3A_317 = arith.constant 0 : i32
          %add3A_318 = arith.addi %add3A_316, %add3A_317 : i32
          %get3A_319 = arith.index_cast %add3A_318 : i32 to index
          %get3A_320 = arith.constant 0 : index
          %get3A_321 = tpu.vector_load %arg8[%get3A_319, %get3A_320] {strides = array<i32>} : memref<3200x16xf32, #tpu.memory_space<vmem>>, vector<1x16xf32>,
          %get3A_322 = vector.shape_cast %get3A_321 : vector<1x16xf32> to vector<16xf32>
          %add3A_323 = arith.addf %add3A_287, %get3A_322 : vector<16xf32>
          %add3A_324 = arith.constant 24 : i32
          %add3A_325 = arith.addi %add3A_99, %add3A_324 : i32
          %add3A_326 = arith.constant 1 : i32
          %add3A_327 = arith.addi %add3A_325, %add3A_326 : i32
          %get3A_328 = arith.index_cast %add3A_327 : i32 to index
          %get3A_329 = arith.constant 0 : index
          %get3A_330 = tpu.vector_load %arg8[%get3A_328, %get3A_329] {strides = array<i32>} : memref<3200x16xf32, #tpu.memory_space<vmem>>, vector<1x16xf32>,
          %get3A_331 = vector.shape_cast %get3A_330 : vector<1x16xf32> to vector<16xf32>
          %add3A_332 = arith.addf %add3A_296, %get3A_331 : vector<16xf32>
          %add3A_333 = arith.constant 24 : i32
          %add3A_334 = arith.addi %add3A_99, %add3A_333 : i32
          %add3A_335 = arith.constant 2 : i32
          %add3A_336 = arith.addi %add3A_334, %add3A_335 : i32
          %get3A_337 = arith.index_cast %add3A_336 : i32 to index
          %get3A_338 = arith.constant 0 : index
          %get3A_339 = tpu.vector_load %arg8[%get3A_337, %get3A_338] {strides = array<i32>} : memref<3200x16xf32, #tpu.memory_space<vmem>>, vector<1x16xf32>,
          %get3A_340 = vector.shape_cast %get3A_339 : vector<1x16xf32> to vector<16xf32>
          %add3A_341 = arith.addf %add3A_305, %get3A_340 : vector<16xf32>
          %add3A_342 = arith.constant 24 : i32
          %add3A_343 = arith.addi %add3A_99, %add3A_342 : i32
          %add3A_344 = arith.constant 3 : i32
          %add3A_345 = arith.addi %add3A_343, %add3A_344 : i32
          %get3A_346 = arith.index_cast %add3A_345 : i32 to index
          %get3A_347 = arith.constant 0 : index
          %get3A_348 = tpu.vector_load %arg8[%get3A_346, %get3A_347] {strides = array<i32>} : memref<3200x16xf32, #tpu.memory_space<vmem>>, vector<1x16xf32>,
          %get3A_349 = vector.shape_cast %get3A_348 : vector<1x16xf32> to vector<16xf32>
          %add3A_350 = arith.addf %add3A_314, %get3A_349 : vector<16xf32>
          %add3A_351 = arith.constant 28 : i32
          %add3A_352 = arith.addi %add3A_99, %add3A_351 : i32
          %add3A_353 = arith.constant 0 : i32
          %add3A_354 = arith.addi %add3A_352, %add3A_353 : i32
          %get3A_355 = arith.index_cast %add3A_354 : i32 to index
          %get3A_356 = arith.constant 0 : index
          %get3A_357 = tpu.vector_load %arg8[%get3A_355, %get3A_356] {strides = array<i32>} : memref<3200x16xf32, #tpu.memory_space<vmem>>, vector<1x16xf32>,
          %get3A_358 = vector.shape_cast %get3A_357 : vector<1x16xf32> to vector<16xf32>
          %add3A_359 = arith.addf %add3A_323, %get3A_358 : vector<16xf32>
          %add3A_360 = arith.constant 28 : i32
          %add3A_361 = arith.addi %add3A_99, %add3A_360 : i32
          %add3A_362 = arith.constant 1 : i32
          %add3A_363 = arith.addi %add3A_361, %add3A_362 : i32
          %get3A_364 = arith.index_cast %add3A_363 : i32 to index
          %get3A_365 = arith.constant 0 : index
          %get3A_366 = tpu.vector_load %arg8[%get3A_364, %get3A_365] {strides = array<i32>} : memref<3200x16xf32, #tpu.memory_space<vmem>>, vector<1x16xf32>,
          %get3A_367 = vector.shape_cast %get3A_366 : vector<1x16xf32> to vector<16xf32>
          %add3A_368 = arith.addf %add3A_332, %get3A_367 : vector<16xf32>
          %add3A_369 = arith.constant 28 : i32
          %add3A_370 = arith.addi %add3A_99, %add3A_369 : i32
          %add3A_371 = arith.constant 2 : i32
          %add3A_372 = arith.addi %add3A_370, %add3A_371 : i32
          %get3A_373 = arith.index_cast %add3A_372 : i32 to index
          %get3A_374 = arith.constant 0 : index
          %get3A_375 = tpu.vector_load %arg8[%get3A_373, %get3A_374] {strides = array<i32>} : memref<3200x16xf32, #tpu.memory_space<vmem>>, vector<1x16xf32>,
          %get3A_376 = vector.shape_cast %get3A_375 : vector<1x16xf32> to vector<16xf32>
          %add3A_377 = arith.addf %add3A_341, %get3A_376 : vector<16xf32>
          %add3A_378 = arith.constant 28 : i32
          %add3A_379 = arith.addi %add3A_99, %add3A_378 : i32
          %add3A_380 = arith.constant 3 : i32
          %add3A_381 = arith.addi %add3A_379, %add3A_380 : i32
          %get3A_382 = arith.index_cast %add3A_381 : i32 to index
          %get3A_383 = arith.constant 0 : index
          %get3A_384 = tpu.vector_load %arg8[%get3A_382, %get3A_383] {strides = array<i32>} : memref<3200x16xf32, #tpu.memory_space<vmem>>, vector<1x16xf32>,
          %get3A_385 = vector.shape_cast %get3A_384 : vector<1x16xf32> to vector<16xf32>
          %add3A_386 = arith.addf %add3A_350, %get3A_385 : vector<16xf32>
          %add3A_387 = arith.constant 32 : i32
          %add3A_388 = arith.addi %add3A_99, %add3A_387 : i32
          %add3A_389 = arith.constant 0 : i32
          %add3A_390 = arith.addi %add3A_388, %add3A_389 : i32
          %get3A_391 = arith.index_cast %add3A_390 : i32 to index
          %get3A_392 = arith.constant 0 : index
          %get3A_393 = tpu.vector_load %arg8[%get3A_391, %get3A_392] {strides = array<i32>} : memref<3200x16xf32, #tpu.memory_space<vmem>>, vector<1x16xf32>,
          %get3A_394 = vector.shape_cast %get3A_393 : vector<1x16xf32> to vector<16xf32>
          %add3A_395 = arith.addf %add3A_359, %get3A_394 : vector<16xf32>
          %add3A_396 = arith.constant 32 : i32
          %add3A_397 = arith.addi %add3A_99, %add3A_396 : i32
          %add3A_398 = arith.constant 1 : i32
          %add3A_399 = arith.addi %add3A_397, %add3A_398 : i32
          %get3A_400 = arith.index_cast %add3A_399 : i32 to index
          %get3A_401 = arith.constant 0 : index
          %get3A_402 = tpu.vector_load %arg8[%get3A_400, %get3A_401] {strides = array<i32>} : memref<3200x16xf32, #tpu.memory_space<vmem>>, vector<1x16xf32>,
          %get3A_403 = vector.shape_cast %get3A_402 : vector<1x16xf32> to vector<16xf32>
          %add3A_404 = arith.addf %add3A_368, %get3A_403 : vector<16xf32>
          %add3A_405 = arith.constant 32 : i32
          %add3A_406 = arith.addi %add3A_99, %add3A_405 : i32
          %add3A_407 = arith.constant 2 : i32
          %add3A_408 = arith.addi %add3A_406, %add3A_407 : i32
          %get3A_409 = arith.index_cast %add3A_408 : i32 to index
          %get3A_410 = arith.constant 0 : index
          %get3A_411 = tpu.vector_load %arg8[%get3A_409, %get3A_410] {strides = array<i32>} : memref<3200x16xf32, #tpu.memory_space<vmem>>, vector<1x16xf32>,
          %get3A_412 = vector.shape_cast %get3A_411 : vector<1x16xf32> to vector<16xf32>
          %add3A_413 = arith.addf %add3A_377, %get3A_412 : vector<16xf32>
          %add3A_414 = arith.constant 32 : i32
          %add3A_415 = arith.addi %add3A_99, %add3A_414 : i32
          %add3A_416 = arith.constant 3 : i32
          %add3A_417 = arith.addi %add3A_415, %add3A_416 : i32
          %get3A_418 = arith.index_cast %add3A_417 : i32 to index
          %get3A_419 = arith.constant 0 : index
          %get3A_420 = tpu.vector_load %arg8[%get3A_418, %get3A_419] {strides = array<i32>} : memref<3200x16xf32, #tpu.memory_space<vmem>>, vector<1x16xf32>,
          %get3A_421 = vector.shape_cast %get3A_420 : vector<1x16xf32> to vector<16xf32>
          %add3A_422 = arith.addf %add3A_386, %get3A_421 : vector<16xf32>
          %add3A_423 = arith.constant 36 : i32
          %add3A_424 = arith.addi %add3A_99, %add3A_423 : i32
          %add3A_425 = arith.constant 0 : i32
          %add3A_426 = arith.addi %add3A_424, %add3A_425 : i32
          %get3A_427 = arith.index_cast %add3A_426 : i32 to index
          %get3A_428 = arith.constant 0 : index
          %get3A_429 = tpu.vector_load %arg8[%get3A_427, %get3A_428] {strides = array<i32>} : memref<3200x16xf32, #tpu.memory_space<vmem>>, vector<1x16xf32>,
          %get3A_430 = vector.shape_cast %get3A_429 : vector<1x16xf32> to vector<16xf32>
          %add3A_431 = arith.addf %add3A_395, %get3A_430 : vector<16xf32>
          %add3A_432 = arith.constant 36 : i32
          %add3A_433 = arith.addi %add3A_99, %add3A_432 : i32
          %add3A_434 = arith.constant 1 : i32
          %add3A_435 = arith.addi %add3A_433, %add3A_434 : i32
          %get3A_436 = arith.index_cast %add3A_435 : i32 to index
          %get3A_437 = arith.constant 0 : index
          %get3A_438 = tpu.vector_load %arg8[%get3A_436, %get3A_437] {strides = array<i32>} : memref<3200x16xf32, #tpu.memory_space<vmem>>, vector<1x16xf32>,
          %get3A_439 = vector.shape_cast %get3A_438 : vector<1x16xf32> to vector<16xf32>
          %add3A_440 = arith.addf %add3A_404, %get3A_439 : vector<16xf32>
          %add3A_441 = arith.constant 36 : i32
          %add3A_442 = arith.addi %add3A_99, %add3A_441 : i32
          %add3A_443 = arith.constant 2 : i32
          %add3A_444 = arith.addi %add3A_442, %add3A_443 : i32
          %get3A_445 = arith.index_cast %add3A_444 : i32 to index
          %get3A_446 = arith.constant 0 : index
          %get3A_447 = tpu.vector_load %arg8[%get3A_445, %get3A_446] {strides = array<i32>} : memref<3200x16xf32, #tpu.memory_space<vmem>>, vector<1x16xf32>,
          %get3A_448 = vector.shape_cast %get3A_447 : vector<1x16xf32> to vector<16xf32>
          %add3A_449 = arith.addf %add3A_413, %get3A_448 : vector<16xf32>
          %add3A_450 = arith.constant 36 : i32
          %add3A_451 = arith.addi %add3A_99, %add3A_450 : i32
          %add3A_452 = arith.constant 3 : i32
          %add3A_453 = arith.addi %add3A_451, %add3A_452 : i32
          %get3A_454 = arith.index_cast %add3A_453 : i32 to index
          %get3A_455 = arith.constant 0 : index
          %get3A_456 = tpu.vector_load %arg8[%get3A_454, %get3A_455] {strides = array<i32>} : memref<3200x16xf32, #tpu.memory_space<vmem>>, vector<1x16xf32>,
          %get3A_457 = vector.shape_cast %get3A_456 : vector<1x16xf32> to vector<16xf32>
          %add3A_458 = arith.addf %add3A_422, %get3A_457 : vector<16xf32>
          scf.yield %add3A_431, %add3A_440, %add3A_449, %add3A_458 : vector<16xf32>, vector<16xf32>, vector<16xf32>, vector<16xf32>
        }
        %scan3A_81 = arith.constant 5 : i32
        %add3A_82 = arith.addf %scan3A_80#0, %scan3A_80#1 : vector<16xf32>
        %add3A_83 = arith.addf %scan3A_80#2, %scan3A_80#3 : vector<16xf32>
        %add3A_84 = arith.addf %add3A_82, %add3A_83 : vector<16xf32>
        %mul3A_85 = arith.constant 5.000000e-03 : f32
        %mul3A_86 = vector.broadcast %mul3A_85 : f32 to vector<16xf32>
        %mul3A_87 = arith.mulf %add3A_84, %mul3A_86 : vector<16xf32>
        %swap3A = arith.index_cast %scan3A_72 : i32 to index
        %swap3A_88 = arith.constant 0 : index
        %swap3A_89 = tpu.vector_load %arg9[%swap3A, %swap3A_88] {strides = array<i32>} : memref<16x16xf32, #tpu.memory_space<vmem>>, vector<1x16xf32>,
        %swap3A_90 = vector.shape_cast %swap3A_89 : vector<1x16xf32> to vector<16xf32>
        %swap3A_91 = vector.shape_cast %mul3A_87 : vector<16xf32> to vector<1x16xf32>
        tpu.vector_store %arg9[%swap3A, %swap3A_88], %swap3A_91 {strides = array<i32>} : memref<16x16xf32, #tpu.memory_space<vmem>>, vector<1x16xf32>,
      }
      %scan3A_66 = arith.constant 16 : i32
      %mul3A_67 = arith.constant 512 : i32
      %mul3A_68 = arith.muli %add3A, %mul3A_67 : i32
      %mul3A_69 = arith.constant 16 : i32
      %mul3A_70 = arith.muli %add3A_60, %mul3A_69 : i32
      %add3A_71 = arith.addi %mul3A_68, %mul3A_70 : i32
      "tpu.region"() ({
        %run_scoped3A = tpu.sem_alloc : memref<!tpu.dma_semaphore, #tpu.memory_space<semaphore_mem>>
        %dma_start3A = arith.constant 0 : i32
        %dma_start3A_72 = tpu.memref_slice %arg4[%add3A_71, %dma_start3A] : memref<16384x16xf32, #tpu.memory_space<hbm>> -> memref<16x16xf32, #tpu.memory_space<hbm>>
        %dma_start3A_73 = arith.constant 0 : i32
        %dma_start3A_74 = tpu.memref_slice %arg4[%add3A_71, %dma_start3A_73] : memref<16384x16xf32, #tpu.memory_space<hbm>> -> memref<16x16xf32, #tpu.memory_space<hbm>>
        tpu.enqueue_dma source(%arg9 : memref<16x16xf32, #tpu.memory_space<vmem>>) target(%dma_start3A_74 : memref<16x16xf32, #tpu.memory_space<hbm>>) target_semaphore(%run_scoped3A : memref<!tpu.dma_semaphore, #tpu.memory_space<semaphore_mem>>)
        %dma_wait3A = arith.constant 0 : i32
        %dma_wait3A_75 = tpu.memref_slice %arg4[%add3A_71, %dma_wait3A] : memref<16384x16xf32, #tpu.memory_space<hbm>> -> memref<16x16xf32, #tpu.memory_space<hbm>>
        %dma_wait3A_76 = arith.constant 0 : i32
        %dma_wait3A_77 = tpu.memref_slice %arg4[%add3A_71, %dma_wait3A_76] : memref<16384x16xf32, #tpu.memory_space<hbm>> -> memref<16x16xf32, #tpu.memory_space<hbm>>
        tpu.wait_dma2 semaphore(%run_scoped3A : memref<!tpu.dma_semaphore, #tpu.memory_space<semaphore_mem>>) src(%arg9 : memref<16x16xf32, #tpu.memory_space<vmem>>) dst(%dma_wait3A_77 : memref<16x16xf32, #tpu.memory_space<hbm>>)
        tpu.yield
      }) : () -> ()
    }
    %scan3A_17 = arith.constant 16 : i32
    return
  }
}

#map = affine_map<(d0, d1) -> (0, 0)>
#map1 = affine_map<(d0, d1) -> (0)>
module attributes {stable_mosaic.version = 14 : i64} {
  func.func @k(%arg0: i32, %arg1: i32, %arg2: memref<16x1000000xf32, #tpu.memory_space<hbm>>, %arg3: memref<16000000xf32, #tpu.memory_space<hbm>>, %arg4: memref<16x512xf32, #tpu.memory_space<vmem>>, %arg5: memref<16x512xf32, #tpu.memory_space<vmem>>, %arg6: memref<16x512xf32, #tpu.memory_space<vmem>>, %arg7: memref<16x512xf32, #tpu.memory_space<vmem>>, %arg8: memref<8192xf32, #tpu.memory_space<vmem>>, %arg9: memref<8192xf32, #tpu.memory_space<vmem>>, %arg10: memref<8192xf32, #tpu.memory_space<vmem>>, %arg11: memref<8192xf32, #tpu.memory_space<vmem>>, %arg12: memref<!tpu.dma_semaphore, #tpu.memory_space<semaphore_mem>>, %arg13: memref<!tpu.dma_semaphore, #tpu.memory_space<semaphore_mem>>, %arg14: memref<!tpu.dma_semaphore, #tpu.memory_space<semaphore_mem>>, %arg15: memref<!tpu.dma_semaphore, #tpu.memory_space<semaphore_mem>>, %arg16: memref<!tpu.dma_semaphore, #tpu.memory_space<semaphore_mem>>, %arg17: memref<!tpu.dma_semaphore, #tpu.memory_space<semaphore_mem>>, %arg18: memref<!tpu.dma_semaphore, #tpu.memory_space<semaphore_mem>>, %arg19: memref<!tpu.dma_semaphore, #tpu.memory_space<semaphore_mem>>) attributes {dimension_semantics = [#tpu.dimension_semantics<core_parallel>, #tpu.dimension_semantics<subcore_parallel>], iteration_bounds = array<i64: 2, 16>, scalar_prefetch = 0 : i64, scratch_operands = 16 : i64, tpu.core_type = #tpu.core_type<sc_vector_subcore>, window_params = [{transform_indices = #map}, {transform_indices = #map1}]} {
    %mul3A = arith.constant 2 : i32
    %mul3A_0 = arith.muli %arg1, %mul3A : i32
    %add3A = arith.addi %mul3A_0, %arg0 : i32
    %lt3A = arith.constant 1 : i32
    %lt3A_1 = arith.cmpi slt, %add3A, %lt3A : i32
    %jit3A = arith.constant 1 : i32
    %jit3A_2 = arith.constant 0 : i32
    %select_n3A = arith.select %lt3A_1, %jit3A, %jit3A_2 : i32
    %add3A_3 = arith.constant 61 : i32
    %add3A_4 = arith.addi %add3A_3, %select_n3A : i32
    %iota3A = tpu.iota {dimensions = array<i32: 0>} : vector<16xi32>
    %mul3A_5 = arith.constant 512 : i32
    %mul3A_6 = vector.broadcast %mul3A_5 : i32 to vector<16xi32>
    %mul3A_7 = arith.muli %iota3A, %mul3A_6 : vector<16xi32>
    %broadcast_in_dim3A = arith.constant 0 : i32
    %broadcast_in_dim3A_8 = vector.broadcast %broadcast_in_dim3A : i32 to vector<16xi32>
    %add3A_9 = arith.constant 0 : i32
    %add3A_10 = vector.broadcast %add3A_9 : i32 to vector<16xi32>
    %add3A_11 = arith.addi %iota3A, %add3A_10 : vector<16xi32>
    %jit3A_12 = arith.constant 16 : i32
    %eq3A = arith.constant 0 : i32
    %eq3A_13 = arith.cmpi eq, %jit3A_12, %eq3A : i32
    %jit3A_14 = arith.constant 1 : i32
    %select_n3A_15 = arith.select %eq3A_13, %jit3A_14, %jit3A_12 : i32
    %rem3A = vector.broadcast %select_n3A_15 : i32 to vector<16xi32>
    %rem3A_16 = arith.remsi %add3A_11, %rem3A : vector<16xi32>
    %ne3A = arith.constant 0 : i32
    %ne3A_17 = vector.broadcast %ne3A : i32 to vector<16xi32>
    %ne3A_18 = arith.cmpi ne, %rem3A_16, %ne3A_17 : vector<16xi32>
    %lt3A_19 = arith.constant 0 : i32
    %lt3A_20 = vector.broadcast %lt3A_19 : i32 to vector<16xi32>
    %lt3A_21 = arith.cmpi slt, %rem3A_16, %lt3A_20 : vector<16xi32>
    %lt3A_22 = arith.constant 0 : i32
    %lt3A_23 = arith.cmpi slt, %select_n3A_15, %lt3A_22 : i32
    %ne3A_24 = vector.broadcast %lt3A_23 : i1 to vector<16xi1>
    %ne3A_25 = vector.broadcast %ne3A_24 : vector<16xi1> to vector<16xi1>
    %ne3A_26 = arith.xori %lt3A_21, %ne3A_25 : vector<16xi1>
    %and3A = arith.andi %ne3A_26, %ne3A_18 : vector<16xi1>
    %add3A_27 = vector.broadcast %select_n3A_15 : i32 to vector<16xi32>
    %add3A_28 = arith.addi %rem3A_16, %add3A_27 : vector<16xi32>
    %select_n3A_29 = arith.select %and3A, %add3A_28, %rem3A_16 : vector<16xi1>, vector<16xi32>
    %add3A_30 = arith.constant 1 : i32
    %add3A_31 = vector.broadcast %add3A_30 : i32 to vector<16xi32>
    %add3A_32 = arith.addi %iota3A, %add3A_31 : vector<16xi32>
    %jit3A_33 = arith.constant 16 : i32
    %eq3A_34 = arith.constant 0 : i32
    %eq3A_35 = arith.cmpi eq, %jit3A_33, %eq3A_34 : i32
    %jit3A_36 = arith.constant 1 : i32
    %select_n3A_37 = arith.select %eq3A_35, %jit3A_36, %jit3A_33 : i32
    %rem3A_38 = vector.broadcast %select_n3A_37 : i32 to vector<16xi32>
    %rem3A_39 = arith.remsi %add3A_32, %rem3A_38 : vector<16xi32>
    %ne3A_40 = arith.constant 0 : i32
    %ne3A_41 = vector.broadcast %ne3A_40 : i32 to vector<16xi32>
    %ne3A_42 = arith.cmpi ne, %rem3A_39, %ne3A_41 : vector<16xi32>
    %lt3A_43 = arith.constant 0 : i32
    %lt3A_44 = vector.broadcast %lt3A_43 : i32 to vector<16xi32>
    %lt3A_45 = arith.cmpi slt, %rem3A_39, %lt3A_44 : vector<16xi32>
    %lt3A_46 = arith.constant 0 : i32
    %lt3A_47 = arith.cmpi slt, %select_n3A_37, %lt3A_46 : i32
    %ne3A_48 = vector.broadcast %lt3A_47 : i1 to vector<16xi1>
    %ne3A_49 = vector.broadcast %ne3A_48 : vector<16xi1> to vector<16xi1>
    %ne3A_50 = arith.xori %lt3A_45, %ne3A_49 : vector<16xi1>
    %and3A_51 = arith.andi %ne3A_50, %ne3A_42 : vector<16xi1>
    %add3A_52 = vector.broadcast %select_n3A_37 : i32 to vector<16xi32>
    %add3A_53 = arith.addi %rem3A_39, %add3A_52 : vector<16xi32>
    %select_n3A_54 = arith.select %and3A_51, %add3A_53, %rem3A_39 : vector<16xi1>, vector<16xi32>
    %add3A_55 = arith.constant 2 : i32
    %add3A_56 = vector.broadcast %add3A_55 : i32 to vector<16xi32>
    %add3A_57 = arith.addi %iota3A, %add3A_56 : vector<16xi32>
    %jit3A_58 = arith.constant 16 : i32
    %eq3A_59 = arith.constant 0 : i32
    %eq3A_60 = arith.cmpi eq, %jit3A_58, %eq3A_59 : i32
    %jit3A_61 = arith.constant 1 : i32
    %select_n3A_62 = arith.select %eq3A_60, %jit3A_61, %jit3A_58 : i32
    %rem3A_63 = vector.broadcast %select_n3A_62 : i32 to vector<16xi32>
    %rem3A_64 = arith.remsi %add3A_57, %rem3A_63 : vector<16xi32>
    %ne3A_65 = arith.constant 0 : i32
    %ne3A_66 = vector.broadcast %ne3A_65 : i32 to vector<16xi32>
    %ne3A_67 = arith.cmpi ne, %rem3A_64, %ne3A_66 : vector<16xi32>
    %lt3A_68 = arith.constant 0 : i32
    %lt3A_69 = vector.broadcast %lt3A_68 : i32 to vector<16xi32>
    %lt3A_70 = arith.cmpi slt, %rem3A_64, %lt3A_69 : vector<16xi32>
    %lt3A_71 = arith.constant 0 : i32
    %lt3A_72 = arith.cmpi slt, %select_n3A_62, %lt3A_71 : i32
    %ne3A_73 = vector.broadcast %lt3A_72 : i1 to vector<16xi1>
    %ne3A_74 = vector.broadcast %ne3A_73 : vector<16xi1> to vector<16xi1>
    %ne3A_75 = arith.xori %lt3A_70, %ne3A_74 : vector<16xi1>
    %and3A_76 = arith.andi %ne3A_75, %ne3A_67 : vector<16xi1>
    %add3A_77 = vector.broadcast %select_n3A_62 : i32 to vector<16xi32>
    %add3A_78 = arith.addi %rem3A_64, %add3A_77 : vector<16xi32>
    %select_n3A_79 = arith.select %and3A_76, %add3A_78, %rem3A_64 : vector<16xi1>, vector<16xi32>
    %add3A_80 = arith.constant 3 : i32
    %add3A_81 = vector.broadcast %add3A_80 : i32 to vector<16xi32>
    %add3A_82 = arith.addi %iota3A, %add3A_81 : vector<16xi32>
    %jit3A_83 = arith.constant 16 : i32
    %eq3A_84 = arith.constant 0 : i32
    %eq3A_85 = arith.cmpi eq, %jit3A_83, %eq3A_84 : i32
    %jit3A_86 = arith.constant 1 : i32
    %select_n3A_87 = arith.select %eq3A_85, %jit3A_86, %jit3A_83 : i32
    %rem3A_88 = vector.broadcast %select_n3A_87 : i32 to vector<16xi32>
    %rem3A_89 = arith.remsi %add3A_82, %rem3A_88 : vector<16xi32>
    %ne3A_90 = arith.constant 0 : i32
    %ne3A_91 = vector.broadcast %ne3A_90 : i32 to vector<16xi32>
    %ne3A_92 = arith.cmpi ne, %rem3A_89, %ne3A_91 : vector<16xi32>
    %lt3A_93 = arith.constant 0 : i32
    %lt3A_94 = vector.broadcast %lt3A_93 : i32 to vector<16xi32>
    %lt3A_95 = arith.cmpi slt, %rem3A_89, %lt3A_94 : vector<16xi32>
    %lt3A_96 = arith.constant 0 : i32
    %lt3A_97 = arith.cmpi slt, %select_n3A_87, %lt3A_96 : i32
    %ne3A_98 = vector.broadcast %lt3A_97 : i1 to vector<16xi1>
    %ne3A_99 = vector.broadcast %ne3A_98 : vector<16xi1> to vector<16xi1>
    %ne3A_100 = arith.xori %lt3A_95, %ne3A_99 : vector<16xi1>
    %and3A_101 = arith.andi %ne3A_100, %ne3A_92 : vector<16xi1>
    %add3A_102 = vector.broadcast %select_n3A_87 : i32 to vector<16xi32>
    %add3A_103 = arith.addi %rem3A_89, %add3A_102 : vector<16xi32>
    %select_n3A_104 = arith.select %and3A_101, %add3A_103, %rem3A_89 : vector<16xi1>, vector<16xi32>
    %add3A_105 = arith.constant 4 : i32
    %add3A_106 = vector.broadcast %add3A_105 : i32 to vector<16xi32>
    %add3A_107 = arith.addi %iota3A, %add3A_106 : vector<16xi32>
    %jit3A_108 = arith.constant 16 : i32
    %eq3A_109 = arith.constant 0 : i32
    %eq3A_110 = arith.cmpi eq, %jit3A_108, %eq3A_109 : i32
    %jit3A_111 = arith.constant 1 : i32
    %select_n3A_112 = arith.select %eq3A_110, %jit3A_111, %jit3A_108 : i32
    %rem3A_113 = vector.broadcast %select_n3A_112 : i32 to vector<16xi32>
    %rem3A_114 = arith.remsi %add3A_107, %rem3A_113 : vector<16xi32>
    %ne3A_115 = arith.constant 0 : i32
    %ne3A_116 = vector.broadcast %ne3A_115 : i32 to vector<16xi32>
    %ne3A_117 = arith.cmpi ne, %rem3A_114, %ne3A_116 : vector<16xi32>
    %lt3A_118 = arith.constant 0 : i32
    %lt3A_119 = vector.broadcast %lt3A_118 : i32 to vector<16xi32>
    %lt3A_120 = arith.cmpi slt, %rem3A_114, %lt3A_119 : vector<16xi32>
    %lt3A_121 = arith.constant 0 : i32
    %lt3A_122 = arith.cmpi slt, %select_n3A_112, %lt3A_121 : i32
    %ne3A_123 = vector.broadcast %lt3A_122 : i1 to vector<16xi1>
    %ne3A_124 = vector.broadcast %ne3A_123 : vector<16xi1> to vector<16xi1>
    %ne3A_125 = arith.xori %lt3A_120, %ne3A_124 : vector<16xi1>
    %and3A_126 = arith.andi %ne3A_125, %ne3A_117 : vector<16xi1>
    %add3A_127 = vector.broadcast %select_n3A_112 : i32 to vector<16xi32>
    %add3A_128 = arith.addi %rem3A_114, %add3A_127 : vector<16xi32>
    %select_n3A_129 = arith.select %and3A_126, %add3A_128, %rem3A_114 : vector<16xi1>, vector<16xi32>
    %add3A_130 = arith.constant 5 : i32
    %add3A_131 = vector.broadcast %add3A_130 : i32 to vector<16xi32>
    %add3A_132 = arith.addi %iota3A, %add3A_131 : vector<16xi32>
    %jit3A_133 = arith.constant 16 : i32
    %eq3A_134 = arith.constant 0 : i32
    %eq3A_135 = arith.cmpi eq, %jit3A_133, %eq3A_134 : i32
    %jit3A_136 = arith.constant 1 : i32
    %select_n3A_137 = arith.select %eq3A_135, %jit3A_136, %jit3A_133 : i32
    %rem3A_138 = vector.broadcast %select_n3A_137 : i32 to vector<16xi32>
    %rem3A_139 = arith.remsi %add3A_132, %rem3A_138 : vector<16xi32>
    %ne3A_140 = arith.constant 0 : i32
    %ne3A_141 = vector.broadcast %ne3A_140 : i32 to vector<16xi32>
    %ne3A_142 = arith.cmpi ne, %rem3A_139, %ne3A_141 : vector<16xi32>
    %lt3A_143 = arith.constant 0 : i32
    %lt3A_144 = vector.broadcast %lt3A_143 : i32 to vector<16xi32>
    %lt3A_145 = arith.cmpi slt, %rem3A_139, %lt3A_144 : vector<16xi32>
    %lt3A_146 = arith.constant 0 : i32
    %lt3A_147 = arith.cmpi slt, %select_n3A_137, %lt3A_146 : i32
    %ne3A_148 = vector.broadcast %lt3A_147 : i1 to vector<16xi1>
    %ne3A_149 = vector.broadcast %ne3A_148 : vector<16xi1> to vector<16xi1>
    %ne3A_150 = arith.xori %lt3A_145, %ne3A_149 : vector<16xi1>
    %and3A_151 = arith.andi %ne3A_150, %ne3A_142 : vector<16xi1>
    %add3A_152 = vector.broadcast %select_n3A_137 : i32 to vector<16xi32>
    %add3A_153 = arith.addi %rem3A_139, %add3A_152 : vector<16xi32>
    %select_n3A_154 = arith.select %and3A_151, %add3A_153, %rem3A_139 : vector<16xi1>, vector<16xi32>
    %add3A_155 = arith.constant 6 : i32
    %add3A_156 = vector.broadcast %add3A_155 : i32 to vector<16xi32>
    %add3A_157 = arith.addi %iota3A, %add3A_156 : vector<16xi32>
    %jit3A_158 = arith.constant 16 : i32
    %eq3A_159 = arith.constant 0 : i32
    %eq3A_160 = arith.cmpi eq, %jit3A_158, %eq3A_159 : i32
    %jit3A_161 = arith.constant 1 : i32
    %select_n3A_162 = arith.select %eq3A_160, %jit3A_161, %jit3A_158 : i32
    %rem3A_163 = vector.broadcast %select_n3A_162 : i32 to vector<16xi32>
    %rem3A_164 = arith.remsi %add3A_157, %rem3A_163 : vector<16xi32>
    %ne3A_165 = arith.constant 0 : i32
    %ne3A_166 = vector.broadcast %ne3A_165 : i32 to vector<16xi32>
    %ne3A_167 = arith.cmpi ne, %rem3A_164, %ne3A_166 : vector<16xi32>
    %lt3A_168 = arith.constant 0 : i32
    %lt3A_169 = vector.broadcast %lt3A_168 : i32 to vector<16xi32>
    %lt3A_170 = arith.cmpi slt, %rem3A_164, %lt3A_169 : vector<16xi32>
    %lt3A_171 = arith.constant 0 : i32
    %lt3A_172 = arith.cmpi slt, %select_n3A_162, %lt3A_171 : i32
    %ne3A_173 = vector.broadcast %lt3A_172 : i1 to vector<16xi1>
    %ne3A_174 = vector.broadcast %ne3A_173 : vector<16xi1> to vector<16xi1>
    %ne3A_175 = arith.xori %lt3A_170, %ne3A_174 : vector<16xi1>
    %and3A_176 = arith.andi %ne3A_175, %ne3A_167 : vector<16xi1>
    %add3A_177 = vector.broadcast %select_n3A_162 : i32 to vector<16xi32>
    %add3A_178 = arith.addi %rem3A_164, %add3A_177 : vector<16xi32>
    %select_n3A_179 = arith.select %and3A_176, %add3A_178, %rem3A_164 : vector<16xi1>, vector<16xi32>
    %add3A_180 = arith.constant 7 : i32
    %add3A_181 = vector.broadcast %add3A_180 : i32 to vector<16xi32>
    %add3A_182 = arith.addi %iota3A, %add3A_181 : vector<16xi32>
    %jit3A_183 = arith.constant 16 : i32
    %eq3A_184 = arith.constant 0 : i32
    %eq3A_185 = arith.cmpi eq, %jit3A_183, %eq3A_184 : i32
    %jit3A_186 = arith.constant 1 : i32
    %select_n3A_187 = arith.select %eq3A_185, %jit3A_186, %jit3A_183 : i32
    %rem3A_188 = vector.broadcast %select_n3A_187 : i32 to vector<16xi32>
    %rem3A_189 = arith.remsi %add3A_182, %rem3A_188 : vector<16xi32>
    %ne3A_190 = arith.constant 0 : i32
    %ne3A_191 = vector.broadcast %ne3A_190 : i32 to vector<16xi32>
    %ne3A_192 = arith.cmpi ne, %rem3A_189, %ne3A_191 : vector<16xi32>
    %lt3A_193 = arith.constant 0 : i32
    %lt3A_194 = vector.broadcast %lt3A_193 : i32 to vector<16xi32>
    %lt3A_195 = arith.cmpi slt, %rem3A_189, %lt3A_194 : vector<16xi32>
    %lt3A_196 = arith.constant 0 : i32
    %lt3A_197 = arith.cmpi slt, %select_n3A_187, %lt3A_196 : i32
    %ne3A_198 = vector.broadcast %lt3A_197 : i1 to vector<16xi1>
    %ne3A_199 = vector.broadcast %ne3A_198 : vector<16xi1> to vector<16xi1>
    %ne3A_200 = arith.xori %lt3A_195, %ne3A_199 : vector<16xi1>
    %and3A_201 = arith.andi %ne3A_200, %ne3A_192 : vector<16xi1>
    %add3A_202 = vector.broadcast %select_n3A_187 : i32 to vector<16xi32>
    %add3A_203 = arith.addi %rem3A_189, %add3A_202 : vector<16xi32>
    %select_n3A_204 = arith.select %and3A_201, %add3A_203, %rem3A_189 : vector<16xi1>, vector<16xi32>
    %add3A_205 = arith.constant 8 : i32
    %add3A_206 = vector.broadcast %add3A_205 : i32 to vector<16xi32>
    %add3A_207 = arith.addi %iota3A, %add3A_206 : vector<16xi32>
    %jit3A_208 = arith.constant 16 : i32
    %eq3A_209 = arith.constant 0 : i32
    %eq3A_210 = arith.cmpi eq, %jit3A_208, %eq3A_209 : i32
    %jit3A_211 = arith.constant 1 : i32
    %select_n3A_212 = arith.select %eq3A_210, %jit3A_211, %jit3A_208 : i32
    %rem3A_213 = vector.broadcast %select_n3A_212 : i32 to vector<16xi32>
    %rem3A_214 = arith.remsi %add3A_207, %rem3A_213 : vector<16xi32>
    %ne3A_215 = arith.constant 0 : i32
    %ne3A_216 = vector.broadcast %ne3A_215 : i32 to vector<16xi32>
    %ne3A_217 = arith.cmpi ne, %rem3A_214, %ne3A_216 : vector<16xi32>
    %lt3A_218 = arith.constant 0 : i32
    %lt3A_219 = vector.broadcast %lt3A_218 : i32 to vector<16xi32>
    %lt3A_220 = arith.cmpi slt, %rem3A_214, %lt3A_219 : vector<16xi32>
    %lt3A_221 = arith.constant 0 : i32
    %lt3A_222 = arith.cmpi slt, %select_n3A_212, %lt3A_221 : i32
    %ne3A_223 = vector.broadcast %lt3A_222 : i1 to vector<16xi1>
    %ne3A_224 = vector.broadcast %ne3A_223 : vector<16xi1> to vector<16xi1>
    %ne3A_225 = arith.xori %lt3A_220, %ne3A_224 : vector<16xi1>
    %and3A_226 = arith.andi %ne3A_225, %ne3A_217 : vector<16xi1>
    %add3A_227 = vector.broadcast %select_n3A_212 : i32 to vector<16xi32>
    %add3A_228 = arith.addi %rem3A_214, %add3A_227 : vector<16xi32>
    %select_n3A_229 = arith.select %and3A_226, %add3A_228, %rem3A_214 : vector<16xi1>, vector<16xi32>
    %add3A_230 = arith.constant 9 : i32
    %add3A_231 = vector.broadcast %add3A_230 : i32 to vector<16xi32>
    %add3A_232 = arith.addi %iota3A, %add3A_231 : vector<16xi32>
    %jit3A_233 = arith.constant 16 : i32
    %eq3A_234 = arith.constant 0 : i32
    %eq3A_235 = arith.cmpi eq, %jit3A_233, %eq3A_234 : i32
    %jit3A_236 = arith.constant 1 : i32
    %select_n3A_237 = arith.select %eq3A_235, %jit3A_236, %jit3A_233 : i32
    %rem3A_238 = vector.broadcast %select_n3A_237 : i32 to vector<16xi32>
    %rem3A_239 = arith.remsi %add3A_232, %rem3A_238 : vector<16xi32>
    %ne3A_240 = arith.constant 0 : i32
    %ne3A_241 = vector.broadcast %ne3A_240 : i32 to vector<16xi32>
    %ne3A_242 = arith.cmpi ne, %rem3A_239, %ne3A_241 : vector<16xi32>
    %lt3A_243 = arith.constant 0 : i32
    %lt3A_244 = vector.broadcast %lt3A_243 : i32 to vector<16xi32>
    %lt3A_245 = arith.cmpi slt, %rem3A_239, %lt3A_244 : vector<16xi32>
    %lt3A_246 = arith.constant 0 : i32
    %lt3A_247 = arith.cmpi slt, %select_n3A_237, %lt3A_246 : i32
    %ne3A_248 = vector.broadcast %lt3A_247 : i1 to vector<16xi1>
    %ne3A_249 = vector.broadcast %ne3A_248 : vector<16xi1> to vector<16xi1>
    %ne3A_250 = arith.xori %lt3A_245, %ne3A_249 : vector<16xi1>
    %and3A_251 = arith.andi %ne3A_250, %ne3A_242 : vector<16xi1>
    %add3A_252 = vector.broadcast %select_n3A_237 : i32 to vector<16xi32>
    %add3A_253 = arith.addi %rem3A_239, %add3A_252 : vector<16xi32>
    %select_n3A_254 = arith.select %and3A_251, %add3A_253, %rem3A_239 : vector<16xi1>, vector<16xi32>
    %add3A_255 = arith.constant 10 : i32
    %add3A_256 = vector.broadcast %add3A_255 : i32 to vector<16xi32>
    %add3A_257 = arith.addi %iota3A, %add3A_256 : vector<16xi32>
    %jit3A_258 = arith.constant 16 : i32
    %eq3A_259 = arith.constant 0 : i32
    %eq3A_260 = arith.cmpi eq, %jit3A_258, %eq3A_259 : i32
    %jit3A_261 = arith.constant 1 : i32
    %select_n3A_262 = arith.select %eq3A_260, %jit3A_261, %jit3A_258 : i32
    %rem3A_263 = vector.broadcast %select_n3A_262 : i32 to vector<16xi32>
    %rem3A_264 = arith.remsi %add3A_257, %rem3A_263 : vector<16xi32>
    %ne3A_265 = arith.constant 0 : i32
    %ne3A_266 = vector.broadcast %ne3A_265 : i32 to vector<16xi32>
    %ne3A_267 = arith.cmpi ne, %rem3A_264, %ne3A_266 : vector<16xi32>
    %lt3A_268 = arith.constant 0 : i32
    %lt3A_269 = vector.broadcast %lt3A_268 : i32 to vector<16xi32>
    %lt3A_270 = arith.cmpi slt, %rem3A_264, %lt3A_269 : vector<16xi32>
    %lt3A_271 = arith.constant 0 : i32
    %lt3A_272 = arith.cmpi slt, %select_n3A_262, %lt3A_271 : i32
    %ne3A_273 = vector.broadcast %lt3A_272 : i1 to vector<16xi1>
    %ne3A_274 = vector.broadcast %ne3A_273 : vector<16xi1> to vector<16xi1>
    %ne3A_275 = arith.xori %lt3A_270, %ne3A_274 : vector<16xi1>
    %and3A_276 = arith.andi %ne3A_275, %ne3A_267 : vector<16xi1>
    %add3A_277 = vector.broadcast %select_n3A_262 : i32 to vector<16xi32>
    %add3A_278 = arith.addi %rem3A_264, %add3A_277 : vector<16xi32>
    %select_n3A_279 = arith.select %and3A_276, %add3A_278, %rem3A_264 : vector<16xi1>, vector<16xi32>
    %add3A_280 = arith.constant 11 : i32
    %add3A_281 = vector.broadcast %add3A_280 : i32 to vector<16xi32>
    %add3A_282 = arith.addi %iota3A, %add3A_281 : vector<16xi32>
    %jit3A_283 = arith.constant 16 : i32
    %eq3A_284 = arith.constant 0 : i32
    %eq3A_285 = arith.cmpi eq, %jit3A_283, %eq3A_284 : i32
    %jit3A_286 = arith.constant 1 : i32
    %select_n3A_287 = arith.select %eq3A_285, %jit3A_286, %jit3A_283 : i32
    %rem3A_288 = vector.broadcast %select_n3A_287 : i32 to vector<16xi32>
    %rem3A_289 = arith.remsi %add3A_282, %rem3A_288 : vector<16xi32>
    %ne3A_290 = arith.constant 0 : i32
    %ne3A_291 = vector.broadcast %ne3A_290 : i32 to vector<16xi32>
    %ne3A_292 = arith.cmpi ne, %rem3A_289, %ne3A_291 : vector<16xi32>
    %lt3A_293 = arith.constant 0 : i32
    %lt3A_294 = vector.broadcast %lt3A_293 : i32 to vector<16xi32>
    %lt3A_295 = arith.cmpi slt, %rem3A_289, %lt3A_294 : vector<16xi32>
    %lt3A_296 = arith.constant 0 : i32
    %lt3A_297 = arith.cmpi slt, %select_n3A_287, %lt3A_296 : i32
    %ne3A_298 = vector.broadcast %lt3A_297 : i1 to vector<16xi1>
    %ne3A_299 = vector.broadcast %ne3A_298 : vector<16xi1> to vector<16xi1>
    %ne3A_300 = arith.xori %lt3A_295, %ne3A_299 : vector<16xi1>
    %and3A_301 = arith.andi %ne3A_300, %ne3A_292 : vector<16xi1>
    %add3A_302 = vector.broadcast %select_n3A_287 : i32 to vector<16xi32>
    %add3A_303 = arith.addi %rem3A_289, %add3A_302 : vector<16xi32>
    %select_n3A_304 = arith.select %and3A_301, %add3A_303, %rem3A_289 : vector<16xi1>, vector<16xi32>
    %add3A_305 = arith.constant 12 : i32
    %add3A_306 = vector.broadcast %add3A_305 : i32 to vector<16xi32>
    %add3A_307 = arith.addi %iota3A, %add3A_306 : vector<16xi32>
    %jit3A_308 = arith.constant 16 : i32
    %eq3A_309 = arith.constant 0 : i32
    %eq3A_310 = arith.cmpi eq, %jit3A_308, %eq3A_309 : i32
    %jit3A_311 = arith.constant 1 : i32
    %select_n3A_312 = arith.select %eq3A_310, %jit3A_311, %jit3A_308 : i32
    %rem3A_313 = vector.broadcast %select_n3A_312 : i32 to vector<16xi32>
    %rem3A_314 = arith.remsi %add3A_307, %rem3A_313 : vector<16xi32>
    %ne3A_315 = arith.constant 0 : i32
    %ne3A_316 = vector.broadcast %ne3A_315 : i32 to vector<16xi32>
    %ne3A_317 = arith.cmpi ne, %rem3A_314, %ne3A_316 : vector<16xi32>
    %lt3A_318 = arith.constant 0 : i32
    %lt3A_319 = vector.broadcast %lt3A_318 : i32 to vector<16xi32>
    %lt3A_320 = arith.cmpi slt, %rem3A_314, %lt3A_319 : vector<16xi32>
    %lt3A_321 = arith.constant 0 : i32
    %lt3A_322 = arith.cmpi slt, %select_n3A_312, %lt3A_321 : i32
    %ne3A_323 = vector.broadcast %lt3A_322 : i1 to vector<16xi1>
    %ne3A_324 = vector.broadcast %ne3A_323 : vector<16xi1> to vector<16xi1>
    %ne3A_325 = arith.xori %lt3A_320, %ne3A_324 : vector<16xi1>
    %and3A_326 = arith.andi %ne3A_325, %ne3A_317 : vector<16xi1>
    %add3A_327 = vector.broadcast %select_n3A_312 : i32 to vector<16xi32>
    %add3A_328 = arith.addi %rem3A_314, %add3A_327 : vector<16xi32>
    %select_n3A_329 = arith.select %and3A_326, %add3A_328, %rem3A_314 : vector<16xi1>, vector<16xi32>
    %add3A_330 = arith.constant 13 : i32
    %add3A_331 = vector.broadcast %add3A_330 : i32 to vector<16xi32>
    %add3A_332 = arith.addi %iota3A, %add3A_331 : vector<16xi32>
    %jit3A_333 = arith.constant 16 : i32
    %eq3A_334 = arith.constant 0 : i32
    %eq3A_335 = arith.cmpi eq, %jit3A_333, %eq3A_334 : i32
    %jit3A_336 = arith.constant 1 : i32
    %select_n3A_337 = arith.select %eq3A_335, %jit3A_336, %jit3A_333 : i32
    %rem3A_338 = vector.broadcast %select_n3A_337 : i32 to vector<16xi32>
    %rem3A_339 = arith.remsi %add3A_332, %rem3A_338 : vector<16xi32>
    %ne3A_340 = arith.constant 0 : i32
    %ne3A_341 = vector.broadcast %ne3A_340 : i32 to vector<16xi32>
    %ne3A_342 = arith.cmpi ne, %rem3A_339, %ne3A_341 : vector<16xi32>
    %lt3A_343 = arith.constant 0 : i32
    %lt3A_344 = vector.broadcast %lt3A_343 : i32 to vector<16xi32>
    %lt3A_345 = arith.cmpi slt, %rem3A_339, %lt3A_344 : vector<16xi32>
    %lt3A_346 = arith.constant 0 : i32
    %lt3A_347 = arith.cmpi slt, %select_n3A_337, %lt3A_346 : i32
    %ne3A_348 = vector.broadcast %lt3A_347 : i1 to vector<16xi1>
    %ne3A_349 = vector.broadcast %ne3A_348 : vector<16xi1> to vector<16xi1>
    %ne3A_350 = arith.xori %lt3A_345, %ne3A_349 : vector<16xi1>
    %and3A_351 = arith.andi %ne3A_350, %ne3A_342 : vector<16xi1>
    %add3A_352 = vector.broadcast %select_n3A_337 : i32 to vector<16xi32>
    %add3A_353 = arith.addi %rem3A_339, %add3A_352 : vector<16xi32>
    %select_n3A_354 = arith.select %and3A_351, %add3A_353, %rem3A_339 : vector<16xi1>, vector<16xi32>
    %add3A_355 = arith.constant 14 : i32
    %add3A_356 = vector.broadcast %add3A_355 : i32 to vector<16xi32>
    %add3A_357 = arith.addi %iota3A, %add3A_356 : vector<16xi32>
    %jit3A_358 = arith.constant 16 : i32
    %eq3A_359 = arith.constant 0 : i32
    %eq3A_360 = arith.cmpi eq, %jit3A_358, %eq3A_359 : i32
    %jit3A_361 = arith.constant 1 : i32
    %select_n3A_362 = arith.select %eq3A_360, %jit3A_361, %jit3A_358 : i32
    %rem3A_363 = vector.broadcast %select_n3A_362 : i32 to vector<16xi32>
    %rem3A_364 = arith.remsi %add3A_357, %rem3A_363 : vector<16xi32>
    %ne3A_365 = arith.constant 0 : i32
    %ne3A_366 = vector.broadcast %ne3A_365 : i32 to vector<16xi32>
    %ne3A_367 = arith.cmpi ne, %rem3A_364, %ne3A_366 : vector<16xi32>
    %lt3A_368 = arith.constant 0 : i32
    %lt3A_369 = vector.broadcast %lt3A_368 : i32 to vector<16xi32>
    %lt3A_370 = arith.cmpi slt, %rem3A_364, %lt3A_369 : vector<16xi32>
    %lt3A_371 = arith.constant 0 : i32
    %lt3A_372 = arith.cmpi slt, %select_n3A_362, %lt3A_371 : i32
    %ne3A_373 = vector.broadcast %lt3A_372 : i1 to vector<16xi1>
    %ne3A_374 = vector.broadcast %ne3A_373 : vector<16xi1> to vector<16xi1>
    %ne3A_375 = arith.xori %lt3A_370, %ne3A_374 : vector<16xi1>
    %and3A_376 = arith.andi %ne3A_375, %ne3A_367 : vector<16xi1>
    %add3A_377 = vector.broadcast %select_n3A_362 : i32 to vector<16xi32>
    %add3A_378 = arith.addi %rem3A_364, %add3A_377 : vector<16xi32>
    %select_n3A_379 = arith.select %and3A_376, %add3A_378, %rem3A_364 : vector<16xi1>, vector<16xi32>
    %add3A_380 = arith.constant 15 : i32
    %add3A_381 = vector.broadcast %add3A_380 : i32 to vector<16xi32>
    %add3A_382 = arith.addi %iota3A, %add3A_381 : vector<16xi32>
    %jit3A_383 = arith.constant 16 : i32
    %eq3A_384 = arith.constant 0 : i32
    %eq3A_385 = arith.cmpi eq, %jit3A_383, %eq3A_384 : i32
    %jit3A_386 = arith.constant 1 : i32
    %select_n3A_387 = arith.select %eq3A_385, %jit3A_386, %jit3A_383 : i32
    %rem3A_388 = vector.broadcast %select_n3A_387 : i32 to vector<16xi32>
    %rem3A_389 = arith.remsi %add3A_382, %rem3A_388 : vector<16xi32>
    %ne3A_390 = arith.constant 0 : i32
    %ne3A_391 = vector.broadcast %ne3A_390 : i32 to vector<16xi32>
    %ne3A_392 = arith.cmpi ne, %rem3A_389, %ne3A_391 : vector<16xi32>
    %lt3A_393 = arith.constant 0 : i32
    %lt3A_394 = vector.broadcast %lt3A_393 : i32 to vector<16xi32>
    %lt3A_395 = arith.cmpi slt, %rem3A_389, %lt3A_394 : vector<16xi32>
    %lt3A_396 = arith.constant 0 : i32
    %lt3A_397 = arith.cmpi slt, %select_n3A_387, %lt3A_396 : i32
    %ne3A_398 = vector.broadcast %lt3A_397 : i1 to vector<16xi1>
    %ne3A_399 = vector.broadcast %ne3A_398 : vector<16xi1> to vector<16xi1>
    %ne3A_400 = arith.xori %lt3A_395, %ne3A_399 : vector<16xi1>
    %and3A_401 = arith.andi %ne3A_400, %ne3A_392 : vector<16xi1>
    %add3A_402 = vector.broadcast %select_n3A_387 : i32 to vector<16xi32>
    %add3A_403 = arith.addi %rem3A_389, %add3A_402 : vector<16xi32>
    %select_n3A_404 = arith.select %and3A_401, %add3A_403, %rem3A_389 : vector<16xi1>, vector<16xi32>
    %mul3A_405 = arith.constant 512 : i32
    %mul3A_406 = vector.broadcast %mul3A_405 : i32 to vector<16xi32>
    %mul3A_407 = arith.muli %iota3A, %mul3A_406 : vector<16xi32>
    %add3A_408 = arith.addi %mul3A_407, %select_n3A_29 : vector<16xi32>
    %mul3A_409 = arith.constant 512 : i32
    %mul3A_410 = vector.broadcast %mul3A_409 : i32 to vector<16xi32>
    %mul3A_411 = arith.muli %iota3A, %mul3A_410 : vector<16xi32>
    %add3A_412 = arith.addi %mul3A_411, %select_n3A_54 : vector<16xi32>
    %mul3A_413 = arith.constant 512 : i32
    %mul3A_414 = vector.broadcast %mul3A_413 : i32 to vector<16xi32>
    %mul3A_415 = arith.muli %iota3A, %mul3A_414 : vector<16xi32>
    %add3A_416 = arith.addi %mul3A_415, %select_n3A_79 : vector<16xi32>
    %mul3A_417 = arith.constant 512 : i32
    %mul3A_418 = vector.broadcast %mul3A_417 : i32 to vector<16xi32>
    %mul3A_419 = arith.muli %iota3A, %mul3A_418 : vector<16xi32>
    %add3A_420 = arith.addi %mul3A_419, %select_n3A_104 : vector<16xi32>
    %mul3A_421 = arith.constant 512 : i32
    %mul3A_422 = vector.broadcast %mul3A_421 : i32 to vector<16xi32>
    %mul3A_423 = arith.muli %iota3A, %mul3A_422 : vector<16xi32>
    %add3A_424 = arith.addi %mul3A_423, %select_n3A_129 : vector<16xi32>
    %mul3A_425 = arith.constant 512 : i32
    %mul3A_426 = vector.broadcast %mul3A_425 : i32 to vector<16xi32>
    %mul3A_427 = arith.muli %iota3A, %mul3A_426 : vector<16xi32>
    %add3A_428 = arith.addi %mul3A_427, %select_n3A_154 : vector<16xi32>
    %mul3A_429 = arith.constant 512 : i32
    %mul3A_430 = vector.broadcast %mul3A_429 : i32 to vector<16xi32>
    %mul3A_431 = arith.muli %iota3A, %mul3A_430 : vector<16xi32>
    %add3A_432 = arith.addi %mul3A_431, %select_n3A_179 : vector<16xi32>
    %mul3A_433 = arith.constant 512 : i32
    %mul3A_434 = vector.broadcast %mul3A_433 : i32 to vector<16xi32>
    %mul3A_435 = arith.muli %iota3A, %mul3A_434 : vector<16xi32>
    %add3A_436 = arith.addi %mul3A_435, %select_n3A_204 : vector<16xi32>
    %mul3A_437 = arith.constant 512 : i32
    %mul3A_438 = vector.broadcast %mul3A_437 : i32 to vector<16xi32>
    %mul3A_439 = arith.muli %iota3A, %mul3A_438 : vector<16xi32>
    %add3A_440 = arith.addi %mul3A_439, %select_n3A_229 : vector<16xi32>
    %mul3A_441 = arith.constant 512 : i32
    %mul3A_442 = vector.broadcast %mul3A_441 : i32 to vector<16xi32>
    %mul3A_443 = arith.muli %iota3A, %mul3A_442 : vector<16xi32>
    %add3A_444 = arith.addi %mul3A_443, %select_n3A_254 : vector<16xi32>
    %mul3A_445 = arith.constant 512 : i32
    %mul3A_446 = vector.broadcast %mul3A_445 : i32 to vector<16xi32>
    %mul3A_447 = arith.muli %iota3A, %mul3A_446 : vector<16xi32>
    %add3A_448 = arith.addi %mul3A_447, %select_n3A_279 : vector<16xi32>
    %mul3A_449 = arith.constant 512 : i32
    %mul3A_450 = vector.broadcast %mul3A_449 : i32 to vector<16xi32>
    %mul3A_451 = arith.muli %iota3A, %mul3A_450 : vector<16xi32>
    %add3A_452 = arith.addi %mul3A_451, %select_n3A_304 : vector<16xi32>
    %mul3A_453 = arith.constant 512 : i32
    %mul3A_454 = vector.broadcast %mul3A_453 : i32 to vector<16xi32>
    %mul3A_455 = arith.muli %iota3A, %mul3A_454 : vector<16xi32>
    %add3A_456 = arith.addi %mul3A_455, %select_n3A_329 : vector<16xi32>
    %mul3A_457 = arith.constant 512 : i32
    %mul3A_458 = vector.broadcast %mul3A_457 : i32 to vector<16xi32>
    %mul3A_459 = arith.muli %iota3A, %mul3A_458 : vector<16xi32>
    %add3A_460 = arith.addi %mul3A_459, %select_n3A_354 : vector<16xi32>
    %mul3A_461 = arith.constant 512 : i32
    %mul3A_462 = vector.broadcast %mul3A_461 : i32 to vector<16xi32>
    %mul3A_463 = arith.muli %iota3A, %mul3A_462 : vector<16xi32>
    %add3A_464 = arith.addi %mul3A_463, %select_n3A_379 : vector<16xi32>
    %mul3A_465 = arith.constant 512 : i32
    %mul3A_466 = vector.broadcast %mul3A_465 : i32 to vector<16xi32>
    %mul3A_467 = arith.muli %iota3A, %mul3A_466 : vector<16xi32>
    %add3A_468 = arith.addi %mul3A_467, %select_n3A_404 : vector<16xi32>
    %mul3A_469 = arith.constant 16 : i32
    %mul3A_470 = vector.broadcast %mul3A_469 : i32 to vector<16xi32>
    %mul3A_471 = arith.muli %select_n3A_29, %mul3A_470 : vector<16xi32>
    %add3A_472 = arith.addi %mul3A_471, %iota3A : vector<16xi32>
    %mul3A_473 = arith.constant 16 : i32
    %mul3A_474 = vector.broadcast %mul3A_473 : i32 to vector<16xi32>
    %mul3A_475 = arith.muli %select_n3A_54, %mul3A_474 : vector<16xi32>
    %add3A_476 = arith.addi %mul3A_475, %iota3A : vector<16xi32>
    %mul3A_477 = arith.constant 16 : i32
    %mul3A_478 = vector.broadcast %mul3A_477 : i32 to vector<16xi32>
    %mul3A_479 = arith.muli %select_n3A_79, %mul3A_478 : vector<16xi32>
    %add3A_480 = arith.addi %mul3A_479, %iota3A : vector<16xi32>
    %mul3A_481 = arith.constant 16 : i32
    %mul3A_482 = vector.broadcast %mul3A_481 : i32 to vector<16xi32>
    %mul3A_483 = arith.muli %select_n3A_104, %mul3A_482 : vector<16xi32>
    %add3A_484 = arith.addi %mul3A_483, %iota3A : vector<16xi32>
    %mul3A_485 = arith.constant 16 : i32
    %mul3A_486 = vector.broadcast %mul3A_485 : i32 to vector<16xi32>
    %mul3A_487 = arith.muli %select_n3A_129, %mul3A_486 : vector<16xi32>
    %add3A_488 = arith.addi %mul3A_487, %iota3A : vector<16xi32>
    %mul3A_489 = arith.constant 16 : i32
    %mul3A_490 = vector.broadcast %mul3A_489 : i32 to vector<16xi32>
    %mul3A_491 = arith.muli %select_n3A_154, %mul3A_490 : vector<16xi32>
    %add3A_492 = arith.addi %mul3A_491, %iota3A : vector<16xi32>
    %mul3A_493 = arith.constant 16 : i32
    %mul3A_494 = vector.broadcast %mul3A_493 : i32 to vector<16xi32>
    %mul3A_495 = arith.muli %select_n3A_179, %mul3A_494 : vector<16xi32>
    %add3A_496 = arith.addi %mul3A_495, %iota3A : vector<16xi32>
    %mul3A_497 = arith.constant 16 : i32
    %mul3A_498 = vector.broadcast %mul3A_497 : i32 to vector<16xi32>
    %mul3A_499 = arith.muli %select_n3A_204, %mul3A_498 : vector<16xi32>
    %add3A_500 = arith.addi %mul3A_499, %iota3A : vector<16xi32>
    %mul3A_501 = arith.constant 16 : i32
    %mul3A_502 = vector.broadcast %mul3A_501 : i32 to vector<16xi32>
    %mul3A_503 = arith.muli %select_n3A_229, %mul3A_502 : vector<16xi32>
    %add3A_504 = arith.addi %mul3A_503, %iota3A : vector<16xi32>
    %mul3A_505 = arith.constant 16 : i32
    %mul3A_506 = vector.broadcast %mul3A_505 : i32 to vector<16xi32>
    %mul3A_507 = arith.muli %select_n3A_254, %mul3A_506 : vector<16xi32>
    %add3A_508 = arith.addi %mul3A_507, %iota3A : vector<16xi32>
    %mul3A_509 = arith.constant 16 : i32
    %mul3A_510 = vector.broadcast %mul3A_509 : i32 to vector<16xi32>
    %mul3A_511 = arith.muli %select_n3A_279, %mul3A_510 : vector<16xi32>
    %add3A_512 = arith.addi %mul3A_511, %iota3A : vector<16xi32>
    %mul3A_513 = arith.constant 16 : i32
    %mul3A_514 = vector.broadcast %mul3A_513 : i32 to vector<16xi32>
    %mul3A_515 = arith.muli %select_n3A_304, %mul3A_514 : vector<16xi32>
    %add3A_516 = arith.addi %mul3A_515, %iota3A : vector<16xi32>
    %mul3A_517 = arith.constant 16 : i32
    %mul3A_518 = vector.broadcast %mul3A_517 : i32 to vector<16xi32>
    %mul3A_519 = arith.muli %select_n3A_329, %mul3A_518 : vector<16xi32>
    %add3A_520 = arith.addi %mul3A_519, %iota3A : vector<16xi32>
    %mul3A_521 = arith.constant 16 : i32
    %mul3A_522 = vector.broadcast %mul3A_521 : i32 to vector<16xi32>
    %mul3A_523 = arith.muli %select_n3A_354, %mul3A_522 : vector<16xi32>
    %add3A_524 = arith.addi %mul3A_523, %iota3A : vector<16xi32>
    %mul3A_525 = arith.constant 16 : i32
    %mul3A_526 = vector.broadcast %mul3A_525 : i32 to vector<16xi32>
    %mul3A_527 = arith.muli %select_n3A_379, %mul3A_526 : vector<16xi32>
    %add3A_528 = arith.addi %mul3A_527, %iota3A : vector<16xi32>
    %mul3A_529 = arith.constant 16 : i32
    %mul3A_530 = vector.broadcast %mul3A_529 : i32 to vector<16xi32>
    %mul3A_531 = arith.muli %select_n3A_404, %mul3A_530 : vector<16xi32>
    %add3A_532 = arith.addi %mul3A_531, %iota3A : vector<16xi32>
    %add3A_533 = arith.constant 0 : i32
    %add3A_534 = arith.addi %add3A, %add3A_533 : i32
    %mul3A_535 = arith.constant 512 : i32
    %mul3A_536 = arith.muli %add3A_534, %mul3A_535 : i32
    %multiple_of3A = tpu.assume_multiple %mul3A_536, 512 : i32
    %dma_start3A = arith.constant 0 : i32
    %dma_start3A_537 = tpu.memref_slice %arg2[%dma_start3A, %multiple_of3A] : memref<16x1000000xf32, #tpu.memory_space<hbm>> -> memref<16x512xf32, #tpu.memory_space<hbm>>
    %dma_start3A_538 = arith.constant 0 : i32
    %dma_start3A_539 = tpu.memref_slice %arg2[%dma_start3A_538, %multiple_of3A] : memref<16x1000000xf32, #tpu.memory_space<hbm>> -> memref<16x512xf32, #tpu.memory_space<hbm>>
    tpu.enqueue_dma source(%dma_start3A_539 : memref<16x512xf32, #tpu.memory_space<hbm>>) target(%arg4 : memref<16x512xf32, #tpu.memory_space<vmem>>) target_semaphore(%arg12 : memref<!tpu.dma_semaphore, #tpu.memory_space<semaphore_mem>>)
    %add3A_540 = arith.constant 32 : i32
    %add3A_541 = arith.addi %add3A, %add3A_540 : i32
    %mul3A_542 = arith.constant 512 : i32
    %mul3A_543 = arith.muli %add3A_541, %mul3A_542 : i32
    %multiple_of3A_544 = tpu.assume_multiple %mul3A_543, 512 : i32
    %dma_start3A_545 = arith.constant 0 : i32
    %dma_start3A_546 = tpu.memref_slice %arg2[%dma_start3A_545, %multiple_of3A_544] : memref<16x1000000xf32, #tpu.memory_space<hbm>> -> memref<16x512xf32, #tpu.memory_space<hbm>>
    %dma_start3A_547 = arith.constant 0 : i32
    %dma_start3A_548 = tpu.memref_slice %arg2[%dma_start3A_547, %multiple_of3A_544] : memref<16x1000000xf32, #tpu.memory_space<hbm>> -> memref<16x512xf32, #tpu.memory_space<hbm>>
    tpu.enqueue_dma source(%dma_start3A_548 : memref<16x512xf32, #tpu.memory_space<hbm>>) target(%arg5 : memref<16x512xf32, #tpu.memory_space<vmem>>) target_semaphore(%arg13 : memref<!tpu.dma_semaphore, #tpu.memory_space<semaphore_mem>>)
    %add3A_549 = arith.constant 64 : i32
    %add3A_550 = arith.addi %add3A, %add3A_549 : i32
    %mul3A_551 = arith.constant 512 : i32
    %mul3A_552 = arith.muli %add3A_550, %mul3A_551 : i32
    %multiple_of3A_553 = tpu.assume_multiple %mul3A_552, 512 : i32
    %dma_start3A_554 = arith.constant 0 : i32
    %dma_start3A_555 = tpu.memref_slice %arg2[%dma_start3A_554, %multiple_of3A_553] : memref<16x1000000xf32, #tpu.memory_space<hbm>> -> memref<16x512xf32, #tpu.memory_space<hbm>>
    %dma_start3A_556 = arith.constant 0 : i32
    %dma_start3A_557 = tpu.memref_slice %arg2[%dma_start3A_556, %multiple_of3A_553] : memref<16x1000000xf32, #tpu.memory_space<hbm>> -> memref<16x512xf32, #tpu.memory_space<hbm>>
    tpu.enqueue_dma source(%dma_start3A_557 : memref<16x512xf32, #tpu.memory_space<hbm>>) target(%arg6 : memref<16x512xf32, #tpu.memory_space<vmem>>) target_semaphore(%arg14 : memref<!tpu.dma_semaphore, #tpu.memory_space<semaphore_mem>>)
    %add3A_558 = arith.constant 96 : i32
    %add3A_559 = arith.addi %add3A, %add3A_558 : i32
    %mul3A_560 = arith.constant 512 : i32
    %mul3A_561 = arith.muli %add3A_559, %mul3A_560 : i32
    %multiple_of3A_562 = tpu.assume_multiple %mul3A_561, 512 : i32
    %dma_start3A_563 = arith.constant 0 : i32
    %dma_start3A_564 = tpu.memref_slice %arg2[%dma_start3A_563, %multiple_of3A_562] : memref<16x1000000xf32, #tpu.memory_space<hbm>> -> memref<16x512xf32, #tpu.memory_space<hbm>>
    %dma_start3A_565 = arith.constant 0 : i32
    %dma_start3A_566 = tpu.memref_slice %arg2[%dma_start3A_565, %multiple_of3A_562] : memref<16x1000000xf32, #tpu.memory_space<hbm>> -> memref<16x512xf32, #tpu.memory_space<hbm>>
    tpu.enqueue_dma source(%dma_start3A_566 : memref<16x512xf32, #tpu.memory_space<hbm>>) target(%arg7 : memref<16x512xf32, #tpu.memory_space<vmem>>) target_semaphore(%arg15 : memref<!tpu.dma_semaphore, #tpu.memory_space<semaphore_mem>>)
    %add3A_567 = arith.constant 3 : i32
    %add3A_568 = arith.addi %add3A_4, %add3A_567 : i32
    %jit3A_569 = arith.constant 4 : i32
    %div3A = arith.divsi %add3A_568, %jit3A_569 : i32
    %sign3A = arith.constant 0 : i32
    %sign3A_570 = arith.cmpi sgt, %add3A_568, %sign3A : i32
    %sign3A_571 = arith.extui %sign3A_570 : i1 to i32
    %sign3A_572 = arith.constant 0 : i32
    %sign3A_573 = arith.cmpi slt, %add3A_568, %sign3A_572 : i32
    %sign3A_574 = arith.extui %sign3A_573 : i1 to i32
    %sign3A_575 = arith.subi %sign3A_571, %sign3A_574 : i32
    %sign3A_576 = arith.constant 0 : i32
    %sign3A_577 = arith.cmpi sgt, %jit3A_569, %sign3A_576 : i32
    %sign3A_578 = arith.extui %sign3A_577 : i1 to i32
    %sign3A_579 = arith.constant 0 : i32
    %sign3A_580 = arith.cmpi slt, %jit3A_569, %sign3A_579 : i32
    %sign3A_581 = arith.extui %sign3A_580 : i1 to i32
    %sign3A_582 = arith.subi %sign3A_578, %sign3A_581 : i32
    %ne3A_583 = arith.cmpi ne, %sign3A_575, %sign3A_582 : i32
    %rem3A_584 = arith.remsi %add3A_568, %jit3A_569 : i32
    %ne3A_585 = arith.constant 0 : i32
    %ne3A_586 = arith.cmpi ne, %rem3A_584, %ne3A_585 : i32
    %and3A_587 = arith.andi %ne3A_583, %ne3A_586 : i1
    %sub3A = arith.constant 1 : i32
    %sub3A_588 = arith.subi %div3A, %sub3A : i32
    %select_n3A_589 = arith.select %and3A_587, %sub3A_588, %div3A : i32
    %while3A = arith.constant 0 : i32
    %while3A_590 = arith.constant 0 : i32
    %while3A_591 = arith.subi %select_n3A_589, %while3A_590 : i32
    %while3A_592 = arith.addi %while3A_590, %while3A_591 : i32
    %while3A_593 = arith.constant 1 : i32
    %while3A_594 = arith.divsi %while3A_591, %while3A_593 : i32
    %while3A_595 = arith.muli %while3A_594, %while3A_593 : i32
    %while3A_596 = arith.addi %while3A_590, %while3A_595 : i32
    %while3A_597 = arith.constant 1 : i32
    scf.for %while3A_617 = %while3A_590 to %while3A_596 step %while3A_597  : i32 {
      %mul3A_618 = arith.constant 4 : i32
      %mul3A_619 = arith.muli %mul3A_618, %while3A_617 : i32
      %add3A_620 = arith.constant 0 : i32
      %add3A_621 = arith.addi %mul3A_619, %add3A_620 : i32
      %lt3A_622 = arith.cmpi slt, %add3A_621, %add3A_4 : i32
      %convert_element_type3A_623 = arith.extui %lt3A_622 : i1 to i32
      %cond3A_624 = arith.constant 0 : i32
      %cond3A_625 = arith.cmpi ne, %convert_element_type3A_623, %cond3A_624 : i32
      scf.if %cond3A_625 {
        %mul3A_650 = arith.constant 32 : i32
        %mul3A_651 = arith.muli %add3A_621, %mul3A_650 : i32
        %add3A_652 = arith.addi %add3A, %mul3A_651 : i32
        %dma_wait3A_653 = arith.constant 0 : i32
        %dma_wait3A_654 = arith.constant 0 : i32
        %dma_wait3A_655 = tpu.memref_slice %arg2[%dma_wait3A_653, %dma_wait3A_654] : memref<16x1000000xf32, #tpu.memory_space<hbm>> -> memref<16x512xf32, #tpu.memory_space<hbm>>
        %dma_wait3A_656 = arith.constant 0 : i32
        %dma_wait3A_657 = arith.constant 0 : i32
        %dma_wait3A_658 = tpu.memref_slice %arg2[%dma_wait3A_656, %dma_wait3A_657] : memref<16x1000000xf32, #tpu.memory_space<hbm>> -> memref<16x512xf32, #tpu.memory_space<hbm>>
        tpu.wait_dma2 semaphore(%arg12 : memref<!tpu.dma_semaphore, #tpu.memory_space<semaphore_mem>>) src(%dma_wait3A_658 : memref<16x512xf32, #tpu.memory_space<hbm>>) dst(%arg4 : memref<16x512xf32, #tpu.memory_space<vmem>>)
        %gt3A = arith.constant 0 : i32
        %gt3A_659 = arith.cmpi sgt, %while3A_617, %gt3A : i32
        %convert_element_type3A_660 = arith.extui %gt3A_659 : i1 to i32
        %cond3A_661 = arith.constant 0 : i32
        %cond3A_662 = arith.cmpi ne, %convert_element_type3A_660, %cond3A_661 : i32
        scf.if %cond3A_662 {
          %dma_wait3A_681 = arith.constant 0 : i32
          %dma_wait3A_682 = tpu.memref_slice %arg3[%dma_wait3A_681] : memref<16000000xf32, #tpu.memory_space<hbm>> -> memref<8192xf32, #tpu.memory_space<hbm>>
          %dma_wait3A_683 = arith.constant 0 : i32
          %dma_wait3A_684 = tpu.memref_slice %arg3[%dma_wait3A_683] : memref<16000000xf32, #tpu.memory_space<hbm>> -> memref<8192xf32, #tpu.memory_space<hbm>>
          tpu.wait_dma2 semaphore(%arg16 : memref<!tpu.dma_semaphore, #tpu.memory_space<semaphore_mem>>) src(%arg8 : memref<8192xf32, #tpu.memory_space<vmem>>) dst(%dma_wait3A_684 : memref<8192xf32, #tpu.memory_space<hbm>>)
        } else {
        }
        %scan3A = arith.constant 0 : i32
        %scan3A_663 = arith.constant 0 : i32
        %scan3A_664 = arith.constant 0 : i32
        %scan3A_665 = arith.constant 32 : i32
        %scan3A_666 = arith.addi %scan3A_664, %scan3A_665 : i32
        %scan3A_667 = arith.constant 1 : i32
        %scan3A_668:2 = scf.for %scan3A_681 = %scan3A_664 to %scan3A_666 step %scan3A_667 iter_args(%scan3A_682 = %scan3A, %scan3A_683 = %scan3A_663) -> (i32, i32)  : i32 {
          %add3A_684 = vector.broadcast %scan3A_682 : i32 to vector<16xi32>
          %add3A_685 = arith.addi %add3A_408, %add3A_684 : vector<16xi32>
          %gather3A = tpu.vector_load_idx %arg4[%broadcast_in_dim3A_8, %add3A_685] : memref<16x512xf32, #tpu.memory_space<vmem>>[vector<16xi32>, vector<16xi32>], vector<16xf32>,
          %add3A_686 = vector.broadcast %scan3A_683 : i32 to vector<16xi32>
          %add3A_687 = arith.addi %add3A_472, %add3A_686 : vector<16xi32>
          tpu.vector_store_idx %arg8[%add3A_687], %gather3A : memref<8192xf32, #tpu.memory_space<vmem>>[vector<16xi32>], vector<16xf32>,
          %add3A_688 = vector.broadcast %scan3A_682 : i32 to vector<16xi32>
          %add3A_689 = arith.addi %add3A_412, %add3A_688 : vector<16xi32>
          %gather3A_690 = tpu.vector_load_idx %arg4[%broadcast_in_dim3A_8, %add3A_689] : memref<16x512xf32, #tpu.memory_space<vmem>>[vector<16xi32>, vector<16xi32>], vector<16xf32>,
          %add3A_691 = vector.broadcast %scan3A_683 : i32 to vector<16xi32>
          %add3A_692 = arith.addi %add3A_476, %add3A_691 : vector<16xi32>
          tpu.vector_store_idx %arg8[%add3A_692], %gather3A_690 : memref<8192xf32, #tpu.memory_space<vmem>>[vector<16xi32>], vector<16xf32>,
          %add3A_693 = vector.broadcast %scan3A_682 : i32 to vector<16xi32>
          %add3A_694 = arith.addi %add3A_416, %add3A_693 : vector<16xi32>
          %gather3A_695 = tpu.vector_load_idx %arg4[%broadcast_in_dim3A_8, %add3A_694] : memref<16x512xf32, #tpu.memory_space<vmem>>[vector<16xi32>, vector<16xi32>], vector<16xf32>,
          %add3A_696 = vector.broadcast %scan3A_683 : i32 to vector<16xi32>
          %add3A_697 = arith.addi %add3A_480, %add3A_696 : vector<16xi32>
          tpu.vector_store_idx %arg8[%add3A_697], %gather3A_695 : memref<8192xf32, #tpu.memory_space<vmem>>[vector<16xi32>], vector<16xf32>,
          %add3A_698 = vector.broadcast %scan3A_682 : i32 to vector<16xi32>
          %add3A_699 = arith.addi %add3A_420, %add3A_698 : vector<16xi32>
          %gather3A_700 = tpu.vector_load_idx %arg4[%broadcast_in_dim3A_8, %add3A_699] : memref<16x512xf32, #tpu.memory_space<vmem>>[vector<16xi32>, vector<16xi32>], vector<16xf32>,
          %add3A_701 = vector.broadcast %scan3A_683 : i32 to vector<16xi32>
          %add3A_702 = arith.addi %add3A_484, %add3A_701 : vector<16xi32>
          tpu.vector_store_idx %arg8[%add3A_702], %gather3A_700 : memref<8192xf32, #tpu.memory_space<vmem>>[vector<16xi32>], vector<16xf32>,
          %add3A_703 = vector.broadcast %scan3A_682 : i32 to vector<16xi32>
          %add3A_704 = arith.addi %add3A_424, %add3A_703 : vector<16xi32>
          %gather3A_705 = tpu.vector_load_idx %arg4[%broadcast_in_dim3A_8, %add3A_704] : memref<16x512xf32, #tpu.memory_space<vmem>>[vector<16xi32>, vector<16xi32>], vector<16xf32>,
          %add3A_706 = vector.broadcast %scan3A_683 : i32 to vector<16xi32>
          %add3A_707 = arith.addi %add3A_488, %add3A_706 : vector<16xi32>
          tpu.vector_store_idx %arg8[%add3A_707], %gather3A_705 : memref<8192xf32, #tpu.memory_space<vmem>>[vector<16xi32>], vector<16xf32>,
          %add3A_708 = vector.broadcast %scan3A_682 : i32 to vector<16xi32>
          %add3A_709 = arith.addi %add3A_428, %add3A_708 : vector<16xi32>
          %gather3A_710 = tpu.vector_load_idx %arg4[%broadcast_in_dim3A_8, %add3A_709] : memref<16x512xf32, #tpu.memory_space<vmem>>[vector<16xi32>, vector<16xi32>], vector<16xf32>,
          %add3A_711 = vector.broadcast %scan3A_683 : i32 to vector<16xi32>
          %add3A_712 = arith.addi %add3A_492, %add3A_711 : vector<16xi32>
          tpu.vector_store_idx %arg8[%add3A_712], %gather3A_710 : memref<8192xf32, #tpu.memory_space<vmem>>[vector<16xi32>], vector<16xf32>,
          %add3A_713 = vector.broadcast %scan3A_682 : i32 to vector<16xi32>
          %add3A_714 = arith.addi %add3A_432, %add3A_713 : vector<16xi32>
          %gather3A_715 = tpu.vector_load_idx %arg4[%broadcast_in_dim3A_8, %add3A_714] : memref<16x512xf32, #tpu.memory_space<vmem>>[vector<16xi32>, vector<16xi32>], vector<16xf32>,
          %add3A_716 = vector.broadcast %scan3A_683 : i32 to vector<16xi32>
          %add3A_717 = arith.addi %add3A_496, %add3A_716 : vector<16xi32>
          tpu.vector_store_idx %arg8[%add3A_717], %gather3A_715 : memref<8192xf32, #tpu.memory_space<vmem>>[vector<16xi32>], vector<16xf32>,
          %add3A_718 = vector.broadcast %scan3A_682 : i32 to vector<16xi32>
          %add3A_719 = arith.addi %add3A_436, %add3A_718 : vector<16xi32>
          %gather3A_720 = tpu.vector_load_idx %arg4[%broadcast_in_dim3A_8, %add3A_719] : memref<16x512xf32, #tpu.memory_space<vmem>>[vector<16xi32>, vector<16xi32>], vector<16xf32>,
          %add3A_721 = vector.broadcast %scan3A_683 : i32 to vector<16xi32>
          %add3A_722 = arith.addi %add3A_500, %add3A_721 : vector<16xi32>
          tpu.vector_store_idx %arg8[%add3A_722], %gather3A_720 : memref<8192xf32, #tpu.memory_space<vmem>>[vector<16xi32>], vector<16xf32>,
          %add3A_723 = vector.broadcast %scan3A_682 : i32 to vector<16xi32>
          %add3A_724 = arith.addi %add3A_440, %add3A_723 : vector<16xi32>
          %gather3A_725 = tpu.vector_load_idx %arg4[%broadcast_in_dim3A_8, %add3A_724] : memref<16x512xf32, #tpu.memory_space<vmem>>[vector<16xi32>, vector<16xi32>], vector<16xf32>,
          %add3A_726 = vector.broadcast %scan3A_683 : i32 to vector<16xi32>
          %add3A_727 = arith.addi %add3A_504, %add3A_726 : vector<16xi32>
          tpu.vector_store_idx %arg8[%add3A_727], %gather3A_725 : memref<8192xf32, #tpu.memory_space<vmem>>[vector<16xi32>], vector<16xf32>,
          %add3A_728 = vector.broadcast %scan3A_682 : i32 to vector<16xi32>
          %add3A_729 = arith.addi %add3A_444, %add3A_728 : vector<16xi32>
          %gather3A_730 = tpu.vector_load_idx %arg4[%broadcast_in_dim3A_8, %add3A_729] : memref<16x512xf32, #tpu.memory_space<vmem>>[vector<16xi32>, vector<16xi32>], vector<16xf32>,
          %add3A_731 = vector.broadcast %scan3A_683 : i32 to vector<16xi32>
          %add3A_732 = arith.addi %add3A_508, %add3A_731 : vector<16xi32>
          tpu.vector_store_idx %arg8[%add3A_732], %gather3A_730 : memref<8192xf32, #tpu.memory_space<vmem>>[vector<16xi32>], vector<16xf32>,
          %add3A_733 = vector.broadcast %scan3A_682 : i32 to vector<16xi32>
          %add3A_734 = arith.addi %add3A_448, %add3A_733 : vector<16xi32>
          %gather3A_735 = tpu.vector_load_idx %arg4[%broadcast_in_dim3A_8, %add3A_734] : memref<16x512xf32, #tpu.memory_space<vmem>>[vector<16xi32>, vector<16xi32>], vector<16xf32>,
          %add3A_736 = vector.broadcast %scan3A_683 : i32 to vector<16xi32>
          %add3A_737 = arith.addi %add3A_512, %add3A_736 : vector<16xi32>
          tpu.vector_store_idx %arg8[%add3A_737], %gather3A_735 : memref<8192xf32, #tpu.memory_space<vmem>>[vector<16xi32>], vector<16xf32>,
          %add3A_738 = vector.broadcast %scan3A_682 : i32 to vector<16xi32>
          %add3A_739 = arith.addi %add3A_452, %add3A_738 : vector<16xi32>
          %gather3A_740 = tpu.vector_load_idx %arg4[%broadcast_in_dim3A_8, %add3A_739] : memref<16x512xf32, #tpu.memory_space<vmem>>[vector<16xi32>, vector<16xi32>], vector<16xf32>,
          %add3A_741 = vector.broadcast %scan3A_683 : i32 to vector<16xi32>
          %add3A_742 = arith.addi %add3A_516, %add3A_741 : vector<16xi32>
          tpu.vector_store_idx %arg8[%add3A_742], %gather3A_740 : memref<8192xf32, #tpu.memory_space<vmem>>[vector<16xi32>], vector<16xf32>,
          %add3A_743 = vector.broadcast %scan3A_682 : i32 to vector<16xi32>
          %add3A_744 = arith.addi %add3A_456, %add3A_743 : vector<16xi32>
          %gather3A_745 = tpu.vector_load_idx %arg4[%broadcast_in_dim3A_8, %add3A_744] : memref<16x512xf32, #tpu.memory_space<vmem>>[vector<16xi32>, vector<16xi32>], vector<16xf32>,
          %add3A_746 = vector.broadcast %scan3A_683 : i32 to vector<16xi32>
          %add3A_747 = arith.addi %add3A_520, %add3A_746 : vector<16xi32>
          tpu.vector_store_idx %arg8[%add3A_747], %gather3A_745 : memref<8192xf32, #tpu.memory_space<vmem>>[vector<16xi32>], vector<16xf32>,
          %add3A_748 = vector.broadcast %scan3A_682 : i32 to vector<16xi32>
          %add3A_749 = arith.addi %add3A_460, %add3A_748 : vector<16xi32>
          %gather3A_750 = tpu.vector_load_idx %arg4[%broadcast_in_dim3A_8, %add3A_749] : memref<16x512xf32, #tpu.memory_space<vmem>>[vector<16xi32>, vector<16xi32>], vector<16xf32>,
          %add3A_751 = vector.broadcast %scan3A_683 : i32 to vector<16xi32>
          %add3A_752 = arith.addi %add3A_524, %add3A_751 : vector<16xi32>
          tpu.vector_store_idx %arg8[%add3A_752], %gather3A_750 : memref<8192xf32, #tpu.memory_space<vmem>>[vector<16xi32>], vector<16xf32>,
          %add3A_753 = vector.broadcast %scan3A_682 : i32 to vector<16xi32>
          %add3A_754 = arith.addi %add3A_464, %add3A_753 : vector<16xi32>
          %gather3A_755 = tpu.vector_load_idx %arg4[%broadcast_in_dim3A_8, %add3A_754] : memref<16x512xf32, #tpu.memory_space<vmem>>[vector<16xi32>, vector<16xi32>], vector<16xf32>,
          %add3A_756 = vector.broadcast %scan3A_683 : i32 to vector<16xi32>
          %add3A_757 = arith.addi %add3A_528, %add3A_756 : vector<16xi32>
          tpu.vector_store_idx %arg8[%add3A_757], %gather3A_755 : memref<8192xf32, #tpu.memory_space<vmem>>[vector<16xi32>], vector<16xf32>,
          %add3A_758 = vector.broadcast %scan3A_682 : i32 to vector<16xi32>
          %add3A_759 = arith.addi %add3A_468, %add3A_758 : vector<16xi32>
          %gather3A_760 = tpu.vector_load_idx %arg4[%broadcast_in_dim3A_8, %add3A_759] : memref<16x512xf32, #tpu.memory_space<vmem>>[vector<16xi32>, vector<16xi32>], vector<16xf32>,
          %add3A_761 = vector.broadcast %scan3A_683 : i32 to vector<16xi32>
          %add3A_762 = arith.addi %add3A_532, %add3A_761 : vector<16xi32>
          tpu.vector_store_idx %arg8[%add3A_762], %gather3A_760 : memref<8192xf32, #tpu.memory_space<vmem>>[vector<16xi32>], vector<16xf32>,
          %add3A_763 = arith.constant 16 : i32
          %add3A_764 = arith.addi %scan3A_682, %add3A_763 : i32
          %add3A_765 = arith.constant 256 : i32
          %add3A_766 = arith.addi %scan3A_683, %add3A_765 : i32
          scf.yield %add3A_764, %add3A_766 : i32, i32
        }
        %scan3A_669 = arith.constant 32 : i32
        %mul3A_670 = arith.constant 8192 : i32
        %mul3A_671 = arith.muli %add3A_652, %mul3A_670 : i32
        %multiple_of3A_672 = tpu.assume_multiple %mul3A_671, 8192 : i32
        %dma_start3A_673 = tpu.memref_slice %arg3[%multiple_of3A_672] : memref<16000000xf32, #tpu.memory_space<hbm>> -> memref<8192xf32, #tpu.memory_space<hbm>>
        %dma_start3A_674 = tpu.memref_slice %arg3[%multiple_of3A_672] : memref<16000000xf32, #tpu.memory_space<hbm>> -> memref<8192xf32, #tpu.memory_space<hbm>>
        tpu.enqueue_dma source(%arg8 : memref<8192xf32, #tpu.memory_space<vmem>>) target(%dma_start3A_674 : memref<8192xf32, #tpu.memory_space<hbm>>) target_semaphore(%arg16 : memref<!tpu.dma_semaphore, #tpu.memory_space<semaphore_mem>>)
        %add3A_675 = arith.constant 4 : i32
        %add3A_676 = arith.addi %add3A_621, %add3A_675 : i32
        %lt3A_677 = arith.cmpi slt, %add3A_676, %add3A_4 : i32
        %convert_element_type3A_678 = arith.extui %lt3A_677 : i1 to i32
        %cond3A_679 = arith.constant 0 : i32
        %cond3A_680 = arith.cmpi ne, %convert_element_type3A_678, %cond3A_679 : i32
        scf.if %cond3A_680 {
          %add3A_681 = arith.constant 128 : i32
          %add3A_682 = arith.addi %add3A_652, %add3A_681 : i32
          %mul3A_683 = arith.constant 512 : i32
          %mul3A_684 = arith.muli %add3A_682, %mul3A_683 : i32
          %multiple_of3A_685 = tpu.assume_multiple %mul3A_684, 512 : i32
          %dma_start3A_686 = arith.constant 0 : i32
          %dma_start3A_687 = tpu.memref_slice %arg2[%dma_start3A_686, %multiple_of3A_685] : memref<16x1000000xf32, #tpu.memory_space<hbm>> -> memref<16x512xf32, #tpu.memory_space<hbm>>
          %dma_start3A_688 = arith.constant 0 : i32
          %dma_start3A_689 = tpu.memref_slice %arg2[%dma_start3A_688, %multiple_of3A_685] : memref<16x1000000xf32, #tpu.memory_space<hbm>> -> memref<16x512xf32, #tpu.memory_space<hbm>>
          tpu.enqueue_dma source(%dma_start3A_689 : memref<16x512xf32, #tpu.memory_space<hbm>>) target(%arg4 : memref<16x512xf32, #tpu.memory_space<vmem>>) target_semaphore(%arg12 : memref<!tpu.dma_semaphore, #tpu.memory_space<semaphore_mem>>)
        } else {
        }
      } else {
      }
      %mul3A_626 = arith.constant 4 : i32
      %mul3A_627 = arith.muli %mul3A_626, %while3A_617 : i32
      %add3A_628 = arith.constant 1 : i32
      %add3A_629 = arith.addi %mul3A_627, %add3A_628 : i32
      %lt3A_630 = arith.cmpi slt, %add3A_629, %add3A_4 : i32
      %convert_element_type3A_631 = arith.extui %lt3A_630 : i1 to i32
      %cond3A_632 = arith.constant 0 : i32
      %cond3A_633 = arith.cmpi ne, %convert_element_type3A_631, %cond3A_632 : i32
      scf.if %cond3A_633 {
        %mul3A_650 = arith.constant 32 : i32
        %mul3A_651 = arith.muli %add3A_629, %mul3A_650 : i32
        %add3A_652 = arith.addi %add3A, %mul3A_651 : i32
        %dma_wait3A_653 = arith.constant 0 : i32
        %dma_wait3A_654 = arith.constant 0 : i32
        %dma_wait3A_655 = tpu.memref_slice %arg2[%dma_wait3A_653, %dma_wait3A_654] : memref<16x1000000xf32, #tpu.memory_space<hbm>> -> memref<16x512xf32, #tpu.memory_space<hbm>>
        %dma_wait3A_656 = arith.constant 0 : i32
        %dma_wait3A_657 = arith.constant 0 : i32
        %dma_wait3A_658 = tpu.memref_slice %arg2[%dma_wait3A_656, %dma_wait3A_657] : memref<16x1000000xf32, #tpu.memory_space<hbm>> -> memref<16x512xf32, #tpu.memory_space<hbm>>
        tpu.wait_dma2 semaphore(%arg13 : memref<!tpu.dma_semaphore, #tpu.memory_space<semaphore_mem>>) src(%dma_wait3A_658 : memref<16x512xf32, #tpu.memory_space<hbm>>) dst(%arg5 : memref<16x512xf32, #tpu.memory_space<vmem>>)
        %gt3A = arith.constant 0 : i32
        %gt3A_659 = arith.cmpi sgt, %while3A_617, %gt3A : i32
        %convert_element_type3A_660 = arith.extui %gt3A_659 : i1 to i32
        %cond3A_661 = arith.constant 0 : i32
        %cond3A_662 = arith.cmpi ne, %convert_element_type3A_660, %cond3A_661 : i32
        scf.if %cond3A_662 {
          %dma_wait3A_681 = arith.constant 0 : i32
          %dma_wait3A_682 = tpu.memref_slice %arg3[%dma_wait3A_681] : memref<16000000xf32, #tpu.memory_space<hbm>> -> memref<8192xf32, #tpu.memory_space<hbm>>
          %dma_wait3A_683 = arith.constant 0 : i32
          %dma_wait3A_684 = tpu.memref_slice %arg3[%dma_wait3A_683] : memref<16000000xf32, #tpu.memory_space<hbm>> -> memref<8192xf32, #tpu.memory_space<hbm>>
          tpu.wait_dma2 semaphore(%arg17 : memref<!tpu.dma_semaphore, #tpu.memory_space<semaphore_mem>>) src(%arg9 : memref<8192xf32, #tpu.memory_space<vmem>>) dst(%dma_wait3A_684 : memref<8192xf32, #tpu.memory_space<hbm>>)
        } else {
        }
        %scan3A = arith.constant 0 : i32
        %scan3A_663 = arith.constant 0 : i32
        %scan3A_664 = arith.constant 0 : i32
        %scan3A_665 = arith.constant 32 : i32
        %scan3A_666 = arith.addi %scan3A_664, %scan3A_665 : i32
        %scan3A_667 = arith.constant 1 : i32
        %scan3A_668:2 = scf.for %scan3A_681 = %scan3A_664 to %scan3A_666 step %scan3A_667 iter_args(%scan3A_682 = %scan3A, %scan3A_683 = %scan3A_663) -> (i32, i32)  : i32 {
          %add3A_684 = vector.broadcast %scan3A_682 : i32 to vector<16xi32>
          %add3A_685 = arith.addi %add3A_408, %add3A_684 : vector<16xi32>
          %gather3A = tpu.vector_load_idx %arg5[%broadcast_in_dim3A_8, %add3A_685] : memref<16x512xf32, #tpu.memory_space<vmem>>[vector<16xi32>, vector<16xi32>], vector<16xf32>,
          %add3A_686 = vector.broadcast %scan3A_683 : i32 to vector<16xi32>
          %add3A_687 = arith.addi %add3A_472, %add3A_686 : vector<16xi32>
          tpu.vector_store_idx %arg9[%add3A_687], %gather3A : memref<8192xf32, #tpu.memory_space<vmem>>[vector<16xi32>], vector<16xf32>,
          %add3A_688 = vector.broadcast %scan3A_682 : i32 to vector<16xi32>
          %add3A_689 = arith.addi %add3A_412, %add3A_688 : vector<16xi32>
          %gather3A_690 = tpu.vector_load_idx %arg5[%broadcast_in_dim3A_8, %add3A_689] : memref<16x512xf32, #tpu.memory_space<vmem>>[vector<16xi32>, vector<16xi32>], vector<16xf32>,
          %add3A_691 = vector.broadcast %scan3A_683 : i32 to vector<16xi32>
          %add3A_692 = arith.addi %add3A_476, %add3A_691 : vector<16xi32>
          tpu.vector_store_idx %arg9[%add3A_692], %gather3A_690 : memref<8192xf32, #tpu.memory_space<vmem>>[vector<16xi32>], vector<16xf32>,
          %add3A_693 = vector.broadcast %scan3A_682 : i32 to vector<16xi32>
          %add3A_694 = arith.addi %add3A_416, %add3A_693 : vector<16xi32>
          %gather3A_695 = tpu.vector_load_idx %arg5[%broadcast_in_dim3A_8, %add3A_694] : memref<16x512xf32, #tpu.memory_space<vmem>>[vector<16xi32>, vector<16xi32>], vector<16xf32>,
          %add3A_696 = vector.broadcast %scan3A_683 : i32 to vector<16xi32>
          %add3A_697 = arith.addi %add3A_480, %add3A_696 : vector<16xi32>
          tpu.vector_store_idx %arg9[%add3A_697], %gather3A_695 : memref<8192xf32, #tpu.memory_space<vmem>>[vector<16xi32>], vector<16xf32>,
          %add3A_698 = vector.broadcast %scan3A_682 : i32 to vector<16xi32>
          %add3A_699 = arith.addi %add3A_420, %add3A_698 : vector<16xi32>
          %gather3A_700 = tpu.vector_load_idx %arg5[%broadcast_in_dim3A_8, %add3A_699] : memref<16x512xf32, #tpu.memory_space<vmem>>[vector<16xi32>, vector<16xi32>], vector<16xf32>,
          %add3A_701 = vector.broadcast %scan3A_683 : i32 to vector<16xi32>
          %add3A_702 = arith.addi %add3A_484, %add3A_701 : vector<16xi32>
          tpu.vector_store_idx %arg9[%add3A_702], %gather3A_700 : memref<8192xf32, #tpu.memory_space<vmem>>[vector<16xi32>], vector<16xf32>,
          %add3A_703 = vector.broadcast %scan3A_682 : i32 to vector<16xi32>
          %add3A_704 = arith.addi %add3A_424, %add3A_703 : vector<16xi32>
          %gather3A_705 = tpu.vector_load_idx %arg5[%broadcast_in_dim3A_8, %add3A_704] : memref<16x512xf32, #tpu.memory_space<vmem>>[vector<16xi32>, vector<16xi32>], vector<16xf32>,
          %add3A_706 = vector.broadcast %scan3A_683 : i32 to vector<16xi32>
          %add3A_707 = arith.addi %add3A_488, %add3A_706 : vector<16xi32>
          tpu.vector_store_idx %arg9[%add3A_707], %gather3A_705 : memref<8192xf32, #tpu.memory_space<vmem>>[vector<16xi32>], vector<16xf32>,
          %add3A_708 = vector.broadcast %scan3A_682 : i32 to vector<16xi32>
          %add3A_709 = arith.addi %add3A_428, %add3A_708 : vector<16xi32>
          %gather3A_710 = tpu.vector_load_idx %arg5[%broadcast_in_dim3A_8, %add3A_709] : memref<16x512xf32, #tpu.memory_space<vmem>>[vector<16xi32>, vector<16xi32>], vector<16xf32>,
          %add3A_711 = vector.broadcast %scan3A_683 : i32 to vector<16xi32>
          %add3A_712 = arith.addi %add3A_492, %add3A_711 : vector<16xi32>
          tpu.vector_store_idx %arg9[%add3A_712], %gather3A_710 : memref<8192xf32, #tpu.memory_space<vmem>>[vector<16xi32>], vector<16xf32>,
          %add3A_713 = vector.broadcast %scan3A_682 : i32 to vector<16xi32>
          %add3A_714 = arith.addi %add3A_432, %add3A_713 : vector<16xi32>
          %gather3A_715 = tpu.vector_load_idx %arg5[%broadcast_in_dim3A_8, %add3A_714] : memref<16x512xf32, #tpu.memory_space<vmem>>[vector<16xi32>, vector<16xi32>], vector<16xf32>,
          %add3A_716 = vector.broadcast %scan3A_683 : i32 to vector<16xi32>
          %add3A_717 = arith.addi %add3A_496, %add3A_716 : vector<16xi32>
          tpu.vector_store_idx %arg9[%add3A_717], %gather3A_715 : memref<8192xf32, #tpu.memory_space<vmem>>[vector<16xi32>], vector<16xf32>,
          %add3A_718 = vector.broadcast %scan3A_682 : i32 to vector<16xi32>
          %add3A_719 = arith.addi %add3A_436, %add3A_718 : vector<16xi32>
          %gather3A_720 = tpu.vector_load_idx %arg5[%broadcast_in_dim3A_8, %add3A_719] : memref<16x512xf32, #tpu.memory_space<vmem>>[vector<16xi32>, vector<16xi32>], vector<16xf32>,
          %add3A_721 = vector.broadcast %scan3A_683 : i32 to vector<16xi32>
          %add3A_722 = arith.addi %add3A_500, %add3A_721 : vector<16xi32>
          tpu.vector_store_idx %arg9[%add3A_722], %gather3A_720 : memref<8192xf32, #tpu.memory_space<vmem>>[vector<16xi32>], vector<16xf32>,
          %add3A_723 = vector.broadcast %scan3A_682 : i32 to vector<16xi32>
          %add3A_724 = arith.addi %add3A_440, %add3A_723 : vector<16xi32>
          %gather3A_725 = tpu.vector_load_idx %arg5[%broadcast_in_dim3A_8, %add3A_724] : memref<16x512xf32, #tpu.memory_space<vmem>>[vector<16xi32>, vector<16xi32>], vector<16xf32>,
          %add3A_726 = vector.broadcast %scan3A_683 : i32 to vector<16xi32>
          %add3A_727 = arith.addi %add3A_504, %add3A_726 : vector<16xi32>
          tpu.vector_store_idx %arg9[%add3A_727], %gather3A_725 : memref<8192xf32, #tpu.memory_space<vmem>>[vector<16xi32>], vector<16xf32>,
          %add3A_728 = vector.broadcast %scan3A_682 : i32 to vector<16xi32>
          %add3A_729 = arith.addi %add3A_444, %add3A_728 : vector<16xi32>
          %gather3A_730 = tpu.vector_load_idx %arg5[%broadcast_in_dim3A_8, %add3A_729] : memref<16x512xf32, #tpu.memory_space<vmem>>[vector<16xi32>, vector<16xi32>], vector<16xf32>,
          %add3A_731 = vector.broadcast %scan3A_683 : i32 to vector<16xi32>
          %add3A_732 = arith.addi %add3A_508, %add3A_731 : vector<16xi32>
          tpu.vector_store_idx %arg9[%add3A_732], %gather3A_730 : memref<8192xf32, #tpu.memory_space<vmem>>[vector<16xi32>], vector<16xf32>,
          %add3A_733 = vector.broadcast %scan3A_682 : i32 to vector<16xi32>
          %add3A_734 = arith.addi %add3A_448, %add3A_733 : vector<16xi32>
          %gather3A_735 = tpu.vector_load_idx %arg5[%broadcast_in_dim3A_8, %add3A_734] : memref<16x512xf32, #tpu.memory_space<vmem>>[vector<16xi32>, vector<16xi32>], vector<16xf32>,
          %add3A_736 = vector.broadcast %scan3A_683 : i32 to vector<16xi32>
          %add3A_737 = arith.addi %add3A_512, %add3A_736 : vector<16xi32>
          tpu.vector_store_idx %arg9[%add3A_737], %gather3A_735 : memref<8192xf32, #tpu.memory_space<vmem>>[vector<16xi32>], vector<16xf32>,
          %add3A_738 = vector.broadcast %scan3A_682 : i32 to vector<16xi32>
          %add3A_739 = arith.addi %add3A_452, %add3A_738 : vector<16xi32>
          %gather3A_740 = tpu.vector_load_idx %arg5[%broadcast_in_dim3A_8, %add3A_739] : memref<16x512xf32, #tpu.memory_space<vmem>>[vector<16xi32>, vector<16xi32>], vector<16xf32>,
          %add3A_741 = vector.broadcast %scan3A_683 : i32 to vector<16xi32>
          %add3A_742 = arith.addi %add3A_516, %add3A_741 : vector<16xi32>
          tpu.vector_store_idx %arg9[%add3A_742], %gather3A_740 : memref<8192xf32, #tpu.memory_space<vmem>>[vector<16xi32>], vector<16xf32>,
          %add3A_743 = vector.broadcast %scan3A_682 : i32 to vector<16xi32>
          %add3A_744 = arith.addi %add3A_456, %add3A_743 : vector<16xi32>
          %gather3A_745 = tpu.vector_load_idx %arg5[%broadcast_in_dim3A_8, %add3A_744] : memref<16x512xf32, #tpu.memory_space<vmem>>[vector<16xi32>, vector<16xi32>], vector<16xf32>,
          %add3A_746 = vector.broadcast %scan3A_683 : i32 to vector<16xi32>
          %add3A_747 = arith.addi %add3A_520, %add3A_746 : vector<16xi32>
          tpu.vector_store_idx %arg9[%add3A_747], %gather3A_745 : memref<8192xf32, #tpu.memory_space<vmem>>[vector<16xi32>], vector<16xf32>,
          %add3A_748 = vector.broadcast %scan3A_682 : i32 to vector<16xi32>
          %add3A_749 = arith.addi %add3A_460, %add3A_748 : vector<16xi32>
          %gather3A_750 = tpu.vector_load_idx %arg5[%broadcast_in_dim3A_8, %add3A_749] : memref<16x512xf32, #tpu.memory_space<vmem>>[vector<16xi32>, vector<16xi32>], vector<16xf32>,
          %add3A_751 = vector.broadcast %scan3A_683 : i32 to vector<16xi32>
          %add3A_752 = arith.addi %add3A_524, %add3A_751 : vector<16xi32>
          tpu.vector_store_idx %arg9[%add3A_752], %gather3A_750 : memref<8192xf32, #tpu.memory_space<vmem>>[vector<16xi32>], vector<16xf32>,
          %add3A_753 = vector.broadcast %scan3A_682 : i32 to vector<16xi32>
          %add3A_754 = arith.addi %add3A_464, %add3A_753 : vector<16xi32>
          %gather3A_755 = tpu.vector_load_idx %arg5[%broadcast_in_dim3A_8, %add3A_754] : memref<16x512xf32, #tpu.memory_space<vmem>>[vector<16xi32>, vector<16xi32>], vector<16xf32>,
          %add3A_756 = vector.broadcast %scan3A_683 : i32 to vector<16xi32>
          %add3A_757 = arith.addi %add3A_528, %add3A_756 : vector<16xi32>
          tpu.vector_store_idx %arg9[%add3A_757], %gather3A_755 : memref<8192xf32, #tpu.memory_space<vmem>>[vector<16xi32>], vector<16xf32>,
          %add3A_758 = vector.broadcast %scan3A_682 : i32 to vector<16xi32>
          %add3A_759 = arith.addi %add3A_468, %add3A_758 : vector<16xi32>
          %gather3A_760 = tpu.vector_load_idx %arg5[%broadcast_in_dim3A_8, %add3A_759] : memref<16x512xf32, #tpu.memory_space<vmem>>[vector<16xi32>, vector<16xi32>], vector<16xf32>,
          %add3A_761 = vector.broadcast %scan3A_683 : i32 to vector<16xi32>
          %add3A_762 = arith.addi %add3A_532, %add3A_761 : vector<16xi32>
          tpu.vector_store_idx %arg9[%add3A_762], %gather3A_760 : memref<8192xf32, #tpu.memory_space<vmem>>[vector<16xi32>], vector<16xf32>,
          %add3A_763 = arith.constant 16 : i32
          %add3A_764 = arith.addi %scan3A_682, %add3A_763 : i32
          %add3A_765 = arith.constant 256 : i32
          %add3A_766 = arith.addi %scan3A_683, %add3A_765 : i32
          scf.yield %add3A_764, %add3A_766 : i32, i32
        }
        %scan3A_669 = arith.constant 32 : i32
        %mul3A_670 = arith.constant 8192 : i32
        %mul3A_671 = arith.muli %add3A_652, %mul3A_670 : i32
        %multiple_of3A_672 = tpu.assume_multiple %mul3A_671, 8192 : i32
        %dma_start3A_673 = tpu.memref_slice %arg3[%multiple_of3A_672] : memref<16000000xf32, #tpu.memory_space<hbm>> -> memref<8192xf32, #tpu.memory_space<hbm>>
        %dma_start3A_674 = tpu.memref_slice %arg3[%multiple_of3A_672] : memref<16000000xf32, #tpu.memory_space<hbm>> -> memref<8192xf32, #tpu.memory_space<hbm>>
        tpu.enqueue_dma source(%arg9 : memref<8192xf32, #tpu.memory_space<vmem>>) target(%dma_start3A_674 : memref<8192xf32, #tpu.memory_space<hbm>>) target_semaphore(%arg17 : memref<!tpu.dma_semaphore, #tpu.memory_space<semaphore_mem>>)
        %add3A_675 = arith.constant 4 : i32
        %add3A_676 = arith.addi %add3A_629, %add3A_675 : i32
        %lt3A_677 = arith.cmpi slt, %add3A_676, %add3A_4 : i32
        %convert_element_type3A_678 = arith.extui %lt3A_677 : i1 to i32
        %cond3A_679 = arith.constant 0 : i32
        %cond3A_680 = arith.cmpi ne, %convert_element_type3A_678, %cond3A_679 : i32
        scf.if %cond3A_680 {
          %add3A_681 = arith.constant 128 : i32
          %add3A_682 = arith.addi %add3A_652, %add3A_681 : i32
          %mul3A_683 = arith.constant 512 : i32
          %mul3A_684 = arith.muli %add3A_682, %mul3A_683 : i32
          %multiple_of3A_685 = tpu.assume_multiple %mul3A_684, 512 : i32
          %dma_start3A_686 = arith.constant 0 : i32
          %dma_start3A_687 = tpu.memref_slice %arg2[%dma_start3A_686, %multiple_of3A_685] : memref<16x1000000xf32, #tpu.memory_space<hbm>> -> memref<16x512xf32, #tpu.memory_space<hbm>>
          %dma_start3A_688 = arith.constant 0 : i32
          %dma_start3A_689 = tpu.memref_slice %arg2[%dma_start3A_688, %multiple_of3A_685] : memref<16x1000000xf32, #tpu.memory_space<hbm>> -> memref<16x512xf32, #tpu.memory_space<hbm>>
          tpu.enqueue_dma source(%dma_start3A_689 : memref<16x512xf32, #tpu.memory_space<hbm>>) target(%arg5 : memref<16x512xf32, #tpu.memory_space<vmem>>) target_semaphore(%arg13 : memref<!tpu.dma_semaphore, #tpu.memory_space<semaphore_mem>>)
        } else {
        }
      } else {
      }
      %mul3A_634 = arith.constant 4 : i32
      %mul3A_635 = arith.muli %mul3A_634, %while3A_617 : i32
      %add3A_636 = arith.constant 2 : i32
      %add3A_637 = arith.addi %mul3A_635, %add3A_636 : i32
      %lt3A_638 = arith.cmpi slt, %add3A_637, %add3A_4 : i32
      %convert_element_type3A_639 = arith.extui %lt3A_638 : i1 to i32
      %cond3A_640 = arith.constant 0 : i32
      %cond3A_641 = arith.cmpi ne, %convert_element_type3A_639, %cond3A_640 : i32
      scf.if %cond3A_641 {
        %mul3A_650 = arith.constant 32 : i32
        %mul3A_651 = arith.muli %add3A_637, %mul3A_650 : i32
        %add3A_652 = arith.addi %add3A, %mul3A_651 : i32
        %dma_wait3A_653 = arith.constant 0 : i32
        %dma_wait3A_654 = arith.constant 0 : i32
        %dma_wait3A_655 = tpu.memref_slice %arg2[%dma_wait3A_653, %dma_wait3A_654] : memref<16x1000000xf32, #tpu.memory_space<hbm>> -> memref<16x512xf32, #tpu.memory_space<hbm>>
        %dma_wait3A_656 = arith.constant 0 : i32
        %dma_wait3A_657 = arith.constant 0 : i32
        %dma_wait3A_658 = tpu.memref_slice %arg2[%dma_wait3A_656, %dma_wait3A_657] : memref<16x1000000xf32, #tpu.memory_space<hbm>> -> memref<16x512xf32, #tpu.memory_space<hbm>>
        tpu.wait_dma2 semaphore(%arg14 : memref<!tpu.dma_semaphore, #tpu.memory_space<semaphore_mem>>) src(%dma_wait3A_658 : memref<16x512xf32, #tpu.memory_space<hbm>>) dst(%arg6 : memref<16x512xf32, #tpu.memory_space<vmem>>)
        %gt3A = arith.constant 0 : i32
        %gt3A_659 = arith.cmpi sgt, %while3A_617, %gt3A : i32
        %convert_element_type3A_660 = arith.extui %gt3A_659 : i1 to i32
        %cond3A_661 = arith.constant 0 : i32
        %cond3A_662 = arith.cmpi ne, %convert_element_type3A_660, %cond3A_661 : i32
        scf.if %cond3A_662 {
          %dma_wait3A_681 = arith.constant 0 : i32
          %dma_wait3A_682 = tpu.memref_slice %arg3[%dma_wait3A_681] : memref<16000000xf32, #tpu.memory_space<hbm>> -> memref<8192xf32, #tpu.memory_space<hbm>>
          %dma_wait3A_683 = arith.constant 0 : i32
          %dma_wait3A_684 = tpu.memref_slice %arg3[%dma_wait3A_683] : memref<16000000xf32, #tpu.memory_space<hbm>> -> memref<8192xf32, #tpu.memory_space<hbm>>
          tpu.wait_dma2 semaphore(%arg18 : memref<!tpu.dma_semaphore, #tpu.memory_space<semaphore_mem>>) src(%arg10 : memref<8192xf32, #tpu.memory_space<vmem>>) dst(%dma_wait3A_684 : memref<8192xf32, #tpu.memory_space<hbm>>)
        } else {
        }
        %scan3A = arith.constant 0 : i32
        %scan3A_663 = arith.constant 0 : i32
        %scan3A_664 = arith.constant 0 : i32
        %scan3A_665 = arith.constant 32 : i32
        %scan3A_666 = arith.addi %scan3A_664, %scan3A_665 : i32
        %scan3A_667 = arith.constant 1 : i32
        %scan3A_668:2 = scf.for %scan3A_681 = %scan3A_664 to %scan3A_666 step %scan3A_667 iter_args(%scan3A_682 = %scan3A, %scan3A_683 = %scan3A_663) -> (i32, i32)  : i32 {
          %add3A_684 = vector.broadcast %scan3A_682 : i32 to vector<16xi32>
          %add3A_685 = arith.addi %add3A_408, %add3A_684 : vector<16xi32>
          %gather3A = tpu.vector_load_idx %arg6[%broadcast_in_dim3A_8, %add3A_685] : memref<16x512xf32, #tpu.memory_space<vmem>>[vector<16xi32>, vector<16xi32>], vector<16xf32>,
          %add3A_686 = vector.broadcast %scan3A_683 : i32 to vector<16xi32>
          %add3A_687 = arith.addi %add3A_472, %add3A_686 : vector<16xi32>
          tpu.vector_store_idx %arg10[%add3A_687], %gather3A : memref<8192xf32, #tpu.memory_space<vmem>>[vector<16xi32>], vector<16xf32>,
          %add3A_688 = vector.broadcast %scan3A_682 : i32 to vector<16xi32>
          %add3A_689 = arith.addi %add3A_412, %add3A_688 : vector<16xi32>
          %gather3A_690 = tpu.vector_load_idx %arg6[%broadcast_in_dim3A_8, %add3A_689] : memref<16x512xf32, #tpu.memory_space<vmem>>[vector<16xi32>, vector<16xi32>], vector<16xf32>,
          %add3A_691 = vector.broadcast %scan3A_683 : i32 to vector<16xi32>
          %add3A_692 = arith.addi %add3A_476, %add3A_691 : vector<16xi32>
          tpu.vector_store_idx %arg10[%add3A_692], %gather3A_690 : memref<8192xf32, #tpu.memory_space<vmem>>[vector<16xi32>], vector<16xf32>,
          %add3A_693 = vector.broadcast %scan3A_682 : i32 to vector<16xi32>
          %add3A_694 = arith.addi %add3A_416, %add3A_693 : vector<16xi32>
          %gather3A_695 = tpu.vector_load_idx %arg6[%broadcast_in_dim3A_8, %add3A_694] : memref<16x512xf32, #tpu.memory_space<vmem>>[vector<16xi32>, vector<16xi32>], vector<16xf32>,
          %add3A_696 = vector.broadcast %scan3A_683 : i32 to vector<16xi32>
          %add3A_697 = arith.addi %add3A_480, %add3A_696 : vector<16xi32>
          tpu.vector_store_idx %arg10[%add3A_697], %gather3A_695 : memref<8192xf32, #tpu.memory_space<vmem>>[vector<16xi32>], vector<16xf32>,
          %add3A_698 = vector.broadcast %scan3A_682 : i32 to vector<16xi32>
          %add3A_699 = arith.addi %add3A_420, %add3A_698 : vector<16xi32>
          %gather3A_700 = tpu.vector_load_idx %arg6[%broadcast_in_dim3A_8, %add3A_699] : memref<16x512xf32, #tpu.memory_space<vmem>>[vector<16xi32>, vector<16xi32>], vector<16xf32>,
          %add3A_701 = vector.broadcast %scan3A_683 : i32 to vector<16xi32>
          %add3A_702 = arith.addi %add3A_484, %add3A_701 : vector<16xi32>
          tpu.vector_store_idx %arg10[%add3A_702], %gather3A_700 : memref<8192xf32, #tpu.memory_space<vmem>>[vector<16xi32>], vector<16xf32>,
          %add3A_703 = vector.broadcast %scan3A_682 : i32 to vector<16xi32>
          %add3A_704 = arith.addi %add3A_424, %add3A_703 : vector<16xi32>
          %gather3A_705 = tpu.vector_load_idx %arg6[%broadcast_in_dim3A_8, %add3A_704] : memref<16x512xf32, #tpu.memory_space<vmem>>[vector<16xi32>, vector<16xi32>], vector<16xf32>,
          %add3A_706 = vector.broadcast %scan3A_683 : i32 to vector<16xi32>
          %add3A_707 = arith.addi %add3A_488, %add3A_706 : vector<16xi32>
          tpu.vector_store_idx %arg10[%add3A_707], %gather3A_705 : memref<8192xf32, #tpu.memory_space<vmem>>[vector<16xi32>], vector<16xf32>,
          %add3A_708 = vector.broadcast %scan3A_682 : i32 to vector<16xi32>
          %add3A_709 = arith.addi %add3A_428, %add3A_708 : vector<16xi32>
          %gather3A_710 = tpu.vector_load_idx %arg6[%broadcast_in_dim3A_8, %add3A_709] : memref<16x512xf32, #tpu.memory_space<vmem>>[vector<16xi32>, vector<16xi32>], vector<16xf32>,
          %add3A_711 = vector.broadcast %scan3A_683 : i32 to vector<16xi32>
          %add3A_712 = arith.addi %add3A_492, %add3A_711 : vector<16xi32>
          tpu.vector_store_idx %arg10[%add3A_712], %gather3A_710 : memref<8192xf32, #tpu.memory_space<vmem>>[vector<16xi32>], vector<16xf32>,
          %add3A_713 = vector.broadcast %scan3A_682 : i32 to vector<16xi32>
          %add3A_714 = arith.addi %add3A_432, %add3A_713 : vector<16xi32>
          %gather3A_715 = tpu.vector_load_idx %arg6[%broadcast_in_dim3A_8, %add3A_714] : memref<16x512xf32, #tpu.memory_space<vmem>>[vector<16xi32>, vector<16xi32>], vector<16xf32>,
          %add3A_716 = vector.broadcast %scan3A_683 : i32 to vector<16xi32>
          %add3A_717 = arith.addi %add3A_496, %add3A_716 : vector<16xi32>
          tpu.vector_store_idx %arg10[%add3A_717], %gather3A_715 : memref<8192xf32, #tpu.memory_space<vmem>>[vector<16xi32>], vector<16xf32>,
          %add3A_718 = vector.broadcast %scan3A_682 : i32 to vector<16xi32>
          %add3A_719 = arith.addi %add3A_436, %add3A_718 : vector<16xi32>
          %gather3A_720 = tpu.vector_load_idx %arg6[%broadcast_in_dim3A_8, %add3A_719] : memref<16x512xf32, #tpu.memory_space<vmem>>[vector<16xi32>, vector<16xi32>], vector<16xf32>,
          %add3A_721 = vector.broadcast %scan3A_683 : i32 to vector<16xi32>
          %add3A_722 = arith.addi %add3A_500, %add3A_721 : vector<16xi32>
          tpu.vector_store_idx %arg10[%add3A_722], %gather3A_720 : memref<8192xf32, #tpu.memory_space<vmem>>[vector<16xi32>], vector<16xf32>,
          %add3A_723 = vector.broadcast %scan3A_682 : i32 to vector<16xi32>
          %add3A_724 = arith.addi %add3A_440, %add3A_723 : vector<16xi32>
          %gather3A_725 = tpu.vector_load_idx %arg6[%broadcast_in_dim3A_8, %add3A_724] : memref<16x512xf32, #tpu.memory_space<vmem>>[vector<16xi32>, vector<16xi32>], vector<16xf32>,
          %add3A_726 = vector.broadcast %scan3A_683 : i32 to vector<16xi32>
          %add3A_727 = arith.addi %add3A_504, %add3A_726 : vector<16xi32>
          tpu.vector_store_idx %arg10[%add3A_727], %gather3A_725 : memref<8192xf32, #tpu.memory_space<vmem>>[vector<16xi32>], vector<16xf32>,
          %add3A_728 = vector.broadcast %scan3A_682 : i32 to vector<16xi32>
          %add3A_729 = arith.addi %add3A_444, %add3A_728 : vector<16xi32>
          %gather3A_730 = tpu.vector_load_idx %arg6[%broadcast_in_dim3A_8, %add3A_729] : memref<16x512xf32, #tpu.memory_space<vmem>>[vector<16xi32>, vector<16xi32>], vector<16xf32>,
          %add3A_731 = vector.broadcast %scan3A_683 : i32 to vector<16xi32>
          %add3A_732 = arith.addi %add3A_508, %add3A_731 : vector<16xi32>
          tpu.vector_store_idx %arg10[%add3A_732], %gather3A_730 : memref<8192xf32, #tpu.memory_space<vmem>>[vector<16xi32>], vector<16xf32>,
          %add3A_733 = vector.broadcast %scan3A_682 : i32 to vector<16xi32>
          %add3A_734 = arith.addi %add3A_448, %add3A_733 : vector<16xi32>
          %gather3A_735 = tpu.vector_load_idx %arg6[%broadcast_in_dim3A_8, %add3A_734] : memref<16x512xf32, #tpu.memory_space<vmem>>[vector<16xi32>, vector<16xi32>], vector<16xf32>,
          %add3A_736 = vector.broadcast %scan3A_683 : i32 to vector<16xi32>
          %add3A_737 = arith.addi %add3A_512, %add3A_736 : vector<16xi32>
          tpu.vector_store_idx %arg10[%add3A_737], %gather3A_735 : memref<8192xf32, #tpu.memory_space<vmem>>[vector<16xi32>], vector<16xf32>,
          %add3A_738 = vector.broadcast %scan3A_682 : i32 to vector<16xi32>
          %add3A_739 = arith.addi %add3A_452, %add3A_738 : vector<16xi32>
          %gather3A_740 = tpu.vector_load_idx %arg6[%broadcast_in_dim3A_8, %add3A_739] : memref<16x512xf32, #tpu.memory_space<vmem>>[vector<16xi32>, vector<16xi32>], vector<16xf32>,
          %add3A_741 = vector.broadcast %scan3A_683 : i32 to vector<16xi32>
          %add3A_742 = arith.addi %add3A_516, %add3A_741 : vector<16xi32>
          tpu.vector_store_idx %arg10[%add3A_742], %gather3A_740 : memref<8192xf32, #tpu.memory_space<vmem>>[vector<16xi32>], vector<16xf32>,
          %add3A_743 = vector.broadcast %scan3A_682 : i32 to vector<16xi32>
          %add3A_744 = arith.addi %add3A_456, %add3A_743 : vector<16xi32>
          %gather3A_745 = tpu.vector_load_idx %arg6[%broadcast_in_dim3A_8, %add3A_744] : memref<16x512xf32, #tpu.memory_space<vmem>>[vector<16xi32>, vector<16xi32>], vector<16xf32>,
          %add3A_746 = vector.broadcast %scan3A_683 : i32 to vector<16xi32>
          %add3A_747 = arith.addi %add3A_520, %add3A_746 : vector<16xi32>
          tpu.vector_store_idx %arg10[%add3A_747], %gather3A_745 : memref<8192xf32, #tpu.memory_space<vmem>>[vector<16xi32>], vector<16xf32>,
          %add3A_748 = vector.broadcast %scan3A_682 : i32 to vector<16xi32>
          %add3A_749 = arith.addi %add3A_460, %add3A_748 : vector<16xi32>
          %gather3A_750 = tpu.vector_load_idx %arg6[%broadcast_in_dim3A_8, %add3A_749] : memref<16x512xf32, #tpu.memory_space<vmem>>[vector<16xi32>, vector<16xi32>], vector<16xf32>,
          %add3A_751 = vector.broadcast %scan3A_683 : i32 to vector<16xi32>
          %add3A_752 = arith.addi %add3A_524, %add3A_751 : vector<16xi32>
          tpu.vector_store_idx %arg10[%add3A_752], %gather3A_750 : memref<8192xf32, #tpu.memory_space<vmem>>[vector<16xi32>], vector<16xf32>,
          %add3A_753 = vector.broadcast %scan3A_682 : i32 to vector<16xi32>
          %add3A_754 = arith.addi %add3A_464, %add3A_753 : vector<16xi32>
          %gather3A_755 = tpu.vector_load_idx %arg6[%broadcast_in_dim3A_8, %add3A_754] : memref<16x512xf32, #tpu.memory_space<vmem>>[vector<16xi32>, vector<16xi32>], vector<16xf32>,
          %add3A_756 = vector.broadcast %scan3A_683 : i32 to vector<16xi32>
          %add3A_757 = arith.addi %add3A_528, %add3A_756 : vector<16xi32>
          tpu.vector_store_idx %arg10[%add3A_757], %gather3A_755 : memref<8192xf32, #tpu.memory_space<vmem>>[vector<16xi32>], vector<16xf32>,
          %add3A_758 = vector.broadcast %scan3A_682 : i32 to vector<16xi32>
          %add3A_759 = arith.addi %add3A_468, %add3A_758 : vector<16xi32>
          %gather3A_760 = tpu.vector_load_idx %arg6[%broadcast_in_dim3A_8, %add3A_759] : memref<16x512xf32, #tpu.memory_space<vmem>>[vector<16xi32>, vector<16xi32>], vector<16xf32>,
          %add3A_761 = vector.broadcast %scan3A_683 : i32 to vector<16xi32>
          %add3A_762 = arith.addi %add3A_532, %add3A_761 : vector<16xi32>
          tpu.vector_store_idx %arg10[%add3A_762], %gather3A_760 : memref<8192xf32, #tpu.memory_space<vmem>>[vector<16xi32>], vector<16xf32>,
          %add3A_763 = arith.constant 16 : i32
          %add3A_764 = arith.addi %scan3A_682, %add3A_763 : i32
          %add3A_765 = arith.constant 256 : i32
          %add3A_766 = arith.addi %scan3A_683, %add3A_765 : i32
          scf.yield %add3A_764, %add3A_766 : i32, i32
        }
        %scan3A_669 = arith.constant 32 : i32
        %mul3A_670 = arith.constant 8192 : i32
        %mul3A_671 = arith.muli %add3A_652, %mul3A_670 : i32
        %multiple_of3A_672 = tpu.assume_multiple %mul3A_671, 8192 : i32
        %dma_start3A_673 = tpu.memref_slice %arg3[%multiple_of3A_672] : memref<16000000xf32, #tpu.memory_space<hbm>> -> memref<8192xf32, #tpu.memory_space<hbm>>
        %dma_start3A_674 = tpu.memref_slice %arg3[%multiple_of3A_672] : memref<16000000xf32, #tpu.memory_space<hbm>> -> memref<8192xf32, #tpu.memory_space<hbm>>
        tpu.enqueue_dma source(%arg10 : memref<8192xf32, #tpu.memory_space<vmem>>) target(%dma_start3A_674 : memref<8192xf32, #tpu.memory_space<hbm>>) target_semaphore(%arg18 : memref<!tpu.dma_semaphore, #tpu.memory_space<semaphore_mem>>)
        %add3A_675 = arith.constant 4 : i32
        %add3A_676 = arith.addi %add3A_637, %add3A_675 : i32
        %lt3A_677 = arith.cmpi slt, %add3A_676, %add3A_4 : i32
        %convert_element_type3A_678 = arith.extui %lt3A_677 : i1 to i32
        %cond3A_679 = arith.constant 0 : i32
        %cond3A_680 = arith.cmpi ne, %convert_element_type3A_678, %cond3A_679 : i32
        scf.if %cond3A_680 {
          %add3A_681 = arith.constant 128 : i32
          %add3A_682 = arith.addi %add3A_652, %add3A_681 : i32
          %mul3A_683 = arith.constant 512 : i32
          %mul3A_684 = arith.muli %add3A_682, %mul3A_683 : i32
          %multiple_of3A_685 = tpu.assume_multiple %mul3A_684, 512 : i32
          %dma_start3A_686 = arith.constant 0 : i32
          %dma_start3A_687 = tpu.memref_slice %arg2[%dma_start3A_686, %multiple_of3A_685] : memref<16x1000000xf32, #tpu.memory_space<hbm>> -> memref<16x512xf32, #tpu.memory_space<hbm>>
          %dma_start3A_688 = arith.constant 0 : i32
          %dma_start3A_689 = tpu.memref_slice %arg2[%dma_start3A_688, %multiple_of3A_685] : memref<16x1000000xf32, #tpu.memory_space<hbm>> -> memref<16x512xf32, #tpu.memory_space<hbm>>
          tpu.enqueue_dma source(%dma_start3A_689 : memref<16x512xf32, #tpu.memory_space<hbm>>) target(%arg6 : memref<16x512xf32, #tpu.memory_space<vmem>>) target_semaphore(%arg14 : memref<!tpu.dma_semaphore, #tpu.memory_space<semaphore_mem>>)
        } else {
        }
      } else {
      }
      %mul3A_642 = arith.constant 4 : i32
      %mul3A_643 = arith.muli %mul3A_642, %while3A_617 : i32
      %add3A_644 = arith.constant 3 : i32
      %add3A_645 = arith.addi %mul3A_643, %add3A_644 : i32
      %lt3A_646 = arith.cmpi slt, %add3A_645, %add3A_4 : i32
      %convert_element_type3A_647 = arith.extui %lt3A_646 : i1 to i32
      %cond3A_648 = arith.constant 0 : i32
      %cond3A_649 = arith.cmpi ne, %convert_element_type3A_647, %cond3A_648 : i32
      scf.if %cond3A_649 {
        %mul3A_650 = arith.constant 32 : i32
        %mul3A_651 = arith.muli %add3A_645, %mul3A_650 : i32
        %add3A_652 = arith.addi %add3A, %mul3A_651 : i32
        %dma_wait3A_653 = arith.constant 0 : i32
        %dma_wait3A_654 = arith.constant 0 : i32
        %dma_wait3A_655 = tpu.memref_slice %arg2[%dma_wait3A_653, %dma_wait3A_654] : memref<16x1000000xf32, #tpu.memory_space<hbm>> -> memref<16x512xf32, #tpu.memory_space<hbm>>
        %dma_wait3A_656 = arith.constant 0 : i32
        %dma_wait3A_657 = arith.constant 0 : i32
        %dma_wait3A_658 = tpu.memref_slice %arg2[%dma_wait3A_656, %dma_wait3A_657] : memref<16x1000000xf32, #tpu.memory_space<hbm>> -> memref<16x512xf32, #tpu.memory_space<hbm>>
        tpu.wait_dma2 semaphore(%arg15 : memref<!tpu.dma_semaphore, #tpu.memory_space<semaphore_mem>>) src(%dma_wait3A_658 : memref<16x512xf32, #tpu.memory_space<hbm>>) dst(%arg7 : memref<16x512xf32, #tpu.memory_space<vmem>>)
        %gt3A = arith.constant 0 : i32
        %gt3A_659 = arith.cmpi sgt, %while3A_617, %gt3A : i32
        %convert_element_type3A_660 = arith.extui %gt3A_659 : i1 to i32
        %cond3A_661 = arith.constant 0 : i32
        %cond3A_662 = arith.cmpi ne, %convert_element_type3A_660, %cond3A_661 : i32
        scf.if %cond3A_662 {
          %dma_wait3A_681 = arith.constant 0 : i32
          %dma_wait3A_682 = tpu.memref_slice %arg3[%dma_wait3A_681] : memref<16000000xf32, #tpu.memory_space<hbm>> -> memref<8192xf32, #tpu.memory_space<hbm>>
          %dma_wait3A_683 = arith.constant 0 : i32
          %dma_wait3A_684 = tpu.memref_slice %arg3[%dma_wait3A_683] : memref<16000000xf32, #tpu.memory_space<hbm>> -> memref<8192xf32, #tpu.memory_space<hbm>>
          tpu.wait_dma2 semaphore(%arg19 : memref<!tpu.dma_semaphore, #tpu.memory_space<semaphore_mem>>) src(%arg11 : memref<8192xf32, #tpu.memory_space<vmem>>) dst(%dma_wait3A_684 : memref<8192xf32, #tpu.memory_space<hbm>>)
        } else {
        }
        %scan3A = arith.constant 0 : i32
        %scan3A_663 = arith.constant 0 : i32
        %scan3A_664 = arith.constant 0 : i32
        %scan3A_665 = arith.constant 32 : i32
        %scan3A_666 = arith.addi %scan3A_664, %scan3A_665 : i32
        %scan3A_667 = arith.constant 1 : i32
        %scan3A_668:2 = scf.for %scan3A_681 = %scan3A_664 to %scan3A_666 step %scan3A_667 iter_args(%scan3A_682 = %scan3A, %scan3A_683 = %scan3A_663) -> (i32, i32)  : i32 {
          %add3A_684 = vector.broadcast %scan3A_682 : i32 to vector<16xi32>
          %add3A_685 = arith.addi %add3A_408, %add3A_684 : vector<16xi32>
          %gather3A = tpu.vector_load_idx %arg7[%broadcast_in_dim3A_8, %add3A_685] : memref<16x512xf32, #tpu.memory_space<vmem>>[vector<16xi32>, vector<16xi32>], vector<16xf32>,
          %add3A_686 = vector.broadcast %scan3A_683 : i32 to vector<16xi32>
          %add3A_687 = arith.addi %add3A_472, %add3A_686 : vector<16xi32>
          tpu.vector_store_idx %arg11[%add3A_687], %gather3A : memref<8192xf32, #tpu.memory_space<vmem>>[vector<16xi32>], vector<16xf32>,
          %add3A_688 = vector.broadcast %scan3A_682 : i32 to vector<16xi32>
          %add3A_689 = arith.addi %add3A_412, %add3A_688 : vector<16xi32>
          %gather3A_690 = tpu.vector_load_idx %arg7[%broadcast_in_dim3A_8, %add3A_689] : memref<16x512xf32, #tpu.memory_space<vmem>>[vector<16xi32>, vector<16xi32>], vector<16xf32>,
          %add3A_691 = vector.broadcast %scan3A_683 : i32 to vector<16xi32>
          %add3A_692 = arith.addi %add3A_476, %add3A_691 : vector<16xi32>
          tpu.vector_store_idx %arg11[%add3A_692], %gather3A_690 : memref<8192xf32, #tpu.memory_space<vmem>>[vector<16xi32>], vector<16xf32>,
          %add3A_693 = vector.broadcast %scan3A_682 : i32 to vector<16xi32>
          %add3A_694 = arith.addi %add3A_416, %add3A_693 : vector<16xi32>
          %gather3A_695 = tpu.vector_load_idx %arg7[%broadcast_in_dim3A_8, %add3A_694] : memref<16x512xf32, #tpu.memory_space<vmem>>[vector<16xi32>, vector<16xi32>], vector<16xf32>,
          %add3A_696 = vector.broadcast %scan3A_683 : i32 to vector<16xi32>
          %add3A_697 = arith.addi %add3A_480, %add3A_696 : vector<16xi32>
          tpu.vector_store_idx %arg11[%add3A_697], %gather3A_695 : memref<8192xf32, #tpu.memory_space<vmem>>[vector<16xi32>], vector<16xf32>,
          %add3A_698 = vector.broadcast %scan3A_682 : i32 to vector<16xi32>
          %add3A_699 = arith.addi %add3A_420, %add3A_698 : vector<16xi32>
          %gather3A_700 = tpu.vector_load_idx %arg7[%broadcast_in_dim3A_8, %add3A_699] : memref<16x512xf32, #tpu.memory_space<vmem>>[vector<16xi32>, vector<16xi32>], vector<16xf32>,
          %add3A_701 = vector.broadcast %scan3A_683 : i32 to vector<16xi32>
          %add3A_702 = arith.addi %add3A_484, %add3A_701 : vector<16xi32>
          tpu.vector_store_idx %arg11[%add3A_702], %gather3A_700 : memref<8192xf32, #tpu.memory_space<vmem>>[vector<16xi32>], vector<16xf32>,
          %add3A_703 = vector.broadcast %scan3A_682 : i32 to vector<16xi32>
          %add3A_704 = arith.addi %add3A_424, %add3A_703 : vector<16xi32>
          %gather3A_705 = tpu.vector_load_idx %arg7[%broadcast_in_dim3A_8, %add3A_704] : memref<16x512xf32, #tpu.memory_space<vmem>>[vector<16xi32>, vector<16xi32>], vector<16xf32>,
          %add3A_706 = vector.broadcast %scan3A_683 : i32 to vector<16xi32>
          %add3A_707 = arith.addi %add3A_488, %add3A_706 : vector<16xi32>
          tpu.vector_store_idx %arg11[%add3A_707], %gather3A_705 : memref<8192xf32, #tpu.memory_space<vmem>>[vector<16xi32>], vector<16xf32>,
          %add3A_708 = vector.broadcast %scan3A_682 : i32 to vector<16xi32>
          %add3A_709 = arith.addi %add3A_428, %add3A_708 : vector<16xi32>
          %gather3A_710 = tpu.vector_load_idx %arg7[%broadcast_in_dim3A_8, %add3A_709] : memref<16x512xf32, #tpu.memory_space<vmem>>[vector<16xi32>, vector<16xi32>], vector<16xf32>,
          %add3A_711 = vector.broadcast %scan3A_683 : i32 to vector<16xi32>
          %add3A_712 = arith.addi %add3A_492, %add3A_711 : vector<16xi32>
          tpu.vector_store_idx %arg11[%add3A_712], %gather3A_710 : memref<8192xf32, #tpu.memory_space<vmem>>[vector<16xi32>], vector<16xf32>,
          %add3A_713 = vector.broadcast %scan3A_682 : i32 to vector<16xi32>
          %add3A_714 = arith.addi %add3A_432, %add3A_713 : vector<16xi32>
          %gather3A_715 = tpu.vector_load_idx %arg7[%broadcast_in_dim3A_8, %add3A_714] : memref<16x512xf32, #tpu.memory_space<vmem>>[vector<16xi32>, vector<16xi32>], vector<16xf32>,
          %add3A_716 = vector.broadcast %scan3A_683 : i32 to vector<16xi32>
          %add3A_717 = arith.addi %add3A_496, %add3A_716 : vector<16xi32>
          tpu.vector_store_idx %arg11[%add3A_717], %gather3A_715 : memref<8192xf32, #tpu.memory_space<vmem>>[vector<16xi32>], vector<16xf32>,
          %add3A_718 = vector.broadcast %scan3A_682 : i32 to vector<16xi32>
          %add3A_719 = arith.addi %add3A_436, %add3A_718 : vector<16xi32>
          %gather3A_720 = tpu.vector_load_idx %arg7[%broadcast_in_dim3A_8, %add3A_719] : memref<16x512xf32, #tpu.memory_space<vmem>>[vector<16xi32>, vector<16xi32>], vector<16xf32>,
          %add3A_721 = vector.broadcast %scan3A_683 : i32 to vector<16xi32>
          %add3A_722 = arith.addi %add3A_500, %add3A_721 : vector<16xi32>
          tpu.vector_store_idx %arg11[%add3A_722], %gather3A_720 : memref<8192xf32, #tpu.memory_space<vmem>>[vector<16xi32>], vector<16xf32>,
          %add3A_723 = vector.broadcast %scan3A_682 : i32 to vector<16xi32>
          %add3A_724 = arith.addi %add3A_440, %add3A_723 : vector<16xi32>
          %gather3A_725 = tpu.vector_load_idx %arg7[%broadcast_in_dim3A_8, %add3A_724] : memref<16x512xf32, #tpu.memory_space<vmem>>[vector<16xi32>, vector<16xi32>], vector<16xf32>,
          %add3A_726 = vector.broadcast %scan3A_683 : i32 to vector<16xi32>
          %add3A_727 = arith.addi %add3A_504, %add3A_726 : vector<16xi32>
          tpu.vector_store_idx %arg11[%add3A_727], %gather3A_725 : memref<8192xf32, #tpu.memory_space<vmem>>[vector<16xi32>], vector<16xf32>,
          %add3A_728 = vector.broadcast %scan3A_682 : i32 to vector<16xi32>
          %add3A_729 = arith.addi %add3A_444, %add3A_728 : vector<16xi32>
          %gather3A_730 = tpu.vector_load_idx %arg7[%broadcast_in_dim3A_8, %add3A_729] : memref<16x512xf32, #tpu.memory_space<vmem>>[vector<16xi32>, vector<16xi32>], vector<16xf32>,
          %add3A_731 = vector.broadcast %scan3A_683 : i32 to vector<16xi32>
          %add3A_732 = arith.addi %add3A_508, %add3A_731 : vector<16xi32>
          tpu.vector_store_idx %arg11[%add3A_732], %gather3A_730 : memref<8192xf32, #tpu.memory_space<vmem>>[vector<16xi32>], vector<16xf32>,
          %add3A_733 = vector.broadcast %scan3A_682 : i32 to vector<16xi32>
          %add3A_734 = arith.addi %add3A_448, %add3A_733 : vector<16xi32>
          %gather3A_735 = tpu.vector_load_idx %arg7[%broadcast_in_dim3A_8, %add3A_734] : memref<16x512xf32, #tpu.memory_space<vmem>>[vector<16xi32>, vector<16xi32>], vector<16xf32>,
          %add3A_736 = vector.broadcast %scan3A_683 : i32 to vector<16xi32>
          %add3A_737 = arith.addi %add3A_512, %add3A_736 : vector<16xi32>
          tpu.vector_store_idx %arg11[%add3A_737], %gather3A_735 : memref<8192xf32, #tpu.memory_space<vmem>>[vector<16xi32>], vector<16xf32>,
          %add3A_738 = vector.broadcast %scan3A_682 : i32 to vector<16xi32>
          %add3A_739 = arith.addi %add3A_452, %add3A_738 : vector<16xi32>
          %gather3A_740 = tpu.vector_load_idx %arg7[%broadcast_in_dim3A_8, %add3A_739] : memref<16x512xf32, #tpu.memory_space<vmem>>[vector<16xi32>, vector<16xi32>], vector<16xf32>,
          %add3A_741 = vector.broadcast %scan3A_683 : i32 to vector<16xi32>
          %add3A_742 = arith.addi %add3A_516, %add3A_741 : vector<16xi32>
          tpu.vector_store_idx %arg11[%add3A_742], %gather3A_740 : memref<8192xf32, #tpu.memory_space<vmem>>[vector<16xi32>], vector<16xf32>,
          %add3A_743 = vector.broadcast %scan3A_682 : i32 to vector<16xi32>
          %add3A_744 = arith.addi %add3A_456, %add3A_743 : vector<16xi32>
          %gather3A_745 = tpu.vector_load_idx %arg7[%broadcast_in_dim3A_8, %add3A_744] : memref<16x512xf32, #tpu.memory_space<vmem>>[vector<16xi32>, vector<16xi32>], vector<16xf32>,
          %add3A_746 = vector.broadcast %scan3A_683 : i32 to vector<16xi32>
          %add3A_747 = arith.addi %add3A_520, %add3A_746 : vector<16xi32>
          tpu.vector_store_idx %arg11[%add3A_747], %gather3A_745 : memref<8192xf32, #tpu.memory_space<vmem>>[vector<16xi32>], vector<16xf32>,
          %add3A_748 = vector.broadcast %scan3A_682 : i32 to vector<16xi32>
          %add3A_749 = arith.addi %add3A_460, %add3A_748 : vector<16xi32>
          %gather3A_750 = tpu.vector_load_idx %arg7[%broadcast_in_dim3A_8, %add3A_749] : memref<16x512xf32, #tpu.memory_space<vmem>>[vector<16xi32>, vector<16xi32>], vector<16xf32>,
          %add3A_751 = vector.broadcast %scan3A_683 : i32 to vector<16xi32>
          %add3A_752 = arith.addi %add3A_524, %add3A_751 : vector<16xi32>
          tpu.vector_store_idx %arg11[%add3A_752], %gather3A_750 : memref<8192xf32, #tpu.memory_space<vmem>>[vector<16xi32>], vector<16xf32>,
          %add3A_753 = vector.broadcast %scan3A_682 : i32 to vector<16xi32>
          %add3A_754 = arith.addi %add3A_464, %add3A_753 : vector<16xi32>
          %gather3A_755 = tpu.vector_load_idx %arg7[%broadcast_in_dim3A_8, %add3A_754] : memref<16x512xf32, #tpu.memory_space<vmem>>[vector<16xi32>, vector<16xi32>], vector<16xf32>,
          %add3A_756 = vector.broadcast %scan3A_683 : i32 to vector<16xi32>
          %add3A_757 = arith.addi %add3A_528, %add3A_756 : vector<16xi32>
          tpu.vector_store_idx %arg11[%add3A_757], %gather3A_755 : memref<8192xf32, #tpu.memory_space<vmem>>[vector<16xi32>], vector<16xf32>,
          %add3A_758 = vector.broadcast %scan3A_682 : i32 to vector<16xi32>
          %add3A_759 = arith.addi %add3A_468, %add3A_758 : vector<16xi32>
          %gather3A_760 = tpu.vector_load_idx %arg7[%broadcast_in_dim3A_8, %add3A_759] : memref<16x512xf32, #tpu.memory_space<vmem>>[vector<16xi32>, vector<16xi32>], vector<16xf32>,
          %add3A_761 = vector.broadcast %scan3A_683 : i32 to vector<16xi32>
          %add3A_762 = arith.addi %add3A_532, %add3A_761 : vector<16xi32>
          tpu.vector_store_idx %arg11[%add3A_762], %gather3A_760 : memref<8192xf32, #tpu.memory_space<vmem>>[vector<16xi32>], vector<16xf32>,
          %add3A_763 = arith.constant 16 : i32
          %add3A_764 = arith.addi %scan3A_682, %add3A_763 : i32
          %add3A_765 = arith.constant 256 : i32
          %add3A_766 = arith.addi %scan3A_683, %add3A_765 : i32
          scf.yield %add3A_764, %add3A_766 : i32, i32
        }
        %scan3A_669 = arith.constant 32 : i32
        %mul3A_670 = arith.constant 8192 : i32
        %mul3A_671 = arith.muli %add3A_652, %mul3A_670 : i32
        %multiple_of3A_672 = tpu.assume_multiple %mul3A_671, 8192 : i32
        %dma_start3A_673 = tpu.memref_slice %arg3[%multiple_of3A_672] : memref<16000000xf32, #tpu.memory_space<hbm>> -> memref<8192xf32, #tpu.memory_space<hbm>>
        %dma_start3A_674 = tpu.memref_slice %arg3[%multiple_of3A_672] : memref<16000000xf32, #tpu.memory_space<hbm>> -> memref<8192xf32, #tpu.memory_space<hbm>>
        tpu.enqueue_dma source(%arg11 : memref<8192xf32, #tpu.memory_space<vmem>>) target(%dma_start3A_674 : memref<8192xf32, #tpu.memory_space<hbm>>) target_semaphore(%arg19 : memref<!tpu.dma_semaphore, #tpu.memory_space<semaphore_mem>>)
        %add3A_675 = arith.constant 4 : i32
        %add3A_676 = arith.addi %add3A_645, %add3A_675 : i32
        %lt3A_677 = arith.cmpi slt, %add3A_676, %add3A_4 : i32
        %convert_element_type3A_678 = arith.extui %lt3A_677 : i1 to i32
        %cond3A_679 = arith.constant 0 : i32
        %cond3A_680 = arith.cmpi ne, %convert_element_type3A_678, %cond3A_679 : i32
        scf.if %cond3A_680 {
          %add3A_681 = arith.constant 128 : i32
          %add3A_682 = arith.addi %add3A_652, %add3A_681 : i32
          %mul3A_683 = arith.constant 512 : i32
          %mul3A_684 = arith.muli %add3A_682, %mul3A_683 : i32
          %multiple_of3A_685 = tpu.assume_multiple %mul3A_684, 512 : i32
          %dma_start3A_686 = arith.constant 0 : i32
          %dma_start3A_687 = tpu.memref_slice %arg2[%dma_start3A_686, %multiple_of3A_685] : memref<16x1000000xf32, #tpu.memory_space<hbm>> -> memref<16x512xf32, #tpu.memory_space<hbm>>
          %dma_start3A_688 = arith.constant 0 : i32
          %dma_start3A_689 = tpu.memref_slice %arg2[%dma_start3A_688, %multiple_of3A_685] : memref<16x1000000xf32, #tpu.memory_space<hbm>> -> memref<16x512xf32, #tpu.memory_space<hbm>>
          tpu.enqueue_dma source(%dma_start3A_689 : memref<16x512xf32, #tpu.memory_space<hbm>>) target(%arg7 : memref<16x512xf32, #tpu.memory_space<vmem>>) target_semaphore(%arg15 : memref<!tpu.dma_semaphore, #tpu.memory_space<semaphore_mem>>)
        } else {
        }
      } else {
      }
    }
    %while3A_598 = arith.constant 1 : i32
    scf.for %while3A_617 = %while3A_596 to %while3A_592 step %while3A_598  : i32 {
      %mul3A_618 = arith.constant 4 : i32
      %mul3A_619 = arith.muli %mul3A_618, %while3A_617 : i32
      %add3A_620 = arith.constant 0 : i32
      %add3A_621 = arith.addi %mul3A_619, %add3A_620 : i32
      %lt3A_622 = arith.cmpi slt, %add3A_621, %add3A_4 : i32
      %convert_element_type3A_623 = arith.extui %lt3A_622 : i1 to i32
      %cond3A_624 = arith.constant 0 : i32
      %cond3A_625 = arith.cmpi ne, %convert_element_type3A_623, %cond3A_624 : i32
      scf.if %cond3A_625 {
        %mul3A_650 = arith.constant 32 : i32
        %mul3A_651 = arith.muli %add3A_621, %mul3A_650 : i32
        %add3A_652 = arith.addi %add3A, %mul3A_651 : i32
        %dma_wait3A_653 = arith.constant 0 : i32
        %dma_wait3A_654 = arith.constant 0 : i32
        %dma_wait3A_655 = tpu.memref_slice %arg2[%dma_wait3A_653, %dma_wait3A_654] : memref<16x1000000xf32, #tpu.memory_space<hbm>> -> memref<16x512xf32, #tpu.memory_space<hbm>>
        %dma_wait3A_656 = arith.constant 0 : i32
        %dma_wait3A_657 = arith.constant 0 : i32
        %dma_wait3A_658 = tpu.memref_slice %arg2[%dma_wait3A_656, %dma_wait3A_657] : memref<16x1000000xf32, #tpu.memory_space<hbm>> -> memref<16x512xf32, #tpu.memory_space<hbm>>
        tpu.wait_dma2 semaphore(%arg12 : memref<!tpu.dma_semaphore, #tpu.memory_space<semaphore_mem>>) src(%dma_wait3A_658 : memref<16x512xf32, #tpu.memory_space<hbm>>) dst(%arg4 : memref<16x512xf32, #tpu.memory_space<vmem>>)
        %gt3A = arith.constant 0 : i32
        %gt3A_659 = arith.cmpi sgt, %while3A_617, %gt3A : i32
        %convert_element_type3A_660 = arith.extui %gt3A_659 : i1 to i32
        %cond3A_661 = arith.constant 0 : i32
        %cond3A_662 = arith.cmpi ne, %convert_element_type3A_660, %cond3A_661 : i32
        scf.if %cond3A_662 {
          %dma_wait3A_681 = arith.constant 0 : i32
          %dma_wait3A_682 = tpu.memref_slice %arg3[%dma_wait3A_681] : memref<16000000xf32, #tpu.memory_space<hbm>> -> memref<8192xf32, #tpu.memory_space<hbm>>
          %dma_wait3A_683 = arith.constant 0 : i32
          %dma_wait3A_684 = tpu.memref_slice %arg3[%dma_wait3A_683] : memref<16000000xf32, #tpu.memory_space<hbm>> -> memref<8192xf32, #tpu.memory_space<hbm>>
          tpu.wait_dma2 semaphore(%arg16 : memref<!tpu.dma_semaphore, #tpu.memory_space<semaphore_mem>>) src(%arg8 : memref<8192xf32, #tpu.memory_space<vmem>>) dst(%dma_wait3A_684 : memref<8192xf32, #tpu.memory_space<hbm>>)
        } else {
        }
        %scan3A = arith.constant 0 : i32
        %scan3A_663 = arith.constant 0 : i32
        %scan3A_664 = arith.constant 0 : i32
        %scan3A_665 = arith.constant 32 : i32
        %scan3A_666 = arith.addi %scan3A_664, %scan3A_665 : i32
        %scan3A_667 = arith.constant 1 : i32
        %scan3A_668:2 = scf.for %scan3A_681 = %scan3A_664 to %scan3A_666 step %scan3A_667 iter_args(%scan3A_682 = %scan3A, %scan3A_683 = %scan3A_663) -> (i32, i32)  : i32 {
          %add3A_684 = vector.broadcast %scan3A_682 : i32 to vector<16xi32>
          %add3A_685 = arith.addi %add3A_408, %add3A_684 : vector<16xi32>
          %gather3A = tpu.vector_load_idx %arg4[%broadcast_in_dim3A_8, %add3A_685] : memref<16x512xf32, #tpu.memory_space<vmem>>[vector<16xi32>, vector<16xi32>], vector<16xf32>,
          %add3A_686 = vector.broadcast %scan3A_683 : i32 to vector<16xi32>
          %add3A_687 = arith.addi %add3A_472, %add3A_686 : vector<16xi32>
          tpu.vector_store_idx %arg8[%add3A_687], %gather3A : memref<8192xf32, #tpu.memory_space<vmem>>[vector<16xi32>], vector<16xf32>,
          %add3A_688 = vector.broadcast %scan3A_682 : i32 to vector<16xi32>
          %add3A_689 = arith.addi %add3A_412, %add3A_688 : vector<16xi32>
          %gather3A_690 = tpu.vector_load_idx %arg4[%broadcast_in_dim3A_8, %add3A_689] : memref<16x512xf32, #tpu.memory_space<vmem>>[vector<16xi32>, vector<16xi32>], vector<16xf32>,
          %add3A_691 = vector.broadcast %scan3A_683 : i32 to vector<16xi32>
          %add3A_692 = arith.addi %add3A_476, %add3A_691 : vector<16xi32>
          tpu.vector_store_idx %arg8[%add3A_692], %gather3A_690 : memref<8192xf32, #tpu.memory_space<vmem>>[vector<16xi32>], vector<16xf32>,
          %add3A_693 = vector.broadcast %scan3A_682 : i32 to vector<16xi32>
          %add3A_694 = arith.addi %add3A_416, %add3A_693 : vector<16xi32>
          %gather3A_695 = tpu.vector_load_idx %arg4[%broadcast_in_dim3A_8, %add3A_694] : memref<16x512xf32, #tpu.memory_space<vmem>>[vector<16xi32>, vector<16xi32>], vector<16xf32>,
          %add3A_696 = vector.broadcast %scan3A_683 : i32 to vector<16xi32>
          %add3A_697 = arith.addi %add3A_480, %add3A_696 : vector<16xi32>
          tpu.vector_store_idx %arg8[%add3A_697], %gather3A_695 : memref<8192xf32, #tpu.memory_space<vmem>>[vector<16xi32>], vector<16xf32>,
          %add3A_698 = vector.broadcast %scan3A_682 : i32 to vector<16xi32>
          %add3A_699 = arith.addi %add3A_420, %add3A_698 : vector<16xi32>
          %gather3A_700 = tpu.vector_load_idx %arg4[%broadcast_in_dim3A_8, %add3A_699] : memref<16x512xf32, #tpu.memory_space<vmem>>[vector<16xi32>, vector<16xi32>], vector<16xf32>,
          %add3A_701 = vector.broadcast %scan3A_683 : i32 to vector<16xi32>
          %add3A_702 = arith.addi %add3A_484, %add3A_701 : vector<16xi32>
          tpu.vector_store_idx %arg8[%add3A_702], %gather3A_700 : memref<8192xf32, #tpu.memory_space<vmem>>[vector<16xi32>], vector<16xf32>,
          %add3A_703 = vector.broadcast %scan3A_682 : i32 to vector<16xi32>
          %add3A_704 = arith.addi %add3A_424, %add3A_703 : vector<16xi32>
          %gather3A_705 = tpu.vector_load_idx %arg4[%broadcast_in_dim3A_8, %add3A_704] : memref<16x512xf32, #tpu.memory_space<vmem>>[vector<16xi32>, vector<16xi32>], vector<16xf32>,
          %add3A_706 = vector.broadcast %scan3A_683 : i32 to vector<16xi32>
          %add3A_707 = arith.addi %add3A_488, %add3A_706 : vector<16xi32>
          tpu.vector_store_idx %arg8[%add3A_707], %gather3A_705 : memref<8192xf32, #tpu.memory_space<vmem>>[vector<16xi32>], vector<16xf32>,
          %add3A_708 = vector.broadcast %scan3A_682 : i32 to vector<16xi32>
          %add3A_709 = arith.addi %add3A_428, %add3A_708 : vector<16xi32>
          %gather3A_710 = tpu.vector_load_idx %arg4[%broadcast_in_dim3A_8, %add3A_709] : memref<16x512xf32, #tpu.memory_space<vmem>>[vector<16xi32>, vector<16xi32>], vector<16xf32>,
          %add3A_711 = vector.broadcast %scan3A_683 : i32 to vector<16xi32>
          %add3A_712 = arith.addi %add3A_492, %add3A_711 : vector<16xi32>
          tpu.vector_store_idx %arg8[%add3A_712], %gather3A_710 : memref<8192xf32, #tpu.memory_space<vmem>>[vector<16xi32>], vector<16xf32>,
          %add3A_713 = vector.broadcast %scan3A_682 : i32 to vector<16xi32>
          %add3A_714 = arith.addi %add3A_432, %add3A_713 : vector<16xi32>
          %gather3A_715 = tpu.vector_load_idx %arg4[%broadcast_in_dim3A_8, %add3A_714] : memref<16x512xf32, #tpu.memory_space<vmem>>[vector<16xi32>, vector<16xi32>], vector<16xf32>,
          %add3A_716 = vector.broadcast %scan3A_683 : i32 to vector<16xi32>
          %add3A_717 = arith.addi %add3A_496, %add3A_716 : vector<16xi32>
          tpu.vector_store_idx %arg8[%add3A_717], %gather3A_715 : memref<8192xf32, #tpu.memory_space<vmem>>[vector<16xi32>], vector<16xf32>,
          %add3A_718 = vector.broadcast %scan3A_682 : i32 to vector<16xi32>
          %add3A_719 = arith.addi %add3A_436, %add3A_718 : vector<16xi32>
          %gather3A_720 = tpu.vector_load_idx %arg4[%broadcast_in_dim3A_8, %add3A_719] : memref<16x512xf32, #tpu.memory_space<vmem>>[vector<16xi32>, vector<16xi32>], vector<16xf32>,
          %add3A_721 = vector.broadcast %scan3A_683 : i32 to vector<16xi32>
          %add3A_722 = arith.addi %add3A_500, %add3A_721 : vector<16xi32>
          tpu.vector_store_idx %arg8[%add3A_722], %gather3A_720 : memref<8192xf32, #tpu.memory_space<vmem>>[vector<16xi32>], vector<16xf32>,
          %add3A_723 = vector.broadcast %scan3A_682 : i32 to vector<16xi32>
          %add3A_724 = arith.addi %add3A_440, %add3A_723 : vector<16xi32>
          %gather3A_725 = tpu.vector_load_idx %arg4[%broadcast_in_dim3A_8, %add3A_724] : memref<16x512xf32, #tpu.memory_space<vmem>>[vector<16xi32>, vector<16xi32>], vector<16xf32>,
          %add3A_726 = vector.broadcast %scan3A_683 : i32 to vector<16xi32>
          %add3A_727 = arith.addi %add3A_504, %add3A_726 : vector<16xi32>
          tpu.vector_store_idx %arg8[%add3A_727], %gather3A_725 : memref<8192xf32, #tpu.memory_space<vmem>>[vector<16xi32>], vector<16xf32>,
          %add3A_728 = vector.broadcast %scan3A_682 : i32 to vector<16xi32>
          %add3A_729 = arith.addi %add3A_444, %add3A_728 : vector<16xi32>
          %gather3A_730 = tpu.vector_load_idx %arg4[%broadcast_in_dim3A_8, %add3A_729] : memref<16x512xf32, #tpu.memory_space<vmem>>[vector<16xi32>, vector<16xi32>], vector<16xf32>,
          %add3A_731 = vector.broadcast %scan3A_683 : i32 to vector<16xi32>
          %add3A_732 = arith.addi %add3A_508, %add3A_731 : vector<16xi32>
          tpu.vector_store_idx %arg8[%add3A_732], %gather3A_730 : memref<8192xf32, #tpu.memory_space<vmem>>[vector<16xi32>], vector<16xf32>,
          %add3A_733 = vector.broadcast %scan3A_682 : i32 to vector<16xi32>
          %add3A_734 = arith.addi %add3A_448, %add3A_733 : vector<16xi32>
          %gather3A_735 = tpu.vector_load_idx %arg4[%broadcast_in_dim3A_8, %add3A_734] : memref<16x512xf32, #tpu.memory_space<vmem>>[vector<16xi32>, vector<16xi32>], vector<16xf32>,
          %add3A_736 = vector.broadcast %scan3A_683 : i32 to vector<16xi32>
          %add3A_737 = arith.addi %add3A_512, %add3A_736 : vector<16xi32>
          tpu.vector_store_idx %arg8[%add3A_737], %gather3A_735 : memref<8192xf32, #tpu.memory_space<vmem>>[vector<16xi32>], vector<16xf32>,
          %add3A_738 = vector.broadcast %scan3A_682 : i32 to vector<16xi32>
          %add3A_739 = arith.addi %add3A_452, %add3A_738 : vector<16xi32>
          %gather3A_740 = tpu.vector_load_idx %arg4[%broadcast_in_dim3A_8, %add3A_739] : memref<16x512xf32, #tpu.memory_space<vmem>>[vector<16xi32>, vector<16xi32>], vector<16xf32>,
          %add3A_741 = vector.broadcast %scan3A_683 : i32 to vector<16xi32>
          %add3A_742 = arith.addi %add3A_516, %add3A_741 : vector<16xi32>
          tpu.vector_store_idx %arg8[%add3A_742], %gather3A_740 : memref<8192xf32, #tpu.memory_space<vmem>>[vector<16xi32>], vector<16xf32>,
          %add3A_743 = vector.broadcast %scan3A_682 : i32 to vector<16xi32>
          %add3A_744 = arith.addi %add3A_456, %add3A_743 : vector<16xi32>
          %gather3A_745 = tpu.vector_load_idx %arg4[%broadcast_in_dim3A_8, %add3A_744] : memref<16x512xf32, #tpu.memory_space<vmem>>[vector<16xi32>, vector<16xi32>], vector<16xf32>,
          %add3A_746 = vector.broadcast %scan3A_683 : i32 to vector<16xi32>
          %add3A_747 = arith.addi %add3A_520, %add3A_746 : vector<16xi32>
          tpu.vector_store_idx %arg8[%add3A_747], %gather3A_745 : memref<8192xf32, #tpu.memory_space<vmem>>[vector<16xi32>], vector<16xf32>,
          %add3A_748 = vector.broadcast %scan3A_682 : i32 to vector<16xi32>
          %add3A_749 = arith.addi %add3A_460, %add3A_748 : vector<16xi32>
          %gather3A_750 = tpu.vector_load_idx %arg4[%broadcast_in_dim3A_8, %add3A_749] : memref<16x512xf32, #tpu.memory_space<vmem>>[vector<16xi32>, vector<16xi32>], vector<16xf32>,
          %add3A_751 = vector.broadcast %scan3A_683 : i32 to vector<16xi32>
          %add3A_752 = arith.addi %add3A_524, %add3A_751 : vector<16xi32>
          tpu.vector_store_idx %arg8[%add3A_752], %gather3A_750 : memref<8192xf32, #tpu.memory_space<vmem>>[vector<16xi32>], vector<16xf32>,
          %add3A_753 = vector.broadcast %scan3A_682 : i32 to vector<16xi32>
          %add3A_754 = arith.addi %add3A_464, %add3A_753 : vector<16xi32>
          %gather3A_755 = tpu.vector_load_idx %arg4[%broadcast_in_dim3A_8, %add3A_754] : memref<16x512xf32, #tpu.memory_space<vmem>>[vector<16xi32>, vector<16xi32>], vector<16xf32>,
          %add3A_756 = vector.broadcast %scan3A_683 : i32 to vector<16xi32>
          %add3A_757 = arith.addi %add3A_528, %add3A_756 : vector<16xi32>
          tpu.vector_store_idx %arg8[%add3A_757], %gather3A_755 : memref<8192xf32, #tpu.memory_space<vmem>>[vector<16xi32>], vector<16xf32>,
          %add3A_758 = vector.broadcast %scan3A_682 : i32 to vector<16xi32>
          %add3A_759 = arith.addi %add3A_468, %add3A_758 : vector<16xi32>
          %gather3A_760 = tpu.vector_load_idx %arg4[%broadcast_in_dim3A_8, %add3A_759] : memref<16x512xf32, #tpu.memory_space<vmem>>[vector<16xi32>, vector<16xi32>], vector<16xf32>,
          %add3A_761 = vector.broadcast %scan3A_683 : i32 to vector<16xi32>
          %add3A_762 = arith.addi %add3A_532, %add3A_761 : vector<16xi32>
          tpu.vector_store_idx %arg8[%add3A_762], %gather3A_760 : memref<8192xf32, #tpu.memory_space<vmem>>[vector<16xi32>], vector<16xf32>,
          %add3A_763 = arith.constant 16 : i32
          %add3A_764 = arith.addi %scan3A_682, %add3A_763 : i32
          %add3A_765 = arith.constant 256 : i32
          %add3A_766 = arith.addi %scan3A_683, %add3A_765 : i32
          scf.yield %add3A_764, %add3A_766 : i32, i32
        }
        %scan3A_669 = arith.constant 32 : i32
        %mul3A_670 = arith.constant 8192 : i32
        %mul3A_671 = arith.muli %add3A_652, %mul3A_670 : i32
        %multiple_of3A_672 = tpu.assume_multiple %mul3A_671, 8192 : i32
        %dma_start3A_673 = tpu.memref_slice %arg3[%multiple_of3A_672] : memref<16000000xf32, #tpu.memory_space<hbm>> -> memref<8192xf32, #tpu.memory_space<hbm>>
        %dma_start3A_674 = tpu.memref_slice %arg3[%multiple_of3A_672] : memref<16000000xf32, #tpu.memory_space<hbm>> -> memref<8192xf32, #tpu.memory_space<hbm>>
        tpu.enqueue_dma source(%arg8 : memref<8192xf32, #tpu.memory_space<vmem>>) target(%dma_start3A_674 : memref<8192xf32, #tpu.memory_space<hbm>>) target_semaphore(%arg16 : memref<!tpu.dma_semaphore, #tpu.memory_space<semaphore_mem>>)
        %add3A_675 = arith.constant 4 : i32
        %add3A_676 = arith.addi %add3A_621, %add3A_675 : i32
        %lt3A_677 = arith.cmpi slt, %add3A_676, %add3A_4 : i32
        %convert_element_type3A_678 = arith.extui %lt3A_677 : i1 to i32
        %cond3A_679 = arith.constant 0 : i32
        %cond3A_680 = arith.cmpi ne, %convert_element_type3A_678, %cond3A_679 : i32
        scf.if %cond3A_680 {
          %add3A_681 = arith.constant 128 : i32
          %add3A_682 = arith.addi %add3A_652, %add3A_681 : i32
          %mul3A_683 = arith.constant 512 : i32
          %mul3A_684 = arith.muli %add3A_682, %mul3A_683 : i32
          %multiple_of3A_685 = tpu.assume_multiple %mul3A_684, 512 : i32
          %dma_start3A_686 = arith.constant 0 : i32
          %dma_start3A_687 = tpu.memref_slice %arg2[%dma_start3A_686, %multiple_of3A_685] : memref<16x1000000xf32, #tpu.memory_space<hbm>> -> memref<16x512xf32, #tpu.memory_space<hbm>>
          %dma_start3A_688 = arith.constant 0 : i32
          %dma_start3A_689 = tpu.memref_slice %arg2[%dma_start3A_688, %multiple_of3A_685] : memref<16x1000000xf32, #tpu.memory_space<hbm>> -> memref<16x512xf32, #tpu.memory_space<hbm>>
          tpu.enqueue_dma source(%dma_start3A_689 : memref<16x512xf32, #tpu.memory_space<hbm>>) target(%arg4 : memref<16x512xf32, #tpu.memory_space<vmem>>) target_semaphore(%arg12 : memref<!tpu.dma_semaphore, #tpu.memory_space<semaphore_mem>>)
        } else {
        }
      } else {
      }
      %mul3A_626 = arith.constant 4 : i32
      %mul3A_627 = arith.muli %mul3A_626, %while3A_617 : i32
      %add3A_628 = arith.constant 1 : i32
      %add3A_629 = arith.addi %mul3A_627, %add3A_628 : i32
      %lt3A_630 = arith.cmpi slt, %add3A_629, %add3A_4 : i32
      %convert_element_type3A_631 = arith.extui %lt3A_630 : i1 to i32
      %cond3A_632 = arith.constant 0 : i32
      %cond3A_633 = arith.cmpi ne, %convert_element_type3A_631, %cond3A_632 : i32
      scf.if %cond3A_633 {
        %mul3A_650 = arith.constant 32 : i32
        %mul3A_651 = arith.muli %add3A_629, %mul3A_650 : i32
        %add3A_652 = arith.addi %add3A, %mul3A_651 : i32
        %dma_wait3A_653 = arith.constant 0 : i32
        %dma_wait3A_654 = arith.constant 0 : i32
        %dma_wait3A_655 = tpu.memref_slice %arg2[%dma_wait3A_653, %dma_wait3A_654] : memref<16x1000000xf32, #tpu.memory_space<hbm>> -> memref<16x512xf32, #tpu.memory_space<hbm>>
        %dma_wait3A_656 = arith.constant 0 : i32
        %dma_wait3A_657 = arith.constant 0 : i32
        %dma_wait3A_658 = tpu.memref_slice %arg2[%dma_wait3A_656, %dma_wait3A_657] : memref<16x1000000xf32, #tpu.memory_space<hbm>> -> memref<16x512xf32, #tpu.memory_space<hbm>>
        tpu.wait_dma2 semaphore(%arg13 : memref<!tpu.dma_semaphore, #tpu.memory_space<semaphore_mem>>) src(%dma_wait3A_658 : memref<16x512xf32, #tpu.memory_space<hbm>>) dst(%arg5 : memref<16x512xf32, #tpu.memory_space<vmem>>)
        %gt3A = arith.constant 0 : i32
        %gt3A_659 = arith.cmpi sgt, %while3A_617, %gt3A : i32
        %convert_element_type3A_660 = arith.extui %gt3A_659 : i1 to i32
        %cond3A_661 = arith.constant 0 : i32
        %cond3A_662 = arith.cmpi ne, %convert_element_type3A_660, %cond3A_661 : i32
        scf.if %cond3A_662 {
          %dma_wait3A_681 = arith.constant 0 : i32
          %dma_wait3A_682 = tpu.memref_slice %arg3[%dma_wait3A_681] : memref<16000000xf32, #tpu.memory_space<hbm>> -> memref<8192xf32, #tpu.memory_space<hbm>>
          %dma_wait3A_683 = arith.constant 0 : i32
          %dma_wait3A_684 = tpu.memref_slice %arg3[%dma_wait3A_683] : memref<16000000xf32, #tpu.memory_space<hbm>> -> memref<8192xf32, #tpu.memory_space<hbm>>
          tpu.wait_dma2 semaphore(%arg17 : memref<!tpu.dma_semaphore, #tpu.memory_space<semaphore_mem>>) src(%arg9 : memref<8192xf32, #tpu.memory_space<vmem>>) dst(%dma_wait3A_684 : memref<8192xf32, #tpu.memory_space<hbm>>)
        } else {
        }
        %scan3A = arith.constant 0 : i32
        %scan3A_663 = arith.constant 0 : i32
        %scan3A_664 = arith.constant 0 : i32
        %scan3A_665 = arith.constant 32 : i32
        %scan3A_666 = arith.addi %scan3A_664, %scan3A_665 : i32
        %scan3A_667 = arith.constant 1 : i32
        %scan3A_668:2 = scf.for %scan3A_681 = %scan3A_664 to %scan3A_666 step %scan3A_667 iter_args(%scan3A_682 = %scan3A, %scan3A_683 = %scan3A_663) -> (i32, i32)  : i32 {
          %add3A_684 = vector.broadcast %scan3A_682 : i32 to vector<16xi32>
          %add3A_685 = arith.addi %add3A_408, %add3A_684 : vector<16xi32>
          %gather3A = tpu.vector_load_idx %arg5[%broadcast_in_dim3A_8, %add3A_685] : memref<16x512xf32, #tpu.memory_space<vmem>>[vector<16xi32>, vector<16xi32>], vector<16xf32>,
          %add3A_686 = vector.broadcast %scan3A_683 : i32 to vector<16xi32>
          %add3A_687 = arith.addi %add3A_472, %add3A_686 : vector<16xi32>
          tpu.vector_store_idx %arg9[%add3A_687], %gather3A : memref<8192xf32, #tpu.memory_space<vmem>>[vector<16xi32>], vector<16xf32>,
          %add3A_688 = vector.broadcast %scan3A_682 : i32 to vector<16xi32>
          %add3A_689 = arith.addi %add3A_412, %add3A_688 : vector<16xi32>
          %gather3A_690 = tpu.vector_load_idx %arg5[%broadcast_in_dim3A_8, %add3A_689] : memref<16x512xf32, #tpu.memory_space<vmem>>[vector<16xi32>, vector<16xi32>], vector<16xf32>,
          %add3A_691 = vector.broadcast %scan3A_683 : i32 to vector<16xi32>
          %add3A_692 = arith.addi %add3A_476, %add3A_691 : vector<16xi32>
          tpu.vector_store_idx %arg9[%add3A_692], %gather3A_690 : memref<8192xf32, #tpu.memory_space<vmem>>[vector<16xi32>], vector<16xf32>,
          %add3A_693 = vector.broadcast %scan3A_682 : i32 to vector<16xi32>
          %add3A_694 = arith.addi %add3A_416, %add3A_693 : vector<16xi32>
          %gather3A_695 = tpu.vector_load_idx %arg5[%broadcast_in_dim3A_8, %add3A_694] : memref<16x512xf32, #tpu.memory_space<vmem>>[vector<16xi32>, vector<16xi32>], vector<16xf32>,
          %add3A_696 = vector.broadcast %scan3A_683 : i32 to vector<16xi32>
          %add3A_697 = arith.addi %add3A_480, %add3A_696 : vector<16xi32>
          tpu.vector_store_idx %arg9[%add3A_697], %gather3A_695 : memref<8192xf32, #tpu.memory_space<vmem>>[vector<16xi32>], vector<16xf32>,
          %add3A_698 = vector.broadcast %scan3A_682 : i32 to vector<16xi32>
          %add3A_699 = arith.addi %add3A_420, %add3A_698 : vector<16xi32>
          %gather3A_700 = tpu.vector_load_idx %arg5[%broadcast_in_dim3A_8, %add3A_699] : memref<16x512xf32, #tpu.memory_space<vmem>>[vector<16xi32>, vector<16xi32>], vector<16xf32>,
          %add3A_701 = vector.broadcast %scan3A_683 : i32 to vector<16xi32>
          %add3A_702 = arith.addi %add3A_484, %add3A_701 : vector<16xi32>
          tpu.vector_store_idx %arg9[%add3A_702], %gather3A_700 : memref<8192xf32, #tpu.memory_space<vmem>>[vector<16xi32>], vector<16xf32>,
          %add3A_703 = vector.broadcast %scan3A_682 : i32 to vector<16xi32>
          %add3A_704 = arith.addi %add3A_424, %add3A_703 : vector<16xi32>
          %gather3A_705 = tpu.vector_load_idx %arg5[%broadcast_in_dim3A_8, %add3A_704] : memref<16x512xf32, #tpu.memory_space<vmem>>[vector<16xi32>, vector<16xi32>], vector<16xf32>,
          %add3A_706 = vector.broadcast %scan3A_683 : i32 to vector<16xi32>
          %add3A_707 = arith.addi %add3A_488, %add3A_706 : vector<16xi32>
          tpu.vector_store_idx %arg9[%add3A_707], %gather3A_705 : memref<8192xf32, #tpu.memory_space<vmem>>[vector<16xi32>], vector<16xf32>,
          %add3A_708 = vector.broadcast %scan3A_682 : i32 to vector<16xi32>
          %add3A_709 = arith.addi %add3A_428, %add3A_708 : vector<16xi32>
          %gather3A_710 = tpu.vector_load_idx %arg5[%broadcast_in_dim3A_8, %add3A_709] : memref<16x512xf32, #tpu.memory_space<vmem>>[vector<16xi32>, vector<16xi32>], vector<16xf32>,
          %add3A_711 = vector.broadcast %scan3A_683 : i32 to vector<16xi32>
          %add3A_712 = arith.addi %add3A_492, %add3A_711 : vector<16xi32>
          tpu.vector_store_idx %arg9[%add3A_712], %gather3A_710 : memref<8192xf32, #tpu.memory_space<vmem>>[vector<16xi32>], vector<16xf32>,
          %add3A_713 = vector.broadcast %scan3A_682 : i32 to vector<16xi32>
          %add3A_714 = arith.addi %add3A_432, %add3A_713 : vector<16xi32>
          %gather3A_715 = tpu.vector_load_idx %arg5[%broadcast_in_dim3A_8, %add3A_714] : memref<16x512xf32, #tpu.memory_space<vmem>>[vector<16xi32>, vector<16xi32>], vector<16xf32>,
          %add3A_716 = vector.broadcast %scan3A_683 : i32 to vector<16xi32>
          %add3A_717 = arith.addi %add3A_496, %add3A_716 : vector<16xi32>
          tpu.vector_store_idx %arg9[%add3A_717], %gather3A_715 : memref<8192xf32, #tpu.memory_space<vmem>>[vector<16xi32>], vector<16xf32>,
          %add3A_718 = vector.broadcast %scan3A_682 : i32 to vector<16xi32>
          %add3A_719 = arith.addi %add3A_436, %add3A_718 : vector<16xi32>
          %gather3A_720 = tpu.vector_load_idx %arg5[%broadcast_in_dim3A_8, %add3A_719] : memref<16x512xf32, #tpu.memory_space<vmem>>[vector<16xi32>, vector<16xi32>], vector<16xf32>,
          %add3A_721 = vector.broadcast %scan3A_683 : i32 to vector<16xi32>
          %add3A_722 = arith.addi %add3A_500, %add3A_721 : vector<16xi32>
          tpu.vector_store_idx %arg9[%add3A_722], %gather3A_720 : memref<8192xf32, #tpu.memory_space<vmem>>[vector<16xi32>], vector<16xf32>,
          %add3A_723 = vector.broadcast %scan3A_682 : i32 to vector<16xi32>
          %add3A_724 = arith.addi %add3A_440, %add3A_723 : vector<16xi32>
          %gather3A_725 = tpu.vector_load_idx %arg5[%broadcast_in_dim3A_8, %add3A_724] : memref<16x512xf32, #tpu.memory_space<vmem>>[vector<16xi32>, vector<16xi32>], vector<16xf32>,
          %add3A_726 = vector.broadcast %scan3A_683 : i32 to vector<16xi32>
          %add3A_727 = arith.addi %add3A_504, %add3A_726 : vector<16xi32>
          tpu.vector_store_idx %arg9[%add3A_727], %gather3A_725 : memref<8192xf32, #tpu.memory_space<vmem>>[vector<16xi32>], vector<16xf32>,
          %add3A_728 = vector.broadcast %scan3A_682 : i32 to vector<16xi32>
          %add3A_729 = arith.addi %add3A_444, %add3A_728 : vector<16xi32>
          %gather3A_730 = tpu.vector_load_idx %arg5[%broadcast_in_dim3A_8, %add3A_729] : memref<16x512xf32, #tpu.memory_space<vmem>>[vector<16xi32>, vector<16xi32>], vector<16xf32>,
          %add3A_731 = vector.broadcast %scan3A_683 : i32 to vector<16xi32>
          %add3A_732 = arith.addi %add3A_508, %add3A_731 : vector<16xi32>
          tpu.vector_store_idx %arg9[%add3A_732], %gather3A_730 : memref<8192xf32, #tpu.memory_space<vmem>>[vector<16xi32>], vector<16xf32>,
          %add3A_733 = vector.broadcast %scan3A_682 : i32 to vector<16xi32>
          %add3A_734 = arith.addi %add3A_448, %add3A_733 : vector<16xi32>
          %gather3A_735 = tpu.vector_load_idx %arg5[%broadcast_in_dim3A_8, %add3A_734] : memref<16x512xf32, #tpu.memory_space<vmem>>[vector<16xi32>, vector<16xi32>], vector<16xf32>,
          %add3A_736 = vector.broadcast %scan3A_683 : i32 to vector<16xi32>
          %add3A_737 = arith.addi %add3A_512, %add3A_736 : vector<16xi32>
          tpu.vector_store_idx %arg9[%add3A_737], %gather3A_735 : memref<8192xf32, #tpu.memory_space<vmem>>[vector<16xi32>], vector<16xf32>,
          %add3A_738 = vector.broadcast %scan3A_682 : i32 to vector<16xi32>
          %add3A_739 = arith.addi %add3A_452, %add3A_738 : vector<16xi32>
          %gather3A_740 = tpu.vector_load_idx %arg5[%broadcast_in_dim3A_8, %add3A_739] : memref<16x512xf32, #tpu.memory_space<vmem>>[vector<16xi32>, vector<16xi32>], vector<16xf32>,
          %add3A_741 = vector.broadcast %scan3A_683 : i32 to vector<16xi32>
          %add3A_742 = arith.addi %add3A_516, %add3A_741 : vector<16xi32>
          tpu.vector_store_idx %arg9[%add3A_742], %gather3A_740 : memref<8192xf32, #tpu.memory_space<vmem>>[vector<16xi32>], vector<16xf32>,
          %add3A_743 = vector.broadcast %scan3A_682 : i32 to vector<16xi32>
          %add3A_744 = arith.addi %add3A_456, %add3A_743 : vector<16xi32>
          %gather3A_745 = tpu.vector_load_idx %arg5[%broadcast_in_dim3A_8, %add3A_744] : memref<16x512xf32, #tpu.memory_space<vmem>>[vector<16xi32>, vector<16xi32>], vector<16xf32>,
          %add3A_746 = vector.broadcast %scan3A_683 : i32 to vector<16xi32>
          %add3A_747 = arith.addi %add3A_520, %add3A_746 : vector<16xi32>
          tpu.vector_store_idx %arg9[%add3A_747], %gather3A_745 : memref<8192xf32, #tpu.memory_space<vmem>>[vector<16xi32>], vector<16xf32>,
          %add3A_748 = vector.broadcast %scan3A_682 : i32 to vector<16xi32>
          %add3A_749 = arith.addi %add3A_460, %add3A_748 : vector<16xi32>
          %gather3A_750 = tpu.vector_load_idx %arg5[%broadcast_in_dim3A_8, %add3A_749] : memref<16x512xf32, #tpu.memory_space<vmem>>[vector<16xi32>, vector<16xi32>], vector<16xf32>,
          %add3A_751 = vector.broadcast %scan3A_683 : i32 to vector<16xi32>
          %add3A_752 = arith.addi %add3A_524, %add3A_751 : vector<16xi32>
          tpu.vector_store_idx %arg9[%add3A_752], %gather3A_750 : memref<8192xf32, #tpu.memory_space<vmem>>[vector<16xi32>], vector<16xf32>,
          %add3A_753 = vector.broadcast %scan3A_682 : i32 to vector<16xi32>
          %add3A_754 = arith.addi %add3A_464, %add3A_753 : vector<16xi32>
          %gather3A_755 = tpu.vector_load_idx %arg5[%broadcast_in_dim3A_8, %add3A_754] : memref<16x512xf32, #tpu.memory_space<vmem>>[vector<16xi32>, vector<16xi32>], vector<16xf32>,
          %add3A_756 = vector.broadcast %scan3A_683 : i32 to vector<16xi32>
          %add3A_757 = arith.addi %add3A_528, %add3A_756 : vector<16xi32>
          tpu.vector_store_idx %arg9[%add3A_757], %gather3A_755 : memref<8192xf32, #tpu.memory_space<vmem>>[vector<16xi32>], vector<16xf32>,
          %add3A_758 = vector.broadcast %scan3A_682 : i32 to vector<16xi32>
          %add3A_759 = arith.addi %add3A_468, %add3A_758 : vector<16xi32>
          %gather3A_760 = tpu.vector_load_idx %arg5[%broadcast_in_dim3A_8, %add3A_759] : memref<16x512xf32, #tpu.memory_space<vmem>>[vector<16xi32>, vector<16xi32>], vector<16xf32>,
          %add3A_761 = vector.broadcast %scan3A_683 : i32 to vector<16xi32>
          %add3A_762 = arith.addi %add3A_532, %add3A_761 : vector<16xi32>
          tpu.vector_store_idx %arg9[%add3A_762], %gather3A_760 : memref<8192xf32, #tpu.memory_space<vmem>>[vector<16xi32>], vector<16xf32>,
          %add3A_763 = arith.constant 16 : i32
          %add3A_764 = arith.addi %scan3A_682, %add3A_763 : i32
          %add3A_765 = arith.constant 256 : i32
          %add3A_766 = arith.addi %scan3A_683, %add3A_765 : i32
          scf.yield %add3A_764, %add3A_766 : i32, i32
        }
        %scan3A_669 = arith.constant 32 : i32
        %mul3A_670 = arith.constant 8192 : i32
        %mul3A_671 = arith.muli %add3A_652, %mul3A_670 : i32
        %multiple_of3A_672 = tpu.assume_multiple %mul3A_671, 8192 : i32
        %dma_start3A_673 = tpu.memref_slice %arg3[%multiple_of3A_672] : memref<16000000xf32, #tpu.memory_space<hbm>> -> memref<8192xf32, #tpu.memory_space<hbm>>
        %dma_start3A_674 = tpu.memref_slice %arg3[%multiple_of3A_672] : memref<16000000xf32, #tpu.memory_space<hbm>> -> memref<8192xf32, #tpu.memory_space<hbm>>
        tpu.enqueue_dma source(%arg9 : memref<8192xf32, #tpu.memory_space<vmem>>) target(%dma_start3A_674 : memref<8192xf32, #tpu.memory_space<hbm>>) target_semaphore(%arg17 : memref<!tpu.dma_semaphore, #tpu.memory_space<semaphore_mem>>)
        %add3A_675 = arith.constant 4 : i32
        %add3A_676 = arith.addi %add3A_629, %add3A_675 : i32
        %lt3A_677 = arith.cmpi slt, %add3A_676, %add3A_4 : i32
        %convert_element_type3A_678 = arith.extui %lt3A_677 : i1 to i32
        %cond3A_679 = arith.constant 0 : i32
        %cond3A_680 = arith.cmpi ne, %convert_element_type3A_678, %cond3A_679 : i32
        scf.if %cond3A_680 {
          %add3A_681 = arith.constant 128 : i32
          %add3A_682 = arith.addi %add3A_652, %add3A_681 : i32
          %mul3A_683 = arith.constant 512 : i32
          %mul3A_684 = arith.muli %add3A_682, %mul3A_683 : i32
          %multiple_of3A_685 = tpu.assume_multiple %mul3A_684, 512 : i32
          %dma_start3A_686 = arith.constant 0 : i32
          %dma_start3A_687 = tpu.memref_slice %arg2[%dma_start3A_686, %multiple_of3A_685] : memref<16x1000000xf32, #tpu.memory_space<hbm>> -> memref<16x512xf32, #tpu.memory_space<hbm>>
          %dma_start3A_688 = arith.constant 0 : i32
          %dma_start3A_689 = tpu.memref_slice %arg2[%dma_start3A_688, %multiple_of3A_685] : memref<16x1000000xf32, #tpu.memory_space<hbm>> -> memref<16x512xf32, #tpu.memory_space<hbm>>
          tpu.enqueue_dma source(%dma_start3A_689 : memref<16x512xf32, #tpu.memory_space<hbm>>) target(%arg5 : memref<16x512xf32, #tpu.memory_space<vmem>>) target_semaphore(%arg13 : memref<!tpu.dma_semaphore, #tpu.memory_space<semaphore_mem>>)
        } else {
        }
      } else {
      }
      %mul3A_634 = arith.constant 4 : i32
      %mul3A_635 = arith.muli %mul3A_634, %while3A_617 : i32
      %add3A_636 = arith.constant 2 : i32
      %add3A_637 = arith.addi %mul3A_635, %add3A_636 : i32
      %lt3A_638 = arith.cmpi slt, %add3A_637, %add3A_4 : i32
      %convert_element_type3A_639 = arith.extui %lt3A_638 : i1 to i32
      %cond3A_640 = arith.constant 0 : i32
      %cond3A_641 = arith.cmpi ne, %convert_element_type3A_639, %cond3A_640 : i32
      scf.if %cond3A_641 {
        %mul3A_650 = arith.constant 32 : i32
        %mul3A_651 = arith.muli %add3A_637, %mul3A_650 : i32
        %add3A_652 = arith.addi %add3A, %mul3A_651 : i32
        %dma_wait3A_653 = arith.constant 0 : i32
        %dma_wait3A_654 = arith.constant 0 : i32
        %dma_wait3A_655 = tpu.memref_slice %arg2[%dma_wait3A_653, %dma_wait3A_654] : memref<16x1000000xf32, #tpu.memory_space<hbm>> -> memref<16x512xf32, #tpu.memory_space<hbm>>
        %dma_wait3A_656 = arith.constant 0 : i32
        %dma_wait3A_657 = arith.constant 0 : i32
        %dma_wait3A_658 = tpu.memref_slice %arg2[%dma_wait3A_656, %dma_wait3A_657] : memref<16x1000000xf32, #tpu.memory_space<hbm>> -> memref<16x512xf32, #tpu.memory_space<hbm>>
        tpu.wait_dma2 semaphore(%arg14 : memref<!tpu.dma_semaphore, #tpu.memory_space<semaphore_mem>>) src(%dma_wait3A_658 : memref<16x512xf32, #tpu.memory_space<hbm>>) dst(%arg6 : memref<16x512xf32, #tpu.memory_space<vmem>>)
        %gt3A = arith.constant 0 : i32
        %gt3A_659 = arith.cmpi sgt, %while3A_617, %gt3A : i32
        %convert_element_type3A_660 = arith.extui %gt3A_659 : i1 to i32
        %cond3A_661 = arith.constant 0 : i32
        %cond3A_662 = arith.cmpi ne, %convert_element_type3A_660, %cond3A_661 : i32
        scf.if %cond3A_662 {
          %dma_wait3A_681 = arith.constant 0 : i32
          %dma_wait3A_682 = tpu.memref_slice %arg3[%dma_wait3A_681] : memref<16000000xf32, #tpu.memory_space<hbm>> -> memref<8192xf32, #tpu.memory_space<hbm>>
          %dma_wait3A_683 = arith.constant 0 : i32
          %dma_wait3A_684 = tpu.memref_slice %arg3[%dma_wait3A_683] : memref<16000000xf32, #tpu.memory_space<hbm>> -> memref<8192xf32, #tpu.memory_space<hbm>>
          tpu.wait_dma2 semaphore(%arg18 : memref<!tpu.dma_semaphore, #tpu.memory_space<semaphore_mem>>) src(%arg10 : memref<8192xf32, #tpu.memory_space<vmem>>) dst(%dma_wait3A_684 : memref<8192xf32, #tpu.memory_space<hbm>>)
        } else {
        }
        %scan3A = arith.constant 0 : i32
        %scan3A_663 = arith.constant 0 : i32
        %scan3A_664 = arith.constant 0 : i32
        %scan3A_665 = arith.constant 32 : i32
        %scan3A_666 = arith.addi %scan3A_664, %scan3A_665 : i32
        %scan3A_667 = arith.constant 1 : i32
        %scan3A_668:2 = scf.for %scan3A_681 = %scan3A_664 to %scan3A_666 step %scan3A_667 iter_args(%scan3A_682 = %scan3A, %scan3A_683 = %scan3A_663) -> (i32, i32)  : i32 {
          %add3A_684 = vector.broadcast %scan3A_682 : i32 to vector<16xi32>
          %add3A_685 = arith.addi %add3A_408, %add3A_684 : vector<16xi32>
          %gather3A = tpu.vector_load_idx %arg6[%broadcast_in_dim3A_8, %add3A_685] : memref<16x512xf32, #tpu.memory_space<vmem>>[vector<16xi32>, vector<16xi32>], vector<16xf32>,
          %add3A_686 = vector.broadcast %scan3A_683 : i32 to vector<16xi32>
          %add3A_687 = arith.addi %add3A_472, %add3A_686 : vector<16xi32>
          tpu.vector_store_idx %arg10[%add3A_687], %gather3A : memref<8192xf32, #tpu.memory_space<vmem>>[vector<16xi32>], vector<16xf32>,
          %add3A_688 = vector.broadcast %scan3A_682 : i32 to vector<16xi32>
          %add3A_689 = arith.addi %add3A_412, %add3A_688 : vector<16xi32>
          %gather3A_690 = tpu.vector_load_idx %arg6[%broadcast_in_dim3A_8, %add3A_689] : memref<16x512xf32, #tpu.memory_space<vmem>>[vector<16xi32>, vector<16xi32>], vector<16xf32>,
          %add3A_691 = vector.broadcast %scan3A_683 : i32 to vector<16xi32>
          %add3A_692 = arith.addi %add3A_476, %add3A_691 : vector<16xi32>
          tpu.vector_store_idx %arg10[%add3A_692], %gather3A_690 : memref<8192xf32, #tpu.memory_space<vmem>>[vector<16xi32>], vector<16xf32>,
          %add3A_693 = vector.broadcast %scan3A_682 : i32 to vector<16xi32>
          %add3A_694 = arith.addi %add3A_416, %add3A_693 : vector<16xi32>
          %gather3A_695 = tpu.vector_load_idx %arg6[%broadcast_in_dim3A_8, %add3A_694] : memref<16x512xf32, #tpu.memory_space<vmem>>[vector<16xi32>, vector<16xi32>], vector<16xf32>,
          %add3A_696 = vector.broadcast %scan3A_683 : i32 to vector<16xi32>
          %add3A_697 = arith.addi %add3A_480, %add3A_696 : vector<16xi32>
          tpu.vector_store_idx %arg10[%add3A_697], %gather3A_695 : memref<8192xf32, #tpu.memory_space<vmem>>[vector<16xi32>], vector<16xf32>,
          %add3A_698 = vector.broadcast %scan3A_682 : i32 to vector<16xi32>
          %add3A_699 = arith.addi %add3A_420, %add3A_698 : vector<16xi32>
          %gather3A_700 = tpu.vector_load_idx %arg6[%broadcast_in_dim3A_8, %add3A_699] : memref<16x512xf32, #tpu.memory_space<vmem>>[vector<16xi32>, vector<16xi32>], vector<16xf32>,
          %add3A_701 = vector.broadcast %scan3A_683 : i32 to vector<16xi32>
          %add3A_702 = arith.addi %add3A_484, %add3A_701 : vector<16xi32>
          tpu.vector_store_idx %arg10[%add3A_702], %gather3A_700 : memref<8192xf32, #tpu.memory_space<vmem>>[vector<16xi32>], vector<16xf32>,
          %add3A_703 = vector.broadcast %scan3A_682 : i32 to vector<16xi32>
          %add3A_704 = arith.addi %add3A_424, %add3A_703 : vector<16xi32>
          %gather3A_705 = tpu.vector_load_idx %arg6[%broadcast_in_dim3A_8, %add3A_704] : memref<16x512xf32, #tpu.memory_space<vmem>>[vector<16xi32>, vector<16xi32>], vector<16xf32>,
          %add3A_706 = vector.broadcast %scan3A_683 : i32 to vector<16xi32>
          %add3A_707 = arith.addi %add3A_488, %add3A_706 : vector<16xi32>
          tpu.vector_store_idx %arg10[%add3A_707], %gather3A_705 : memref<8192xf32, #tpu.memory_space<vmem>>[vector<16xi32>], vector<16xf32>,
          %add3A_708 = vector.broadcast %scan3A_682 : i32 to vector<16xi32>
          %add3A_709 = arith.addi %add3A_428, %add3A_708 : vector<16xi32>
          %gather3A_710 = tpu.vector_load_idx %arg6[%broadcast_in_dim3A_8, %add3A_709] : memref<16x512xf32, #tpu.memory_space<vmem>>[vector<16xi32>, vector<16xi32>], vector<16xf32>,
          %add3A_711 = vector.broadcast %scan3A_683 : i32 to vector<16xi32>
          %add3A_712 = arith.addi %add3A_492, %add3A_711 : vector<16xi32>
          tpu.vector_store_idx %arg10[%add3A_712], %gather3A_710 : memref<8192xf32, #tpu.memory_space<vmem>>[vector<16xi32>], vector<16xf32>,
          %add3A_713 = vector.broadcast %scan3A_682 : i32 to vector<16xi32>
          %add3A_714 = arith.addi %add3A_432, %add3A_713 : vector<16xi32>
          %gather3A_715 = tpu.vector_load_idx %arg6[%broadcast_in_dim3A_8, %add3A_714] : memref<16x512xf32, #tpu.memory_space<vmem>>[vector<16xi32>, vector<16xi32>], vector<16xf32>,
          %add3A_716 = vector.broadcast %scan3A_683 : i32 to vector<16xi32>
          %add3A_717 = arith.addi %add3A_496, %add3A_716 : vector<16xi32>
          tpu.vector_store_idx %arg10[%add3A_717], %gather3A_715 : memref<8192xf32, #tpu.memory_space<vmem>>[vector<16xi32>], vector<16xf32>,
          %add3A_718 = vector.broadcast %scan3A_682 : i32 to vector<16xi32>
          %add3A_719 = arith.addi %add3A_436, %add3A_718 : vector<16xi32>
          %gather3A_720 = tpu.vector_load_idx %arg6[%broadcast_in_dim3A_8, %add3A_719] : memref<16x512xf32, #tpu.memory_space<vmem>>[vector<16xi32>, vector<16xi32>], vector<16xf32>,
          %add3A_721 = vector.broadcast %scan3A_683 : i32 to vector<16xi32>
          %add3A_722 = arith.addi %add3A_500, %add3A_721 : vector<16xi32>
          tpu.vector_store_idx %arg10[%add3A_722], %gather3A_720 : memref<8192xf32, #tpu.memory_space<vmem>>[vector<16xi32>], vector<16xf32>,
          %add3A_723 = vector.broadcast %scan3A_682 : i32 to vector<16xi32>
          %add3A_724 = arith.addi %add3A_440, %add3A_723 : vector<16xi32>
          %gather3A_725 = tpu.vector_load_idx %arg6[%broadcast_in_dim3A_8, %add3A_724] : memref<16x512xf32, #tpu.memory_space<vmem>>[vector<16xi32>, vector<16xi32>], vector<16xf32>,
          %add3A_726 = vector.broadcast %scan3A_683 : i32 to vector<16xi32>
          %add3A_727 = arith.addi %add3A_504, %add3A_726 : vector<16xi32>
          tpu.vector_store_idx %arg10[%add3A_727], %gather3A_725 : memref<8192xf32, #tpu.memory_space<vmem>>[vector<16xi32>], vector<16xf32>,
          %add3A_728 = vector.broadcast %scan3A_682 : i32 to vector<16xi32>
          %add3A_729 = arith.addi %add3A_444, %add3A_728 : vector<16xi32>
          %gather3A_730 = tpu.vector_load_idx %arg6[%broadcast_in_dim3A_8, %add3A_729] : memref<16x512xf32, #tpu.memory_space<vmem>>[vector<16xi32>, vector<16xi32>], vector<16xf32>,
          %add3A_731 = vector.broadcast %scan3A_683 : i32 to vector<16xi32>
          %add3A_732 = arith.addi %add3A_508, %add3A_731 : vector<16xi32>
          tpu.vector_store_idx %arg10[%add3A_732], %gather3A_730 : memref<8192xf32, #tpu.memory_space<vmem>>[vector<16xi32>], vector<16xf32>,
          %add3A_733 = vector.broadcast %scan3A_682 : i32 to vector<16xi32>
          %add3A_734 = arith.addi %add3A_448, %add3A_733 : vector<16xi32>
          %gather3A_735 = tpu.vector_load_idx %arg6[%broadcast_in_dim3A_8, %add3A_734] : memref<16x512xf32, #tpu.memory_space<vmem>>[vector<16xi32>, vector<16xi32>], vector<16xf32>,
          %add3A_736 = vector.broadcast %scan3A_683 : i32 to vector<16xi32>
          %add3A_737 = arith.addi %add3A_512, %add3A_736 : vector<16xi32>
          tpu.vector_store_idx %arg10[%add3A_737], %gather3A_735 : memref<8192xf32, #tpu.memory_space<vmem>>[vector<16xi32>], vector<16xf32>,
          %add3A_738 = vector.broadcast %scan3A_682 : i32 to vector<16xi32>
          %add3A_739 = arith.addi %add3A_452, %add3A_738 : vector<16xi32>
          %gather3A_740 = tpu.vector_load_idx %arg6[%broadcast_in_dim3A_8, %add3A_739] : memref<16x512xf32, #tpu.memory_space<vmem>>[vector<16xi32>, vector<16xi32>], vector<16xf32>,
          %add3A_741 = vector.broadcast %scan3A_683 : i32 to vector<16xi32>
          %add3A_742 = arith.addi %add3A_516, %add3A_741 : vector<16xi32>
          tpu.vector_store_idx %arg10[%add3A_742], %gather3A_740 : memref<8192xf32, #tpu.memory_space<vmem>>[vector<16xi32>], vector<16xf32>,
          %add3A_743 = vector.broadcast %scan3A_682 : i32 to vector<16xi32>
          %add3A_744 = arith.addi %add3A_456, %add3A_743 : vector<16xi32>
          %gather3A_745 = tpu.vector_load_idx %arg6[%broadcast_in_dim3A_8, %add3A_744] : memref<16x512xf32, #tpu.memory_space<vmem>>[vector<16xi32>, vector<16xi32>], vector<16xf32>,
          %add3A_746 = vector.broadcast %scan3A_683 : i32 to vector<16xi32>
          %add3A_747 = arith.addi %add3A_520, %add3A_746 : vector<16xi32>
          tpu.vector_store_idx %arg10[%add3A_747], %gather3A_745 : memref<8192xf32, #tpu.memory_space<vmem>>[vector<16xi32>], vector<16xf32>,
          %add3A_748 = vector.broadcast %scan3A_682 : i32 to vector<16xi32>
          %add3A_749 = arith.addi %add3A_460, %add3A_748 : vector<16xi32>
          %gather3A_750 = tpu.vector_load_idx %arg6[%broadcast_in_dim3A_8, %add3A_749] : memref<16x512xf32, #tpu.memory_space<vmem>>[vector<16xi32>, vector<16xi32>], vector<16xf32>,
          %add3A_751 = vector.broadcast %scan3A_683 : i32 to vector<16xi32>
          %add3A_752 = arith.addi %add3A_524, %add3A_751 : vector<16xi32>
          tpu.vector_store_idx %arg10[%add3A_752], %gather3A_750 : memref<8192xf32, #tpu.memory_space<vmem>>[vector<16xi32>], vector<16xf32>,
          %add3A_753 = vector.broadcast %scan3A_682 : i32 to vector<16xi32>
          %add3A_754 = arith.addi %add3A_464, %add3A_753 : vector<16xi32>
          %gather3A_755 = tpu.vector_load_idx %arg6[%broadcast_in_dim3A_8, %add3A_754] : memref<16x512xf32, #tpu.memory_space<vmem>>[vector<16xi32>, vector<16xi32>], vector<16xf32>,
          %add3A_756 = vector.broadcast %scan3A_683 : i32 to vector<16xi32>
          %add3A_757 = arith.addi %add3A_528, %add3A_756 : vector<16xi32>
          tpu.vector_store_idx %arg10[%add3A_757], %gather3A_755 : memref<8192xf32, #tpu.memory_space<vmem>>[vector<16xi32>], vector<16xf32>,
          %add3A_758 = vector.broadcast %scan3A_682 : i32 to vector<16xi32>
          %add3A_759 = arith.addi %add3A_468, %add3A_758 : vector<16xi32>
          %gather3A_760 = tpu.vector_load_idx %arg6[%broadcast_in_dim3A_8, %add3A_759] : memref<16x512xf32, #tpu.memory_space<vmem>>[vector<16xi32>, vector<16xi32>], vector<16xf32>,
          %add3A_761 = vector.broadcast %scan3A_683 : i32 to vector<16xi32>
          %add3A_762 = arith.addi %add3A_532, %add3A_761 : vector<16xi32>
          tpu.vector_store_idx %arg10[%add3A_762], %gather3A_760 : memref<8192xf32, #tpu.memory_space<vmem>>[vector<16xi32>], vector<16xf32>,
          %add3A_763 = arith.constant 16 : i32
          %add3A_764 = arith.addi %scan3A_682, %add3A_763 : i32
          %add3A_765 = arith.constant 256 : i32
          %add3A_766 = arith.addi %scan3A_683, %add3A_765 : i32
          scf.yield %add3A_764, %add3A_766 : i32, i32
        }
        %scan3A_669 = arith.constant 32 : i32
        %mul3A_670 = arith.constant 8192 : i32
        %mul3A_671 = arith.muli %add3A_652, %mul3A_670 : i32
        %multiple_of3A_672 = tpu.assume_multiple %mul3A_671, 8192 : i32
        %dma_start3A_673 = tpu.memref_slice %arg3[%multiple_of3A_672] : memref<16000000xf32, #tpu.memory_space<hbm>> -> memref<8192xf32, #tpu.memory_space<hbm>>
        %dma_start3A_674 = tpu.memref_slice %arg3[%multiple_of3A_672] : memref<16000000xf32, #tpu.memory_space<hbm>> -> memref<8192xf32, #tpu.memory_space<hbm>>
        tpu.enqueue_dma source(%arg10 : memref<8192xf32, #tpu.memory_space<vmem>>) target(%dma_start3A_674 : memref<8192xf32, #tpu.memory_space<hbm>>) target_semaphore(%arg18 : memref<!tpu.dma_semaphore, #tpu.memory_space<semaphore_mem>>)
        %add3A_675 = arith.constant 4 : i32
        %add3A_676 = arith.addi %add3A_637, %add3A_675 : i32
        %lt3A_677 = arith.cmpi slt, %add3A_676, %add3A_4 : i32
        %convert_element_type3A_678 = arith.extui %lt3A_677 : i1 to i32
        %cond3A_679 = arith.constant 0 : i32
        %cond3A_680 = arith.cmpi ne, %convert_element_type3A_678, %cond3A_679 : i32
        scf.if %cond3A_680 {
          %add3A_681 = arith.constant 128 : i32
          %add3A_682 = arith.addi %add3A_652, %add3A_681 : i32
          %mul3A_683 = arith.constant 512 : i32
          %mul3A_684 = arith.muli %add3A_682, %mul3A_683 : i32
          %multiple_of3A_685 = tpu.assume_multiple %mul3A_684, 512 : i32
          %dma_start3A_686 = arith.constant 0 : i32
          %dma_start3A_687 = tpu.memref_slice %arg2[%dma_start3A_686, %multiple_of3A_685] : memref<16x1000000xf32, #tpu.memory_space<hbm>> -> memref<16x512xf32, #tpu.memory_space<hbm>>
          %dma_start3A_688 = arith.constant 0 : i32
          %dma_start3A_689 = tpu.memref_slice %arg2[%dma_start3A_688, %multiple_of3A_685] : memref<16x1000000xf32, #tpu.memory_space<hbm>> -> memref<16x512xf32, #tpu.memory_space<hbm>>
          tpu.enqueue_dma source(%dma_start3A_689 : memref<16x512xf32, #tpu.memory_space<hbm>>) target(%arg6 : memref<16x512xf32, #tpu.memory_space<vmem>>) target_semaphore(%arg14 : memref<!tpu.dma_semaphore, #tpu.memory_space<semaphore_mem>>)
        } else {
        }
      } else {
      }
      %mul3A_642 = arith.constant 4 : i32
      %mul3A_643 = arith.muli %mul3A_642, %while3A_617 : i32
      %add3A_644 = arith.constant 3 : i32
      %add3A_645 = arith.addi %mul3A_643, %add3A_644 : i32
      %lt3A_646 = arith.cmpi slt, %add3A_645, %add3A_4 : i32
      %convert_element_type3A_647 = arith.extui %lt3A_646 : i1 to i32
      %cond3A_648 = arith.constant 0 : i32
      %cond3A_649 = arith.cmpi ne, %convert_element_type3A_647, %cond3A_648 : i32
      scf.if %cond3A_649 {
        %mul3A_650 = arith.constant 32 : i32
        %mul3A_651 = arith.muli %add3A_645, %mul3A_650 : i32
        %add3A_652 = arith.addi %add3A, %mul3A_651 : i32
        %dma_wait3A_653 = arith.constant 0 : i32
        %dma_wait3A_654 = arith.constant 0 : i32
        %dma_wait3A_655 = tpu.memref_slice %arg2[%dma_wait3A_653, %dma_wait3A_654] : memref<16x1000000xf32, #tpu.memory_space<hbm>> -> memref<16x512xf32, #tpu.memory_space<hbm>>
        %dma_wait3A_656 = arith.constant 0 : i32
        %dma_wait3A_657 = arith.constant 0 : i32
        %dma_wait3A_658 = tpu.memref_slice %arg2[%dma_wait3A_656, %dma_wait3A_657] : memref<16x1000000xf32, #tpu.memory_space<hbm>> -> memref<16x512xf32, #tpu.memory_space<hbm>>
        tpu.wait_dma2 semaphore(%arg15 : memref<!tpu.dma_semaphore, #tpu.memory_space<semaphore_mem>>) src(%dma_wait3A_658 : memref<16x512xf32, #tpu.memory_space<hbm>>) dst(%arg7 : memref<16x512xf32, #tpu.memory_space<vmem>>)
        %gt3A = arith.constant 0 : i32
        %gt3A_659 = arith.cmpi sgt, %while3A_617, %gt3A : i32
        %convert_element_type3A_660 = arith.extui %gt3A_659 : i1 to i32
        %cond3A_661 = arith.constant 0 : i32
        %cond3A_662 = arith.cmpi ne, %convert_element_type3A_660, %cond3A_661 : i32
        scf.if %cond3A_662 {
          %dma_wait3A_681 = arith.constant 0 : i32
          %dma_wait3A_682 = tpu.memref_slice %arg3[%dma_wait3A_681] : memref<16000000xf32, #tpu.memory_space<hbm>> -> memref<8192xf32, #tpu.memory_space<hbm>>
          %dma_wait3A_683 = arith.constant 0 : i32
          %dma_wait3A_684 = tpu.memref_slice %arg3[%dma_wait3A_683] : memref<16000000xf32, #tpu.memory_space<hbm>> -> memref<8192xf32, #tpu.memory_space<hbm>>
          tpu.wait_dma2 semaphore(%arg19 : memref<!tpu.dma_semaphore, #tpu.memory_space<semaphore_mem>>) src(%arg11 : memref<8192xf32, #tpu.memory_space<vmem>>) dst(%dma_wait3A_684 : memref<8192xf32, #tpu.memory_space<hbm>>)
        } else {
        }
        %scan3A = arith.constant 0 : i32
        %scan3A_663 = arith.constant 0 : i32
        %scan3A_664 = arith.constant 0 : i32
        %scan3A_665 = arith.constant 32 : i32
        %scan3A_666 = arith.addi %scan3A_664, %scan3A_665 : i32
        %scan3A_667 = arith.constant 1 : i32
        %scan3A_668:2 = scf.for %scan3A_681 = %scan3A_664 to %scan3A_666 step %scan3A_667 iter_args(%scan3A_682 = %scan3A, %scan3A_683 = %scan3A_663) -> (i32, i32)  : i32 {
          %add3A_684 = vector.broadcast %scan3A_682 : i32 to vector<16xi32>
          %add3A_685 = arith.addi %add3A_408, %add3A_684 : vector<16xi32>
          %gather3A = tpu.vector_load_idx %arg7[%broadcast_in_dim3A_8, %add3A_685] : memref<16x512xf32, #tpu.memory_space<vmem>>[vector<16xi32>, vector<16xi32>], vector<16xf32>,
          %add3A_686 = vector.broadcast %scan3A_683 : i32 to vector<16xi32>
          %add3A_687 = arith.addi %add3A_472, %add3A_686 : vector<16xi32>
          tpu.vector_store_idx %arg11[%add3A_687], %gather3A : memref<8192xf32, #tpu.memory_space<vmem>>[vector<16xi32>], vector<16xf32>,
          %add3A_688 = vector.broadcast %scan3A_682 : i32 to vector<16xi32>
          %add3A_689 = arith.addi %add3A_412, %add3A_688 : vector<16xi32>
          %gather3A_690 = tpu.vector_load_idx %arg7[%broadcast_in_dim3A_8, %add3A_689] : memref<16x512xf32, #tpu.memory_space<vmem>>[vector<16xi32>, vector<16xi32>], vector<16xf32>,
          %add3A_691 = vector.broadcast %scan3A_683 : i32 to vector<16xi32>
          %add3A_692 = arith.addi %add3A_476, %add3A_691 : vector<16xi32>
          tpu.vector_store_idx %arg11[%add3A_692], %gather3A_690 : memref<8192xf32, #tpu.memory_space<vmem>>[vector<16xi32>], vector<16xf32>,
          %add3A_693 = vector.broadcast %scan3A_682 : i32 to vector<16xi32>
          %add3A_694 = arith.addi %add3A_416, %add3A_693 : vector<16xi32>
          %gather3A_695 = tpu.vector_load_idx %arg7[%broadcast_in_dim3A_8, %add3A_694] : memref<16x512xf32, #tpu.memory_space<vmem>>[vector<16xi32>, vector<16xi32>], vector<16xf32>,
          %add3A_696 = vector.broadcast %scan3A_683 : i32 to vector<16xi32>
          %add3A_697 = arith.addi %add3A_480, %add3A_696 : vector<16xi32>
          tpu.vector_store_idx %arg11[%add3A_697], %gather3A_695 : memref<8192xf32, #tpu.memory_space<vmem>>[vector<16xi32>], vector<16xf32>,
          %add3A_698 = vector.broadcast %scan3A_682 : i32 to vector<16xi32>
          %add3A_699 = arith.addi %add3A_420, %add3A_698 : vector<16xi32>
          %gather3A_700 = tpu.vector_load_idx %arg7[%broadcast_in_dim3A_8, %add3A_699] : memref<16x512xf32, #tpu.memory_space<vmem>>[vector<16xi32>, vector<16xi32>], vector<16xf32>,
          %add3A_701 = vector.broadcast %scan3A_683 : i32 to vector<16xi32>
          %add3A_702 = arith.addi %add3A_484, %add3A_701 : vector<16xi32>
          tpu.vector_store_idx %arg11[%add3A_702], %gather3A_700 : memref<8192xf32, #tpu.memory_space<vmem>>[vector<16xi32>], vector<16xf32>,
          %add3A_703 = vector.broadcast %scan3A_682 : i32 to vector<16xi32>
          %add3A_704 = arith.addi %add3A_424, %add3A_703 : vector<16xi32>
          %gather3A_705 = tpu.vector_load_idx %arg7[%broadcast_in_dim3A_8, %add3A_704] : memref<16x512xf32, #tpu.memory_space<vmem>>[vector<16xi32>, vector<16xi32>], vector<16xf32>,
          %add3A_706 = vector.broadcast %scan3A_683 : i32 to vector<16xi32>
          %add3A_707 = arith.addi %add3A_488, %add3A_706 : vector<16xi32>
          tpu.vector_store_idx %arg11[%add3A_707], %gather3A_705 : memref<8192xf32, #tpu.memory_space<vmem>>[vector<16xi32>], vector<16xf32>,
          %add3A_708 = vector.broadcast %scan3A_682 : i32 to vector<16xi32>
          %add3A_709 = arith.addi %add3A_428, %add3A_708 : vector<16xi32>
          %gather3A_710 = tpu.vector_load_idx %arg7[%broadcast_in_dim3A_8, %add3A_709] : memref<16x512xf32, #tpu.memory_space<vmem>>[vector<16xi32>, vector<16xi32>], vector<16xf32>,
          %add3A_711 = vector.broadcast %scan3A_683 : i32 to vector<16xi32>
          %add3A_712 = arith.addi %add3A_492, %add3A_711 : vector<16xi32>
          tpu.vector_store_idx %arg11[%add3A_712], %gather3A_710 : memref<8192xf32, #tpu.memory_space<vmem>>[vector<16xi32>], vector<16xf32>,
          %add3A_713 = vector.broadcast %scan3A_682 : i32 to vector<16xi32>
          %add3A_714 = arith.addi %add3A_432, %add3A_713 : vector<16xi32>
          %gather3A_715 = tpu.vector_load_idx %arg7[%broadcast_in_dim3A_8, %add3A_714] : memref<16x512xf32, #tpu.memory_space<vmem>>[vector<16xi32>, vector<16xi32>], vector<16xf32>,
          %add3A_716 = vector.broadcast %scan3A_683 : i32 to vector<16xi32>
          %add3A_717 = arith.addi %add3A_496, %add3A_716 : vector<16xi32>
          tpu.vector_store_idx %arg11[%add3A_717], %gather3A_715 : memref<8192xf32, #tpu.memory_space<vmem>>[vector<16xi32>], vector<16xf32>,
          %add3A_718 = vector.broadcast %scan3A_682 : i32 to vector<16xi32>
          %add3A_719 = arith.addi %add3A_436, %add3A_718 : vector<16xi32>
          %gather3A_720 = tpu.vector_load_idx %arg7[%broadcast_in_dim3A_8, %add3A_719] : memref<16x512xf32, #tpu.memory_space<vmem>>[vector<16xi32>, vector<16xi32>], vector<16xf32>,
          %add3A_721 = vector.broadcast %scan3A_683 : i32 to vector<16xi32>
          %add3A_722 = arith.addi %add3A_500, %add3A_721 : vector<16xi32>
          tpu.vector_store_idx %arg11[%add3A_722], %gather3A_720 : memref<8192xf32, #tpu.memory_space<vmem>>[vector<16xi32>], vector<16xf32>,
          %add3A_723 = vector.broadcast %scan3A_682 : i32 to vector<16xi32>
          %add3A_724 = arith.addi %add3A_440, %add3A_723 : vector<16xi32>
          %gather3A_725 = tpu.vector_load_idx %arg7[%broadcast_in_dim3A_8, %add3A_724] : memref<16x512xf32, #tpu.memory_space<vmem>>[vector<16xi32>, vector<16xi32>], vector<16xf32>,
          %add3A_726 = vector.broadcast %scan3A_683 : i32 to vector<16xi32>
          %add3A_727 = arith.addi %add3A_504, %add3A_726 : vector<16xi32>
          tpu.vector_store_idx %arg11[%add3A_727], %gather3A_725 : memref<8192xf32, #tpu.memory_space<vmem>>[vector<16xi32>], vector<16xf32>,
          %add3A_728 = vector.broadcast %scan3A_682 : i32 to vector<16xi32>
          %add3A_729 = arith.addi %add3A_444, %add3A_728 : vector<16xi32>
          %gather3A_730 = tpu.vector_load_idx %arg7[%broadcast_in_dim3A_8, %add3A_729] : memref<16x512xf32, #tpu.memory_space<vmem>>[vector<16xi32>, vector<16xi32>], vector<16xf32>,
          %add3A_731 = vector.broadcast %scan3A_683 : i32 to vector<16xi32>
          %add3A_732 = arith.addi %add3A_508, %add3A_731 : vector<16xi32>
          tpu.vector_store_idx %arg11[%add3A_732], %gather3A_730 : memref<8192xf32, #tpu.memory_space<vmem>>[vector<16xi32>], vector<16xf32>,
          %add3A_733 = vector.broadcast %scan3A_682 : i32 to vector<16xi32>
          %add3A_734 = arith.addi %add3A_448, %add3A_733 : vector<16xi32>
          %gather3A_735 = tpu.vector_load_idx %arg7[%broadcast_in_dim3A_8, %add3A_734] : memref<16x512xf32, #tpu.memory_space<vmem>>[vector<16xi32>, vector<16xi32>], vector<16xf32>,
          %add3A_736 = vector.broadcast %scan3A_683 : i32 to vector<16xi32>
          %add3A_737 = arith.addi %add3A_512, %add3A_736 : vector<16xi32>
          tpu.vector_store_idx %arg11[%add3A_737], %gather3A_735 : memref<8192xf32, #tpu.memory_space<vmem>>[vector<16xi32>], vector<16xf32>,
          %add3A_738 = vector.broadcast %scan3A_682 : i32 to vector<16xi32>
          %add3A_739 = arith.addi %add3A_452, %add3A_738 : vector<16xi32>
          %gather3A_740 = tpu.vector_load_idx %arg7[%broadcast_in_dim3A_8, %add3A_739] : memref<16x512xf32, #tpu.memory_space<vmem>>[vector<16xi32>, vector<16xi32>], vector<16xf32>,
          %add3A_741 = vector.broadcast %scan3A_683 : i32 to vector<16xi32>
          %add3A_742 = arith.addi %add3A_516, %add3A_741 : vector<16xi32>
          tpu.vector_store_idx %arg11[%add3A_742], %gather3A_740 : memref<8192xf32, #tpu.memory_space<vmem>>[vector<16xi32>], vector<16xf32>,
          %add3A_743 = vector.broadcast %scan3A_682 : i32 to vector<16xi32>
          %add3A_744 = arith.addi %add3A_456, %add3A_743 : vector<16xi32>
          %gather3A_745 = tpu.vector_load_idx %arg7[%broadcast_in_dim3A_8, %add3A_744] : memref<16x512xf32, #tpu.memory_space<vmem>>[vector<16xi32>, vector<16xi32>], vector<16xf32>,
          %add3A_746 = vector.broadcast %scan3A_683 : i32 to vector<16xi32>
          %add3A_747 = arith.addi %add3A_520, %add3A_746 : vector<16xi32>
          tpu.vector_store_idx %arg11[%add3A_747], %gather3A_745 : memref<8192xf32, #tpu.memory_space<vmem>>[vector<16xi32>], vector<16xf32>,
          %add3A_748 = vector.broadcast %scan3A_682 : i32 to vector<16xi32>
          %add3A_749 = arith.addi %add3A_460, %add3A_748 : vector<16xi32>
          %gather3A_750 = tpu.vector_load_idx %arg7[%broadcast_in_dim3A_8, %add3A_749] : memref<16x512xf32, #tpu.memory_space<vmem>>[vector<16xi32>, vector<16xi32>], vector<16xf32>,
          %add3A_751 = vector.broadcast %scan3A_683 : i32 to vector<16xi32>
          %add3A_752 = arith.addi %add3A_524, %add3A_751 : vector<16xi32>
          tpu.vector_store_idx %arg11[%add3A_752], %gather3A_750 : memref<8192xf32, #tpu.memory_space<vmem>>[vector<16xi32>], vector<16xf32>,
          %add3A_753 = vector.broadcast %scan3A_682 : i32 to vector<16xi32>
          %add3A_754 = arith.addi %add3A_464, %add3A_753 : vector<16xi32>
          %gather3A_755 = tpu.vector_load_idx %arg7[%broadcast_in_dim3A_8, %add3A_754] : memref<16x512xf32, #tpu.memory_space<vmem>>[vector<16xi32>, vector<16xi32>], vector<16xf32>,
          %add3A_756 = vector.broadcast %scan3A_683 : i32 to vector<16xi32>
          %add3A_757 = arith.addi %add3A_528, %add3A_756 : vector<16xi32>
          tpu.vector_store_idx %arg11[%add3A_757], %gather3A_755 : memref<8192xf32, #tpu.memory_space<vmem>>[vector<16xi32>], vector<16xf32>,
          %add3A_758 = vector.broadcast %scan3A_682 : i32 to vector<16xi32>
          %add3A_759 = arith.addi %add3A_468, %add3A_758 : vector<16xi32>
          %gather3A_760 = tpu.vector_load_idx %arg7[%broadcast_in_dim3A_8, %add3A_759] : memref<16x512xf32, #tpu.memory_space<vmem>>[vector<16xi32>, vector<16xi32>], vector<16xf32>,
          %add3A_761 = vector.broadcast %scan3A_683 : i32 to vector<16xi32>
          %add3A_762 = arith.addi %add3A_532, %add3A_761 : vector<16xi32>
          tpu.vector_store_idx %arg11[%add3A_762], %gather3A_760 : memref<8192xf32, #tpu.memory_space<vmem>>[vector<16xi32>], vector<16xf32>,
          %add3A_763 = arith.constant 16 : i32
          %add3A_764 = arith.addi %scan3A_682, %add3A_763 : i32
          %add3A_765 = arith.constant 256 : i32
          %add3A_766 = arith.addi %scan3A_683, %add3A_765 : i32
          scf.yield %add3A_764, %add3A_766 : i32, i32
        }
        %scan3A_669 = arith.constant 32 : i32
        %mul3A_670 = arith.constant 8192 : i32
        %mul3A_671 = arith.muli %add3A_652, %mul3A_670 : i32
        %multiple_of3A_672 = tpu.assume_multiple %mul3A_671, 8192 : i32
        %dma_start3A_673 = tpu.memref_slice %arg3[%multiple_of3A_672] : memref<16000000xf32, #tpu.memory_space<hbm>> -> memref<8192xf32, #tpu.memory_space<hbm>>
        %dma_start3A_674 = tpu.memref_slice %arg3[%multiple_of3A_672] : memref<16000000xf32, #tpu.memory_space<hbm>> -> memref<8192xf32, #tpu.memory_space<hbm>>
        tpu.enqueue_dma source(%arg11 : memref<8192xf32, #tpu.memory_space<vmem>>) target(%dma_start3A_674 : memref<8192xf32, #tpu.memory_space<hbm>>) target_semaphore(%arg19 : memref<!tpu.dma_semaphore, #tpu.memory_space<semaphore_mem>>)
        %add3A_675 = arith.constant 4 : i32
        %add3A_676 = arith.addi %add3A_645, %add3A_675 : i32
        %lt3A_677 = arith.cmpi slt, %add3A_676, %add3A_4 : i32
        %convert_element_type3A_678 = arith.extui %lt3A_677 : i1 to i32
        %cond3A_679 = arith.constant 0 : i32
        %cond3A_680 = arith.cmpi ne, %convert_element_type3A_678, %cond3A_679 : i32
        scf.if %cond3A_680 {
          %add3A_681 = arith.constant 128 : i32
          %add3A_682 = arith.addi %add3A_652, %add3A_681 : i32
          %mul3A_683 = arith.constant 512 : i32
          %mul3A_684 = arith.muli %add3A_682, %mul3A_683 : i32
          %multiple_of3A_685 = tpu.assume_multiple %mul3A_684, 512 : i32
          %dma_start3A_686 = arith.constant 0 : i32
          %dma_start3A_687 = tpu.memref_slice %arg2[%dma_start3A_686, %multiple_of3A_685] : memref<16x1000000xf32, #tpu.memory_space<hbm>> -> memref<16x512xf32, #tpu.memory_space<hbm>>
          %dma_start3A_688 = arith.constant 0 : i32
          %dma_start3A_689 = tpu.memref_slice %arg2[%dma_start3A_688, %multiple_of3A_685] : memref<16x1000000xf32, #tpu.memory_space<hbm>> -> memref<16x512xf32, #tpu.memory_space<hbm>>
          tpu.enqueue_dma source(%dma_start3A_689 : memref<16x512xf32, #tpu.memory_space<hbm>>) target(%arg7 : memref<16x512xf32, #tpu.memory_space<vmem>>) target_semaphore(%arg15 : memref<!tpu.dma_semaphore, #tpu.memory_space<semaphore_mem>>)
        } else {
        }
      } else {
      }
    }
    %dma_wait3A = arith.constant 0 : i32
    %dma_wait3A_599 = tpu.memref_slice %arg3[%dma_wait3A] : memref<16000000xf32, #tpu.memory_space<hbm>> -> memref<8192xf32, #tpu.memory_space<hbm>>
    %dma_wait3A_600 = arith.constant 0 : i32
    %dma_wait3A_601 = tpu.memref_slice %arg3[%dma_wait3A_600] : memref<16000000xf32, #tpu.memory_space<hbm>> -> memref<8192xf32, #tpu.memory_space<hbm>>
    tpu.wait_dma2 semaphore(%arg16 : memref<!tpu.dma_semaphore, #tpu.memory_space<semaphore_mem>>) src(%arg8 : memref<8192xf32, #tpu.memory_space<vmem>>) dst(%dma_wait3A_601 : memref<8192xf32, #tpu.memory_space<hbm>>)
    %dma_wait3A_602 = arith.constant 0 : i32
    %dma_wait3A_603 = tpu.memref_slice %arg3[%dma_wait3A_602] : memref<16000000xf32, #tpu.memory_space<hbm>> -> memref<8192xf32, #tpu.memory_space<hbm>>
    %dma_wait3A_604 = arith.constant 0 : i32
    %dma_wait3A_605 = tpu.memref_slice %arg3[%dma_wait3A_604] : memref<16000000xf32, #tpu.memory_space<hbm>> -> memref<8192xf32, #tpu.memory_space<hbm>>
    tpu.wait_dma2 semaphore(%arg17 : memref<!tpu.dma_semaphore, #tpu.memory_space<semaphore_mem>>) src(%arg9 : memref<8192xf32, #tpu.memory_space<vmem>>) dst(%dma_wait3A_605 : memref<8192xf32, #tpu.memory_space<hbm>>)
    %dma_wait3A_606 = arith.constant 0 : i32
    %dma_wait3A_607 = tpu.memref_slice %arg3[%dma_wait3A_606] : memref<16000000xf32, #tpu.memory_space<hbm>> -> memref<8192xf32, #tpu.memory_space<hbm>>
    %dma_wait3A_608 = arith.constant 0 : i32
    %dma_wait3A_609 = tpu.memref_slice %arg3[%dma_wait3A_608] : memref<16000000xf32, #tpu.memory_space<hbm>> -> memref<8192xf32, #tpu.memory_space<hbm>>
    tpu.wait_dma2 semaphore(%arg18 : memref<!tpu.dma_semaphore, #tpu.memory_space<semaphore_mem>>) src(%arg10 : memref<8192xf32, #tpu.memory_space<vmem>>) dst(%dma_wait3A_609 : memref<8192xf32, #tpu.memory_space<hbm>>)
    %dma_wait3A_610 = arith.constant 0 : i32
    %dma_wait3A_611 = tpu.memref_slice %arg3[%dma_wait3A_610] : memref<16000000xf32, #tpu.memory_space<hbm>> -> memref<8192xf32, #tpu.memory_space<hbm>>
    %dma_wait3A_612 = arith.constant 0 : i32
    %dma_wait3A_613 = tpu.memref_slice %arg3[%dma_wait3A_612] : memref<16000000xf32, #tpu.memory_space<hbm>> -> memref<8192xf32, #tpu.memory_space<hbm>>
    tpu.wait_dma2 semaphore(%arg19 : memref<!tpu.dma_semaphore, #tpu.memory_space<semaphore_mem>>) src(%arg11 : memref<8192xf32, #tpu.memory_space<vmem>>) dst(%dma_wait3A_613 : memref<8192xf32, #tpu.memory_space<hbm>>)
    %eq3A_614 = arith.constant 31 : i32
    %eq3A_615 = arith.cmpi eq, %add3A, %eq3A_614 : i32
    %convert_element_type3A = arith.extui %eq3A_615 : i1 to i32
    %cond3A = arith.constant 0 : i32
    %cond3A_616 = arith.cmpi ne, %convert_element_type3A, %cond3A : i32
    scf.if %cond3A_616 {
      %multiple_of3A_617 = arith.constant 999936 : i32
      %multiple_of3A_618 = tpu.assume_multiple %multiple_of3A_617, 128 : i32
      "tpu.region"() ({
        %run_scoped3A = tpu.sem_alloc : memref<!tpu.dma_semaphore, #tpu.memory_space<semaphore_mem>>
        %dma_start3A_626 = arith.constant 0 : i32
        %dma_start3A_627 = arith.constant 0 : i32
        %dma_start3A_628 = tpu.memref_slice %arg4[%dma_start3A_626, %dma_start3A_627] : memref<16x512xf32, #tpu.memory_space<vmem>> -> memref<16x128xf32, #tpu.memory_space<vmem>>
        %dma_start3A_629 = arith.constant 0 : i32
        %dma_start3A_630 = tpu.memref_slice %arg2[%dma_start3A_629, %multiple_of3A_618] : memref<16x1000000xf32, #tpu.memory_space<hbm>> -> memref<16x128xf32, #tpu.memory_space<hbm>>
        %dma_start3A_631 = arith.constant 0 : i32
        %dma_start3A_632 = arith.constant 0 : i32
        %dma_start3A_633 = tpu.memref_slice %arg4[%dma_start3A_631, %dma_start3A_632] : memref<16x512xf32, #tpu.memory_space<vmem>> -> memref<16x128xf32, #tpu.memory_space<vmem>>
        %dma_start3A_634 = arith.constant 0 : i32
        %dma_start3A_635 = tpu.memref_slice %arg2[%dma_start3A_634, %multiple_of3A_618] : memref<16x1000000xf32, #tpu.memory_space<hbm>> -> memref<16x128xf32, #tpu.memory_space<hbm>>
        tpu.enqueue_dma source(%dma_start3A_635 : memref<16x128xf32, #tpu.memory_space<hbm>>) target(%dma_start3A_633 : memref<16x128xf32, #tpu.memory_space<vmem>>) target_semaphore(%run_scoped3A : memref<!tpu.dma_semaphore, #tpu.memory_space<semaphore_mem>>)
        %dma_wait3A_636 = arith.constant 0 : i32
        %dma_wait3A_637 = arith.constant 0 : i32
        %dma_wait3A_638 = tpu.memref_slice %arg4[%dma_wait3A_636, %dma_wait3A_637] : memref<16x512xf32, #tpu.memory_space<vmem>> -> memref<16x128xf32, #tpu.memory_space<vmem>>
        %dma_wait3A_639 = arith.constant 0 : i32
        %dma_wait3A_640 = tpu.memref_slice %arg2[%dma_wait3A_639, %multiple_of3A_618] : memref<16x1000000xf32, #tpu.memory_space<hbm>> -> memref<16x128xf32, #tpu.memory_space<hbm>>
        %dma_wait3A_641 = arith.constant 0 : i32
        %dma_wait3A_642 = arith.constant 0 : i32
        %dma_wait3A_643 = tpu.memref_slice %arg4[%dma_wait3A_641, %dma_wait3A_642] : memref<16x512xf32, #tpu.memory_space<vmem>> -> memref<16x128xf32, #tpu.memory_space<vmem>>
        %dma_wait3A_644 = arith.constant 0 : i32
        %dma_wait3A_645 = tpu.memref_slice %arg2[%dma_wait3A_644, %multiple_of3A_618] : memref<16x1000000xf32, #tpu.memory_space<hbm>> -> memref<16x128xf32, #tpu.memory_space<hbm>>
        tpu.wait_dma2 semaphore(%run_scoped3A : memref<!tpu.dma_semaphore, #tpu.memory_space<semaphore_mem>>) src(%dma_wait3A_645 : memref<16x128xf32, #tpu.memory_space<hbm>>) dst(%dma_wait3A_643 : memref<16x128xf32, #tpu.memory_space<vmem>>)
        tpu.yield
      }) : () -> ()
      %scan3A = arith.constant 0 : i32
      %scan3A_619 = arith.constant 0 : i32
      %scan3A_620 = arith.constant 0 : i32
      %scan3A_621 = arith.constant 4 : i32
      %scan3A_622 = arith.addi %scan3A_620, %scan3A_621 : i32
      %scan3A_623 = arith.constant 1 : i32
      %scan3A_624:2 = scf.for %scan3A_626 = %scan3A_620 to %scan3A_622 step %scan3A_623 iter_args(%scan3A_627 = %scan3A, %scan3A_628 = %scan3A_619) -> (i32, i32)  : i32 {
        %add3A_629 = vector.broadcast %scan3A_627 : i32 to vector<16xi32>
        %add3A_630 = arith.addi %add3A_408, %add3A_629 : vector<16xi32>
        %gather3A = tpu.vector_load_idx %arg4[%broadcast_in_dim3A_8, %add3A_630] : memref<16x512xf32, #tpu.memory_space<vmem>>[vector<16xi32>, vector<16xi32>], vector<16xf32>,
        %add3A_631 = vector.broadcast %scan3A_628 : i32 to vector<16xi32>
        %add3A_632 = arith.addi %add3A_472, %add3A_631 : vector<16xi32>
        tpu.vector_store_idx %arg8[%add3A_632], %gather3A : memref<8192xf32, #tpu.memory_space<vmem>>[vector<16xi32>], vector<16xf32>,
        %add3A_633 = vector.broadcast %scan3A_627 : i32 to vector<16xi32>
        %add3A_634 = arith.addi %add3A_412, %add3A_633 : vector<16xi32>
        %gather3A_635 = tpu.vector_load_idx %arg4[%broadcast_in_dim3A_8, %add3A_634] : memref<16x512xf32, #tpu.memory_space<vmem>>[vector<16xi32>, vector<16xi32>], vector<16xf32>,
        %add3A_636 = vector.broadcast %scan3A_628 : i32 to vector<16xi32>
        %add3A_637 = arith.addi %add3A_476, %add3A_636 : vector<16xi32>
        tpu.vector_store_idx %arg8[%add3A_637], %gather3A_635 : memref<8192xf32, #tpu.memory_space<vmem>>[vector<16xi32>], vector<16xf32>,
        %add3A_638 = vector.broadcast %scan3A_627 : i32 to vector<16xi32>
        %add3A_639 = arith.addi %add3A_416, %add3A_638 : vector<16xi32>
        %gather3A_640 = tpu.vector_load_idx %arg4[%broadcast_in_dim3A_8, %add3A_639] : memref<16x512xf32, #tpu.memory_space<vmem>>[vector<16xi32>, vector<16xi32>], vector<16xf32>,
        %add3A_641 = vector.broadcast %scan3A_628 : i32 to vector<16xi32>
        %add3A_642 = arith.addi %add3A_480, %add3A_641 : vector<16xi32>
        tpu.vector_store_idx %arg8[%add3A_642], %gather3A_640 : memref<8192xf32, #tpu.memory_space<vmem>>[vector<16xi32>], vector<16xf32>,
        %add3A_643 = vector.broadcast %scan3A_627 : i32 to vector<16xi32>
        %add3A_644 = arith.addi %add3A_420, %add3A_643 : vector<16xi32>
        %gather3A_645 = tpu.vector_load_idx %arg4[%broadcast_in_dim3A_8, %add3A_644] : memref<16x512xf32, #tpu.memory_space<vmem>>[vector<16xi32>, vector<16xi32>], vector<16xf32>,
        %add3A_646 = vector.broadcast %scan3A_628 : i32 to vector<16xi32>
        %add3A_647 = arith.addi %add3A_484, %add3A_646 : vector<16xi32>
        tpu.vector_store_idx %arg8[%add3A_647], %gather3A_645 : memref<8192xf32, #tpu.memory_space<vmem>>[vector<16xi32>], vector<16xf32>,
        %add3A_648 = vector.broadcast %scan3A_627 : i32 to vector<16xi32>
        %add3A_649 = arith.addi %add3A_424, %add3A_648 : vector<16xi32>
        %gather3A_650 = tpu.vector_load_idx %arg4[%broadcast_in_dim3A_8, %add3A_649] : memref<16x512xf32, #tpu.memory_space<vmem>>[vector<16xi32>, vector<16xi32>], vector<16xf32>,
        %add3A_651 = vector.broadcast %scan3A_628 : i32 to vector<16xi32>
        %add3A_652 = arith.addi %add3A_488, %add3A_651 : vector<16xi32>
        tpu.vector_store_idx %arg8[%add3A_652], %gather3A_650 : memref<8192xf32, #tpu.memory_space<vmem>>[vector<16xi32>], vector<16xf32>,
        %add3A_653 = vector.broadcast %scan3A_627 : i32 to vector<16xi32>
        %add3A_654 = arith.addi %add3A_428, %add3A_653 : vector<16xi32>
        %gather3A_655 = tpu.vector_load_idx %arg4[%broadcast_in_dim3A_8, %add3A_654] : memref<16x512xf32, #tpu.memory_space<vmem>>[vector<16xi32>, vector<16xi32>], vector<16xf32>,
        %add3A_656 = vector.broadcast %scan3A_628 : i32 to vector<16xi32>
        %add3A_657 = arith.addi %add3A_492, %add3A_656 : vector<16xi32>
        tpu.vector_store_idx %arg8[%add3A_657], %gather3A_655 : memref<8192xf32, #tpu.memory_space<vmem>>[vector<16xi32>], vector<16xf32>,
        %add3A_658 = vector.broadcast %scan3A_627 : i32 to vector<16xi32>
        %add3A_659 = arith.addi %add3A_432, %add3A_658 : vector<16xi32>
        %gather3A_660 = tpu.vector_load_idx %arg4[%broadcast_in_dim3A_8, %add3A_659] : memref<16x512xf32, #tpu.memory_space<vmem>>[vector<16xi32>, vector<16xi32>], vector<16xf32>,
        %add3A_661 = vector.broadcast %scan3A_628 : i32 to vector<16xi32>
        %add3A_662 = arith.addi %add3A_496, %add3A_661 : vector<16xi32>
        tpu.vector_store_idx %arg8[%add3A_662], %gather3A_660 : memref<8192xf32, #tpu.memory_space<vmem>>[vector<16xi32>], vector<16xf32>,
        %add3A_663 = vector.broadcast %scan3A_627 : i32 to vector<16xi32>
        %add3A_664 = arith.addi %add3A_436, %add3A_663 : vector<16xi32>
        %gather3A_665 = tpu.vector_load_idx %arg4[%broadcast_in_dim3A_8, %add3A_664] : memref<16x512xf32, #tpu.memory_space<vmem>>[vector<16xi32>, vector<16xi32>], vector<16xf32>,
        %add3A_666 = vector.broadcast %scan3A_628 : i32 to vector<16xi32>
        %add3A_667 = arith.addi %add3A_500, %add3A_666 : vector<16xi32>
        tpu.vector_store_idx %arg8[%add3A_667], %gather3A_665 : memref<8192xf32, #tpu.memory_space<vmem>>[vector<16xi32>], vector<16xf32>,
        %add3A_668 = vector.broadcast %scan3A_627 : i32 to vector<16xi32>
        %add3A_669 = arith.addi %add3A_440, %add3A_668 : vector<16xi32>
        %gather3A_670 = tpu.vector_load_idx %arg4[%broadcast_in_dim3A_8, %add3A_669] : memref<16x512xf32, #tpu.memory_space<vmem>>[vector<16xi32>, vector<16xi32>], vector<16xf32>,
        %add3A_671 = vector.broadcast %scan3A_628 : i32 to vector<16xi32>
        %add3A_672 = arith.addi %add3A_504, %add3A_671 : vector<16xi32>
        tpu.vector_store_idx %arg8[%add3A_672], %gather3A_670 : memref<8192xf32, #tpu.memory_space<vmem>>[vector<16xi32>], vector<16xf32>,
        %add3A_673 = vector.broadcast %scan3A_627 : i32 to vector<16xi32>
        %add3A_674 = arith.addi %add3A_444, %add3A_673 : vector<16xi32>
        %gather3A_675 = tpu.vector_load_idx %arg4[%broadcast_in_dim3A_8, %add3A_674] : memref<16x512xf32, #tpu.memory_space<vmem>>[vector<16xi32>, vector<16xi32>], vector<16xf32>,
        %add3A_676 = vector.broadcast %scan3A_628 : i32 to vector<16xi32>
        %add3A_677 = arith.addi %add3A_508, %add3A_676 : vector<16xi32>
        tpu.vector_store_idx %arg8[%add3A_677], %gather3A_675 : memref<8192xf32, #tpu.memory_space<vmem>>[vector<16xi32>], vector<16xf32>,
        %add3A_678 = vector.broadcast %scan3A_627 : i32 to vector<16xi32>
        %add3A_679 = arith.addi %add3A_448, %add3A_678 : vector<16xi32>
        %gather3A_680 = tpu.vector_load_idx %arg4[%broadcast_in_dim3A_8, %add3A_679] : memref<16x512xf32, #tpu.memory_space<vmem>>[vector<16xi32>, vector<16xi32>], vector<16xf32>,
        %add3A_681 = vector.broadcast %scan3A_628 : i32 to vector<16xi32>
        %add3A_682 = arith.addi %add3A_512, %add3A_681 : vector<16xi32>
        tpu.vector_store_idx %arg8[%add3A_682], %gather3A_680 : memref<8192xf32, #tpu.memory_space<vmem>>[vector<16xi32>], vector<16xf32>,
        %add3A_683 = vector.broadcast %scan3A_627 : i32 to vector<16xi32>
        %add3A_684 = arith.addi %add3A_452, %add3A_683 : vector<16xi32>
        %gather3A_685 = tpu.vector_load_idx %arg4[%broadcast_in_dim3A_8, %add3A_684] : memref<16x512xf32, #tpu.memory_space<vmem>>[vector<16xi32>, vector<16xi32>], vector<16xf32>,
        %add3A_686 = vector.broadcast %scan3A_628 : i32 to vector<16xi32>
        %add3A_687 = arith.addi %add3A_516, %add3A_686 : vector<16xi32>
        tpu.vector_store_idx %arg8[%add3A_687], %gather3A_685 : memref<8192xf32, #tpu.memory_space<vmem>>[vector<16xi32>], vector<16xf32>,
        %add3A_688 = vector.broadcast %scan3A_627 : i32 to vector<16xi32>
        %add3A_689 = arith.addi %add3A_456, %add3A_688 : vector<16xi32>
        %gather3A_690 = tpu.vector_load_idx %arg4[%broadcast_in_dim3A_8, %add3A_689] : memref<16x512xf32, #tpu.memory_space<vmem>>[vector<16xi32>, vector<16xi32>], vector<16xf32>,
        %add3A_691 = vector.broadcast %scan3A_628 : i32 to vector<16xi32>
        %add3A_692 = arith.addi %add3A_520, %add3A_691 : vector<16xi32>
        tpu.vector_store_idx %arg8[%add3A_692], %gather3A_690 : memref<8192xf32, #tpu.memory_space<vmem>>[vector<16xi32>], vector<16xf32>,
        %add3A_693 = vector.broadcast %scan3A_627 : i32 to vector<16xi32>
        %add3A_694 = arith.addi %add3A_460, %add3A_693 : vector<16xi32>
        %gather3A_695 = tpu.vector_load_idx %arg4[%broadcast_in_dim3A_8, %add3A_694] : memref<16x512xf32, #tpu.memory_space<vmem>>[vector<16xi32>, vector<16xi32>], vector<16xf32>,
        %add3A_696 = vector.broadcast %scan3A_628 : i32 to vector<16xi32>
        %add3A_697 = arith.addi %add3A_524, %add3A_696 : vector<16xi32>
        tpu.vector_store_idx %arg8[%add3A_697], %gather3A_695 : memref<8192xf32, #tpu.memory_space<vmem>>[vector<16xi32>], vector<16xf32>,
        %add3A_698 = vector.broadcast %scan3A_627 : i32 to vector<16xi32>
        %add3A_699 = arith.addi %add3A_464, %add3A_698 : vector<16xi32>
        %gather3A_700 = tpu.vector_load_idx %arg4[%broadcast_in_dim3A_8, %add3A_699] : memref<16x512xf32, #tpu.memory_space<vmem>>[vector<16xi32>, vector<16xi32>], vector<16xf32>,
        %add3A_701 = vector.broadcast %scan3A_628 : i32 to vector<16xi32>
        %add3A_702 = arith.addi %add3A_528, %add3A_701 : vector<16xi32>
        tpu.vector_store_idx %arg8[%add3A_702], %gather3A_700 : memref<8192xf32, #tpu.memory_space<vmem>>[vector<16xi32>], vector<16xf32>,
        %add3A_703 = vector.broadcast %scan3A_627 : i32 to vector<16xi32>
        %add3A_704 = arith.addi %add3A_468, %add3A_703 : vector<16xi32>
        %gather3A_705 = tpu.vector_load_idx %arg4[%broadcast_in_dim3A_8, %add3A_704] : memref<16x512xf32, #tpu.memory_space<vmem>>[vector<16xi32>, vector<16xi32>], vector<16xf32>,
        %add3A_706 = vector.broadcast %scan3A_628 : i32 to vector<16xi32>
        %add3A_707 = arith.addi %add3A_532, %add3A_706 : vector<16xi32>
        tpu.vector_store_idx %arg8[%add3A_707], %gather3A_705 : memref<8192xf32, #tpu.memory_space<vmem>>[vector<16xi32>], vector<16xf32>,
        %add3A_708 = arith.constant 16 : i32
        %add3A_709 = arith.addi %scan3A_627, %add3A_708 : i32
        %add3A_710 = arith.constant 256 : i32
        %add3A_711 = arith.addi %scan3A_628, %add3A_710 : i32
        scf.yield %add3A_709, %add3A_711 : i32, i32
      }
      %scan3A_625 = arith.constant 4 : i32
      "tpu.region"() ({
        %run_scoped3A = tpu.sem_alloc : memref<!tpu.dma_semaphore, #tpu.memory_space<semaphore_mem>>
        %dma_start3A_626 = arith.constant 0 : i32
        %dma_start3A_627 = tpu.memref_slice %arg8[%dma_start3A_626] : memref<8192xf32, #tpu.memory_space<vmem>> -> memref<1024xf32, #tpu.memory_space<vmem>>
        %dma_start3A_628 = arith.constant 15998976 : i32
        %dma_start3A_629 = tpu.memref_slice %arg3[%dma_start3A_628] : memref<16000000xf32, #tpu.memory_space<hbm>> -> memref<1024xf32, #tpu.memory_space<hbm>>
        %dma_start3A_630 = arith.constant 15998976 : i32
        %dma_start3A_631 = tpu.memref_slice %arg3[%dma_start3A_630] : memref<16000000xf32, #tpu.memory_space<hbm>> -> memref<1024xf32, #tpu.memory_space<hbm>>
        %dma_start3A_632 = arith.constant 0 : i32
        %dma_start3A_633 = tpu.memref_slice %arg8[%dma_start3A_632] : memref<8192xf32, #tpu.memory_space<vmem>> -> memref<1024xf32, #tpu.memory_space<vmem>>
        tpu.enqueue_dma source(%dma_start3A_633 : memref<1024xf32, #tpu.memory_space<vmem>>) target(%dma_start3A_631 : memref<1024xf32, #tpu.memory_space<hbm>>) target_semaphore(%run_scoped3A : memref<!tpu.dma_semaphore, #tpu.memory_space<semaphore_mem>>)
        %dma_wait3A_634 = arith.constant 0 : i32
        %dma_wait3A_635 = tpu.memref_slice %arg8[%dma_wait3A_634] : memref<8192xf32, #tpu.memory_space<vmem>> -> memref<1024xf32, #tpu.memory_space<vmem>>
        %dma_wait3A_636 = arith.constant 15998976 : i32
        %dma_wait3A_637 = tpu.memref_slice %arg3[%dma_wait3A_636] : memref<16000000xf32, #tpu.memory_space<hbm>> -> memref<1024xf32, #tpu.memory_space<hbm>>
        %dma_wait3A_638 = arith.constant 15998976 : i32
        %dma_wait3A_639 = tpu.memref_slice %arg3[%dma_wait3A_638] : memref<16000000xf32, #tpu.memory_space<hbm>> -> memref<1024xf32, #tpu.memory_space<hbm>>
        %dma_wait3A_640 = arith.constant 0 : i32
        %dma_wait3A_641 = tpu.memref_slice %arg8[%dma_wait3A_640] : memref<8192xf32, #tpu.memory_space<vmem>> -> memref<1024xf32, #tpu.memory_space<vmem>>
        tpu.wait_dma2 semaphore(%run_scoped3A : memref<!tpu.dma_semaphore, #tpu.memory_space<semaphore_mem>>) src(%dma_wait3A_641 : memref<1024xf32, #tpu.memory_space<vmem>>) dst(%dma_wait3A_639 : memref<1024xf32, #tpu.memory_space<hbm>>)
        tpu.yield
      }) : () -> ()
    } else {
    }
    return
  }
}

</mosaic_0001>

<sc_bundles>
// kernel: kernel.4.cloned.1.call-start
scs
__scs_entry_jumppad:
0x0: {  	(pc) =	sbr.rel $0x88, $3  }
0x1: {  	(tag) =	ssettag $0x0;
	lr =	simm.s32 $0x1  }
0x2: {  	[smem:$0x3F9F] =	sst lr;
	_ =	strace $0xD0000000  }
0x3: {  	_ = 	snop  }
0x4: {  	_ = 	snop  }
0x5: {  	_ = 	snop  }
0x6: {  	_ = 	snop  }
0x7: {  	_ = 	snop  }
__scs_overlays_trampoline_lowered:
0x8: {  	[smem:$0x3FAE] =	sst s0  }
0x9: {  	[smem:$0x3FAF] =	sst s1  }
0xa: {  	[smem:$0x3FB0] =	sst s2  }
0xb: {  	[smem:$0x3FB1] =	sst s3  }
0xc: {  	[smem:$0x3FB2] =	sst s4  }
0xd: {  	[smem:$0x3FB3] =	sst s5  }
0xe: {  	[smem:$0x3FB4] =	sst s6  }
0xf: {  	[smem:$0x3FB5] =	sst s7  }
0x10: {  	[smem:$0x3FB6] =	sst s8  }
0x11: {  	[smem:$0x3FB7] =	sst s9;
	s0 =	simm.s32 @!p0 $0x0  }
0x12: {  	s1 =	sld [smem:$0x3F9D];
	s0 =	simm.s32 @p0 $0x1  }
0x13: {  	[smem:$0x3FB8] =	sst s0;
	s0 =	simm.s32 @!p1 $0x0  }
0x14: {  	s2 =	sld [smem:$0x3F9C];
	s0 =	simm.s32 @p1 $0x1  }
0x15: {  	[smem:$0x3FB9] =	sst s0;
	s0 =	simm.s32 @!p2 $0x0  }
0x16: {  	s3 =	sld [smem:$0x3FDB];
	s0 =	simm.s32 @p2 $0x1  }
0x17: {  	s4 =	simm.s32 $0x1BF5;
	[smem:$0x3FBB] =	sst s0  }
0x18: {  	s0 =	sld [smem:$0x3F9E];
	_ =	swait.ge [sflag:s4], $0x0  }
0x19: {  	s7 =	sld [smem:$0x3F9F]  }
0x1a: {  	s8 =	sadd.s32 $0xFFFFE003, lr  }
0x1b: {  	s9 =	sadd.s32 $0xFFFFFEF7, lr;
	s5 =	simm.s32 $0xFFFFFFFF;
	p2 =	slt.u32 s8, $0xFFFFF086  }
0x1c: {  	p1 =	slt.u32 s9, $0xF7A;
	s5 =	simm.s32 @!p2 $0x0  }
0x1d: {  	s5 =	simm.s32 @p1 $0x1;
	p0 =	seq.s32 s7, s2  }
0x1e: {  	s7 =	smul.u32 @!p0 $0xF7A, s2;
	p2 =	seq.s32 @!p0 s5, $0x0  }
0x1f: {  	s9 =	smul.u32 $0xF7A, s1;
	s8 =	simm.s32 @!p0 $0x1BF5;
	p2 =	por !p2, p0  }
0x20: {  	[sflag:s8] =	ssyncset.s32 @!p0 $0xFFFFF086;
	s6 =	sadd.s32 @!p0 s3, s7;
	s7 =	simm.s32 @!p0 $0x108  }
0x21: {  	s3 =	sadd.s32 s3, s9;
	s6 =	sadd.s32 @!p0 $0x88, s6;
	s7 =	simm.s32 @p2 $0x1082  }
0x22: {  	[simem:s7], [sflag:s8] =	dma.local @!p0 [hbm:s6], $0xF7A  }
0x23: {  	s9 =	sor.u32 $0xD0000000, s2;
	s6 =	simm.s32 $0x108;
	_ =	swait.ge @!p0 [sflag:s8], $0x0  }
0x24: {  	s3 =	sadd.s32 $0x88, s3;
	s6 =	simm.s32 @!p1 $0x1082;
	[sflag:s4] =	ssyncset.s32 $0xFFFFF086  }
0x25: {  	[simem:s6], [sflag:s4] =	dma.local [hbm:s3], $0xF7A  }
0x26: {  	[smem:$0x3F9F] =	sst s1;
	(tag) =	ssettag s2;
	_ =	strace s9  }
0x27: {  	s1 =	sld [smem:$0x3FAF]  }
0x28: {  	s2 =	sld [smem:$0x3FB0]  }
0x29: {  	s4 =	sld [smem:$0x3FB2]  }
0x2a: {  	p0 =	seq.s32 s5, $0x0;
	s5 =	sld [smem:$0x3FB3]  }
0x2b: {  	s6 =	sld [smem:$0x3FB4]  }
0x2c: {  	s7 =	sld [smem:$0x3FB5]  }
0x2d: {  	s3 =	simm.s32 $0x108;
	s8 =	sld [smem:$0x3FB6]  }
0x2e: {  	s3 =	simm.s32 @!p0 $0x1082;
	s9 =	sld [smem:$0x3FB7]  }
0x2f: {  	lr =	sadd.s32 s0, s3;
	s0 =	sld [smem:$0x3FAE]  }
0x30: {  	s3 =	sld [smem:$0x3FB1]  }
0x31: {  	[smem:$0x3FBA] =	sst s10  }
0x32: {  	s10 =	sld [smem:$0x3FB8];
	_ =	sdelay $0x3  }
0x33: {  	p0 =	seq.s32 s10, $0x1;
	s10 =	sld [smem:$0x3FBA];
	_ =	sdelay $0x3  }
0x34: {  	[smem:$0x3FBA] =	sst s10  }
0x35: {  	s10 =	sld [smem:$0x3FB9];
	_ =	sdelay $0x3  }
0x36: {  	p1 =	seq.s32 s10, $0x1;
	s10 =	sld [smem:$0x3FBA];
	_ =	sdelay $0x3  }
0x37: {  	[smem:$0x3FBA] =	sst s10  }
0x38: {  	s10 =	sld [smem:$0x3FBB]  }
0x39: {  	_ = 	snop;
	(pc) =	sbr.ind lr, $3  }
0x3a: {  	_ = 	snop  }
0x3b: {  	_ = 	snop  }
0x3c: {  	p2 =	seq.s32 s10, $0x1;
	s10 =	sld [smem:$0x3FBA]  }
0x3d: {  	_ =	shalt  }
0x3e: {  	_ =	shalt  }
0x3f: {  	_ =	shalt  }
0x40: {  	_ =	shalt  }
0x41: {  	_ =	shalt  }
0x42: {  	_ =	shalt  }
0x43: {  	_ =	shalt  }
0x44: {  	_ =	shalt  }
0x45: {  	_ =	shalt  }
0x46: {  	_ =	shalt  }
0x47: {  	_ =	shalt  }
0x48: {  	_ =	shalt  }
0x49: {  	_ =	shalt  }
0x4a: {  	_ =	shalt  }
0x4b: {  	_ =	shalt  }
0x4c: {  	_ =	shalt  }
0x4d: {  	_ =	shalt  }
0x4e: {  	_ =	shalt  }
0x4f: {  	_ =	shalt  }
0x50: {  	_ =	shalt  }
0x51: {  	_ =	shalt  }
0x52: {  	_ =	shalt  }
0x53: {  	_ =	shalt  }
0x54: {  	_ =	shalt  }
0x55: {  	_ =	shalt  }
0x56: {  	_ =	shalt  }
0x57: {  	_ =	shalt  }
0x58: {  	_ =	shalt  }
0x59: {  	_ =	shalt  }
0x5a: {  	_ =	shalt  }
0x5b: {  	_ =	shalt  }
0x5c: {  	_ =	shalt  }
0x5d: {  	_ =	shalt  }
0x5e: {  	_ =	shalt  }
0x5f: {  	_ =	shalt  }
0x60: {  	_ =	shalt  }
0x61: {  	_ =	shalt  }
0x62: {  	_ =	shalt  }
0x63: {  	_ =	shalt  }
0x64: {  	_ =	shalt  }
0x65: {  	_ =	shalt  }
0x66: {  	_ =	shalt  }
0x67: {  	_ =	shalt  }
0x68: {  	_ =	shalt  }
0x69: {  	_ =	shalt  }
0x6a: {  	_ =	shalt  }
0x6b: {  	_ =	shalt  }
0x6c: {  	_ =	shalt  }
0x6d: {  	_ =	shalt  }
0x6e: {  	_ =	shalt  }
0x6f: {  	_ =	shalt  }
0x70: {  	_ =	shalt  }
0x71: {  	_ =	shalt  }
0x72: {  	_ =	shalt  }
0x73: {  	_ =	shalt  }
0x74: {  	_ =	shalt  }
0x75: {  	_ =	shalt  }
0x76: {  	_ =	shalt  }
0x77: {  	_ =	shalt  }
0x78: {  	_ =	shalt  }
0x79: {  	_ =	shalt  }
0x7a: {  	_ =	shalt  }
0x7b: {  	_ =	shalt  }
0x7c: {  	_ =	shalt  }
0x7d: {  	_ =	shalt  }
0x7e: {  	_ =	shalt  }
0x7f: {  	_ =	shalt  }
0x80: {  	_ =	shalt  }
0x81: {  	_ =	shalt  }
0x82: {  	_ =	shalt  }
0x83: {  	_ =	shalt  }
0x84: {  	_ =	shalt  }
0x85: {  	_ =	shalt  }
0x86: {  	_ =	shalt  }
0x87: {  	_ =	shalt  }
.Lfunc_end0:
.L_simem_size_0:
called_computation_lowered:
.L_overlay_start_0:
0x88: {  	s2 =	sld [smem:$0x3FD9]  }
0x89: {  	s3 =	sld [smem:$0x3FFE];
	_ =	sdelay $0x1  }
0x8a: {  	s1 =	srdreg.scid  }
0x8b: {  	s0 =	sand.u32 $0x1, s1  }
0x8c: {  	s17 =	sshll.u32 s0, $0xA;
	s2 =	sadd.s32 s3, s2  }
0x8d: {  	s2 =	sadd.s32 s2, s17  }
0x8e: {  	[smem:$0x3FC6] =	sst s2  }
0x8f: {  	_ = 	snop  }
0x90: {  	s2 =	sld [smem:$0x3FC8];
	(tm) =	ssettm $0x1  }
0x91: {  	s18 =	sld [smem:$0x3FFB];
	_ =	sdelay $0x3  }
0x92: {  	_ =	strace s18  }
0x93: {  	s3 =	sld [smem:$0x3FFC];
	_ =	sdelay $0x3  }
0x94: {  	_ =	strace s3  }
0x95: {  	s3 =	sld [smem:$0x3FFD];
	_ =	sdelay $0x3  }
0x96: {  	_ =	strace s3  }
0x97: {  	_ =	strace $0x8FFFFFFF  }
0x98: {  	s19 =	sld [smem:$0x3FDB];
	_ =	sdelay $0x1  }
0x99: {  	s4 =	simm.s32 $_scs_section_size  }
0x9a: {  	s5 =	simm.s32 $_size__tile_overlayer_lowered;
	s6 =	simm.s32 $_tile_overlayer_lowered  }
0x9b: {  	s22 =	simm.s32 $0x1BFF;
	s21 =	sshll.u32 s6, $0x1;
	s3 =	sadd.s32 s4, s19  }
0x9c: {  	s7 =	simm.s32 $0x0;
	s20 =	sshll.u32 s5, $0x1;
	s5 =	sadd.s32 s21, s3  }
0x9d: {  	[timem:s7], [sflag:s22] =	dma.local [hbm:s5], s20  }
0x9e: {  	_ =	swait.ge [sflag:s22], s20  }
0x9f: {  	s4 =	ssub.s32 $0x0, s20;
	[sflag:s22] =	ssyncset.done $0x0  }
0xa0: {  	[sflag:s22] =	ssyncadd.s32 s4;
	_ =	sdelay $0x1  }
0xa1: {  	s23 =	simm.s32 $0x1B8B  }
0xa2: {  	_ =	swait.ge [sflag:s23], $0x1  }
0xa3: {  	[sflag:s23] =	ssyncset.done $0x0  }
0xa4: {  	s25 =	simm.s32 $0x1B8E;
	s24 =	sld [smem:$0x3FFE];
	[sflag:s23] =	ssyncadd.s32 $0xFFFFFFFF  }
0xa5: {  	s26 =	simm.s32 $execute0_lowered;
	[smem:$0x3FD2] =	sst s25  }
0xa6: {  	s5 =	sshll.u32 s26, $0x1;
	_ =	strace $0x80000046;
	[dreg:$0x1] =	wrdreg $0xFFFFFFFF  }
0xa7: {  	s28 =	simm.s32 $_size_execute0_lowered;
	s3 =	sadd.s32 s3, s5;
	[dreg:$0x0] =	wrdreg $0x0  }
0xa8: {  	s5 =	sshll.u32 s28, $0x1;
	[dreg:$0x2] =	wrdreg s3  }
0xa9: {  	[dreg:$0x3] =	wrdreg s5  }
0xaa: {  	[dreg:$0x4] =	wrdreg $0xC0  }
0xab: {  	_ =	task [dreg:s7], $0x5FFFF  }
0xac: {  	[dreg:$0x1] =	wrdreg $0xFFFFFFFF  }
0xad: {  	[dreg:$0x0] =	wrdreg $0x60  }
0xae: {  	[dreg:$0x2] =	wrdreg s2  }
0xaf: {  	[dreg:$0x3] =	wrdreg s24  }
0xb0: {  	[dreg:$0x4] =	wrdreg $0x9  }
0xb1: {  	_ =	task.clear_ibuf [dreg:s7], $0x5FFFF;
	_ =	strace $0x90000046  }
0xb2: {  	s29 =	simm.s32 $0x9;
	_ =	strace $0x80000048  }
0xb3: {  	_ =	swait.ge [sflag:s29], $0x1  }
0xb4: {  	[sflag:s29] =	ssyncadd.s32 $0xFFFFFFFF  }
0xb5: {  	_ =	strace $0x90000048  }
0xb6: {  	_ =	sfence  }
0xb7: {  	s30 =	sld [smem:$0x0];
	_ =	sdelay $0x2  }
0xb8: {  	s31 =	sshll.u32 s1, $0xD;
	s1 =	sshrl.u32 s1, $0x2  }
0xb9: {  	s3 =	sand.u32 $0x4000, s31;
	s1 =	sadd.s32 s1, s30  }
0xba: {  	s0 =	sor.u32 s3, s0;
	s1 =	sshll.u32 s1, $0x11  }
0xbb: {  	s0 =	sor.u32 s1, s0  }
0xbc: {  	s0 =	sadd.s32 $0x8F2B, s0  }
0xbd: {  	[sflag:s0] =	ssyncadd.remote.s32 $0x1  }
0xbe: {  	_ =	sfence.sel $0xFFFF  }
0xbf: {  	[dreg:$0x0] =	wrdreg $0xFFFFFFFF;
	(pc) =	sbr.abs _section_cstart, $3  }
0xc0: {  	[dreg:$0x1] =	wrdreg $0xFFFFFFFF  }
0xc1: {  	_ =	task.clear_ibuf [dreg:s7], $0x2FFFF;
	_ =	strace $0x9FFFFFFF  }
0xc2: {  	(tm) =	ssettm $0x7FFFFFFF  }
0xc3: {  	_ =	shalt  }
tec
execute0_lowered:
.L_overlay_start_1:
0x0: {  	(tag) =	ssettag $0x1  }
0x1: {  	v0 =	vimm.s32 $0x1E00  }
0x2: {  	vm13 =	vcmask $0x300;
	vm12 =	vcmask $0x704;
	vm11 =	vcmask $0xB08  }
0x3: {  	vm10 =	vcmask $0xF0C;
	vm9 =	vcmask $0x1310;
	v1 =	vlaneseq.u32  }
0x4: {  	vm8 =	vcmask $0x1714;
	vm7 =	vcmask $0x1B18;
	vm6 =	vcmask $0x1F1C  }
0x5: {  	vm5 =	vcmask $0x2320;
	v3 =	vimm.s32 $0x1E01;
	vm4 =	vcmask $0x2724  }
0x6: {  	vm3 =	vcmask $0x2B28;
	vm2 =	vcmask $0x2F2C;
	vm1 =	vcmask $0x3330  }
0x7: {  	vm0 =	vcmask $0x3734;
	v4 =	vimm.s32 $0xCBBAA998;
	v5 =	vimm.s32 $0xFFEEDDC  }
0x8: {  	v6 =	vimm.s32 $0x43322110;
	v7 =	vimm.s32 $0x87766554;
	vm14 =	vcmask $0x1F10  }
0x9: {  	v8 =	vimm.s32 $0x1E02;
	v10 =	vimm.s32 $0x97867564;
	v12 =	vimm.s32 $0x73625140  }
0xa: {  	v13 =	vimm.s32 $0xB7A69584;
	v16 =	vimm.s32 $0xD7C6B5A4;
	v17 =	vimm.s32 $0x6F5E4D3C  }
0xb: {  	v18 =	vimm.s32 $0xA3928170;
	v19 =	vimm.s32 $0xE7D6C5B4;
	v20 =	vimm.s32 $0x8F7E6D5C  }
0xc: {  	v21 =	vimm.s32 $0x5B4A3928;
	v23 =	vimm.s32 $0x9F8E7D6C;
	v24 =	vimm.s32 $0xD3C2B1A0  }
0xd: {  	v25 =	vimm.s32 $0x1706F5E4;
	v26 =	vimm.s32 $0x7B6A5948;
	v27 =	vimm.s32 $0xBFAE9D8C  }
0xe: {  	v28 =	vimm.s32 $0xF3E2D1C0;
	v29 =	vimm.s32 $0x37261504;
	v30 =	vimm.s32 $0x8B7A6958  }
0xf: {  	v31 =	vimm.s32 $0xCFBEAD9C;
	v32 =	vimm.s32 $0x1E0B;
	v52 =	vimm.s32 $0x1E0E  }
0x10: {  	v0 =	vsel vm13, $0x1, v0;
	v3 =	vsel vm13, $0x2, v3;
	v4 =	vunpack.c.0.s8.s32 v4  }
0x11: {  	v5 =	vunpack.c.0.s8.s32 v5;
	v6 =	vunpack.c.0.s8.s32 v6;
	v7 =	vunpack.c.0.s8.s32 v7  }
0x12: {  	v10 =	vunpack.c.0.s8.s32 v10;
	v12 =	vunpack.c.0.s8.s32 v12;
	v13 =	vunpack.c.0.s8.s32 v13  }
0x13: {  	v17 =	vunpack.c.0.s8.s32 v17;
	v18 =	vunpack.c.0.s8.s32 v18;
	v19 =	vunpack.c.0.s8.s32 v19  }
0x14: {  	v20 =	vunpack.c.0.s8.s32 v20;
	v21 =	vunpack.c.0.s8.s32 v21;
	v23 =	vunpack.c.0.s8.s32 v23  }
0x15: {  	v26 =	vunpack.c.0.s8.s32 v26;
	v27 =	vunpack.c.0.s8.s32 v27;
	v28 =	vunpack.c.0.s8.s32 v28  }
0x16: {  	v29 =	vunpack.c.0.s8.s32 v29;
	v30 =	vunpack.c.0.s8.s32 v30;
	v31 =	vunpack.c.0.s8.s32 v31  }
0x17: {  	v34 =	vsel vm13, $0xC, v32;
	v0 =	vsel vm12, $0x202, v0;
	v3 =	vsel vm12, $0x203, v3  }
0x18: {  	v58 =	vsel vm12, $0x20D, v34;
	v0 =	vsel vm11, $0x403, v0;
	v3 =	vsel vm11, $0x404, v3  }
0x19: {  	v4 =	vsel vm14, v5, v4;
	v5 =	vsel vm14, v7, v6;
	v0 =	vsel vm10, $0x604, v0  }
0x1a: {  	v7 =	vimm.s32 $0x1F0EFDEC;
	v3 =	vsel vm10, $0x605, v3;
	v2 =	vsel vm9, $0x805, v0  }
0x1b: {  	v21 =	vsel vm14, v23, v21;
	v3 =	vsel vm9, $0x806, v3;
	v2 =	vsel vm8, $0xA06, v2  }
0x1c: {  	v23 =	vimm.s32 $0x6B5A4938;
	v3 =	vsel vm8, $0xA07, v3;
	v2 =	vsel vm7, $0xC07, v2  }
0x1d: {  	v7 =	vunpack.c.0.s8.s32 v7;
	v3 =	vsel vm7, $0xC08, v3;
	v2 =	vsel vm6, $0xE08, v2  }
0x1e: {  	v23 =	vunpack.c.0.s8.s32 v23;
	v3 =	vsel vm6, $0xE09, v3;
	v2 =	vsel vm5, $0x1009, v2  }
0x1f: {  	v0 =	vmul.u32 $0x201, v1;
	v3 =	vsel vm5, $0x100A, v3;
	v2 =	vsel vm4, $0x120A, v2  }
0x20: {  	v1 =	vmul.u32 $0x11, v1;
	v3 =	vsel vm4, $0x120B, v3;
	v2 =	vsel vm3, $0x140B, v2  }
0x21: {  	v6 =	vsel vm3, $0x140C, v3;
	v3 =	vimm.s32 $0xDBCAB9A8;
	v2 =	vsel vm2, $0x160C, v2  }
0x22: {  	v9 =	vunpack.c.0.s8.s32 v3;
	v3 =	vsel vm13, $0x3, v8;
	v8 =	vimm.s32 $0x53423120  }
0x23: {  	v2 =	vsel vm1, $0x180D, v2;
	v3 =	vsel vm12, $0x204, v3;
	v8 =	vunpack.c.0.s8.s32 v8  }
0x24: {  	v2 =	vsel vm0, $0x1A0E, v2;
	v11 =	vsel vm11, $0x405, v3;
	v3 =	vcombine.low v5, v4  }
0x25: {  	v4 =	vsel vm2, $0x160D, v6;
	v6 =	vsel vm14, v7, v9;
	v9 =	vimm.s32 $0x63524130  }
0x26: {  	v5 =	vsel vm10, $0x606, v11;
	v7 =	vsel vm14, v10, v8;
	v10 =	vimm.s32 $0xA7968574  }
0x27: {  	v9 =	vunpack.c.0.s8.s32 v9;
	v4 =	vsel vm1, $0x180E, v4;
	v8 =	vsel vm9, $0x807, v5  }
0x28: {  	v5 =	vcombine.low v7, v6;
	v7 =	vimm.s32 $0xEBDAC9B8;
	v10 =	vunpack.c.0.s8.s32 v10  }
0x29: {  	v4 =	vsel vm0, $0x1A0F, v4;
	v6 =	vsel vm8, $0xA08, v8;
	v8 =	vimm.s32 $0x2F1E0DFC  }
0x2a: {  	v3 =	vand.u32 $0xFF, v3;
	v7 =	vunpack.c.0.s8.s32 v7;
	v8 =	vunpack.c.0.s8.s32 v8  }
0x2b: {  	v6 =	vsel vm7, $0xC09, v6;
	v9 =	vsel vm14, v10, v9;
	v10 =	vimm.s32 $0x1E03  }
0x2c: {  	v6 =	vsel vm6, $0xE0A, v6;
	v7 =	vsel vm14, v8, v7;
	v8 =	vimm.s32 $0xFBEAD9C8  }
0x2d: {  	v6 =	vsel vm5, $0x100B, v6;
	v11 =	vunpack.c.0.s8.s32 v8;
	v8 =	vimm.s32 $0x3F2E1D0C  }
0x2e: {  	v7 =	vcombine.low v9, v7;
	v14 =	vunpack.c.0.s8.s32 v8;
	v8 =	vsel vm4, $0x120C, v6  }
0x2f: {  	v6 =	vsel vm13, $0x4, v10;
	v10 =	vsel vm14, v13, v12;
	v13 =	vimm.s32 $0xC7B6A594  }
0x30: {  	v5 =	vand.u32 $0xFF, v5;
	v13 =	vunpack.c.0.s8.s32 v13;
	v8 =	vsel vm3, $0x140D, v8  }
0x31: {  	v54 =	vsel vm12, $0x205, v6;
	v7 =	vand.u32 $0xFF, v7;
	v9 =	vsel vm14, v14, v11  }
0x32: {  	v11 =	vimm.s32 $0xBFAE9D8;
	v14 =	vimm.s32 $0x1E04;
	v8 =	vsel vm2, $0x160E, v8  }
0x33: {  	v9 =	vcombine.low v10, v9;
	v11 =	vunpack.c.0.s8.s32 v11;
	v10 =	vimm.s32 $0x4F3E2D1C  }
0x34: {  	v8 =	vsel vm1, $0x180F, v8;
	v12 =	vunpack.c.0.s8.s32 v10;
	v10 =	vimm.s32 $0x83726150  }
0x35: {  	v8 =	vsel vm0, $0x1A00, v8;
	v15 =	vunpack.c.0.s8.s32 v10;
	v10 =	vsel vm13, $0x5, v14  }
0x36: {  	v14 =	vimm.s32 $0x5F4E3D2C;
	v9 =	vand.u32 $0xFF, v9;
	v11 =	vsel vm14, v12, v11  }
0x37: {  	v12 =	vimm.s32 $0x1B0AF9E8;
	v14 =	vunpack.c.0.s8.s32 v14;
	v10 =	vsel vm12, $0x206, v10  }
0x38: {  	v13 =	vsel vm14, v13, v15;
	v12 =	vunpack.c.0.s8.s32 v12;
	v15 =	vimm.s32 $0x93827160  }
0x39: {  	v10 =	vsel vm11, $0x407, v10;
	v11 =	vcombine.low v13, v11;
	v13 =	vunpack.c.0.s8.s32 v15  }
0x3a: {  	v15 =	vunpack.c.0.s8.s32 v16;
	v16 =	vimm.s32 $0x1E05;
	v10 =	vsel vm10, $0x608, v10  }
0x3b: {  	v12 =	vsel vm14, v14, v12;
	v14 =	vimm.s32 $0x2B1A09F8;
	v22 =	vsel vm13, $0x6, v16  }
0x3c: {  	v16 =	vimm.s32 $0x3B2A1908;
	v10 =	vsel vm9, $0x809, v10;
	v13 =	vsel vm14, v15, v13  }
0x3d: {  	v15 =	vimm.s32 $0x1E06;
	v14 =	vunpack.c.0.s8.s32 v14;
	v22 =	vsel vm12, $0x207, v22  }
0x3e: {  	v10 =	vsel vm8, $0xA0A, v10;
	v11 =	vand.u32 $0xFF, v11;
	v13 =	vcombine.low v13, v12  }
0x3f: {  	v12 =	vsel vm13, $0x7, v15;
	v15 =	vsel vm14, v19, v18;
	v18 =	vimm.s32 $0xF7E6D5C4  }
0x40: {  	v19 =	vimm.s32 $0x1E07;
	v22 =	vsel vm11, $0x408, v22;
	v10 =	vsel vm7, $0xC0B, v10  }
0x41: {  	v14 =	vsel vm14, v17, v14;
	v17 =	vimm.s32 $0xB3A29180;
	v18 =	vunpack.c.0.s8.s32 v18  }
0x42: {  	v22 =	vsel vm10, $0x609, v22;
	v10 =	vsel vm6, $0xE0C, v10;
	v55 =	vsel vm12, $0x208, v12  }
0x43: {  	v15 =	vcombine.low v15, v14;
	v14 =	vunpack.c.0.s8.s32 v16;
	v16 =	vimm.s32 $0x7F6E5D4C  }
0x44: {  	v17 =	vunpack.c.0.s8.s32 v17;
	v22 =	vsel vm9, $0x80A, v22;
	v10 =	vsel vm5, $0x100D, v10  }
0x45: {  	v13 =	vand.u32 $0xFF, v13;
	v16 =	vunpack.c.0.s8.s32 v16;
	v22 =	vsel vm8, $0xA0B, v22  }
0x46: {  	v10 =	vsel vm4, $0x120E, v10;
	v17 =	vsel vm14, v18, v17;
	v22 =	vsel vm7, $0xC0C, v22  }
0x47: {  	v10 =	vsel vm3, $0x140F, v10;
	v15 =	vand.u32 $0xFF, v15;
	v14 =	vsel vm14, v16, v14  }
0x48: {  	v16 =	vimm.s32 $0x4B3A2918;
	v22 =	vsel vm6, $0xE0D, v22;
	v10 =	vsel vm2, $0x1600, v10  }
0x49: {  	v18 =	vunpack.c.0.s8.s32 v16;
	v16 =	vsel vm13, $0x8, v19;
	v17 =	vcombine.low v17, v14  }
0x4a: {  	v14 =	vimm.s32 $0x1E08;
	v19 =	vimm.s32 $0xC3B2A190;
	v22 =	vsel vm5, $0x100E, v22  }
0x4b: {  	v10 =	vsel vm1, $0x1801, v10;
	v14 =	vsel vm13, $0x9, v14;
	v19 =	vunpack.c.0.s8.s32 v19  }
0x4c: {  	v22 =	vsel vm4, $0x120F, v22;
	v10 =	vsel vm0, $0x1A02, v10;
	v16 =	vsel vm12, $0x209, v16  }
0x4d: {  	v18 =	vsel vm14, v20, v18;
	v20 =	vimm.s32 $0x7F6E5D4;
	v22 =	vsel vm3, $0x1400, v22  }
0x4e: {  	v16 =	vsel vm11, $0x40A, v16;
	v14 =	vsel vm12, $0x20A, v14;
	v17 =	vand.u32 $0xFF, v17  }
0x4f: {  	v20 =	vunpack.c.0.s8.s32 v20;
	v22 =	vsel vm2, $0x1601, v22;
	v16 =	vsel vm10, $0x60B, v16  }
0x50: {  	v14 =	vsel vm11, $0x40B, v14;
	v22 =	vsel vm1, $0x1802, v22;
	v16 =	vsel vm9, $0x80C, v16  }
0x51: {  	v14 =	vsel vm10, $0x60C, v14;
	v19 =	vsel vm14, v20, v19;
	v20 =	vunpack.c.0.s8.s32 v24  }
0x52: {  	v24 =	vunpack.c.0.s8.s32 v25;
	v25 =	vimm.s32 $0x1E0A;
	v22 =	vsel vm0, $0x1A03, v22  }
0x53: {  	v16 =	vsel vm8, $0xA0D, v16;
	v14 =	vsel vm9, $0x80D, v14;
	v19 =	vcombine.low v19, v18  }
0x54: {  	v18 =	vimm.s32 $0x1E09;
	v16 =	vsel vm7, $0xC0E, v16;
	v14 =	vsel vm8, $0xA0E, v14  }
0x55: {  	v20 =	vsel vm14, v24, v20;
	v24 =	vimm.s32 $0xAF9E8D7C;
	v18 =	vsel vm13, $0xA, v18  }
0x56: {  	v16 =	vsel vm6, $0xE0F, v16;
	v14 =	vsel vm7, $0xC0F, v14;
	v24 =	vunpack.c.0.s8.s32 v24  }
0x57: {  	v21 =	vcombine.low v20, v21;
	v20 =	vsel vm13, $0xB, v25;
	v25 =	vimm.s32 $0x271605F4  }
0x58: {  	v16 =	vsel vm5, $0x1000, v16;
	v14 =	vsel vm6, $0xE00, v14;
	v57 =	vsel vm12, $0x20B, v18  }
0x59: {  	v19 =	vand.u32 $0xFF, v19;
	v25 =	vunpack.c.0.s8.s32 v25;
	v16 =	vsel vm4, $0x1201, v16  }
0x5a: {  	v14 =	vsel vm5, $0x1001, v14;
	v20 =	vsel vm12, $0x20C, v20;
	v23 =	vsel vm14, v24, v23  }
0x5b: {  	v24 =	vimm.s32 $0xE3D2C1B0;
	v16 =	vsel vm3, $0x1402, v16;
	v14 =	vsel vm4, $0x1202, v14  }
0x5c: {  	v20 =	vsel vm11, $0x40D, v20;
	v21 =	vand.u32 $0xFF, v21;
	v24 =	vunpack.c.0.s8.s32 v24  }
0x5d: {  	v16 =	vsel vm2, $0x1603, v16;
	v56 =	vsel vm3, $0x1403, v14;
	v20 =	vsel vm10, $0x60E, v20  }
0x5e: {  	v16 =	vsel vm1, $0x1804, v16;
	v20 =	vsel vm9, $0x80F, v20;
	v24 =	vsel vm14, v25, v24  }
0x5f: {  	v25 =	vsel vm14, v29, v28;
	v28 =	vimm.s32 $0x9B8A7968;
	v29 =	vimm.s32 $0xDFCEBDAC  }
0x60: {  	v16 =	vsel vm0, $0x1A05, v16;
	v20 =	vsel vm8, $0xA00, v20;
	v23 =	vcombine.low v24, v23  }
0x61: {  	v24 =	vsel vm14, v27, v26;
	v26 =	vimm.s32 $0x3F2E1D0;
	v27 =	vimm.s32 $0x47362514  }
0x62: {  	v28 =	vunpack.c.0.s8.s32 v28;
	v29 =	vunpack.c.0.s8.s32 v29;
	v20 =	vsel vm7, $0xC01, v20  }
0x63: {  	v25 =	vcombine.low v25, v24;
	v24 =	vsel vm14, v31, v30;
	v26 =	vunpack.c.0.s8.s32 v26  }
0x64: {  	v27 =	vunpack.c.0.s8.s32 v27;
	v30 =	vimm.s32 $0x1302F1E0;
	v31 =	vimm.s32 $0x57463524  }
0x65: {  	v20 =	vsel vm6, $0xE02, v20;
	v30 =	vunpack.c.0.s8.s32 v30;
	v31 =	vunpack.c.0.s8.s32 v31  }
0x66: {  	v28 =	vsel vm14, v29, v28;
	v20 =	vsel vm5, $0x1003, v20;
	v23 =	vand.u32 $0xFF, v23  }
0x67: {  	v26 =	vsel vm14, v27, v26;
	v20 =	vsel vm4, $0x1204, v20;
	v25 =	vand.u32 $0xFF, v25  }
0x68: {  	v27 =	vcombine.low v26, v24;
	v24 =	vimm.s32 $0xAB9A8978;
	v29 =	vsel vm14, v31, v30  }
0x69: {  	v26 =	vimm.s32 $0xEFDECDBC;
	v30 =	vimm.s32 $0x231201F0;
	v31 =	vimm.s32 $0x67564534  }
0x6a: {  	v20 =	vsel vm3, $0x1405, v20;
	v24 =	vunpack.c.0.s8.s32 v24;
	v26 =	vunpack.c.0.s8.s32 v26  }
0x6b: {  	v33 =	vunpack.c.0.s8.s32 v30;
	v31 =	vunpack.c.0.s8.s32 v31;
	v20 =	vsel vm2, $0x1606, v20  }
0x6c: {  	v29 =	vcombine.low v29, v28;
	v59 =	vsel vm1, $0x1807, v20;
	v27 =	vand.u32 $0xFF, v27  }
0x6d: {  	v30 =	vsel vm14, v26, v24;
	v24 =	vimm.s32 $0x1E0C;
	v31 =	vsel vm14, v31, v33  }
0x6e: {  	v26 =	vimm.s32 $0x1E0D;
	v33 =	vsel vm11, $0x40E, v58;
	v29 =	vand.u32 $0xFF, v29  }
0x6f: {  	v24 =	vsel vm13, $0xD, v24;
	v53 =	vsel vm13, $0xE, v26;
	v26 =	vsel vm13, $0xF, v52  }
0x70: {  	vm13 =	vcmask $0x3B38;
	v33 =	vsel vm10, $0x60F, v33;
	v31 =	vcombine.low v31, v30  }
0x71: {  	v2 =	vsel vm13, $0x1C0F, v2;
	v4 =	vsel vm13, $0x1C00, v4;
	v6 =	vsel vm13, $0x1C01, v8  }
0x72: {  	v8 =	vsel vm11, $0x406, v54;
	v10 =	vsel vm13, $0x1C03, v10;
	v12 =	vsel vm13, $0x1C04, v22  }
0x73: {  	v22 =	vsel vm11, $0x409, v55;
	v16 =	vsel vm13, $0x1C06, v16;
	v33 =	vsel vm9, $0x800, v33  }
0x74: {  	v60 =	vsel vm12, $0x20E, v24;
	v32 =	vsel vm12, $0x20F, v53;
	v26 =	vsel vm12, $0x200, v26  }
0x75: {  	v8 =	vsel vm10, $0x607, v8;
	v22 =	vsel vm10, $0x60A, v22;
	v33 =	vsel vm8, $0xA01, v33  }
0x76: {  	v61 =	vsel vm11, $0x40F, v60;
	v32 =	vsel vm11, $0x400, v32;
	v26 =	vsel vm11, $0x401, v26  }
0x77: {  	v31 =	vand.u32 $0xFF, v31;
	v8 =	vsel vm9, $0x808, v8;
	v22 =	vsel vm9, $0x80B, v22  }
0x78: {  	v33 =	vsel vm7, $0xC02, v33;
	v32 =	vsel vm10, $0x601, v32;
	v26 =	vsel vm10, $0x602, v26  }
0x79: {  	v8 =	vsel vm8, $0xA09, v8;
	v22 =	vsel vm8, $0xA0C, v22;
	v33 =	vsel vm6, $0xE03, v33  }
0x7a: {  	v32 =	vsel vm9, $0x802, v32;
	v26 =	vsel vm9, $0x803, v26;
	v8 =	vsel vm7, $0xC0A, v8  }
0x7b: {  	v22 =	vsel vm7, $0xC0D, v22;
	v33 =	vsel vm5, $0x1004, v33;
	v32 =	vsel vm8, $0xA03, v32  }
0x7c: {  	v26 =	vsel vm8, $0xA04, v26;
	v8 =	vsel vm6, $0xE0B, v8;
	v22 =	vsel vm6, $0xE0E, v22  }
0x7d: {  	v33 =	vsel vm4, $0x1205, v33;
	v32 =	vsel vm7, $0xC04, v32;
	v22 =	vsel vm5, $0x100F, v22  }
0x7e: {  	v26 =	vsel vm7, $0xC05, v26;
	v8 =	vsel vm5, $0x100C, v8;
	v22 =	vsel vm4, $0x1200, v22  }
0x7f: {  	v33 =	vsel vm3, $0x1406, v33;
	v32 =	vsel vm6, $0xE05, v32;
	v22 =	vsel vm3, $0x1401, v22  }
0x80: {  	v26 =	vsel vm6, $0xE06, v26;
	v8 =	vsel vm4, $0x120D, v8;
	v22 =	vsel vm2, $0x1602, v22  }
0x81: {  	s0 =	rddreg [dreg:$0x0];
	v33 =	vsel vm2, $0x1607, v33;
	v32 =	vsel vm5, $0x1006, v32;
	v22 =	vsel vm1, $0x1803, v22  }
0x82: {  	s1 =	rddreg [dreg:$0x1];
	s2 =	simm.s32 $0x0;
	s3 =	srdreg.scid;
	v26 =	vsel vm5, $0x1007, v26;
	v8 =	vsel vm3, $0x140E, v8;
	v22 =	vsel vm0, $0x1A04, v22  }
0x83: {  	s4 =	stileid.u32;
	s5 =	simm.s32 $0x3E;
	s19 =	simm.s32 $0x7A1400;
	v33 =	vsel vm1, $0x1808, v33;
	v14 =	vsel vm13, $0x1C05, v22;
	v22 =	vsel vm2, $0x1604, v56  }
0x84: {  	s18 =	simm.s32 $0x1000;
	s20 =	simm.s32 $0x2000;
	s21 =	simm.s32 $0x4000;
	v32 =	vsel vm4, $0x1207, v32;
	v33 =	vsel vm0, $0x1A09, v33;
	v22 =	vsel vm1, $0x1805, v22  }
0x85: {  	s22 =	simm.s32 $0x6000;
	s23 =	simm.s32 $0x1;
	s28 =	simm.s32 $0x3;
	v26 =	vsel vm4, $0x1208, v26;
	v24 =	vsel vm13, $0x1C0A, v33;
	v22 =	vsel vm0, $0x1A06, v22  }
0x86: {  	s29 =	simm.s32 $0xC000;
	s30 =	simm.s32 $0x4;
	s31 =	simm.s32 $0xE000;
	v33 =	vsel vm10, $0x600, v61;
	v18 =	vsel vm13, $0x1C07, v22;
	v22 =	vsel vm11, $0x40C, v57  }
0x87: {  	[smem:$0x7FF] =	sst s2;
	s3 =	sand.u32 $0x1, s3;
	s25 =	sadd.s32 $0x1E8E00, s1;
	v8 =	vsel vm2, $0x160F, v8;
	v33 =	vsel vm9, $0x801, v33;
	v22 =	vsel vm10, $0x60D, v22  }
0x88: {  	s4 =	sshll.u32 s4, $0x1;
	s14 =	sadd.s32 $0x10000, s0;
	_ =	strace $0x80000047;
	v32 =	vsel vm3, $0x1408, v32;
	v33 =	vsel vm8, $0xA02, v33;
	v22 =	vsel vm9, $0x80E, v22  }
0x89: {  	s6 =	ssub.s32 $0x2, s3;
	s3 =	sor.u32 s3, s4;
	s4 =	sadd.s32 $0xA00, s1;
	v62 =	vsel vm3, $0x1409, v26;
	v33 =	vsel vm7, $0xC03, v33;
	v22 =	vsel vm8, $0xA0F, v22  }
0x8a: {  	[dreg:$0x8] =	wrdreg s25;
	s25 =	simm.s32 $0x2;
	s8 =	sshll.u32 s3, $0x9;
	v8 =	vsel vm1, $0x1800, v8;
	v33 =	vsel vm6, $0xE04, v33;
	v22 =	vsel vm7, $0xC00, v22  }
0x8b: {  	s7 =	sshrl.u32 s6, $0x1;
	p0 =	seq.s32 s3, $0x0;
	s8 =	sadd.s32 s0, s8;
	v32 =	vsel vm2, $0x1609, v32;
	v33 =	vsel vm5, $0x1005, v33;
	v22 =	vsel vm6, $0xE01, v22  }
0x8c: {  	s5 =	simm.s32 @!p0 $0x3D;
	s6 =	ssub.s32 s6, s7;
	s0 =	sadd.s32 $0xF4200, s0;
	v63 =	vsel vm2, $0x160A, v62;
	v33 =	vsel vm4, $0x1206, v33;
	v22 =	vsel vm5, $0x1002, v22  }
0x8d: {  	p0 =	sne.s32 s3, $0x1F;
	s7 =	simm.s32 $0x8;
	[dreg:$0x3] =	wrdreg s8;
	v8 =	vsel vm0, $0x1A01, v8;
	v33 =	vsel vm3, $0x1407, v33;
	v22 =	vsel vm4, $0x1203, v22  }
0x8e: {  	s9 =	sadd.s32 $0x4000, s8;
	s24 =	sadd.s32 $0x8000, s8;
	[dreg:$0x7] =	wrdreg s0;
	v32 =	vsel vm1, $0x180A, v32;
	v33 =	vsel vm2, $0x1608, v33;
	v22 =	vsel vm3, $0x1404, v22  }
.Ltmp0:
0x8f: {  	s8 =	sadd.s32 $0xC000, s8;
	[dreg:$0x4] =	wrdreg s9;
	v8 =	vsel vm13, $0x1C02, v8;
	v33 =	vsel vm1, $0x1809, v33;
	v22 =	vsel vm2, $0x1605, v22;
	(pc) =	sbr.rel .LBB2_1-.Ltmp0, $4  }
0x90: {  	s10 =	sadd.s32 $0xFFFFFFFC, s5;
	s11 =	sadd.s32 $0xFFFFFFFB, s5;
	[dreg:$0x5] =	wrdreg s24;
	v32 =	vsel vm0, $0x1A0B, v32;
	v33 =	vsel vm0, $0x1A0A, v33;
	v22 =	vsel vm1, $0x1806, v22  }
0x91: {  	s12 =	sadd.s32 $0xFFFFFFFA, s5;
	s26 =	smax.u32 s6, $0x1;
	[dreg:$0x6] =	wrdreg s8;
	v26 =	vsel vm13, $0x1C0B, v33;
	v33 =	vsel vm1, $0x180B, v63;
	v22 =	vsel vm0, $0x1A07, v22  }
0x92: {  	s13 =	sadd.s32 $0xFFFFFFF9, s5;
	[dreg:$0x9] =	wrdreg s26;
	s24 =	simm.s32 $0x8000;
	v30 =	vsel vm0, $0x1A0C, v33;
	v20 =	vsel vm13, $0x1C08, v22;
	v22 =	vsel vm0, $0x1A08, v59  }
0x93: {  	s26 =	simm.s32 $0xA000;
	s8 =	simm.s32 $0x9;
	s9 =	simm.s32 $0x0;
	v28 =	vsel vm13, $0x1C0C, v32;
	v30 =	vsel vm13, $0x1C0D, v30;
	v22 =	vsel vm13, $0x1C09, v22  }
.LBB2_23:
0x94: {  	s9 =	sadd.s32 $0x1, s9;
	s0 =	rddreg [dreg:$0x9]  }
0x95: {  	p1 =	sne.s32 s9, s0  }
.Ltmp1:
0x96: {  	_ = 	snop;
	(pc) =	sbr.rel @!p1 .LBB2_24-.Ltmp1, $1  }
0x97: {  	_ =	sdelay $0x3  }
.LBB2_1:
0x98: {  	s0 =	rddreg [dreg:$0x3]  }
0x99: {  	[tilespmem:s2], [sflag:$0x1] =	stream.strided.gather [hbm4b:s0+s18], $0x2000, s19, s18, $0x38;
	[tilespmem:$0x10000] =	vst v63  }
0x9a: {  	s15 =	rddreg [dreg:$0x4]  }
0x9b: {  	[tilespmem:s20], [sflag:$0x2] =	stream.strided.gather [hbm4b:s15+s18], $0x2000, s19, s18, $0x38;
	[tilespmem:$0x10000] =	vst v63  }
.Ltmp2:
0x9c: {  	_ = 	snop;
	(pc) =	sbr.rel .LBB2_2-.Ltmp2, $4  }
0x9d: {  	s16 =	rddreg [dreg:$0x5]  }
0x9e: {  	[tilespmem:s21], [sflag:$0x3] =	stream.strided.gather [hbm4b:s16+s18], $0x2000, s19, s18, $0x38;
	[tilespmem:$0x10000] =	vst v63  }
0x9f: {  	s17 =	rddreg [dreg:$0x6];
	s15 =	simm.s32 $0x0  }
0xa0: {  	[tilespmem:s22], [sflag:$0x4] =	stream.strided.gather [hbm4b:s17+s18], $0x2000, s19, s18, $0x38;
	[tilespmem:$0x10000] =	vst v63  }
.LBB2_18:
0xa1: {  	s15 =	sadd.s32 $0x1, s15  }
0xa2: {  	p1 =	sne.s32 s15, $0x10  }
.Ltmp3:
0xa3: {  	_ = 	snop;
	(pc) =	sbr.rel @!p1 .LBB2_19-.Ltmp3, $1  }
0xa4: {  	_ =	sdelay $0x3  }
.LBB2_2:
0xa5: {  	s17 =	sshll.u32 s15, $0x2  }
0xa6: {  	p1 =	sge.u32 s17, s5  }
.Ltmp4:
0xa7: {  	_ = 	snop;
	(pc) =	sbr.rel @p1 .LBB2_6-.Ltmp4, $1  }
0xa8: {  	_ =	sdelay $0x3  }
0xa9: {  	s6 =	simm.s32 $0x0  }
0xaa: {  	v32 =	vadd.s32 s6, v0  }
0xab: {  	v33 =	vshll.u32 v32, $0x3  }
0xac: {  	_ =	swait.ge [sflag:s23], $0x2000;
	v32 =	vand.u32 $0x7F, v32;
	v33 =	vand.u32 $0xFFFFFC00, v33  }
0xad: {  	p1 =	seq.s32 s15, $0x0;
	[sflag:s23] =	ssyncset.done $0x0;
	v32 =	vor.u32 v32, v33  }
0xae: {  	s0 =	simm.s32 @!p1 $0x5;
	[sflag:s23] =	ssyncadd.s32 $0xFFFFE000  }
0xaf: {  	_ =	swait.ge @!p1 [sflag:s0], $0x2000  }
0xb0: {  	v49 =	vadd.s32 s6, v2;
	[sflag:s0] =	ssyncset.done @!p1 $0x0  }
0xb1: {  	v34 =	vshll.u32 v49, $0x3;
	[sflag:s0] =	ssyncadd.s32 @!p1 $0xFFFFE000  }
0xb2: {  	v35 =	vor.u32 s6, v1;
	v34 =	vand.u32 $0xFFFFFC00, v34;
	v33 =	vand.u32 $0x7F, v49;
	v32 =	vld.idx.msk [tilespmem:v32+s2+$0x0], $0xffff  }
0xb3: {  	v33 =	vor.u32 v33, v34;
	_ =	sdelay $0x2  }
0xb4: {  	v50 =	vadd.s32 s6, v4  }
0xb5: {  	v51 =	vshll.u32 v50, $0x3;
	[tilespmem:v35+s24+$0x0] =	vst.idx.msk $0xffff, v32  }
0xb6: {  	v52 =	vor.u32 s6, v3;
	v34 =	vand.u32 $0x7F, v50;
	v32 =	vand.u32 $0xFFFFFC00, v51;
	v33 =	vld.idx.msk [tilespmem:v33+s2+$0x0], $0xffff  }
0xb7: {  	v32 =	vor.u32 v34, v32;
	_ =	sdelay $0x2  }
0xb8: {  	v53 =	vadd.s32 s6, v6  }
0xb9: {  	v54 =	vshll.u32 v53, $0x3;
	[tilespmem:v52+s24+$0x0] =	vst.idx.msk $0xffff, v33  }
0xba: {  	v55 =	vor.u32 s6, v5;
	v34 =	vand.u32 $0x7F, v53;
	v33 =	vand.u32 $0xFFFFFC00, v54;
	v32 =	vld.idx.msk [tilespmem:v32+s2+$0x0], $0xffff  }
0xbb: {  	v33 =	vor.u32 v34, v33;
	_ =	sdelay $0x2  }
0xbc: {  	v56 =	vadd.s32 s6, v8  }
0xbd: {  	v57 =	vshll.u32 v56, $0x3;
	[tilespmem:v55+s24+$0x0] =	vst.idx.msk $0xffff, v32  }
0xbe: {  	v58 =	vor.u32 s6, v7;
	v34 =	vand.u32 $0x7F, v56;
	v32 =	vand.u32 $0xFFFFFC00, v57;
	v33 =	vld.idx.msk [tilespmem:v33+s2+$0x0], $0xffff  }
0xbf: {  	v32 =	vor.u32 v34, v32;
	_ =	sdelay $0x2  }
0xc0: {  	v59 =	vadd.s32 s6, v10  }
0xc1: {  	v60 =	vshll.u32 v59, $0x3;
	[tilespmem:v58+s24+$0x0] =	vst.idx.msk $0xffff, v33  }
0xc2: {  	v61 =	vor.u32 s6, v9;
	v34 =	vand.u32 $0x7F, v59;
	v33 =	vand.u32 $0xFFFFFC00, v60;
	v32 =	vld.idx.msk [tilespmem:v32+s2+$0x0], $0xffff  }
0xc3: {  	v33 =	vor.u32 v34, v33;
	_ =	sdelay $0x2  }
0xc4: {  	v62 =	vadd.s32 s6, v12  }
0xc5: {  	v63 =	vshll.u32 v62, $0x3;
	[tilespmem:v61+s24+$0x0] =	vst.idx.msk $0xffff, v32  }
0xc6: {  	v36 =	vor.u32 s6, v11;
	v34 =	vand.u32 $0x7F, v62;
	v32 =	vand.u32 $0xFFFFFC00, v63;
	v33 =	vld.idx.msk [tilespmem:v33+s2+$0x0], $0xffff  }
0xc7: {  	v32 =	vor.u32 v34, v32;
	_ =	sdelay $0x2  }
0xc8: {  	v37 =	vadd.s32 s6, v14  }
0xc9: {  	v38 =	vshll.u32 v37, $0x3;
	[tilespmem:v36+s24+$0x0] =	vst.idx.msk $0xffff, v33  }
0xca: {  	v39 =	vor.u32 s6, v13;
	v34 =	vand.u32 $0x7F, v37;
	v33 =	vand.u32 $0xFFFFFC00, v38;
	v32 =	vld.idx.msk [tilespmem:v32+s2+$0x0], $0xffff  }
0xcb: {  	v33 =	vor.u32 v34, v33;
	_ =	sdelay $0x2  }
0xcc: {  	v40 =	vadd.s32 s6, v16  }
0xcd: {  	v41 =	vshll.u32 v40, $0x3;
	[tilespmem:v39+s24+$0x0] =	vst.idx.msk $0xffff, v32  }
0xce: {  	v42 =	vor.u32 s6, v15;
	v34 =	vand.u32 $0x7F, v40;
	v32 =	vand.u32 $0xFFFFFC00, v41;
	v33 =	vld.idx.msk [tilespmem:v33+s2+$0x0], $0xffff  }
0xcf: {  	v32 =	vor.u32 v34, v32;
	_ =	sdelay $0x2  }
0xd0: {  	v43 =	vadd.s32 s6, v18  }
0xd1: {  	v44 =	vshll.u32 v43, $0x3;
	[tilespmem:v42+s24+$0x0] =	vst.idx.msk $0xffff, v33  }
0xd2: {  	v45 =	vor.u32 s6, v17;
	v34 =	vand.u32 $0x7F, v43;
	v33 =	vand.u32 $0xFFFFFC00, v44;
	v32 =	vld.idx.msk [tilespmem:v32+s2+$0x0], $0xffff  }
0xd3: {  	v33 =	vor.u32 v34, v33;
	_ =	sdelay $0x2  }
0xd4: {  	v46 =	vadd.s32 s6, v20  }
0xd5: {  	v47 =	vshll.u32 v46, $0x3;
	[tilespmem:v45+s24+$0x0] =	vst.idx.msk $0xffff, v32  }
0xd6: {  	v48 =	vor.u32 s6, v19;
	v34 =	vand.u32 $0x7F, v46;
	v32 =	vand.u32 $0xFFFFFC00, v47;
	v33 =	vld.idx.msk [tilespmem:v33+s2+$0x0], $0xffff  }
0xd7: {  	v32 =	vor.u32 v34, v32;
	_ =	sdelay $0x2  }
0xd8: {  	v49 =	vadd.s32 s6, v22  }
0xd9: {  	v50 =	vshll.u32 v49, $0x3;
	[tilespmem:v48+s24+$0x0] =	vst.idx.msk $0xffff, v33  }
0xda: {  	v51 =	vor.u32 s6, v21;
	v34 =	vand.u32 $0x7F, v49;
	v33 =	vand.u32 $0xFFFFFC00, v50;
	v32 =	vld.idx.msk [tilespmem:v32+s2+$0x0], $0xffff  }
0xdb: {  	v33 =	vor.u32 v34, v33;
	_ =	sdelay $0x2  }
0xdc: {  	v52 =	vadd.s32 s6, v24  }
0xdd: {  	v53 =	vshll.u32 v52, $0x3;
	[tilespmem:v51+s24+$0x0] =	vst.idx.msk $0xffff, v32  }
0xde: {  	v54 =	vor.u32 s6, v23;
	v34 =	vand.u32 $0x7F, v52;
	v32 =	vand.u32 $0xFFFFFC00, v53;
	v33 =	vld.idx.msk [tilespmem:v33+s2+$0x0], $0xffff  }
0xdf: {  	v32 =	vor.u32 v34, v32;
	_ =	sdelay $0x2  }
0xe0: {  	v55 =	vadd.s32 s6, v26  }
0xe1: {  	v56 =	vshll.u32 v55, $0x3;
	[tilespmem:v54+s24+$0x0] =	vst.idx.msk $0xffff, v33  }
0xe2: {  	v57 =	vor.u32 s6, v25;
	v34 =	vand.u32 $0x7F, v55;
	v33 =	vand.u32 $0xFFFFFC00, v56;
	v32 =	vld.idx.msk [tilespmem:v32+s2+$0x0], $0xffff  }
0xe3: {  	v33 =	vor.u32 v34, v33;
	_ =	sdelay $0x2  }
0xe4: {  	v58 =	vadd.s32 s6, v28  }
0xe5: {  	v59 =	vshll.u32 v58, $0x3;
	[tilespmem:v57+s24+$0x0] =	vst.idx.msk $0xffff, v32  }
0xe6: {  	v60 =	vor.u32 s6, v27;
	v34 =	vand.u32 $0x7F, v58;
	v32 =	vand.u32 $0xFFFFFC00, v59;
	v33 =	vld.idx.msk [tilespmem:v33+s2+$0x0], $0xffff  }
0xe7: {  	v32 =	vor.u32 v34, v32;
	_ =	sdelay $0x2  }
0xe8: {  	v62 =	vadd.s32 s6, v30  }
0xe9: {  	v63 =	vshll.u32 v62, $0x3;
	[tilespmem:v60+s24+$0x0] =	vst.idx.msk $0xffff, v33  }
0xea: {  	v61 =	vor.u32 s6, v29;
	v33 =	vand.u32 $0xFFFFFC00, v63;
	v34 =	vld.idx.msk [tilespmem:v32+s2+$0x0], $0xffff;
	v32 =	vand.u32 $0x7F, v62  }
0xeb: {  	v32 =	vor.u32 v32, v33;
	_ =	sdelay $0x2  }
0xec: {  	s16 =	sshll.u32 s15, $0x7;
	s1 =	simm.s32 $0x10  }
0xed: {  	s0 =	sor.u32 s3, s16;
	s16 =	simm.s32 $0x20;
	v33 =	vadd.s32 s1, v0;
	[tilespmem:v61+s24+$0x0] =	vst.idx.msk $0xffff, v34  }
.LBB2_4:
0xee: {  	p1 =	sne.s32 s16, $0x1F0;
	v34 =	vshll.u32 v33, $0x3;
	v32 =	vld.idx.msk [tilespmem:v32+s2+$0x0], $0xffff  }
0xef: {  	v33 =	vand.u32 $0x7F, v33;
	v35 =	vor.u32 s6, v31;
	v34 =	vand.u32 $0xFFFFFC00, v34  }
0xf0: {  	v33 =	vor.u32 v33, v34;
	_ =	sdelay $0x3  }
0xf1: {  	v34 =	vadd.s32 s1, v2;
	[tilespmem:v35+s24+$0x0] =	vst.idx.msk $0xffff, v32  }
0xf2: {  	s6 =	sadd.s32 $0x100, s6;
	v32 =	vld.idx.msk [tilespmem:v33+s2+$0x0], $0xffff;
	v33 =	vshll.u32 v34, $0x3  }
0xf3: {  	v35 =	vor.u32 s6, v1;
	v34 =	vand.u32 $0x7F, v34;
	v33 =	vand.u32 $0xFFFFFC00, v33  }
0xf4: {  	v33 =	vor.u32 v34, v33;
	_ =	sdelay $0x3  }
0xf5: {  	[tilespmem:v35+s24+$0x0] =	vst.idx.msk $0xffff, v32;
	v32 =	vadd.s32 s1, v4  }
0xf6: {  	v33 =	vld.idx.msk [tilespmem:v33+s2+$0x0], $0xffff;
	v34 =	vshll.u32 v32, $0x3  }
0xf7: {  	v35 =	vor.u32 s6, v3;
	v32 =	vand.u32 $0x7F, v32;
	v34 =	vand.u32 $0xFFFFFC00, v34  }
0xf8: {  	v32 =	vor.u32 v32, v34;
	_ =	sdelay $0x3  }
0xf9: {  	[tilespmem:v35+s24+$0x0] =	vst.idx.msk $0xffff, v33;
	v33 =	vadd.s32 s1, v6  }
0xfa: {  	v32 =	vld.idx.msk [tilespmem:v32+s2+$0x0], $0xffff;
	v34 =	vshll.u32 v33, $0x3  }
0xfb: {  	v35 =	vor.u32 s6, v5;
	v33 =	vand.u32 $0x7F, v33;
	v34 =	vand.u32 $0xFFFFFC00, v34  }
0xfc: {  	v33 =	vor.u32 v33, v34;
	_ =	sdelay $0x3  }
0xfd: {  	[tilespmem:v35+s24+$0x0] =	vst.idx.msk $0xffff, v32;
	v32 =	vadd.s32 s1, v8  }
0xfe: {  	v33 =	vld.idx.msk [tilespmem:v33+s2+$0x0], $0xffff;
	v34 =	vshll.u32 v32, $0x3  }
0xff: {  	v35 =	vor.u32 s6, v7;
	v32 =	vand.u32 $0x7F, v32;
	v34 =	vand.u32 $0xFFFFFC00, v34  }
0x100: {  	v32 =	vor.u32 v32, v34;
	_ =	sdelay $0x3  }
0x101: {  	[tilespmem:v35+s24+$0x0] =	vst.idx.msk $0xffff, v33;
	v33 =	vadd.s32 s1, v10  }
0x102: {  	v32 =	vld.idx.msk [tilespmem:v32+s2+$0x0], $0xffff;
	v34 =	vshll.u32 v33, $0x3  }
0x103: {  	v35 =	vor.u32 s6, v9;
	v33 =	vand.u32 $0x7F, v33;
	v34 =	vand.u32 $0xFFFFFC00, v34  }
0x104: {  	v33 =	vor.u32 v33, v34;
	_ =	sdelay $0x3  }
0x105: {  	[tilespmem:v35+s24+$0x0] =	vst.idx.msk $0xffff, v32;
	v32 =	vadd.s32 s1, v12  }
0x106: {  	v33 =	vld.idx.msk [tilespmem:v33+s2+$0x0], $0xffff;
	v34 =	vshll.u32 v32, $0x3  }
0x107: {  	v35 =	vor.u32 s6, v11;
	v32 =	vand.u32 $0x7F, v32;
	v34 =	vand.u32 $0xFFFFFC00, v34  }
0x108: {  	v32 =	vor.u32 v32, v34;
	_ =	sdelay $0x3  }
0x109: {  	[tilespmem:v35+s24+$0x0] =	vst.idx.msk $0xffff, v33;
	v33 =	vadd.s32 s1, v14  }
0x10a: {  	v32 =	vld.idx.msk [tilespmem:v32+s2+$0x0], $0xffff;
	v34 =	vshll.u32 v33, $0x3  }
0x10b: {  	v35 =	vor.u32 s6, v13;
	v33 =	vand.u32 $0x7F, v33;
	v34 =	vand.u32 $0xFFFFFC00, v34  }
0x10c: {  	v33 =	vor.u32 v33, v34;
	_ =	sdelay $0x3  }
0x10d: {  	[tilespmem:v35+s24+$0x0] =	vst.idx.msk $0xffff, v32;
	v32 =	vadd.s32 s1, v16  }
0x10e: {  	v33 =	vld.idx.msk [tilespmem:v33+s2+$0x0], $0xffff;
	v34 =	vshll.u32 v32, $0x3  }
0x10f: {  	v35 =	vor.u32 s6, v15;
	v32 =	vand.u32 $0x7F, v32;
	v34 =	vand.u32 $0xFFFFFC00, v34  }
0x110: {  	v32 =	vor.u32 v32, v34;
	_ =	sdelay $0x3  }
0x111: {  	[tilespmem:v35+s24+$0x0] =	vst.idx.msk $0xffff, v33;
	v33 =	vadd.s32 s1, v18  }
0x112: {  	v32 =	vld.idx.msk [tilespmem:v32+s2+$0x0], $0xffff;
	v34 =	vshll.u32 v33, $0x3  }
0x113: {  	v35 =	vor.u32 s6, v17;
	v33 =	vand.u32 $0x7F, v33;
	v34 =	vand.u32 $0xFFFFFC00, v34  }
0x114: {  	v33 =	vor.u32 v33, v34;
	_ =	sdelay $0x3  }
0x115: {  	[tilespmem:v35+s24+$0x0] =	vst.idx.msk $0xffff, v32;
	v32 =	vadd.s32 s1, v20  }
0x116: {  	v33 =	vld.idx.msk [tilespmem:v33+s2+$0x0], $0xffff;
	v34 =	vshll.u32 v32, $0x3  }
0x117: {  	v35 =	vor.u32 s6, v19;
	v32 =	vand.u32 $0x7F, v32;
	v34 =	vand.u32 $0xFFFFFC00, v34  }
0x118: {  	v32 =	vor.u32 v32, v34;
	_ =	sdelay $0x3  }
0x119: {  	[tilespmem:v35+s24+$0x0] =	vst.idx.msk $0xffff, v33;
	v33 =	vadd.s32 s1, v22  }
0x11a: {  	v32 =	vld.idx.msk [tilespmem:v32+s2+$0x0], $0xffff;
	v34 =	vshll.u32 v33, $0x3  }
0x11b: {  	v35 =	vor.u32 s6, v21;
	v33 =	vand.u32 $0x7F, v33;
	v34 =	vand.u32 $0xFFFFFC00, v34  }
0x11c: {  	v33 =	vor.u32 v33, v34;
	_ =	sdelay $0x3  }
0x11d: {  	[tilespmem:v35+s24+$0x0] =	vst.idx.msk $0xffff, v32;
	v32 =	vadd.s32 s1, v24  }
0x11e: {  	v33 =	vld.idx.msk [tilespmem:v33+s2+$0x0], $0xffff;
	v34 =	vshll.u32 v32, $0x3  }
0x11f: {  	v35 =	vor.u32 s6, v23;
	v32 =	vand.u32 $0x7F, v32;
	v34 =	vand.u32 $0xFFFFFC00, v34  }
0x120: {  	v32 =	vor.u32 v32, v34;
	_ =	sdelay $0x3  }
0x121: {  	[tilespmem:v35+s24+$0x0] =	vst.idx.msk $0xffff, v33;
	v33 =	vadd.s32 s1, v26  }
0x122: {  	v32 =	vld.idx.msk [tilespmem:v32+s2+$0x0], $0xffff;
	v34 =	vshll.u32 v33, $0x3  }
0x123: {  	v35 =	vor.u32 s6, v25;
	v33 =	vand.u32 $0x7F, v33;
	v34 =	vand.u32 $0xFFFFFC00, v34  }
0x124: {  	v33 =	vor.u32 v33, v34;
	_ =	sdelay $0x3  }
0x125: {  	[tilespmem:v35+s24+$0x0] =	vst.idx.msk $0xffff, v32;
	v32 =	vadd.s32 s1, v28  }
0x126: {  	v33 =	vld.idx.msk [tilespmem:v33+s2+$0x0], $0xffff;
	v34 =	vshll.u32 v32, $0x3  }
0x127: {  	v35 =	vor.u32 s6, v27;
	v32 =	vand.u32 $0x7F, v32;
	v34 =	vand.u32 $0xFFFFFC00, v34  }
0x128: {  	v32 =	vor.u32 v32, v34;
	_ =	sdelay $0x3  }
0x129: {  	[tilespmem:v35+s24+$0x0] =	vst.idx.msk $0xffff, v33;
	v33 =	vadd.s32 s1, v30;
	s1 =	smov.u32 s16  }
0x12a: {  	v34 =	vld.idx.msk [tilespmem:v32+s2+$0x0], $0xffff;
	v32 =	vshll.u32 v33, $0x3  }
0x12b: {  	v35 =	vor.u32 s6, v29;
	v33 =	vand.u32 $0x7F, v33;
	v32 =	vand.u32 $0xFFFFFC00, v32  }
.Ltmp5:
0x12c: {  	v32 =	vor.u32 v33, v32;
	(pc) =	sbr.rel @p1 .LBB2_4-.Ltmp5, $2  }
0x12d: {  	_ =	sdelay $0x2  }
0x12e: {  	s16 =	sadd.s32 $0x10, s16;
	v33 =	vadd.s32 s1, v0;
	[tilespmem:v35+s24+$0x0] =	vst.idx.msk $0xffff, v34  }
0x12f: {  	_ =	sdelay $0x2  }
0x130: {  	v34 =	vshll.u32 v33, $0x3  }
0x131: {  	v32 =	vld.idx.msk [tilespmem:v32+s2+$0x0], $0xffff;
	v45 =	vand.u32 $0x7F, v33;
	v35 =	vor.u32 s6, v31;
	v34 =	vand.u32 $0xFFFFFC00, v34  }
0x132: {  	v33 =	vor.u32 v45, v34;
	_ =	sdelay $0x2  }
0x133: {  	v46 =	vadd.s32 s1, v2  }
0x134: {  	s16 =	sadd.s32 $0x100, s6;
	v47 =	vshll.u32 v46, $0x3;
	[tilespmem:v35+s24+$0x0] =	vst.idx.msk $0xffff, v32  }
0x135: {  	v48 =	vor.u32 s16, v1;
	v34 =	vand.u32 $0x7F, v46;
	v32 =	vand.u32 $0xFFFFFC00, v47;
	v33 =	vld.idx.msk [tilespmem:v33+s2+$0x0], $0xffff  }
0x136: {  	v32 =	vor.u32 v34, v32;
	_ =	sdelay $0x2  }
0x137: {  	v49 =	vadd.s32 s1, v4  }
0x138: {  	v50 =	vshll.u32 v49, $0x3;
	[tilespmem:v48+s24+$0x0] =	vst.idx.msk $0xffff, v33  }
0x139: {  	v51 =	vor.u32 s16, v3;
	v34 =	vand.u32 $0x7F, v49;
	v33 =	vand.u32 $0xFFFFFC00, v50;
	v32 =	vld.idx.msk [tilespmem:v32+s2+$0x0], $0xffff  }
0x13a: {  	v33 =	vor.u32 v34, v33;
	_ =	sdelay $0x2  }
0x13b: {  	v52 =	vadd.s32 s1, v6  }
0x13c: {  	v53 =	vshll.u32 v52, $0x3;
	[tilespmem:v51+s24+$0x0] =	vst.idx.msk $0xffff, v32  }
0x13d: {  	v54 =	vor.u32 s16, v5;
	v34 =	vand.u32 $0x7F, v52;
	v32 =	vand.u32 $0xFFFFFC00, v53;
	v33 =	vld.idx.msk [tilespmem:v33+s2+$0x0], $0xffff  }
0x13e: {  	v32 =	vor.u32 v34, v32;
	_ =	sdelay $0x2  }
0x13f: {  	v55 =	vadd.s32 s1, v8  }
0x140: {  	v56 =	vshll.u32 v55, $0x3;
	[tilespmem:v54+s24+$0x0] =	vst.idx.msk $0xffff, v33  }
0x141: {  	v57 =	vor.u32 s16, v7;
	v34 =	vand.u32 $0x7F, v55;
	v33 =	vand.u32 $0xFFFFFC00, v56;
	v32 =	vld.idx.msk [tilespmem:v32+s2+$0x0], $0xffff  }
0x142: {  	v33 =	vor.u32 v34, v33;
	_ =	sdelay $0x2  }
0x143: {  	v58 =	vadd.s32 s1, v10  }
0x144: {  	v59 =	vshll.u32 v58, $0x3;
	[tilespmem:v57+s24+$0x0] =	vst.idx.msk $0xffff, v32  }
0x145: {  	v60 =	vor.u32 s16, v9;
	v34 =	vand.u32 $0x7F, v58;
	v32 =	vand.u32 $0xFFFFFC00, v59;
	v33 =	vld.idx.msk [tilespmem:v33+s2+$0x0], $0xffff  }
0x146: {  	v32 =	vor.u32 v34, v32;
	_ =	sdelay $0x2  }
0x147: {  	v61 =	vadd.s32 s1, v12  }
0x148: {  	v62 =	vshll.u32 v61, $0x3;
	[tilespmem:v60+s24+$0x0] =	vst.idx.msk $0xffff, v33  }
0x149: {  	v63 =	vor.u32 s16, v11;
	v34 =	vand.u32 $0x7F, v61;
	v33 =	vand.u32 $0xFFFFFC00, v62;
	v32 =	vld.idx.msk [tilespmem:v32+s2+$0x0], $0xffff  }
0x14a: {  	v33 =	vor.u32 v34, v33;
	_ =	sdelay $0x2  }
0x14b: {  	v36 =	vadd.s32 s1, v14  }
0x14c: {  	v37 =	vshll.u32 v36, $0x3;
	[tilespmem:v63+s24+$0x0] =	vst.idx.msk $0xffff, v32  }
0x14d: {  	v38 =	vor.u32 s16, v13;
	v34 =	vand.u32 $0x7F, v36;
	v32 =	vand.u32 $0xFFFFFC00, v37;
	v33 =	vld.idx.msk [tilespmem:v33+s2+$0x0], $0xffff  }
0x14e: {  	v32 =	vor.u32 v34, v32;
	_ =	sdelay $0x2  }
0x14f: {  	v39 =	vadd.s32 s1, v16  }
0x150: {  	v40 =	vshll.u32 v39, $0x3;
	[tilespmem:v38+s24+$0x0] =	vst.idx.msk $0xffff, v33  }
0x151: {  	v41 =	vor.u32 s16, v15;
	v34 =	vand.u32 $0x7F, v39;
	v33 =	vand.u32 $0xFFFFFC00, v40;
	v32 =	vld.idx.msk [tilespmem:v32+s2+$0x0], $0xffff  }
0x152: {  	v33 =	vor.u32 v34, v33;
	_ =	sdelay $0x2  }
0x153: {  	v42 =	vadd.s32 s1, v18  }
0x154: {  	v43 =	vshll.u32 v42, $0x3;
	[tilespmem:v41+s24+$0x0] =	vst.idx.msk $0xffff, v32  }
0x155: {  	v44 =	vor.u32 s16, v17;
	v34 =	vand.u32 $0x7F, v42;
	v32 =	vand.u32 $0xFFFFFC00, v43;
	v33 =	vld.idx.msk [tilespmem:v33+s2+$0x0], $0xffff  }
0x156: {  	v32 =	vor.u32 v34, v32;
	_ =	sdelay $0x2  }
0x157: {  	v45 =	vadd.s32 s1, v20  }
0x158: {  	v46 =	vshll.u32 v45, $0x3;
	[tilespmem:v44+s24+$0x0] =	vst.idx.msk $0xffff, v33  }
0x159: {  	v47 =	vor.u32 s16, v19;
	v34 =	vand.u32 $0x7F, v45;
	v33 =	vand.u32 $0xFFFFFC00, v46;
	v32 =	vld.idx.msk [tilespmem:v32+s2+$0x0], $0xffff  }
0x15a: {  	v33 =	vor.u32 v34, v33;
	_ =	sdelay $0x2  }
0x15b: {  	v48 =	vadd.s32 s1, v22  }
0x15c: {  	v49 =	vshll.u32 v48, $0x3;
	[tilespmem:v47+s24+$0x0] =	vst.idx.msk $0xffff, v32  }
0x15d: {  	v50 =	vor.u32 s16, v21;
	v34 =	vand.u32 $0x7F, v48;
	v32 =	vand.u32 $0xFFFFFC00, v49;
	v33 =	vld.idx.msk [tilespmem:v33+s2+$0x0], $0xffff  }
0x15e: {  	v32 =	vor.u32 v34, v32;
	_ =	sdelay $0x2  }
0x15f: {  	v51 =	vadd.s32 s1, v24  }
0x160: {  	v52 =	vshll.u32 v51, $0x3;
	[tilespmem:v50+s24+$0x0] =	vst.idx.msk $0xffff, v33  }
0x161: {  	v53 =	vor.u32 s16, v23;
	v34 =	vand.u32 $0x7F, v51;
	v33 =	vand.u32 $0xFFFFFC00, v52;
	v32 =	vld.idx.msk [tilespmem:v32+s2+$0x0], $0xffff  }
0x162: {  	v33 =	vor.u32 v34, v33;
	_ =	sdelay $0x2  }
0x163: {  	v54 =	vadd.s32 s1, v26  }
0x164: {  	v55 =	vshll.u32 v54, $0x3;
	[tilespmem:v53+s24+$0x0] =	vst.idx.msk $0xffff, v32  }
0x165: {  	v56 =	vor.u32 s16, v25;
	v34 =	vand.u32 $0x7F, v54;
	v32 =	vand.u32 $0xFFFFFC00, v55;
	v33 =	vld.idx.msk [tilespmem:v33+s2+$0x0], $0xffff  }
0x166: {  	v32 =	vor.u32 v34, v32;
	_ =	sdelay $0x2  }
0x167: {  	v57 =	vadd.s32 s1, v28  }
0x168: {  	v58 =	vshll.u32 v57, $0x3;
	[tilespmem:v56+s24+$0x0] =	vst.idx.msk $0xffff, v33  }
0x169: {  	v59 =	vor.u32 s16, v27;
	v34 =	vand.u32 $0x7F, v57;
	v33 =	vand.u32 $0xFFFFFC00, v58;
	v32 =	vld.idx.msk [tilespmem:v32+s2+$0x0], $0xffff  }
0x16a: {  	v33 =	vor.u32 v34, v33;
	_ =	sdelay $0x2  }
0x16b: {  	v60 =	vadd.s32 s1, v30  }
0x16c: {  	v61 =	vshll.u32 v60, $0x3;
	[tilespmem:v59+s24+$0x0] =	vst.idx.msk $0xffff, v32  }
0x16d: {  	v62 =	vor.u32 s16, v29;
	v34 =	vand.u32 $0x7F, v60;
	v32 =	vand.u32 $0xFFFFFC00, v61;
	v33 =	vld.idx.msk [tilespmem:v33+s2+$0x0], $0xffff  }
0x16e: {  	v32 =	vor.u32 v34, v32;
	_ =	sdelay $0x3  }
0x16f: {  	[tilespmem:v62+s24+$0x0] =	vst.idx.msk $0xffff, v33  }
0x170: {  	v63 =	vor.u32 s16, v31;
	v32 =	vld.idx.msk [tilespmem:v32+s2+$0x0], $0xffff;
	_ =	sdelay $0x3  }
0x171: {  	p1 =	sge.u32 s17, s10;
	s16 =	sshll.u32 s0, $0xA  }
0x172: {  	s6 =	simm.s32 @!p1 $0x7A1400;
	s0 =	sshll.u32 @!p1 s0, $0x9;
	s1 =	sadd.s32 s4, s16;
	[tilespmem:v63+s24+$0x0] =	vst.idx.msk $0xffff, v32  }
0x173: {  	[hbm4b:s1+s2] =	stream.linear.scatter [tilespmem:s24], [sflag:$0x5], $0x2000, $0x38;
	[tilespmem:$0x10000] =	vst v63  }
0x174: {  	s0 =	sadd.s32 @!p1 s0, s14;
	s16 =	simm.s32 @!p1 $0x0;
	s1 =	simm.s32 @!p1 $0x1000  }
0x175: {  	[tilespmem:s16], [sflag:$0x1] =	stream.strided.gather @!p1 [hbm4b:s0+s1], $0x2000, s6, s1, $0x38;
	[tilespmem:$0x10000] =	vst v63  }
.LBB2_6:
0x176: {  	s0 =	sor.u32 $0x1, s17  }
0x177: {  	p1 =	sge.u32 s0, s5  }
.Ltmp6:
0x178: {  	_ = 	snop;
	(pc) =	sbr.rel @p1 .LBB2_10-.Ltmp6, $1  }
0x179: {  	_ =	sdelay $0x3  }
0x17a: {  	s6 =	simm.s32 $0x0  }
0x17b: {  	v32 =	vadd.s32 s6, v0  }
0x17c: {  	v33 =	vshll.u32 v32, $0x3  }
0x17d: {  	_ =	swait.ge [sflag:s25], $0x2000;
	v32 =	vand.u32 $0x7F, v32;
	v33 =	vand.u32 $0xFFFFFC00, v33  }
0x17e: {  	p1 =	seq.s32 s15, $0x0;
	[sflag:s25] =	ssyncset.done $0x0;
	v32 =	vor.u32 v32, v33  }
0x17f: {  	s1 =	simm.s32 @!p1 $0x6;
	[sflag:s25] =	ssyncadd.s32 $0xFFFFE000  }
0x180: {  	_ =	swait.ge @!p1 [sflag:s1], $0x2000  }
0x181: {  	v49 =	vadd.s32 s6, v2;
	[sflag:s1] =	ssyncset.done @!p1 $0x0  }
0x182: {  	v34 =	vshll.u32 v49, $0x3;
	[sflag:s1] =	ssyncadd.s32 @!p1 $0xFFFFE000  }
0x183: {  	v35 =	vor.u32 s6, v1;
	v34 =	vand.u32 $0xFFFFFC00, v34;
	v33 =	vand.u32 $0x7F, v49;
	v32 =	vld.idx.msk [tilespmem:v32+s20+$0x0], $0xffff  }
0x184: {  	v33 =	vor.u32 v33, v34;
	_ =	sdelay $0x2  }
0x185: {  	v50 =	vadd.s32 s6, v4  }
0x186: {  	v51 =	vshll.u32 v50, $0x3;
	[tilespmem:v35+s26+$0x0] =	vst.idx.msk $0xffff, v32  }
0x187: {  	v52 =	vor.u32 s6, v3;
	v34 =	vand.u32 $0x7F, v50;
	v32 =	vand.u32 $0xFFFFFC00, v51;
	v33 =	vld.idx.msk [tilespmem:v33+s20+$0x0], $0xffff  }
0x188: {  	v32 =	vor.u32 v34, v32;
	_ =	sdelay $0x2  }
0x189: {  	v53 =	vadd.s32 s6, v6  }
0x18a: {  	v54 =	vshll.u32 v53, $0x3;
	[tilespmem:v52+s26+$0x0] =	vst.idx.msk $0xffff, v33  }
0x18b: {  	v55 =	vor.u32 s6, v5;
	v34 =	vand.u32 $0x7F, v53;
	v33 =	vand.u32 $0xFFFFFC00, v54;
	v32 =	vld.idx.msk [tilespmem:v32+s20+$0x0], $0xffff  }
0x18c: {  	v33 =	vor.u32 v34, v33;
	_ =	sdelay $0x2  }
0x18d: {  	v56 =	vadd.s32 s6, v8  }
0x18e: {  	v57 =	vshll.u32 v56, $0x3;
	[tilespmem:v55+s26+$0x0] =	vst.idx.msk $0xffff, v32  }
0x18f: {  	v58 =	vor.u32 s6, v7;
	v34 =	vand.u32 $0x7F, v56;
	v32 =	vand.u32 $0xFFFFFC00, v57;
	v33 =	vld.idx.msk [tilespmem:v33+s20+$0x0], $0xffff  }
0x190: {  	v32 =	vor.u32 v34, v32;
	_ =	sdelay $0x2  }
0x191: {  	v59 =	vadd.s32 s6, v10  }
0x192: {  	v60 =	vshll.u32 v59, $0x3;
	[tilespmem:v58+s26+$0x0] =	vst.idx.msk $0xffff, v33  }
0x193: {  	v61 =	vor.u32 s6, v9;
	v34 =	vand.u32 $0x7F, v59;
	v33 =	vand.u32 $0xFFFFFC00, v60;
	v32 =	vld.idx.msk [tilespmem:v32+s20+$0x0], $0xffff  }
0x194: {  	v33 =	vor.u32 v34, v33;
	_ =	sdelay $0x2  }
0x195: {  	v62 =	vadd.s32 s6, v12  }
0x196: {  	v63 =	vshll.u32 v62, $0x3;
	[tilespmem:v61+s26+$0x0] =	vst.idx.msk $0xffff, v32  }
0x197: {  	v36 =	vor.u32 s6, v11;
	v34 =	vand.u32 $0x7F, v62;
	v32 =	vand.u32 $0xFFFFFC00, v63;
	v33 =	vld.idx.msk [tilespmem:v33+s20+$0x0], $0xffff  }
0x198: {  	v32 =	vor.u32 v34, v32;
	_ =	sdelay $0x2  }
0x199: {  	v37 =	vadd.s32 s6, v14  }
0x19a: {  	v38 =	vshll.u32 v37, $0x3;
	[tilespmem:v36+s26+$0x0] =	vst.idx.msk $0xffff, v33  }
0x19b: {  	v39 =	vor.u32 s6, v13;
	v34 =	vand.u32 $0x7F, v37;
	v33 =	vand.u32 $0xFFFFFC00, v38;
	v32 =	vld.idx.msk [tilespmem:v32+s20+$0x0], $0xffff  }
0x19c: {  	v33 =	vor.u32 v34, v33;
	_ =	sdelay $0x2  }
0x19d: {  	v40 =	vadd.s32 s6, v16  }
0x19e: {  	v41 =	vshll.u32 v40, $0x3;
	[tilespmem:v39+s26+$0x0] =	vst.idx.msk $0xffff, v32  }
0x19f: {  	v42 =	vor.u32 s6, v15;
	v34 =	vand.u32 $0x7F, v40;
	v32 =	vand.u32 $0xFFFFFC00, v41;
	v33 =	vld.idx.msk [tilespmem:v33+s20+$0x0], $0xffff  }
0x1a0: {  	v32 =	vor.u32 v34, v32;
	_ =	sdelay $0x2  }
0x1a1: {  	v43 =	vadd.s32 s6, v18  }
0x1a2: {  	v44 =	vshll.u32 v43, $0x3;
	[tilespmem:v42+s26+$0x0] =	vst.idx.msk $0xffff, v33  }
0x1a3: {  	v45 =	vor.u32 s6, v17;
	v34 =	vand.u32 $0x7F, v43;
	v33 =	vand.u32 $0xFFFFFC00, v44;
	v32 =	vld.idx.msk [tilespmem:v32+s20+$0x0], $0xffff  }
0x1a4: {  	v33 =	vor.u32 v34, v33;
	_ =	sdelay $0x2  }
0x1a5: {  	v46 =	vadd.s32 s6, v20  }
0x1a6: {  	v47 =	vshll.u32 v46, $0x3;
	[tilespmem:v45+s26+$0x0] =	vst.idx.msk $0xffff, v32  }
0x1a7: {  	v48 =	vor.u32 s6, v19;
	v34 =	vand.u32 $0x7F, v46;
	v32 =	vand.u32 $0xFFFFFC00, v47;
	v33 =	vld.idx.msk [tilespmem:v33+s20+$0x0], $0xffff  }
0x1a8: {  	v32 =	vor.u32 v34, v32;
	_ =	sdelay $0x2  }
0x1a9: {  	v49 =	vadd.s32 s6, v22  }
0x1aa: {  	v50 =	vshll.u32 v49, $0x3;
	[tilespmem:v48+s26+$0x0] =	vst.idx.msk $0xffff, v33  }
0x1ab: {  	v51 =	vor.u32 s6, v21;
	v34 =	vand.u32 $0x7F, v49;
	v33 =	vand.u32 $0xFFFFFC00, v50;
	v32 =	vld.idx.msk [tilespmem:v32+s20+$0x0], $0xffff  }
0x1ac: {  	v33 =	vor.u32 v34, v33;
	_ =	sdelay $0x2  }
0x1ad: {  	v52 =	vadd.s32 s6, v24  }
0x1ae: {  	v53 =	vshll.u32 v52, $0x3;
	[tilespmem:v51+s26+$0x0] =	vst.idx.msk $0xffff, v32  }
0x1af: {  	v54 =	vor.u32 s6, v23;
	v34 =	vand.u32 $0x7F, v52;
	v32 =	vand.u32 $0xFFFFFC00, v53;
	v33 =	vld.idx.msk [tilespmem:v33+s20+$0x0], $0xffff  }
0x1b0: {  	v32 =	vor.u32 v34, v32;
	_ =	sdelay $0x2  }
0x1b1: {  	v55 =	vadd.s32 s6, v26  }
0x1b2: {  	v56 =	vshll.u32 v55, $0x3;
	[tilespmem:v54+s26+$0x0] =	vst.idx.msk $0xffff, v33  }
0x1b3: {  	v57 =	vor.u32 s6, v25;
	v34 =	vand.u32 $0x7F, v55;
	v33 =	vand.u32 $0xFFFFFC00, v56;
	v32 =	vld.idx.msk [tilespmem:v32+s20+$0x0], $0xffff  }
0x1b4: {  	v33 =	vor.u32 v34, v33;
	_ =	sdelay $0x2  }
0x1b5: {  	v58 =	vadd.s32 s6, v28  }
0x1b6: {  	v59 =	vshll.u32 v58, $0x3;
	[tilespmem:v57+s26+$0x0] =	vst.idx.msk $0xffff, v32  }
0x1b7: {  	v60 =	vor.u32 s6, v27;
	v34 =	vand.u32 $0x7F, v58;
	v32 =	vand.u32 $0xFFFFFC00, v59;
	v33 =	vld.idx.msk [tilespmem:v33+s20+$0x0], $0xffff  }
0x1b8: {  	v32 =	vor.u32 v34, v32;
	_ =	sdelay $0x2  }
0x1b9: {  	v62 =	vadd.s32 s6, v30  }
0x1ba: {  	v63 =	vshll.u32 v62, $0x3;
	[tilespmem:v60+s26+$0x0] =	vst.idx.msk $0xffff, v33  }
0x1bb: {  	v61 =	vor.u32 s6, v29;
	v33 =	vand.u32 $0xFFFFFC00, v63;
	v34 =	vld.idx.msk [tilespmem:v32+s20+$0x0], $0xffff;
	v32 =	vand.u32 $0x7F, v62  }
0x1bc: {  	v32 =	vor.u32 v32, v33;
	_ =	sdelay $0x2  }
0x1bd: {  	s0 =	sshll.u32 s0, $0x5;
	s1 =	simm.s32 $0x10  }
0x1be: {  	s16 =	simm.s32 $0x20;
	s0 =	sor.u32 s3, s0;
	v33 =	vadd.s32 s1, v0;
	[tilespmem:v61+s26+$0x0] =	vst.idx.msk $0xffff, v34  }
.LBB2_8:
0x1bf: {  	p1 =	sne.s32 s16, $0x1F0;
	v34 =	vshll.u32 v33, $0x3;
	v32 =	vld.idx.msk [tilespmem:v32+s20+$0x0], $0xffff  }
0x1c0: {  	v33 =	vand.u32 $0x7F, v33;
	v35 =	vor.u32 s6, v31;
	v34 =	vand.u32 $0xFFFFFC00, v34  }
0x1c1: {  	v33 =	vor.u32 v33, v34;
	_ =	sdelay $0x3  }
0x1c2: {  	v34 =	vadd.s32 s1, v2;
	[tilespmem:v35+s26+$0x0] =	vst.idx.msk $0xffff, v32  }
0x1c3: {  	s6 =	sadd.s32 $0x100, s6;
	v32 =	vld.idx.msk [tilespmem:v33+s20+$0x0], $0xffff;
	v33 =	vshll.u32 v34, $0x3  }
0x1c4: {  	v35 =	vor.u32 s6, v1;
	v34 =	vand.u32 $0x7F, v34;
	v33 =	vand.u32 $0xFFFFFC00, v33  }
0x1c5: {  	v33 =	vor.u32 v34, v33;
	_ =	sdelay $0x3  }
0x1c6: {  	[tilespmem:v35+s26+$0x0] =	vst.idx.msk $0xffff, v32;
	v32 =	vadd.s32 s1, v4  }
0x1c7: {  	v33 =	vld.idx.msk [tilespmem:v33+s20+$0x0], $0xffff;
	v34 =	vshll.u32 v32, $0x3  }
0x1c8: {  	v35 =	vor.u32 s6, v3;
	v32 =	vand.u32 $0x7F, v32;
	v34 =	vand.u32 $0xFFFFFC00, v34  }
0x1c9: {  	v32 =	vor.u32 v32, v34;
	_ =	sdelay $0x3  }
0x1ca: {  	[tilespmem:v35+s26+$0x0] =	vst.idx.msk $0xffff, v33;
	v33 =	vadd.s32 s1, v6  }
0x1cb: {  	v32 =	vld.idx.msk [tilespmem:v32+s20+$0x0], $0xffff;
	v34 =	vshll.u32 v33, $0x3  }
0x1cc: {  	v35 =	vor.u32 s6, v5;
	v33 =	vand.u32 $0x7F, v33;
	v34 =	vand.u32 $0xFFFFFC00, v34  }
0x1cd: {  	v33 =	vor.u32 v33, v34;
	_ =	sdelay $0x3  }
0x1ce: {  	[tilespmem:v35+s26+$0x0] =	vst.idx.msk $0xffff, v32;
	v32 =	vadd.s32 s1, v8  }
0x1cf: {  	v33 =	vld.idx.msk [tilespmem:v33+s20+$0x0], $0xffff;
	v34 =	vshll.u32 v32, $0x3  }
0x1d0: {  	v35 =	vor.u32 s6, v7;
	v32 =	vand.u32 $0x7F, v32;
	v34 =	vand.u32 $0xFFFFFC00, v34  }
0x1d1: {  	v32 =	vor.u32 v32, v34;
	_ =	sdelay $0x3  }
0x1d2: {  	[tilespmem:v35+s26+$0x0] =	vst.idx.msk $0xffff, v33;
	v33 =	vadd.s32 s1, v10  }
0x1d3: {  	v32 =	vld.idx.msk [tilespmem:v32+s20+$0x0], $0xffff;
	v34 =	vshll.u32 v33, $0x3  }
0x1d4: {  	v35 =	vor.u32 s6, v9;
	v33 =	vand.u32 $0x7F, v33;
	v34 =	vand.u32 $0xFFFFFC00, v34  }
0x1d5: {  	v33 =	vor.u32 v33, v34;
	_ =	sdelay $0x3  }
0x1d6: {  	[tilespmem:v35+s26+$0x0] =	vst.idx.msk $0xffff, v32;
	v32 =	vadd.s32 s1, v12  }
0x1d7: {  	v33 =	vld.idx.msk [tilespmem:v33+s20+$0x0], $0xffff;
	v34 =	vshll.u32 v32, $0x3  }
0x1d8: {  	v35 =	vor.u32 s6, v11;
	v32 =	vand.u32 $0x7F, v32;
	v34 =	vand.u32 $0xFFFFFC00, v34  }
0x1d9: {  	v32 =	vor.u32 v32, v34;
	_ =	sdelay $0x3  }
0x1da: {  	[tilespmem:v35+s26+$0x0] =	vst.idx.msk $0xffff, v33;
	v33 =	vadd.s32 s1, v14  }
0x1db: {  	v32 =	vld.idx.msk [tilespmem:v32+s20+$0x0], $0xffff;
	v34 =	vshll.u32 v33, $0x3  }
0x1dc: {  	v35 =	vor.u32 s6, v13;
	v33 =	vand.u32 $0x7F, v33;
	v34 =	vand.u32 $0xFFFFFC00, v34  }
0x1dd: {  	v33 =	vor.u32 v33, v34;
	_ =	sdelay $0x3  }
0x1de: {  	[tilespmem:v35+s26+$0x0] =	vst.idx.msk $0xffff, v32;
	v32 =	vadd.s32 s1, v16  }
0x1df: {  	v33 =	vld.idx.msk [tilespmem:v33+s20+$0x0], $0xffff;
	v34 =	vshll.u32 v32, $0x3  }
0x1e0: {  	v35 =	vor.u32 s6, v15;
	v32 =	vand.u32 $0x7F, v32;
	v34 =	vand.u32 $0xFFFFFC00, v34  }
0x1e1: {  	v32 =	vor.u32 v32, v34;
	_ =	sdelay $0x3  }
0x1e2: {  	[tilespmem:v35+s26+$0x0] =	vst.idx.msk $0xffff, v33;
	v33 =	vadd.s32 s1, v18  }
0x1e3: {  	v32 =	vld.idx.msk [tilespmem:v32+s20+$0x0], $0xffff;
	v34 =	vshll.u32 v33, $0x3  }
0x1e4: {  	v35 =	vor.u32 s6, v17;
	v33 =	vand.u32 $0x7F, v33;
	v34 =	vand.u32 $0xFFFFFC00, v34  }
0x1e5: {  	v33 =	vor.u32 v33, v34;
	_ =	sdelay $0x3  }
0x1e6: {  	[tilespmem:v35+s26+$0x0] =	vst.idx.msk $0xffff, v32;
	v32 =	vadd.s32 s1, v20  }
0x1e7: {  	v33 =	vld.idx.msk [tilespmem:v33+s20+$0x0], $0xffff;
	v34 =	vshll.u32 v32, $0x3  }
0x1e8: {  	v35 =	vor.u32 s6, v19;
	v32 =	vand.u32 $0x7F, v32;
	v34 =	vand.u32 $0xFFFFFC00, v34  }
0x1e9: {  	v32 =	vor.u32 v32, v34;
	_ =	sdelay $0x3  }
0x1ea: {  	[tilespmem:v35+s26+$0x0] =	vst.idx.msk $0xffff, v33;
	v33 =	vadd.s32 s1, v22  }
0x1eb: {  	v32 =	vld.idx.msk [tilespmem:v32+s20+$0x0], $0xffff;
	v34 =	vshll.u32 v33, $0x3  }
0x1ec: {  	v35 =	vor.u32 s6, v21;
	v33 =	vand.u32 $0x7F, v33;
	v34 =	vand.u32 $0xFFFFFC00, v34  }
0x1ed: {  	v33 =	vor.u32 v33, v34;
	_ =	sdelay $0x3  }
0x1ee: {  	[tilespmem:v35+s26+$0x0] =	vst.idx.msk $0xffff, v32;
	v32 =	vadd.s32 s1, v24  }
0x1ef: {  	v33 =	vld.idx.msk [tilespmem:v33+s20+$0x0], $0xffff;
	v34 =	vshll.u32 v32, $0x3  }
0x1f0: {  	v35 =	vor.u32 s6, v23;
	v32 =	vand.u32 $0x7F, v32;
	v34 =	vand.u32 $0xFFFFFC00, v34  }
0x1f1: {  	v32 =	vor.u32 v32, v34;
	_ =	sdelay $0x3  }
0x1f2: {  	[tilespmem:v35+s26+$0x0] =	vst.idx.msk $0xffff, v33;
	v33 =	vadd.s32 s1, v26  }
0x1f3: {  	v32 =	vld.idx.msk [tilespmem:v32+s20+$0x0], $0xffff;
	v34 =	vshll.u32 v33, $0x3  }
0x1f4: {  	v35 =	vor.u32 s6, v25;
	v33 =	vand.u32 $0x7F, v33;
	v34 =	vand.u32 $0xFFFFFC00, v34  }
0x1f5: {  	v33 =	vor.u32 v33, v34;
	_ =	sdelay $0x3  }
0x1f6: {  	[tilespmem:v35+s26+$0x0] =	vst.idx.msk $0xffff, v32;
	v32 =	vadd.s32 s1, v28  }
0x1f7: {  	v33 =	vld.idx.msk [tilespmem:v33+s20+$0x0], $0xffff;
	v34 =	vshll.u32 v32, $0x3  }
0x1f8: {  	v35 =	vor.u32 s6, v27;
	v32 =	vand.u32 $0x7F, v32;
	v34 =	vand.u32 $0xFFFFFC00, v34  }
0x1f9: {  	v32 =	vor.u32 v32, v34;
	_ =	sdelay $0x3  }
0x1fa: {  	[tilespmem:v35+s26+$0x0] =	vst.idx.msk $0xffff, v33;
	v33 =	vadd.s32 s1, v30;
	s1 =	smov.u32 s16  }
0x1fb: {  	v34 =	vld.idx.msk [tilespmem:v32+s20+$0x0], $0xffff;
	v32 =	vshll.u32 v33, $0x3  }
0x1fc: {  	v35 =	vor.u32 s6, v29;
	v33 =	vand.u32 $0x7F, v33;
	v32 =	vand.u32 $0xFFFFFC00, v32  }
.Ltmp7:
0x1fd: {  	v32 =	vor.u32 v33, v32;
	(pc) =	sbr.rel @p1 .LBB2_8-.Ltmp7, $2  }
0x1fe: {  	_ =	sdelay $0x2  }
0x1ff: {  	s16 =	sadd.s32 $0x10, s16;
	v33 =	vadd.s32 s1, v0;
	[tilespmem:v35+s26+$0x0] =	vst.idx.msk $0xffff, v34  }
0x200: {  	_ =	sdelay $0x2  }
0x201: {  	v34 =	vshll.u32 v33, $0x3  }
0x202: {  	v32 =	vld.idx.msk [tilespmem:v32+s20+$0x0], $0xffff;
	v45 =	vand.u32 $0x7F, v33;
	v35 =	vor.u32 s6, v31;
	v34 =	vand.u32 $0xFFFFFC00, v34  }
0x203: {  	v33 =	vor.u32 v45, v34;
	_ =	sdelay $0x2  }
0x204: {  	v46 =	vadd.s32 s1, v2  }
0x205: {  	s16 =	sadd.s32 $0x100, s6;
	v47 =	vshll.u32 v46, $0x3;
	[tilespmem:v35+s26+$0x0] =	vst.idx.msk $0xffff, v32  }
0x206: {  	v48 =	vor.u32 s16, v1;
	v34 =	vand.u32 $0x7F, v46;
	v32 =	vand.u32 $0xFFFFFC00, v47;
	v33 =	vld.idx.msk [tilespmem:v33+s20+$0x0], $0xffff  }
0x207: {  	v32 =	vor.u32 v34, v32;
	_ =	sdelay $0x2  }
0x208: {  	v49 =	vadd.s32 s1, v4  }
0x209: {  	v50 =	vshll.u32 v49, $0x3;
	[tilespmem:v48+s26+$0x0] =	vst.idx.msk $0xffff, v33  }
0x20a: {  	v51 =	vor.u32 s16, v3;
	v34 =	vand.u32 $0x7F, v49;
	v33 =	vand.u32 $0xFFFFFC00, v50;
	v32 =	vld.idx.msk [tilespmem:v32+s20+$0x0], $0xffff  }
0x20b: {  	v33 =	vor.u32 v34, v33;
	_ =	sdelay $0x2  }
0x20c: {  	v52 =	vadd.s32 s1, v6  }
0x20d: {  	v53 =	vshll.u32 v52, $0x3;
	[tilespmem:v51+s26+$0x0] =	vst.idx.msk $0xffff, v32  }
0x20e: {  	v54 =	vor.u32 s16, v5;
	v34 =	vand.u32 $0x7F, v52;
	v32 =	vand.u32 $0xFFFFFC00, v53;
	v33 =	vld.idx.msk [tilespmem:v33+s20+$0x0], $0xffff  }
0x20f: {  	v32 =	vor.u32 v34, v32;
	_ =	sdelay $0x2  }
0x210: {  	v55 =	vadd.s32 s1, v8  }
0x211: {  	v56 =	vshll.u32 v55, $0x3;
	[tilespmem:v54+s26+$0x0] =	vst.idx.msk $0xffff, v33  }
0x212: {  	v57 =	vor.u32 s16, v7;
	v34 =	vand.u32 $0x7F, v55;
	v33 =	vand.u32 $0xFFFFFC00, v56;
	v32 =	vld.idx.msk [tilespmem:v32+s20+$0x0], $0xffff  }
0x213: {  	v33 =	vor.u32 v34, v33;
	_ =	sdelay $0x2  }
0x214: {  	v58 =	vadd.s32 s1, v10  }
0x215: {  	v59 =	vshll.u32 v58, $0x3;
	[tilespmem:v57+s26+$0x0] =	vst.idx.msk $0xffff, v32  }
0x216: {  	v60 =	vor.u32 s16, v9;
	v34 =	vand.u32 $0x7F, v58;
	v32 =	vand.u32 $0xFFFFFC00, v59;
	v33 =	vld.idx.msk [tilespmem:v33+s20+$0x0], $0xffff  }
0x217: {  	v32 =	vor.u32 v34, v32;
	_ =	sdelay $0x2  }
0x218: {  	v61 =	vadd.s32 s1, v12  }
0x219: {  	v62 =	vshll.u32 v61, $0x3;
	[tilespmem:v60+s26+$0x0] =	vst.idx.msk $0xffff, v33  }
0x21a: {  	v63 =	vor.u32 s16, v11;
	v34 =	vand.u32 $0x7F, v61;
	v33 =	vand.u32 $0xFFFFFC00, v62;
	v32 =	vld.idx.msk [tilespmem:v32+s20+$0x0], $0xffff  }
0x21b: {  	v33 =	vor.u32 v34, v33;
	_ =	sdelay $0x2  }
0x21c: {  	v36 =	vadd.s32 s1, v14  }
0x21d: {  	v37 =	vshll.u32 v36, $0x3;
	[tilespmem:v63+s26+$0x0] =	vst.idx.msk $0xffff, v32  }
0x21e: {  	v38 =	vor.u32 s16, v13;
	v34 =	vand.u32 $0x7F, v36;
	v32 =	vand.u32 $0xFFFFFC00, v37;
	v33 =	vld.idx.msk [tilespmem:v33+s20+$0x0], $0xffff  }
0x21f: {  	v32 =	vor.u32 v34, v32;
	_ =	sdelay $0x2  }
0x220: {  	v39 =	vadd.s32 s1, v16  }
0x221: {  	v40 =	vshll.u32 v39, $0x3;
	[tilespmem:v38+s26+$0x0] =	vst.idx.msk $0xffff, v33  }
0x222: {  	v41 =	vor.u32 s16, v15;
	v34 =	vand.u32 $0x7F, v39;
	v33 =	vand.u32 $0xFFFFFC00, v40;
	v32 =	vld.idx.msk [tilespmem:v32+s20+$0x0], $0xffff  }
0x223: {  	v33 =	vor.u32 v34, v33;
	_ =	sdelay $0x2  }
0x224: {  	v42 =	vadd.s32 s1, v18  }
0x225: {  	v43 =	vshll.u32 v42, $0x3;
	[tilespmem:v41+s26+$0x0] =	vst.idx.msk $0xffff, v32  }
0x226: {  	v44 =	vor.u32 s16, v17;
	v34 =	vand.u32 $0x7F, v42;
	v32 =	vand.u32 $0xFFFFFC00, v43;
	v33 =	vld.idx.msk [tilespmem:v33+s20+$0x0], $0xffff  }
0x227: {  	v32 =	vor.u32 v34, v32;
	_ =	sdelay $0x2  }
0x228: {  	v45 =	vadd.s32 s1, v20  }
0x229: {  	v46 =	vshll.u32 v45, $0x3;
	[tilespmem:v44+s26+$0x0] =	vst.idx.msk $0xffff, v33  }
0x22a: {  	v47 =	vor.u32 s16, v19;
	v34 =	vand.u32 $0x7F, v45;
	v33 =	vand.u32 $0xFFFFFC00, v46;
	v32 =	vld.idx.msk [tilespmem:v32+s20+$0x0], $0xffff  }
0x22b: {  	v33 =	vor.u32 v34, v33;
	_ =	sdelay $0x2  }
0x22c: {  	v48 =	vadd.s32 s1, v22  }
0x22d: {  	v49 =	vshll.u32 v48, $0x3;
	[tilespmem:v47+s26+$0x0] =	vst.idx.msk $0xffff, v32  }
0x22e: {  	v50 =	vor.u32 s16, v21;
	v34 =	vand.u32 $0x7F, v48;
	v32 =	vand.u32 $0xFFFFFC00, v49;
	v33 =	vld.idx.msk [tilespmem:v33+s20+$0x0], $0xffff  }
0x22f: {  	v32 =	vor.u32 v34, v32;
	_ =	sdelay $0x2  }
0x230: {  	v51 =	vadd.s32 s1, v24  }
0x231: {  	v52 =	vshll.u32 v51, $0x3;
	[tilespmem:v50+s26+$0x0] =	vst.idx.msk $0xffff, v33  }
0x232: {  	v53 =	vor.u32 s16, v23;
	v34 =	vand.u32 $0x7F, v51;
	v33 =	vand.u32 $0xFFFFFC00, v52;
	v32 =	vld.idx.msk [tilespmem:v32+s20+$0x0], $0xffff  }
0x233: {  	v33 =	vor.u32 v34, v33;
	_ =	sdelay $0x2  }
0x234: {  	v54 =	vadd.s32 s1, v26  }
0x235: {  	v55 =	vshll.u32 v54, $0x3;
	[tilespmem:v53+s26+$0x0] =	vst.idx.msk $0xffff, v32  }
0x236: {  	v56 =	vor.u32 s16, v25;
	v34 =	vand.u32 $0x7F, v54;
	v32 =	vand.u32 $0xFFFFFC00, v55;
	v33 =	vld.idx.msk [tilespmem:v33+s20+$0x0], $0xffff  }
0x237: {  	v32 =	vor.u32 v34, v32;
	_ =	sdelay $0x2  }
0x238: {  	v57 =	vadd.s32 s1, v28  }
0x239: {  	v58 =	vshll.u32 v57, $0x3;
	[tilespmem:v56+s26+$0x0] =	vst.idx.msk $0xffff, v33  }
0x23a: {  	v59 =	vor.u32 s16, v27;
	v34 =	vand.u32 $0x7F, v57;
	v33 =	vand.u32 $0xFFFFFC00, v58;
	v32 =	vld.idx.msk [tilespmem:v32+s20+$0x0], $0xffff  }
0x23b: {  	v33 =	vor.u32 v34, v33;
	_ =	sdelay $0x2  }
0x23c: {  	v60 =	vadd.s32 s1, v30  }
0x23d: {  	v61 =	vshll.u32 v60, $0x3;
	[tilespmem:v59+s26+$0x0] =	vst.idx.msk $0xffff, v32  }
0x23e: {  	v62 =	vor.u32 s16, v29;
	v34 =	vand.u32 $0x7F, v60;
	v32 =	vand.u32 $0xFFFFFC00, v61;
	v33 =	vld.idx.msk [tilespmem:v33+s20+$0x0], $0xffff  }
0x23f: {  	v32 =	vor.u32 v34, v32;
	_ =	sdelay $0x3  }
0x240: {  	[tilespmem:v62+s26+$0x0] =	vst.idx.msk $0xffff, v33  }
0x241: {  	v63 =	vor.u32 s16, v31;
	v32 =	vld.idx.msk [tilespmem:v32+s20+$0x0], $0xffff;
	_ =	sdelay $0x2  }
0x242: {  	s16 =	sshll.u32 s0, $0xA  }
0x243: {  	p1 =	sge.u32 s17, s11;
	s1 =	sand.u32 $0x1FFEFC00, s16  }
0x244: {  	s6 =	simm.s32 @!p1 $0x7A1400;
	s0 =	sshll.u32 @!p1 s0, $0x9;
	s1 =	sadd.s32 s4, s1;
	[tilespmem:v63+s26+$0x0] =	vst.idx.msk $0xffff, v32  }
0x245: {  	[hbm4b:s1+s2] =	stream.linear.scatter [tilespmem:s26], [sflag:$0x6], $0x2000, $0x38;
	[tilespmem:$0x10000] =	vst v63  }
0x246: {  	s0 =	sadd.s32 @!p1 s0, s14;
	s16 =	simm.s32 @!p1 $0x2000;
	s1 =	simm.s32 @!p1 $0x1000  }
0x247: {  	[tilespmem:s16], [sflag:$0x2] =	stream.strided.gather @!p1 [hbm4b:s0+s1], $0x2000, s6, s1, $0x38;
	[tilespmem:$0x10000] =	vst v63  }
.LBB2_10:
0x248: {  	s0 =	sor.u32 $0x2, s17  }
0x249: {  	p1 =	sge.u32 s0, s5  }
.Ltmp8:
0x24a: {  	_ = 	snop;
	(pc) =	sbr.rel @p1 .LBB2_14-.Ltmp8, $1  }
0x24b: {  	_ =	sdelay $0x3  }
0x24c: {  	s6 =	simm.s32 $0x0  }
0x24d: {  	v32 =	vadd.s32 s6, v0  }
0x24e: {  	v33 =	vshll.u32 v32, $0x3  }
0x24f: {  	_ =	swait.ge [sflag:s28], $0x2000;
	v32 =	vand.u32 $0x7F, v32;
	v33 =	vand.u32 $0xFFFFFC00, v33  }
0x250: {  	p1 =	seq.s32 s15, $0x0;
	[sflag:s28] =	ssyncset.done $0x0;
	v32 =	vor.u32 v32, v33  }
0x251: {  	s1 =	simm.s32 @!p1 $0x7;
	[sflag:s28] =	ssyncadd.s32 $0xFFFFE000  }
0x252: {  	_ =	swait.ge @!p1 [sflag:s1], $0x2000  }
0x253: {  	v49 =	vadd.s32 s6, v2;
	[sflag:s1] =	ssyncset.done @!p1 $0x0  }
0x254: {  	v34 =	vshll.u32 v49, $0x3;
	[sflag:s1] =	ssyncadd.s32 @!p1 $0xFFFFE000  }
0x255: {  	v35 =	vor.u32 s6, v1;
	v34 =	vand.u32 $0xFFFFFC00, v34;
	v33 =	vand.u32 $0x7F, v49;
	v32 =	vld.idx.msk [tilespmem:v32+s21+$0x0], $0xffff  }
0x256: {  	v33 =	vor.u32 v33, v34;
	_ =	sdelay $0x2  }
0x257: {  	v50 =	vadd.s32 s6, v4  }
0x258: {  	v51 =	vshll.u32 v50, $0x3;
	[tilespmem:v35+s29+$0x0] =	vst.idx.msk $0xffff, v32  }
0x259: {  	v52 =	vor.u32 s6, v3;
	v34 =	vand.u32 $0x7F, v50;
	v32 =	vand.u32 $0xFFFFFC00, v51;
	v33 =	vld.idx.msk [tilespmem:v33+s21+$0x0], $0xffff  }
0x25a: {  	v32 =	vor.u32 v34, v32;
	_ =	sdelay $0x2  }
0x25b: {  	v53 =	vadd.s32 s6, v6  }
0x25c: {  	v54 =	vshll.u32 v53, $0x3;
	[tilespmem:v52+s29+$0x0] =	vst.idx.msk $0xffff, v33  }
0x25d: {  	v55 =	vor.u32 s6, v5;
	v34 =	vand.u32 $0x7F, v53;
	v33 =	vand.u32 $0xFFFFFC00, v54;
	v32 =	vld.idx.msk [tilespmem:v32+s21+$0x0], $0xffff  }
0x25e: {  	v33 =	vor.u32 v34, v33;
	_ =	sdelay $0x2  }
0x25f: {  	v56 =	vadd.s32 s6, v8  }
0x260: {  	v57 =	vshll.u32 v56, $0x3;
	[tilespmem:v55+s29+$0x0] =	vst.idx.msk $0xffff, v32  }
0x261: {  	v58 =	vor.u32 s6, v7;
	v34 =	vand.u32 $0x7F, v56;
	v32 =	vand.u32 $0xFFFFFC00, v57;
	v33 =	vld.idx.msk [tilespmem:v33+s21+$0x0], $0xffff  }
0x262: {  	v32 =	vor.u32 v34, v32;
	_ =	sdelay $0x2  }
0x263: {  	v59 =	vadd.s32 s6, v10  }
0x264: {  	v60 =	vshll.u32 v59, $0x3;
	[tilespmem:v58+s29+$0x0] =	vst.idx.msk $0xffff, v33  }
0x265: {  	v61 =	vor.u32 s6, v9;
	v34 =	vand.u32 $0x7F, v59;
	v33 =	vand.u32 $0xFFFFFC00, v60;
	v32 =	vld.idx.msk [tilespmem:v32+s21+$0x0], $0xffff  }
0x266: {  	v33 =	vor.u32 v34, v33;
	_ =	sdelay $0x2  }
0x267: {  	v62 =	vadd.s32 s6, v12  }
0x268: {  	v63 =	vshll.u32 v62, $0x3;
	[tilespmem:v61+s29+$0x0] =	vst.idx.msk $0xffff, v32  }
0x269: {  	v36 =	vor.u32 s6, v11;
	v34 =	vand.u32 $0x7F, v62;
	v32 =	vand.u32 $0xFFFFFC00, v63;
	v33 =	vld.idx.msk [tilespmem:v33+s21+$0x0], $0xffff  }
0x26a: {  	v32 =	vor.u32 v34, v32;
	_ =	sdelay $0x2  }
0x26b: {  	v37 =	vadd.s32 s6, v14  }
0x26c: {  	v38 =	vshll.u32 v37, $0x3;
	[tilespmem:v36+s29+$0x0] =	vst.idx.msk $0xffff, v33  }
0x26d: {  	v39 =	vor.u32 s6, v13;
	v34 =	vand.u32 $0x7F, v37;
	v33 =	vand.u32 $0xFFFFFC00, v38;
	v32 =	vld.idx.msk [tilespmem:v32+s21+$0x0], $0xffff  }
0x26e: {  	v33 =	vor.u32 v34, v33;
	_ =	sdelay $0x2  }
0x26f: {  	v40 =	vadd.s32 s6, v16  }
0x270: {  	v41 =	vshll.u32 v40, $0x3;
	[tilespmem:v39+s29+$0x0] =	vst.idx.msk $0xffff, v32  }
0x271: {  	v42 =	vor.u32 s6, v15;
	v34 =	vand.u32 $0x7F, v40;
	v32 =	vand.u32 $0xFFFFFC00, v41;
	v33 =	vld.idx.msk [tilespmem:v33+s21+$0x0], $0xffff  }
0x272: {  	v32 =	vor.u32 v34, v32;
	_ =	sdelay $0x2  }
0x273: {  	v43 =	vadd.s32 s6, v18  }
0x274: {  	v44 =	vshll.u32 v43, $0x3;
	[tilespmem:v42+s29+$0x0] =	vst.idx.msk $0xffff, v33  }
0x275: {  	v45 =	vor.u32 s6, v17;
	v34 =	vand.u32 $0x7F, v43;
	v33 =	vand.u32 $0xFFFFFC00, v44;
	v32 =	vld.idx.msk [tilespmem:v32+s21+$0x0], $0xffff  }
0x276: {  	v33 =	vor.u32 v34, v33;
	_ =	sdelay $0x2  }
0x277: {  	v46 =	vadd.s32 s6, v20  }
0x278: {  	v47 =	vshll.u32 v46, $0x3;
	[tilespmem:v45+s29+$0x0] =	vst.idx.msk $0xffff, v32  }
0x279: {  	v48 =	vor.u32 s6, v19;
	v34 =	vand.u32 $0x7F, v46;
	v32 =	vand.u32 $0xFFFFFC00, v47;
	v33 =	vld.idx.msk [tilespmem:v33+s21+$0x0], $0xffff  }
0x27a: {  	v32 =	vor.u32 v34, v32;
	_ =	sdelay $0x2  }
0x27b: {  	v49 =	vadd.s32 s6, v22  }
0x27c: {  	v50 =	vshll.u32 v49, $0x3;
	[tilespmem:v48+s29+$0x0] =	vst.idx.msk $0xffff, v33  }
0x27d: {  	v51 =	vor.u32 s6, v21;
	v34 =	vand.u32 $0x7F, v49;
	v33 =	vand.u32 $0xFFFFFC00, v50;
	v32 =	vld.idx.msk [tilespmem:v32+s21+$0x0], $0xffff  }
0x27e: {  	v33 =	vor.u32 v34, v33;
	_ =	sdelay $0x2  }
0x27f: {  	v52 =	vadd.s32 s6, v24  }
0x280: {  	v53 =	vshll.u32 v52, $0x3;
	[tilespmem:v51+s29+$0x0] =	vst.idx.msk $0xffff, v32  }
0x281: {  	v54 =	vor.u32 s6, v23;
	v34 =	vand.u32 $0x7F, v52;
	v32 =	vand.u32 $0xFFFFFC00, v53;
	v33 =	vld.idx.msk [tilespmem:v33+s21+$0x0], $0xffff  }
0x282: {  	v32 =	vor.u32 v34, v32;
	_ =	sdelay $0x2  }
0x283: {  	v55 =	vadd.s32 s6, v26  }
0x284: {  	v56 =	vshll.u32 v55, $0x3;
	[tilespmem:v54+s29+$0x0] =	vst.idx.msk $0xffff, v33  }
0x285: {  	v57 =	vor.u32 s6, v25;
	v34 =	vand.u32 $0x7F, v55;
	v33 =	vand.u32 $0xFFFFFC00, v56;
	v32 =	vld.idx.msk [tilespmem:v32+s21+$0x0], $0xffff  }
0x286: {  	v33 =	vor.u32 v34, v33;
	_ =	sdelay $0x2  }
0x287: {  	v58 =	vadd.s32 s6, v28  }
0x288: {  	v59 =	vshll.u32 v58, $0x3;
	[tilespmem:v57+s29+$0x0] =	vst.idx.msk $0xffff, v32  }
0x289: {  	v60 =	vor.u32 s6, v27;
	v34 =	vand.u32 $0x7F, v58;
	v32 =	vand.u32 $0xFFFFFC00, v59;
	v33 =	vld.idx.msk [tilespmem:v33+s21+$0x0], $0xffff  }
0x28a: {  	v32 =	vor.u32 v34, v32;
	_ =	sdelay $0x2  }
0x28b: {  	v62 =	vadd.s32 s6, v30  }
0x28c: {  	v63 =	vshll.u32 v62, $0x3;
	[tilespmem:v60+s29+$0x0] =	vst.idx.msk $0xffff, v33  }
0x28d: {  	v61 =	vor.u32 s6, v29;
	v33 =	vand.u32 $0xFFFFFC00, v63;
	v34 =	vld.idx.msk [tilespmem:v32+s21+$0x0], $0xffff;
	v32 =	vand.u32 $0x7F, v62  }
0x28e: {  	v32 =	vor.u32 v32, v33;
	_ =	sdelay $0x2  }
0x28f: {  	s0 =	sshll.u32 s0, $0x5;
	s1 =	simm.s32 $0x10  }
0x290: {  	s16 =	simm.s32 $0x20;
	s0 =	sor.u32 s3, s0;
	v33 =	vadd.s32 s1, v0;
	[tilespmem:v61+s29+$0x0] =	vst.idx.msk $0xffff, v34  }
.LBB2_12:
0x291: {  	p1 =	sne.s32 s16, $0x1F0;
	v34 =	vshll.u32 v33, $0x3;
	v32 =	vld.idx.msk [tilespmem:v32+s21+$0x0], $0xffff  }
0x292: {  	v33 =	vand.u32 $0x7F, v33;
	v35 =	vor.u32 s6, v31;
	v34 =	vand.u32 $0xFFFFFC00, v34  }
0x293: {  	v33 =	vor.u32 v33, v34;
	_ =	sdelay $0x3  }
0x294: {  	v34 =	vadd.s32 s1, v2;
	[tilespmem:v35+s29+$0x0] =	vst.idx.msk $0xffff, v32  }
0x295: {  	s6 =	sadd.s32 $0x100, s6;
	v32 =	vld.idx.msk [tilespmem:v33+s21+$0x0], $0xffff;
	v33 =	vshll.u32 v34, $0x3  }
0x296: {  	v35 =	vor.u32 s6, v1;
	v34 =	vand.u32 $0x7F, v34;
	v33 =	vand.u32 $0xFFFFFC00, v33  }
0x297: {  	v33 =	vor.u32 v34, v33;
	_ =	sdelay $0x3  }
0x298: {  	[tilespmem:v35+s29+$0x0] =	vst.idx.msk $0xffff, v32;
	v32 =	vadd.s32 s1, v4  }
0x299: {  	v33 =	vld.idx.msk [tilespmem:v33+s21+$0x0], $0xffff;
	v34 =	vshll.u32 v32, $0x3  }
0x29a: {  	v35 =	vor.u32 s6, v3;
	v32 =	vand.u32 $0x7F, v32;
	v34 =	vand.u32 $0xFFFFFC00, v34  }
0x29b: {  	v32 =	vor.u32 v32, v34;
	_ =	sdelay $0x3  }
0x29c: {  	[tilespmem:v35+s29+$0x0] =	vst.idx.msk $0xffff, v33;
	v33 =	vadd.s32 s1, v6  }
0x29d: {  	v32 =	vld.idx.msk [tilespmem:v32+s21+$0x0], $0xffff;
	v34 =	vshll.u32 v33, $0x3  }
0x29e: {  	v35 =	vor.u32 s6, v5;
	v33 =	vand.u32 $0x7F, v33;
	v34 =	vand.u32 $0xFFFFFC00, v34  }
0x29f: {  	v33 =	vor.u32 v33, v34;
	_ =	sdelay $0x3  }
0x2a0: {  	[tilespmem:v35+s29+$0x0] =	vst.idx.msk $0xffff, v32;
	v32 =	vadd.s32 s1, v8  }
0x2a1: {  	v33 =	vld.idx.msk [tilespmem:v33+s21+$0x0], $0xffff;
	v34 =	vshll.u32 v32, $0x3  }
0x2a2: {  	v35 =	vor.u32 s6, v7;
	v32 =	vand.u32 $0x7F, v32;
	v34 =	vand.u32 $0xFFFFFC00, v34  }
0x2a3: {  	v32 =	vor.u32 v32, v34;
	_ =	sdelay $0x3  }
0x2a4: {  	[tilespmem:v35+s29+$0x0] =	vst.idx.msk $0xffff, v33;
	v33 =	vadd.s32 s1, v10  }
0x2a5: {  	v32 =	vld.idx.msk [tilespmem:v32+s21+$0x0], $0xffff;
	v34 =	vshll.u32 v33, $0x3  }
0x2a6: {  	v35 =	vor.u32 s6, v9;
	v33 =	vand.u32 $0x7F, v33;
	v34 =	vand.u32 $0xFFFFFC00, v34  }
0x2a7: {  	v33 =	vor.u32 v33, v34;
	_ =	sdelay $0x3  }
0x2a8: {  	[tilespmem:v35+s29+$0x0] =	vst.idx.msk $0xffff, v32;
	v32 =	vadd.s32 s1, v12  }
0x2a9: {  	v33 =	vld.idx.msk [tilespmem:v33+s21+$0x0], $0xffff;
	v34 =	vshll.u32 v32, $0x3  }
0x2aa: {  	v35 =	vor.u32 s6, v11;
	v32 =	vand.u32 $0x7F, v32;
	v34 =	vand.u32 $0xFFFFFC00, v34  }
0x2ab: {  	v32 =	vor.u32 v32, v34;
	_ =	sdelay $0x3  }
0x2ac: {  	[tilespmem:v35+s29+$0x0] =	vst.idx.msk $0xffff, v33;
	v33 =	vadd.s32 s1, v14  }
0x2ad: {  	v32 =	vld.idx.msk [tilespmem:v32+s21+$0x0], $0xffff;
	v34 =	vshll.u32 v33, $0x3  }
0x2ae: {  	v35 =	vor.u32 s6, v13;
	v33 =	vand.u32 $0x7F, v33;
	v34 =	vand.u32 $0xFFFFFC00, v34  }
0x2af: {  	v33 =	vor.u32 v33, v34;
	_ =	sdelay $0x3  }
0x2b0: {  	[tilespmem:v35+s29+$0x0] =	vst.idx.msk $0xffff, v32;
	v32 =	vadd.s32 s1, v16  }
0x2b1: {  	v33 =	vld.idx.msk [tilespmem:v33+s21+$0x0], $0xffff;
	v34 =	vshll.u32 v32, $0x3  }
0x2b2: {  	v35 =	vor.u32 s6, v15;
	v32 =	vand.u32 $0x7F, v32;
	v34 =	vand.u32 $0xFFFFFC00, v34  }
0x2b3: {  	v32 =	vor.u32 v32, v34;
	_ =	sdelay $0x3  }
0x2b4: {  	[tilespmem:v35+s29+$0x0] =	vst.idx.msk $0xffff, v33;
	v33 =	vadd.s32 s1, v18  }
0x2b5: {  	v32 =	vld.idx.msk [tilespmem:v32+s21+$0x0], $0xffff;
	v34 =	vshll.u32 v33, $0x3  }
0x2b6: {  	v35 =	vor.u32 s6, v17;
	v33 =	vand.u32 $0x7F, v33;
	v34 =	vand.u32 $0xFFFFFC00, v34  }
0x2b7: {  	v33 =	vor.u32 v33, v34;
	_ =	sdelay $0x3  }
0x2b8: {  	[tilespmem:v35+s29+$0x0] =	vst.idx.msk $0xffff, v32;
	v32 =	vadd.s32 s1, v20  }
0x2b9: {  	v33 =	vld.idx.msk [tilespmem:v33+s21+$0x0], $0xffff;
	v34 =	vshll.u32 v32, $0x3  }
0x2ba: {  	v35 =	vor.u32 s6, v19;
	v32 =	vand.u32 $0x7F, v32;
	v34 =	vand.u32 $0xFFFFFC00, v34  }
0x2bb: {  	v32 =	vor.u32 v32, v34;
	_ =	sdelay $0x3  }
0x2bc: {  	[tilespmem:v35+s29+$0x0] =	vst.idx.msk $0xffff, v33;
	v33 =	vadd.s32 s1, v22  }
0x2bd: {  	v32 =	vld.idx.msk [tilespmem:v32+s21+$0x0], $0xffff;
	v34 =	vshll.u32 v33, $0x3  }
0x2be: {  	v35 =	vor.u32 s6, v21;
	v33 =	vand.u32 $0x7F, v33;
	v34 =	vand.u32 $0xFFFFFC00, v34  }
0x2bf: {  	v33 =	vor.u32 v33, v34;
	_ =	sdelay $0x3  }
0x2c0: {  	[tilespmem:v35+s29+$0x0] =	vst.idx.msk $0xffff, v32;
	v32 =	vadd.s32 s1, v24  }
0x2c1: {  	v33 =	vld.idx.msk [tilespmem:v33+s21+$0x0], $0xffff;
	v34 =	vshll.u32 v32, $0x3  }
0x2c2: {  	v35 =	vor.u32 s6, v23;
	v32 =	vand.u32 $0x7F, v32;
	v34 =	vand.u32 $0xFFFFFC00, v34  }
0x2c3: {  	v32 =	vor.u32 v32, v34;
	_ =	sdelay $0x3  }
0x2c4: {  	[tilespmem:v35+s29+$0x0] =	vst.idx.msk $0xffff, v33;
	v33 =	vadd.s32 s1, v26  }
0x2c5: {  	v32 =	vld.idx.msk [tilespmem:v32+s21+$0x0], $0xffff;
	v34 =	vshll.u32 v33, $0x3  }
0x2c6: {  	v35 =	vor.u32 s6, v25;
	v33 =	vand.u32 $0x7F, v33;
	v34 =	vand.u32 $0xFFFFFC00, v34  }
0x2c7: {  	v33 =	vor.u32 v33, v34;
	_ =	sdelay $0x3  }
0x2c8: {  	[tilespmem:v35+s29+$0x0] =	vst.idx.msk $0xffff, v32;
	v32 =	vadd.s32 s1, v28  }
0x2c9: {  	v33 =	vld.idx.msk [tilespmem:v33+s21+$0x0], $0xffff;
	v34 =	vshll.u32 v32, $0x3  }
0x2ca: {  	v35 =	vor.u32 s6, v27;
	v32 =	vand.u32 $0x7F, v32;
	v34 =	vand.u32 $0xFFFFFC00, v34  }
0x2cb: {  	v32 =	vor.u32 v32, v34;
	_ =	sdelay $0x3  }
0x2cc: {  	[tilespmem:v35+s29+$0x0] =	vst.idx.msk $0xffff, v33;
	v33 =	vadd.s32 s1, v30;
	s1 =	smov.u32 s16  }
0x2cd: {  	v34 =	vld.idx.msk [tilespmem:v32+s21+$0x0], $0xffff;
	v32 =	vshll.u32 v33, $0x3  }
0x2ce: {  	v35 =	vor.u32 s6, v29;
	v33 =	vand.u32 $0x7F, v33;
	v32 =	vand.u32 $0xFFFFFC00, v32  }
.Ltmp9:
0x2cf: {  	v32 =	vor.u32 v33, v32;
	(pc) =	sbr.rel @p1 .LBB2_12-.Ltmp9, $2  }
0x2d0: {  	_ =	sdelay $0x2  }
0x2d1: {  	s16 =	sadd.s32 $0x10, s16;
	v33 =	vadd.s32 s1, v0;
	[tilespmem:v35+s29+$0x0] =	vst.idx.msk $0xffff, v34  }
0x2d2: {  	_ =	sdelay $0x2  }
0x2d3: {  	v34 =	vshll.u32 v33, $0x3  }
0x2d4: {  	v32 =	vld.idx.msk [tilespmem:v32+s21+$0x0], $0xffff;
	v45 =	vand.u32 $0x7F, v33;
	v35 =	vor.u32 s6, v31;
	v34 =	vand.u32 $0xFFFFFC00, v34  }
0x2d5: {  	v33 =	vor.u32 v45, v34;
	_ =	sdelay $0x2  }
0x2d6: {  	v46 =	vadd.s32 s1, v2  }
0x2d7: {  	s16 =	sadd.s32 $0x100, s6;
	v47 =	vshll.u32 v46, $0x3;
	[tilespmem:v35+s29+$0x0] =	vst.idx.msk $0xffff, v32  }
0x2d8: {  	v48 =	vor.u32 s16, v1;
	v34 =	vand.u32 $0x7F, v46;
	v32 =	vand.u32 $0xFFFFFC00, v47;
	v33 =	vld.idx.msk [tilespmem:v33+s21+$0x0], $0xffff  }
0x2d9: {  	v32 =	vor.u32 v34, v32;
	_ =	sdelay $0x2  }
0x2da: {  	v49 =	vadd.s32 s1, v4  }
0x2db: {  	v50 =	vshll.u32 v49, $0x3;
	[tilespmem:v48+s29+$0x0] =	vst.idx.msk $0xffff, v33  }
0x2dc: {  	v51 =	vor.u32 s16, v3;
	v34 =	vand.u32 $0x7F, v49;
	v33 =	vand.u32 $0xFFFFFC00, v50;
	v32 =	vld.idx.msk [tilespmem:v32+s21+$0x0], $0xffff  }
0x2dd: {  	v33 =	vor.u32 v34, v33;
	_ =	sdelay $0x2  }
0x2de: {  	v52 =	vadd.s32 s1, v6  }
0x2df: {  	v53 =	vshll.u32 v52, $0x3;
	[tilespmem:v51+s29+$0x0] =	vst.idx.msk $0xffff, v32  }
0x2e0: {  	v54 =	vor.u32 s16, v5;
	v34 =	vand.u32 $0x7F, v52;
	v32 =	vand.u32 $0xFFFFFC00, v53;
	v33 =	vld.idx.msk [tilespmem:v33+s21+$0x0], $0xffff  }
0x2e1: {  	v32 =	vor.u32 v34, v32;
	_ =	sdelay $0x2  }
0x2e2: {  	v55 =	vadd.s32 s1, v8  }
0x2e3: {  	v56 =	vshll.u32 v55, $0x3;
	[tilespmem:v54+s29+$0x0] =	vst.idx.msk $0xffff, v33  }
0x2e4: {  	v57 =	vor.u32 s16, v7;
	v34 =	vand.u32 $0x7F, v55;
	v33 =	vand.u32 $0xFFFFFC00, v56;
	v32 =	vld.idx.msk [tilespmem:v32+s21+$0x0], $0xffff  }
0x2e5: {  	v33 =	vor.u32 v34, v33;
	_ =	sdelay $0x2  }
0x2e6: {  	v58 =	vadd.s32 s1, v10  }
0x2e7: {  	v59 =	vshll.u32 v58, $0x3;
	[tilespmem:v57+s29+$0x0] =	vst.idx.msk $0xffff, v32  }
0x2e8: {  	v60 =	vor.u32 s16, v9;
	v34 =	vand.u32 $0x7F, v58;
	v32 =	vand.u32 $0xFFFFFC00, v59;
	v33 =	vld.idx.msk [tilespmem:v33+s21+$0x0], $0xffff  }
0x2e9: {  	v32 =	vor.u32 v34, v32;
	_ =	sdelay $0x2  }
0x2ea: {  	v61 =	vadd.s32 s1, v12  }
0x2eb: {  	v62 =	vshll.u32 v61, $0x3;
	[tilespmem:v60+s29+$0x0] =	vst.idx.msk $0xffff, v33  }
0x2ec: {  	v63 =	vor.u32 s16, v11;
	v34 =	vand.u32 $0x7F, v61;
	v33 =	vand.u32 $0xFFFFFC00, v62;
	v32 =	vld.idx.msk [tilespmem:v32+s21+$0x0], $0xffff  }
0x2ed: {  	v33 =	vor.u32 v34, v33;
	_ =	sdelay $0x2  }
0x2ee: {  	v36 =	vadd.s32 s1, v14  }
0x2ef: {  	v37 =	vshll.u32 v36, $0x3;
	[tilespmem:v63+s29+$0x0] =	vst.idx.msk $0xffff, v32  }
0x2f0: {  	v38 =	vor.u32 s16, v13;
	v34 =	vand.u32 $0x7F, v36;
	v32 =	vand.u32 $0xFFFFFC00, v37;
	v33 =	vld.idx.msk [tilespmem:v33+s21+$0x0], $0xffff  }
0x2f1: {  	v32 =	vor.u32 v34, v32;
	_ =	sdelay $0x2  }
0x2f2: {  	v39 =	vadd.s32 s1, v16  }
0x2f3: {  	v40 =	vshll.u32 v39, $0x3;
	[tilespmem:v38+s29+$0x0] =	vst.idx.msk $0xffff, v33  }
0x2f4: {  	v41 =	vor.u32 s16, v15;
	v34 =	vand.u32 $0x7F, v39;
	v33 =	vand.u32 $0xFFFFFC00, v40;
	v32 =	vld.idx.msk [tilespmem:v32+s21+$0x0], $0xffff  }
0x2f5: {  	v33 =	vor.u32 v34, v33;
	_ =	sdelay $0x2  }
0x2f6: {  	v42 =	vadd.s32 s1, v18  }
0x2f7: {  	v43 =	vshll.u32 v42, $0x3;
	[tilespmem:v41+s29+$0x0] =	vst.idx.msk $0xffff, v32  }
0x2f8: {  	v44 =	vor.u32 s16, v17;
	v34 =	vand.u32 $0x7F, v42;
	v32 =	vand.u32 $0xFFFFFC00, v43;
	v33 =	vld.idx.msk [tilespmem:v33+s21+$0x0], $0xffff  }
0x2f9: {  	v32 =	vor.u32 v34, v32;
	_ =	sdelay $0x2  }
0x2fa: {  	v45 =	vadd.s32 s1, v20  }
0x2fb: {  	v46 =	vshll.u32 v45, $0x3;
	[tilespmem:v44+s29+$0x0] =	vst.idx.msk $0xffff, v33  }
0x2fc: {  	v47 =	vor.u32 s16, v19;
	v34 =	vand.u32 $0x7F, v45;
	v33 =	vand.u32 $0xFFFFFC00, v46;
	v32 =	vld.idx.msk [tilespmem:v32+s21+$0x0], $0xffff  }
0x2fd: {  	v33 =	vor.u32 v34, v33;
	_ =	sdelay $0x2  }
0x2fe: {  	v48 =	vadd.s32 s1, v22  }
0x2ff: {  	v49 =	vshll.u32 v48, $0x3;
	[tilespmem:v47+s29+$0x0] =	vst.idx.msk $0xffff, v32  }
0x300: {  	v50 =	vor.u32 s16, v21;
	v34 =	vand.u32 $0x7F, v48;
	v32 =	vand.u32 $0xFFFFFC00, v49;
	v33 =	vld.idx.msk [tilespmem:v33+s21+$0x0], $0xffff  }
0x301: {  	v32 =	vor.u32 v34, v32;
	_ =	sdelay $0x2  }
0x302: {  	v51 =	vadd.s32 s1, v24  }
0x303: {  	v52 =	vshll.u32 v51, $0x3;
	[tilespmem:v50+s29+$0x0] =	vst.idx.msk $0xffff, v33  }
0x304: {  	v53 =	vor.u32 s16, v23;
	v34 =	vand.u32 $0x7F, v51;
	v33 =	vand.u32 $0xFFFFFC00, v52;
	v32 =	vld.idx.msk [tilespmem:v32+s21+$0x0], $0xffff  }
0x305: {  	v33 =	vor.u32 v34, v33;
	_ =	sdelay $0x2  }
0x306: {  	v54 =	vadd.s32 s1, v26  }
0x307: {  	v55 =	vshll.u32 v54, $0x3;
	[tilespmem:v53+s29+$0x0] =	vst.idx.msk $0xffff, v32  }
0x308: {  	v56 =	vor.u32 s16, v25;
	v34 =	vand.u32 $0x7F, v54;
	v32 =	vand.u32 $0xFFFFFC00, v55;
	v33 =	vld.idx.msk [tilespmem:v33+s21+$0x0], $0xffff  }
0x309: {  	v32 =	vor.u32 v34, v32;
	_ =	sdelay $0x2  }
0x30a: {  	v57 =	vadd.s32 s1, v28  }
0x30b: {  	v58 =	vshll.u32 v57, $0x3;
	[tilespmem:v56+s29+$0x0] =	vst.idx.msk $0xffff, v33  }
0x30c: {  	v59 =	vor.u32 s16, v27;
	v34 =	vand.u32 $0x7F, v57;
	v33 =	vand.u32 $0xFFFFFC00, v58;
	v32 =	vld.idx.msk [tilespmem:v32+s21+$0x0], $0xffff  }
0x30d: {  	v33 =	vor.u32 v34, v33;
	_ =	sdelay $0x2  }
0x30e: {  	v60 =	vadd.s32 s1, v30  }
0x30f: {  	v61 =	vshll.u32 v60, $0x3;
	[tilespmem:v59+s29+$0x0] =	vst.idx.msk $0xffff, v32  }
0x310: {  	v62 =	vor.u32 s16, v29;
	v34 =	vand.u32 $0x7F, v60;
	v32 =	vand.u32 $0xFFFFFC00, v61;
	v33 =	vld.idx.msk [tilespmem:v33+s21+$0x0], $0xffff  }
0x311: {  	v32 =	vor.u32 v34, v32;
	_ =	sdelay $0x3  }
0x312: {  	[tilespmem:v62+s29+$0x0] =	vst.idx.msk $0xffff, v33  }
0x313: {  	v63 =	vor.u32 s16, v31;
	v32 =	vld.idx.msk [tilespmem:v32+s21+$0x0], $0xffff;
	_ =	sdelay $0x2  }
0x314: {  	s16 =	sshll.u32 s0, $0xA  }
0x315: {  	p1 =	sge.u32 s17, s12;
	s1 =	sand.u32 $0x1FFF7C00, s16  }
0x316: {  	s6 =	simm.s32 @!p1 $0x7A1400;
	s0 =	sshll.u32 @!p1 s0, $0x9;
	s1 =	sadd.s32 s4, s1;
	[tilespmem:v63+s29+$0x0] =	vst.idx.msk $0xffff, v32  }
0x317: {  	[hbm4b:s1+s2] =	stream.linear.scatter [tilespmem:s29], [sflag:$0x7], $0x2000, $0x38;
	[tilespmem:$0x10000] =	vst v63  }
0x318: {  	s0 =	sadd.s32 @!p1 s0, s14;
	s16 =	simm.s32 @!p1 $0x4000;
	s1 =	simm.s32 @!p1 $0x1000  }
0x319: {  	[tilespmem:s16], [sflag:$0x3] =	stream.strided.gather @!p1 [hbm4b:s0+s1], $0x2000, s6, s1, $0x38;
	[tilespmem:$0x10000] =	vst v63  }
.LBB2_14:
0x31a: {  	s0 =	sor.u32 $0x3, s17  }
0x31b: {  	p1 =	sge.u32 s0, s5  }
.Ltmp10:
0x31c: {  	_ = 	snop;
	(pc) =	sbr.rel @p1 .LBB2_18-.Ltmp10, $1  }
0x31d: {  	_ =	sdelay $0x3  }
0x31e: {  	s6 =	simm.s32 $0x0  }
0x31f: {  	v32 =	vadd.s32 s6, v0  }
0x320: {  	v33 =	vshll.u32 v32, $0x3  }
0x321: {  	_ =	swait.ge [sflag:s30], $0x2000;
	v32 =	vand.u32 $0x7F, v32;
	v33 =	vand.u32 $0xFFFFFC00, v33  }
0x322: {  	p1 =	seq.s32 s15, $0x0;
	[sflag:s30] =	ssyncset.done $0x0;
	v32 =	vor.u32 v32, v33  }
0x323: {  	s1 =	simm.s32 @!p1 $0x8;
	[sflag:s30] =	ssyncadd.s32 $0xFFFFE000  }
0x324: {  	_ =	swait.ge @!p1 [sflag:s1], $0x2000  }
0x325: {  	v49 =	vadd.s32 s6, v2;
	[sflag:s1] =	ssyncset.done @!p1 $0x0  }
0x326: {  	v34 =	vshll.u32 v49, $0x3;
	[sflag:s1] =	ssyncadd.s32 @!p1 $0xFFFFE000  }
0x327: {  	v35 =	vor.u32 s6, v1;
	v34 =	vand.u32 $0xFFFFFC00, v34;
	v33 =	vand.u32 $0x7F, v49;
	v32 =	vld.idx.msk [tilespmem:v32+s22+$0x0], $0xffff  }
0x328: {  	v33 =	vor.u32 v33, v34;
	_ =	sdelay $0x2  }
0x329: {  	v50 =	vadd.s32 s6, v4  }
0x32a: {  	v51 =	vshll.u32 v50, $0x3;
	[tilespmem:v35+s31+$0x0] =	vst.idx.msk $0xffff, v32  }
0x32b: {  	v52 =	vor.u32 s6, v3;
	v34 =	vand.u32 $0x7F, v50;
	v32 =	vand.u32 $0xFFFFFC00, v51;
	v33 =	vld.idx.msk [tilespmem:v33+s22+$0x0], $0xffff  }
0x32c: {  	v32 =	vor.u32 v34, v32;
	_ =	sdelay $0x2  }
0x32d: {  	v53 =	vadd.s32 s6, v6  }
0x32e: {  	v54 =	vshll.u32 v53, $0x3;
	[tilespmem:v52+s31+$0x0] =	vst.idx.msk $0xffff, v33  }
0x32f: {  	v55 =	vor.u32 s6, v5;
	v34 =	vand.u32 $0x7F, v53;
	v33 =	vand.u32 $0xFFFFFC00, v54;
	v32 =	vld.idx.msk [tilespmem:v32+s22+$0x0], $0xffff  }
0x330: {  	v33 =	vor.u32 v34, v33;
	_ =	sdelay $0x2  }
0x331: {  	v56 =	vadd.s32 s6, v8  }
0x332: {  	v57 =	vshll.u32 v56, $0x3;
	[tilespmem:v55+s31+$0x0] =	vst.idx.msk $0xffff, v32  }
0x333: {  	v58 =	vor.u32 s6, v7;
	v34 =	vand.u32 $0x7F, v56;
	v32 =	vand.u32 $0xFFFFFC00, v57;
	v33 =	vld.idx.msk [tilespmem:v33+s22+$0x0], $0xffff  }
0x334: {  	v32 =	vor.u32 v34, v32;
	_ =	sdelay $0x2  }
0x335: {  	v59 =	vadd.s32 s6, v10  }
0x336: {  	v60 =	vshll.u32 v59, $0x3;
	[tilespmem:v58+s31+$0x0] =	vst.idx.msk $0xffff, v33  }
0x337: {  	v61 =	vor.u32 s6, v9;
	v34 =	vand.u32 $0x7F, v59;
	v33 =	vand.u32 $0xFFFFFC00, v60;
	v32 =	vld.idx.msk [tilespmem:v32+s22+$0x0], $0xffff  }
0x338: {  	v33 =	vor.u32 v34, v33;
	_ =	sdelay $0x2  }
0x339: {  	v62 =	vadd.s32 s6, v12  }
0x33a: {  	v63 =	vshll.u32 v62, $0x3;
	[tilespmem:v61+s31+$0x0] =	vst.idx.msk $0xffff, v32  }
0x33b: {  	v36 =	vor.u32 s6, v11;
	v34 =	vand.u32 $0x7F, v62;
	v32 =	vand.u32 $0xFFFFFC00, v63;
	v33 =	vld.idx.msk [tilespmem:v33+s22+$0x0], $0xffff  }
0x33c: {  	v32 =	vor.u32 v34, v32;
	_ =	sdelay $0x2  }
0x33d: {  	v37 =	vadd.s32 s6, v14  }
0x33e: {  	v38 =	vshll.u32 v37, $0x3;
	[tilespmem:v36+s31+$0x0] =	vst.idx.msk $0xffff, v33  }
0x33f: {  	v39 =	vor.u32 s6, v13;
	v34 =	vand.u32 $0x7F, v37;
	v33 =	vand.u32 $0xFFFFFC00, v38;
	v32 =	vld.idx.msk [tilespmem:v32+s22+$0x0], $0xffff  }
0x340: {  	v33 =	vor.u32 v34, v33;
	_ =	sdelay $0x2  }
0x341: {  	v40 =	vadd.s32 s6, v16  }
0x342: {  	v41 =	vshll.u32 v40, $0x3;
	[tilespmem:v39+s31+$0x0] =	vst.idx.msk $0xffff, v32  }
0x343: {  	v42 =	vor.u32 s6, v15;
	v34 =	vand.u32 $0x7F, v40;
	v32 =	vand.u32 $0xFFFFFC00, v41;
	v33 =	vld.idx.msk [tilespmem:v33+s22+$0x0], $0xffff  }
0x344: {  	v32 =	vor.u32 v34, v32;
	_ =	sdelay $0x2  }
0x345: {  	v43 =	vadd.s32 s6, v18  }
0x346: {  	v44 =	vshll.u32 v43, $0x3;
	[tilespmem:v42+s31+$0x0] =	vst.idx.msk $0xffff, v33  }
0x347: {  	v45 =	vor.u32 s6, v17;
	v34 =	vand.u32 $0x7F, v43;
	v33 =	vand.u32 $0xFFFFFC00, v44;
	v32 =	vld.idx.msk [tilespmem:v32+s22+$0x0], $0xffff  }
0x348: {  	v33 =	vor.u32 v34, v33;
	_ =	sdelay $0x2  }
0x349: {  	v46 =	vadd.s32 s6, v20  }
0x34a: {  	v47 =	vshll.u32 v46, $0x3;
	[tilespmem:v45+s31+$0x0] =	vst.idx.msk $0xffff, v32  }
0x34b: {  	v48 =	vor.u32 s6, v19;
	v34 =	vand.u32 $0x7F, v46;
	v32 =	vand.u32 $0xFFFFFC00, v47;
	v33 =	vld.idx.msk [tilespmem:v33+s22+$0x0], $0xffff  }
0x34c: {  	v32 =	vor.u32 v34, v32;
	_ =	sdelay $0x2  }
0x34d: {  	v49 =	vadd.s32 s6, v22  }
0x34e: {  	v50 =	vshll.u32 v49, $0x3;
	[tilespmem:v48+s31+$0x0] =	vst.idx.msk $0xffff, v33  }
0x34f: {  	v51 =	vor.u32 s6, v21;
	v34 =	vand.u32 $0x7F, v49;
	v33 =	vand.u32 $0xFFFFFC00, v50;
	v32 =	vld.idx.msk [tilespmem:v32+s22+$0x0], $0xffff  }
0x350: {  	v33 =	vor.u32 v34, v33;
	_ =	sdelay $0x2  }
0x351: {  	v52 =	vadd.s32 s6, v24  }
0x352: {  	v53 =	vshll.u32 v52, $0x3;
	[tilespmem:v51+s31+$0x0] =	vst.idx.msk $0xffff, v32  }
0x353: {  	v54 =	vor.u32 s6, v23;
	v34 =	vand.u32 $0x7F, v52;
	v32 =	vand.u32 $0xFFFFFC00, v53;
	v33 =	vld.idx.msk [tilespmem:v33+s22+$0x0], $0xffff  }
0x354: {  	v32 =	vor.u32 v34, v32;
	_ =	sdelay $0x2  }
0x355: {  	v55 =	vadd.s32 s6, v26  }
0x356: {  	v56 =	vshll.u32 v55, $0x3;
	[tilespmem:v54+s31+$0x0] =	vst.idx.msk $0xffff, v33  }
0x357: {  	v57 =	vor.u32 s6, v25;
	v34 =	vand.u32 $0x7F, v55;
	v33 =	vand.u32 $0xFFFFFC00, v56;
	v32 =	vld.idx.msk [tilespmem:v32+s22+$0x0], $0xffff  }
0x358: {  	v33 =	vor.u32 v34, v33;
	_ =	sdelay $0x2  }
0x359: {  	v58 =	vadd.s32 s6, v28  }
0x35a: {  	v59 =	vshll.u32 v58, $0x3;
	[tilespmem:v57+s31+$0x0] =	vst.idx.msk $0xffff, v32  }
0x35b: {  	v60 =	vor.u32 s6, v27;
	v34 =	vand.u32 $0x7F, v58;
	v32 =	vand.u32 $0xFFFFFC00, v59;
	v33 =	vld.idx.msk [tilespmem:v33+s22+$0x0], $0xffff  }
0x35c: {  	v32 =	vor.u32 v34, v32;
	_ =	sdelay $0x2  }
0x35d: {  	v62 =	vadd.s32 s6, v30  }
0x35e: {  	v63 =	vshll.u32 v62, $0x3;
	[tilespmem:v60+s31+$0x0] =	vst.idx.msk $0xffff, v33  }
0x35f: {  	v61 =	vor.u32 s6, v29;
	v33 =	vand.u32 $0xFFFFFC00, v63;
	v34 =	vld.idx.msk [tilespmem:v32+s22+$0x0], $0xffff;
	v32 =	vand.u32 $0x7F, v62  }
0x360: {  	v32 =	vor.u32 v32, v33;
	_ =	sdelay $0x2  }
0x361: {  	s0 =	sshll.u32 s0, $0x5;
	s1 =	simm.s32 $0x10  }
0x362: {  	s16 =	simm.s32 $0x20;
	s0 =	sor.u32 s3, s0;
	v33 =	vadd.s32 s1, v0;
	[tilespmem:v61+s31+$0x0] =	vst.idx.msk $0xffff, v34  }
.LBB2_16:
0x363: {  	p1 =	sne.s32 s16, $0x1F0;
	v34 =	vshll.u32 v33, $0x3;
	v32 =	vld.idx.msk [tilespmem:v32+s22+$0x0], $0xffff  }
0x364: {  	v33 =	vand.u32 $0x7F, v33;
	v35 =	vor.u32 s6, v31;
	v34 =	vand.u32 $0xFFFFFC00, v34  }
0x365: {  	v33 =	vor.u32 v33, v34;
	_ =	sdelay $0x3  }
0x366: {  	v34 =	vadd.s32 s1, v2;
	[tilespmem:v35+s31+$0x0] =	vst.idx.msk $0xffff, v32  }
0x367: {  	s6 =	sadd.s32 $0x100, s6;
	v32 =	vld.idx.msk [tilespmem:v33+s22+$0x0], $0xffff;
	v33 =	vshll.u32 v34, $0x3  }
0x368: {  	v35 =	vor.u32 s6, v1;
	v34 =	vand.u32 $0x7F, v34;
	v33 =	vand.u32 $0xFFFFFC00, v33  }
0x369: {  	v33 =	vor.u32 v34, v33;
	_ =	sdelay $0x3  }
0x36a: {  	[tilespmem:v35+s31+$0x0] =	vst.idx.msk $0xffff, v32;
	v32 =	vadd.s32 s1, v4  }
0x36b: {  	v33 =	vld.idx.msk [tilespmem:v33+s22+$0x0], $0xffff;
	v34 =	vshll.u32 v32, $0x3  }
0x36c: {  	v35 =	vor.u32 s6, v3;
	v32 =	vand.u32 $0x7F, v32;
	v34 =	vand.u32 $0xFFFFFC00, v34  }
0x36d: {  	v32 =	vor.u32 v32, v34;
	_ =	sdelay $0x3  }
0x36e: {  	[tilespmem:v35+s31+$0x0] =	vst.idx.msk $0xffff, v33;
	v33 =	vadd.s32 s1, v6  }
0x36f: {  	v32 =	vld.idx.msk [tilespmem:v32+s22+$0x0], $0xffff;
	v34 =	vshll.u32 v33, $0x3  }
0x370: {  	v35 =	vor.u32 s6, v5;
	v33 =	vand.u32 $0x7F, v33;
	v34 =	vand.u32 $0xFFFFFC00, v34  }
0x371: {  	v33 =	vor.u32 v33, v34;
	_ =	sdelay $0x3  }
0x372: {  	[tilespmem:v35+s31+$0x0] =	vst.idx.msk $0xffff, v32;
	v32 =	vadd.s32 s1, v8  }
0x373: {  	v33 =	vld.idx.msk [tilespmem:v33+s22+$0x0], $0xffff;
	v34 =	vshll.u32 v32, $0x3  }
0x374: {  	v35 =	vor.u32 s6, v7;
	v32 =	vand.u32 $0x7F, v32;
	v34 =	vand.u32 $0xFFFFFC00, v34  }
0x375: {  	v32 =	vor.u32 v32, v34;
	_ =	sdelay $0x3  }
0x376: {  	[tilespmem:v35+s31+$0x0] =	vst.idx.msk $0xffff, v33;
	v33 =	vadd.s32 s1, v10  }
0x377: {  	v32 =	vld.idx.msk [tilespmem:v32+s22+$0x0], $0xffff;
	v34 =	vshll.u32 v33, $0x3  }
0x378: {  	v35 =	vor.u32 s6, v9;
	v33 =	vand.u32 $0x7F, v33;
	v34 =	vand.u32 $0xFFFFFC00, v34  }
0x379: {  	v33 =	vor.u32 v33, v34;
	_ =	sdelay $0x3  }
0x37a: {  	[tilespmem:v35+s31+$0x0] =	vst.idx.msk $0xffff, v32;
	v32 =	vadd.s32 s1, v12  }
0x37b: {  	v33 =	vld.idx.msk [tilespmem:v33+s22+$0x0], $0xffff;
	v34 =	vshll.u32 v32, $0x3  }
0x37c: {  	v35 =	vor.u32 s6, v11;
	v32 =	vand.u32 $0x7F, v32;
	v34 =	vand.u32 $0xFFFFFC00, v34  }
0x37d: {  	v32 =	vor.u32 v32, v34;
	_ =	sdelay $0x3  }
0x37e: {  	[tilespmem:v35+s31+$0x0] =	vst.idx.msk $0xffff, v33;
	v33 =	vadd.s32 s1, v14  }
0x37f: {  	v32 =	vld.idx.msk [tilespmem:v32+s22+$0x0], $0xffff;
	v34 =	vshll.u32 v33, $0x3  }
0x380: {  	v35 =	vor.u32 s6, v13;
	v33 =	vand.u32 $0x7F, v33;
	v34 =	vand.u32 $0xFFFFFC00, v34  }
0x381: {  	v33 =	vor.u32 v33, v34;
	_ =	sdelay $0x3  }
0x382: {  	[tilespmem:v35+s31+$0x0] =	vst.idx.msk $0xffff, v32;
	v32 =	vadd.s32 s1, v16  }
0x383: {  	v33 =	vld.idx.msk [tilespmem:v33+s22+$0x0], $0xffff;
	v34 =	vshll.u32 v32, $0x3  }
0x384: {  	v35 =	vor.u32 s6, v15;
	v32 =	vand.u32 $0x7F, v32;
	v34 =	vand.u32 $0xFFFFFC00, v34  }
0x385: {  	v32 =	vor.u32 v32, v34;
	_ =	sdelay $0x3  }
0x386: {  	[tilespmem:v35+s31+$0x0] =	vst.idx.msk $0xffff, v33;
	v33 =	vadd.s32 s1, v18  }
0x387: {  	v32 =	vld.idx.msk [tilespmem:v32+s22+$0x0], $0xffff;
	v34 =	vshll.u32 v33, $0x3  }
0x388: {  	v35 =	vor.u32 s6, v17;
	v33 =	vand.u32 $0x7F, v33;
	v34 =	vand.u32 $0xFFFFFC00, v34  }
0x389: {  	v33 =	vor.u32 v33, v34;
	_ =	sdelay $0x3  }
0x38a: {  	[tilespmem:v35+s31+$0x0] =	vst.idx.msk $0xffff, v32;
	v32 =	vadd.s32 s1, v20  }
0x38b: {  	v33 =	vld.idx.msk [tilespmem:v33+s22+$0x0], $0xffff;
	v34 =	vshll.u32 v32, $0x3  }
0x38c: {  	v35 =	vor.u32 s6, v19;
	v32 =	vand.u32 $0x7F, v32;
	v34 =	vand.u32 $0xFFFFFC00, v34  }
0x38d: {  	v32 =	vor.u32 v32, v34;
	_ =	sdelay $0x3  }
0x38e: {  	[tilespmem:v35+s31+$0x0] =	vst.idx.msk $0xffff, v33;
	v33 =	vadd.s32 s1, v22  }
0x38f: {  	v32 =	vld.idx.msk [tilespmem:v32+s22+$0x0], $0xffff;
	v34 =	vshll.u32 v33, $0x3  }
0x390: {  	v35 =	vor.u32 s6, v21;
	v33 =	vand.u32 $0x7F, v33;
	v34 =	vand.u32 $0xFFFFFC00, v34  }
0x391: {  	v33 =	vor.u32 v33, v34;
	_ =	sdelay $0x3  }
0x392: {  	[tilespmem:v35+s31+$0x0] =	vst.idx.msk $0xffff, v32;
	v32 =	vadd.s32 s1, v24  }
0x393: {  	v33 =	vld.idx.msk [tilespmem:v33+s22+$0x0], $0xffff;
	v34 =	vshll.u32 v32, $0x3  }
0x394: {  	v35 =	vor.u32 s6, v23;
	v32 =	vand.u32 $0x7F, v32;
	v34 =	vand.u32 $0xFFFFFC00, v34  }
0x395: {  	v32 =	vor.u32 v32, v34;
	_ =	sdelay $0x3  }
0x396: {  	[tilespmem:v35+s31+$0x0] =	vst.idx.msk $0xffff, v33;
	v33 =	vadd.s32 s1, v26  }
0x397: {  	v32 =	vld.idx.msk [tilespmem:v32+s22+$0x0], $0xffff;
	v34 =	vshll.u32 v33, $0x3  }
0x398: {  	v35 =	vor.u32 s6, v25;
	v33 =	vand.u32 $0x7F, v33;
	v34 =	vand.u32 $0xFFFFFC00, v34  }
0x399: {  	v33 =	vor.u32 v33, v34;
	_ =	sdelay $0x3  }
0x39a: {  	[tilespmem:v35+s31+$0x0] =	vst.idx.msk $0xffff, v32;
	v32 =	vadd.s32 s1, v28  }
0x39b: {  	v33 =	vld.idx.msk [tilespmem:v33+s22+$0x0], $0xffff;
	v34 =	vshll.u32 v32, $0x3  }
0x39c: {  	v35 =	vor.u32 s6, v27;
	v32 =	vand.u32 $0x7F, v32;
	v34 =	vand.u32 $0xFFFFFC00, v34  }
0x39d: {  	v32 =	vor.u32 v32, v34;
	_ =	sdelay $0x3  }
0x39e: {  	[tilespmem:v35+s31+$0x0] =	vst.idx.msk $0xffff, v33;
	v33 =	vadd.s32 s1, v30;
	s1 =	smov.u32 s16  }
0x39f: {  	v34 =	vld.idx.msk [tilespmem:v32+s22+$0x0], $0xffff;
	v32 =	vshll.u32 v33, $0x3  }
0x3a0: {  	v35 =	vor.u32 s6, v29;
	v33 =	vand.u32 $0x7F, v33;
	v32 =	vand.u32 $0xFFFFFC00, v32  }
.Ltmp11:
0x3a1: {  	v32 =	vor.u32 v33, v32;
	(pc) =	sbr.rel @p1 .LBB2_16-.Ltmp11, $2  }
0x3a2: {  	_ =	sdelay $0x2  }
0x3a3: {  	s16 =	sadd.s32 $0x10, s16;
	v33 =	vadd.s32 s1, v0;
	[tilespmem:v35+s31+$0x0] =	vst.idx.msk $0xffff, v34  }
0x3a4: {  	_ =	sdelay $0x2  }
0x3a5: {  	v34 =	vshll.u32 v33, $0x3  }
0x3a6: {  	v32 =	vld.idx.msk [tilespmem:v32+s22+$0x0], $0xffff;
	v45 =	vand.u32 $0x7F, v33;
	v35 =	vor.u32 s6, v31;
	v34 =	vand.u32 $0xFFFFFC00, v34  }
0x3a7: {  	v33 =	vor.u32 v45, v34;
	_ =	sdelay $0x2  }
0x3a8: {  	v46 =	vadd.s32 s1, v2  }
0x3a9: {  	s16 =	sadd.s32 $0x100, s6;
	v47 =	vshll.u32 v46, $0x3;
	[tilespmem:v35+s31+$0x0] =	vst.idx.msk $0xffff, v32  }
0x3aa: {  	v48 =	vor.u32 s16, v1;
	v34 =	vand.u32 $0x7F, v46;
	v32 =	vand.u32 $0xFFFFFC00, v47;
	v33 =	vld.idx.msk [tilespmem:v33+s22+$0x0], $0xffff  }
0x3ab: {  	v32 =	vor.u32 v34, v32;
	_ =	sdelay $0x2  }
0x3ac: {  	v49 =	vadd.s32 s1, v4  }
0x3ad: {  	v50 =	vshll.u32 v49, $0x3;
	[tilespmem:v48+s31+$0x0] =	vst.idx.msk $0xffff, v33  }
0x3ae: {  	v51 =	vor.u32 s16, v3;
	v34 =	vand.u32 $0x7F, v49;
	v33 =	vand.u32 $0xFFFFFC00, v50;
	v32 =	vld.idx.msk [tilespmem:v32+s22+$0x0], $0xffff  }
0x3af: {  	v33 =	vor.u32 v34, v33;
	_ =	sdelay $0x2  }
0x3b0: {  	v52 =	vadd.s32 s1, v6  }
0x3b1: {  	v53 =	vshll.u32 v52, $0x3;
	[tilespmem:v51+s31+$0x0] =	vst.idx.msk $0xffff, v32  }
0x3b2: {  	v54 =	vor.u32 s16, v5;
	v34 =	vand.u32 $0x7F, v52;
	v32 =	vand.u32 $0xFFFFFC00, v53;
	v33 =	vld.idx.msk [tilespmem:v33+s22+$0x0], $0xffff  }
0x3b3: {  	v32 =	vor.u32 v34, v32;
	_ =	sdelay $0x2  }
0x3b4: {  	v55 =	vadd.s32 s1, v8  }
0x3b5: {  	v56 =	vshll.u32 v55, $0x3;
	[tilespmem:v54+s31+$0x0] =	vst.idx.msk $0xffff, v33  }
0x3b6: {  	v57 =	vor.u32 s16, v7;
	v34 =	vand.u32 $0x7F, v55;
	v33 =	vand.u32 $0xFFFFFC00, v56;
	v32 =	vld.idx.msk [tilespmem:v32+s22+$0x0], $0xffff  }
0x3b7: {  	v33 =	vor.u32 v34, v33;
	_ =	sdelay $0x2  }
0x3b8: {  	v58 =	vadd.s32 s1, v10  }
0x3b9: {  	v59 =	vshll.u32 v58, $0x3;
	[tilespmem:v57+s31+$0x0] =	vst.idx.msk $0xffff, v32  }
0x3ba: {  	v60 =	vor.u32 s16, v9;
	v34 =	vand.u32 $0x7F, v58;
	v32 =	vand.u32 $0xFFFFFC00, v59;
	v33 =	vld.idx.msk [tilespmem:v33+s22+$0x0], $0xffff  }
0x3bb: {  	v32 =	vor.u32 v34, v32;
	_ =	sdelay $0x2  }
0x3bc: {  	v61 =	vadd.s32 s1, v12  }
0x3bd: {  	v62 =	vshll.u32 v61, $0x3;
	[tilespmem:v60+s31+$0x0] =	vst.idx.msk $0xffff, v33  }
0x3be: {  	v63 =	vor.u32 s16, v11;
	v34 =	vand.u32 $0x7F, v61;
	v33 =	vand.u32 $0xFFFFFC00, v62;
	v32 =	vld.idx.msk [tilespmem:v32+s22+$0x0], $0xffff  }
0x3bf: {  	v33 =	vor.u32 v34, v33;
	_ =	sdelay $0x2  }
0x3c0: {  	v36 =	vadd.s32 s1, v14  }
0x3c1: {  	v37 =	vshll.u32 v36, $0x3;
	[tilespmem:v63+s31+$0x0] =	vst.idx.msk $0xffff, v32  }
0x3c2: {  	v38 =	vor.u32 s16, v13;
	v34 =	vand.u32 $0x7F, v36;
	v32 =	vand.u32 $0xFFFFFC00, v37;
	v33 =	vld.idx.msk [tilespmem:v33+s22+$0x0], $0xffff  }
0x3c3: {  	v32 =	vor.u32 v34, v32;
	_ =	sdelay $0x2  }
0x3c4: {  	v39 =	vadd.s32 s1, v16  }
0x3c5: {  	v40 =	vshll.u32 v39, $0x3;
	[tilespmem:v38+s31+$0x0] =	vst.idx.msk $0xffff, v33  }
0x3c6: {  	v41 =	vor.u32 s16, v15;
	v34 =	vand.u32 $0x7F, v39;
	v33 =	vand.u32 $0xFFFFFC00, v40;
	v32 =	vld.idx.msk [tilespmem:v32+s22+$0x0], $0xffff  }
0x3c7: {  	v33 =	vor.u32 v34, v33;
	_ =	sdelay $0x2  }
0x3c8: {  	v42 =	vadd.s32 s1, v18  }
0x3c9: {  	v43 =	vshll.u32 v42, $0x3;
	[tilespmem:v41+s31+$0x0] =	vst.idx.msk $0xffff, v32  }
0x3ca: {  	v44 =	vor.u32 s16, v17;
	v34 =	vand.u32 $0x7F, v42;
	v32 =	vand.u32 $0xFFFFFC00, v43;
	v33 =	vld.idx.msk [tilespmem:v33+s22+$0x0], $0xffff  }
0x3cb: {  	v32 =	vor.u32 v34, v32;
	_ =	sdelay $0x2  }
0x3cc: {  	v45 =	vadd.s32 s1, v20  }
0x3cd: {  	v46 =	vshll.u32 v45, $0x3;
	[tilespmem:v44+s31+$0x0] =	vst.idx.msk $0xffff, v33  }
0x3ce: {  	v47 =	vor.u32 s16, v19;
	v34 =	vand.u32 $0x7F, v45;
	v33 =	vand.u32 $0xFFFFFC00, v46;
	v32 =	vld.idx.msk [tilespmem:v32+s22+$0x0], $0xffff  }
0x3cf: {  	v33 =	vor.u32 v34, v33;
	_ =	sdelay $0x2  }
0x3d0: {  	v48 =	vadd.s32 s1, v22  }
0x3d1: {  	v49 =	vshll.u32 v48, $0x3;
	[tilespmem:v47+s31+$0x0] =	vst.idx.msk $0xffff, v32  }
0x3d2: {  	v50 =	vor.u32 s16, v21;
	v34 =	vand.u32 $0x7F, v48;
	v32 =	vand.u32 $0xFFFFFC00, v49;
	v33 =	vld.idx.msk [tilespmem:v33+s22+$0x0], $0xffff  }
0x3d3: {  	v32 =	vor.u32 v34, v32;
	_ =	sdelay $0x2  }
0x3d4: {  	v51 =	vadd.s32 s1, v24  }
0x3d5: {  	v52 =	vshll.u32 v51, $0x3;
	[tilespmem:v50+s31+$0x0] =	vst.idx.msk $0xffff, v33  }
0x3d6: {  	v53 =	vor.u32 s16, v23;
	v34 =	vand.u32 $0x7F, v51;
	v33 =	vand.u32 $0xFFFFFC00, v52;
	v32 =	vld.idx.msk [tilespmem:v32+s22+$0x0], $0xffff  }
0x3d7: {  	v33 =	vor.u32 v34, v33;
	_ =	sdelay $0x2  }
0x3d8: {  	v54 =	vadd.s32 s1, v26  }
0x3d9: {  	v55 =	vshll.u32 v54, $0x3;
	[tilespmem:v53+s31+$0x0] =	vst.idx.msk $0xffff, v32  }
0x3da: {  	v56 =	vor.u32 s16, v25;
	v34 =	vand.u32 $0x7F, v54;
	v32 =	vand.u32 $0xFFFFFC00, v55;
	v33 =	vld.idx.msk [tilespmem:v33+s22+$0x0], $0xffff  }
0x3db: {  	v32 =	vor.u32 v34, v32;
	_ =	sdelay $0x2  }
0x3dc: {  	v57 =	vadd.s32 s1, v28  }
0x3dd: {  	v58 =	vshll.u32 v57, $0x3;
	[tilespmem:v56+s31+$0x0] =	vst.idx.msk $0xffff, v33  }
0x3de: {  	v59 =	vor.u32 s16, v27;
	v34 =	vand.u32 $0x7F, v57;
	v33 =	vand.u32 $0xFFFFFC00, v58;
	v32 =	vld.idx.msk [tilespmem:v32+s22+$0x0], $0xffff  }
0x3df: {  	v33 =	vor.u32 v34, v33;
	_ =	sdelay $0x2  }
0x3e0: {  	v60 =	vadd.s32 s1, v30  }
0x3e1: {  	v61 =	vshll.u32 v60, $0x3;
	[tilespmem:v59+s31+$0x0] =	vst.idx.msk $0xffff, v32  }
0x3e2: {  	v62 =	vor.u32 s16, v29;
	v34 =	vand.u32 $0x7F, v60;
	v32 =	vand.u32 $0xFFFFFC00, v61;
	v33 =	vld.idx.msk [tilespmem:v33+s22+$0x0], $0xffff  }
0x3e3: {  	v32 =	vor.u32 v34, v32;
	_ =	sdelay $0x3  }
0x3e4: {  	[tilespmem:v62+s31+$0x0] =	vst.idx.msk $0xffff, v33  }
0x3e5: {  	v63 =	vor.u32 s16, v31;
	v32 =	vld.idx.msk [tilespmem:v32+s22+$0x0], $0xffff;
	_ =	sdelay $0x2  }
0x3e6: {  	s16 =	sshll.u32 s0, $0xA  }
.Ltmp12:
0x3e7: {  	p1 =	sge.u32 s17, s13;
	s1 =	sand.u32 $0x1FFFFC00, s16;
	(pc) =	sbr.rel .LBB2_18-.Ltmp12, $4  }
0x3e8: {  	s6 =	simm.s32 @!p1 $0x7A1400;
	s0 =	sshll.u32 @!p1 s0, $0x9;
	s1 =	sadd.s32 s4, s1;
	[tilespmem:v63+s31+$0x0] =	vst.idx.msk $0xffff, v32  }
0x3e9: {  	[hbm4b:s1+s2] =	stream.linear.scatter [tilespmem:s31], [sflag:$0x8], $0x2000, $0x38;
	[tilespmem:$0x10000] =	vst v63  }
0x3ea: {  	s0 =	sadd.s32 @!p1 s0, s14;
	s16 =	simm.s32 @!p1 $0x6000;
	s1 =	simm.s32 @!p1 $0x1000  }
0x3eb: {  	[tilespmem:s16], [sflag:$0x4] =	stream.strided.gather @!p1 [hbm4b:s0+s1], $0x2000, s6, s1, $0x38;
	[tilespmem:$0x10000] =	vst v63  }
.LBB2_19:
0x3ec: {  	s0 =	simm.s32 $0x5  }
0x3ed: {  	_ =	swait.ge [sflag:s0], $0x2000  }
0x3ee: {  	[sflag:s0] =	ssyncset.done $0x0  }
0x3ef: {  	s16 =	simm.s32 $0x6;
	[sflag:s0] =	ssyncadd.s32 $0xFFFFE000  }
0x3f0: {  	_ =	swait.ge [sflag:s16], $0x2000  }
0x3f1: {  	[sflag:s16] =	ssyncset.done $0x0  }
0x3f2: {  	s17 =	simm.s32 $0x7;
	[sflag:s16] =	ssyncadd.s32 $0xFFFFE000  }
0x3f3: {  	_ =	swait.ge [sflag:s17], $0x2000  }
.Ltmp13:
0x3f4: {  	[sflag:s17] =	ssyncset.done $0x0;
	(pc) =	sbr.rel @p0 .LBB2_23-.Ltmp13, $4  }
0x3f5: {  	[sflag:s17] =	ssyncadd.s32 $0xFFFFE000  }
0x3f6: {  	_ =	swait.ge [sflag:s7], $0x2000  }
0x3f7: {  	[sflag:s7] =	ssyncset.done $0x0  }
0x3f8: {  	[sflag:s7] =	ssyncadd.s32 $0xFFFFE000  }
0x3f9: {  	s6 =	simm.s32 $0x0  }
0x3fa: {  	v32 =	vadd.s32 s6, v0  }
0x3fb: {  	s0 =	rddreg [dreg:$0x7];
	v33 =	vshll.u32 v32, $0x3  }
0x3fc: {  	[tilespmem:s6], [sflag:$0x9] =	stream.linear.gather [hbm4b:s0+s6], $0x400, $0x38;
	v32 =	vand.u32 $0x7F, v32;
	v33 =	vand.u32 $0xFFFFFC00, v33;
	[tilespmem:$0x10000] =	vst v63  }
0x3fd: {  	s0 =	sadd.s32 $0xF4280, s0;
	v32 =	vor.u32 v32, v33  }
0x3fe: {  	[tilespmem:s18], [sflag:$0x9] =	stream.linear.gather [hbm4b:s0+s6], $0x400, $0x38;
	[tilespmem:$0x10000] =	vst v63  }
0x3ff: {  	_ =	swait.ge [sflag:s8], $0x800  }
0x400: {  	v49 =	vadd.s32 s6, v2;
	[sflag:s8] =	ssyncset.done $0x0  }
0x401: {  	v34 =	vshll.u32 v49, $0x3;
	[sflag:s8] =	ssyncadd.s32 $0xFFFFF800  }
0x402: {  	v35 =	vor.u32 s6, v1;
	v34 =	vand.u32 $0xFFFFFC00, v34;
	v33 =	vand.u32 $0x7F, v49;
	v32 =	vld.idx.msk [tilespmem:v32+s2+$0x0], $0xffff  }
0x403: {  	v33 =	vor.u32 v33, v34;
	_ =	sdelay $0x2  }
0x404: {  	v50 =	vadd.s32 s6, v4  }
0x405: {  	v51 =	vshll.u32 v50, $0x3;
	[tilespmem:v35+s24+$0x0] =	vst.idx.msk $0xffff, v32  }
0x406: {  	v52 =	vor.u32 s6, v3;
	v34 =	vand.u32 $0x7F, v50;
	v32 =	vand.u32 $0xFFFFFC00, v51;
	v33 =	vld.idx.msk [tilespmem:v33+s2+$0x0], $0xffff  }
0x407: {  	v32 =	vor.u32 v34, v32;
	_ =	sdelay $0x2  }
0x408: {  	v53 =	vadd.s32 s6, v6  }
0x409: {  	v54 =	vshll.u32 v53, $0x3;
	[tilespmem:v52+s24+$0x0] =	vst.idx.msk $0xffff, v33  }
0x40a: {  	v55 =	vor.u32 s6, v5;
	v34 =	vand.u32 $0x7F, v53;
	v33 =	vand.u32 $0xFFFFFC00, v54;
	v32 =	vld.idx.msk [tilespmem:v32+s2+$0x0], $0xffff  }
0x40b: {  	v33 =	vor.u32 v34, v33;
	_ =	sdelay $0x2  }
0x40c: {  	v56 =	vadd.s32 s6, v8  }
0x40d: {  	v57 =	vshll.u32 v56, $0x3;
	[tilespmem:v55+s24+$0x0] =	vst.idx.msk $0xffff, v32  }
0x40e: {  	v58 =	vor.u32 s6, v7;
	v34 =	vand.u32 $0x7F, v56;
	v32 =	vand.u32 $0xFFFFFC00, v57;
	v33 =	vld.idx.msk [tilespmem:v33+s2+$0x0], $0xffff  }
0x40f: {  	v32 =	vor.u32 v34, v32;
	_ =	sdelay $0x2  }
0x410: {  	v59 =	vadd.s32 s6, v10  }
0x411: {  	v60 =	vshll.u32 v59, $0x3;
	[tilespmem:v58+s24+$0x0] =	vst.idx.msk $0xffff, v33  }
0x412: {  	v61 =	vor.u32 s6, v9;
	v34 =	vand.u32 $0x7F, v59;
	v33 =	vand.u32 $0xFFFFFC00, v60;
	v32 =	vld.idx.msk [tilespmem:v32+s2+$0x0], $0xffff  }
0x413: {  	v33 =	vor.u32 v34, v33;
	_ =	sdelay $0x2  }
0x414: {  	v62 =	vadd.s32 s6, v12  }
0x415: {  	v63 =	vshll.u32 v62, $0x3;
	[tilespmem:v61+s24+$0x0] =	vst.idx.msk $0xffff, v32  }
0x416: {  	v36 =	vor.u32 s6, v11;
	v34 =	vand.u32 $0x7F, v62;
	v32 =	vand.u32 $0xFFFFFC00, v63;
	v33 =	vld.idx.msk [tilespmem:v33+s2+$0x0], $0xffff  }
0x417: {  	v32 =	vor.u32 v34, v32;
	_ =	sdelay $0x2  }
0x418: {  	v37 =	vadd.s32 s6, v14  }
0x419: {  	v38 =	vshll.u32 v37, $0x3;
	[tilespmem:v36+s24+$0x0] =	vst.idx.msk $0xffff, v33  }
0x41a: {  	v39 =	vor.u32 s6, v13;
	v34 =	vand.u32 $0x7F, v37;
	v33 =	vand.u32 $0xFFFFFC00, v38;
	v32 =	vld.idx.msk [tilespmem:v32+s2+$0x0], $0xffff  }
0x41b: {  	v33 =	vor.u32 v34, v33;
	_ =	sdelay $0x2  }
0x41c: {  	v40 =	vadd.s32 s6, v16  }
0x41d: {  	v41 =	vshll.u32 v40, $0x3;
	[tilespmem:v39+s24+$0x0] =	vst.idx.msk $0xffff, v32  }
0x41e: {  	v42 =	vor.u32 s6, v15;
	v34 =	vand.u32 $0x7F, v40;
	v32 =	vand.u32 $0xFFFFFC00, v41;
	v33 =	vld.idx.msk [tilespmem:v33+s2+$0x0], $0xffff  }
0x41f: {  	v32 =	vor.u32 v34, v32;
	_ =	sdelay $0x2  }
0x420: {  	v43 =	vadd.s32 s6, v18  }
0x421: {  	v44 =	vshll.u32 v43, $0x3;
	[tilespmem:v42+s24+$0x0] =	vst.idx.msk $0xffff, v33  }
0x422: {  	v45 =	vor.u32 s6, v17;
	v34 =	vand.u32 $0x7F, v43;
	v33 =	vand.u32 $0xFFFFFC00, v44;
	v32 =	vld.idx.msk [tilespmem:v32+s2+$0x0], $0xffff  }
0x423: {  	v33 =	vor.u32 v34, v33;
	_ =	sdelay $0x2  }
0x424: {  	v46 =	vadd.s32 s6, v20  }
0x425: {  	v47 =	vshll.u32 v46, $0x3;
	[tilespmem:v45+s24+$0x0] =	vst.idx.msk $0xffff, v32  }
0x426: {  	v48 =	vor.u32 s6, v19;
	v34 =	vand.u32 $0x7F, v46;
	v32 =	vand.u32 $0xFFFFFC00, v47;
	v33 =	vld.idx.msk [tilespmem:v33+s2+$0x0], $0xffff  }
0x427: {  	v32 =	vor.u32 v34, v32;
	_ =	sdelay $0x2  }
0x428: {  	v49 =	vadd.s32 s6, v22  }
0x429: {  	v50 =	vshll.u32 v49, $0x3;
	[tilespmem:v48+s24+$0x0] =	vst.idx.msk $0xffff, v33  }
0x42a: {  	v51 =	vor.u32 s6, v21;
	v34 =	vand.u32 $0x7F, v49;
	v33 =	vand.u32 $0xFFFFFC00, v50;
	v32 =	vld.idx.msk [tilespmem:v32+s2+$0x0], $0xffff  }
0x42b: {  	v33 =	vor.u32 v34, v33;
	_ =	sdelay $0x2  }
0x42c: {  	v52 =	vadd.s32 s6, v24  }
0x42d: {  	v53 =	vshll.u32 v52, $0x3;
	[tilespmem:v51+s24+$0x0] =	vst.idx.msk $0xffff, v32  }
0x42e: {  	v54 =	vor.u32 s6, v23;
	v34 =	vand.u32 $0x7F, v52;
	v32 =	vand.u32 $0xFFFFFC00, v53;
	v33 =	vld.idx.msk [tilespmem:v33+s2+$0x0], $0xffff  }
0x42f: {  	v32 =	vor.u32 v34, v32;
	_ =	sdelay $0x2  }
0x430: {  	v55 =	vadd.s32 s6, v26  }
0x431: {  	v56 =	vshll.u32 v55, $0x3;
	[tilespmem:v54+s24+$0x0] =	vst.idx.msk $0xffff, v33  }
0x432: {  	v57 =	vor.u32 s6, v25;
	v34 =	vand.u32 $0x7F, v55;
	v33 =	vand.u32 $0xFFFFFC00, v56;
	v32 =	vld.idx.msk [tilespmem:v32+s2+$0x0], $0xffff  }
0x433: {  	v33 =	vor.u32 v34, v33;
	_ =	sdelay $0x2  }
0x434: {  	v58 =	vadd.s32 s6, v28  }
0x435: {  	v59 =	vshll.u32 v58, $0x3;
	[tilespmem:v57+s24+$0x0] =	vst.idx.msk $0xffff, v32  }
0x436: {  	v60 =	vor.u32 s6, v27;
	v34 =	vand.u32 $0x7F, v58;
	v32 =	vand.u32 $0xFFFFFC00, v59;
	v33 =	vld.idx.msk [tilespmem:v33+s2+$0x0], $0xffff  }
0x437: {  	v32 =	vor.u32 v34, v32;
	_ =	sdelay $0x2  }
0x438: {  	v62 =	vadd.s32 s6, v30  }
0x439: {  	v63 =	vshll.u32 v62, $0x3;
	[tilespmem:v60+s24+$0x0] =	vst.idx.msk $0xffff, v33  }
0x43a: {  	v61 =	vor.u32 s6, v29;
	v33 =	vand.u32 $0xFFFFFC00, v63;
	v34 =	vld.idx.msk [tilespmem:v32+s2+$0x0], $0xffff;
	v32 =	vand.u32 $0x7F, v62  }
0x43b: {  	v32 =	vor.u32 v32, v33;
	_ =	sdelay $0x2  }
0x43c: {  	s0 =	simm.s32 $0x10  }
0x43d: {  	s1 =	simm.s32 $0x20;
	v33 =	vadd.s32 s0, v0;
	[tilespmem:v61+s24+$0x0] =	vst.idx.msk $0xffff, v34  }
.LBB2_21:
0x43e: {  	p1 =	sne.s32 s1, $0x30;
	v34 =	vshll.u32 v33, $0x3;
	v32 =	vld.idx.msk [tilespmem:v32+s2+$0x0], $0xffff  }
0x43f: {  	v33 =	vand.u32 $0x7F, v33;
	v35 =	vor.u32 s6, v31;
	v34 =	vand.u32 $0xFFFFFC00, v34  }
0x440: {  	v33 =	vor.u32 v33, v34;
	_ =	sdelay $0x3  }
0x441: {  	v34 =	vadd.s32 s0, v2;
	[tilespmem:v35+s24+$0x0] =	vst.idx.msk $0xffff, v32  }
0x442: {  	s6 =	sadd.s32 $0x100, s6;
	v32 =	vld.idx.msk [tilespmem:v33+s2+$0x0], $0xffff;
	v33 =	vshll.u32 v34, $0x3  }
0x443: {  	v35 =	vor.u32 s6, v1;
	v34 =	vand.u32 $0x7F, v34;
	v33 =	vand.u32 $0xFFFFFC00, v33  }
0x444: {  	v33 =	vor.u32 v34, v33;
	_ =	sdelay $0x3  }
0x445: {  	[tilespmem:v35+s24+$0x0] =	vst.idx.msk $0xffff, v32;
	v32 =	vadd.s32 s0, v4  }
0x446: {  	v33 =	vld.idx.msk [tilespmem:v33+s2+$0x0], $0xffff;
	v34 =	vshll.u32 v32, $0x3  }
0x447: {  	v35 =	vor.u32 s6, v3;
	v32 =	vand.u32 $0x7F, v32;
	v34 =	vand.u32 $0xFFFFFC00, v34  }
0x448: {  	v32 =	vor.u32 v32, v34;
	_ =	sdelay $0x3  }
0x449: {  	[tilespmem:v35+s24+$0x0] =	vst.idx.msk $0xffff, v33;
	v33 =	vadd.s32 s0, v6  }
0x44a: {  	v32 =	vld.idx.msk [tilespmem:v32+s2+$0x0], $0xffff;
	v34 =	vshll.u32 v33, $0x3  }
0x44b: {  	v35 =	vor.u32 s6, v5;
	v33 =	vand.u32 $0x7F, v33;
	v34 =	vand.u32 $0xFFFFFC00, v34  }
0x44c: {  	v33 =	vor.u32 v33, v34;
	_ =	sdelay $0x3  }
0x44d: {  	[tilespmem:v35+s24+$0x0] =	vst.idx.msk $0xffff, v32;
	v32 =	vadd.s32 s0, v8  }
0x44e: {  	v33 =	vld.idx.msk [tilespmem:v33+s2+$0x0], $0xffff;
	v34 =	vshll.u32 v32, $0x3  }
0x44f: {  	v35 =	vor.u32 s6, v7;
	v32 =	vand.u32 $0x7F, v32;
	v34 =	vand.u32 $0xFFFFFC00, v34  }
0x450: {  	v32 =	vor.u32 v32, v34;
	_ =	sdelay $0x3  }
0x451: {  	[tilespmem:v35+s24+$0x0] =	vst.idx.msk $0xffff, v33;
	v33 =	vadd.s32 s0, v10  }
0x452: {  	v32 =	vld.idx.msk [tilespmem:v32+s2+$0x0], $0xffff;
	v34 =	vshll.u32 v33, $0x3  }
0x453: {  	v35 =	vor.u32 s6, v9;
	v33 =	vand.u32 $0x7F, v33;
	v34 =	vand.u32 $0xFFFFFC00, v34  }
0x454: {  	v33 =	vor.u32 v33, v34;
	_ =	sdelay $0x3  }
0x455: {  	[tilespmem:v35+s24+$0x0] =	vst.idx.msk $0xffff, v32;
	v32 =	vadd.s32 s0, v12  }
0x456: {  	v33 =	vld.idx.msk [tilespmem:v33+s2+$0x0], $0xffff;
	v34 =	vshll.u32 v32, $0x3  }
0x457: {  	v35 =	vor.u32 s6, v11;
	v32 =	vand.u32 $0x7F, v32;
	v34 =	vand.u32 $0xFFFFFC00, v34  }
0x458: {  	v32 =	vor.u32 v32, v34;
	_ =	sdelay $0x3  }
0x459: {  	[tilespmem:v35+s24+$0x0] =	vst.idx.msk $0xffff, v33;
	v33 =	vadd.s32 s0, v14  }
0x45a: {  	v32 =	vld.idx.msk [tilespmem:v32+s2+$0x0], $0xffff;
	v34 =	vshll.u32 v33, $0x3  }
0x45b: {  	v35 =	vor.u32 s6, v13;
	v33 =	vand.u32 $0x7F, v33;
	v34 =	vand.u32 $0xFFFFFC00, v34  }
0x45c: {  	v33 =	vor.u32 v33, v34;
	_ =	sdelay $0x3  }
0x45d: {  	[tilespmem:v35+s24+$0x0] =	vst.idx.msk $0xffff, v32;
	v32 =	vadd.s32 s0, v16  }
0x45e: {  	v33 =	vld.idx.msk [tilespmem:v33+s2+$0x0], $0xffff;
	v34 =	vshll.u32 v32, $0x3  }
0x45f: {  	v35 =	vor.u32 s6, v15;
	v32 =	vand.u32 $0x7F, v32;
	v34 =	vand.u32 $0xFFFFFC00, v34  }
0x460: {  	v32 =	vor.u32 v32, v34;
	_ =	sdelay $0x3  }
0x461: {  	[tilespmem:v35+s24+$0x0] =	vst.idx.msk $0xffff, v33;
	v33 =	vadd.s32 s0, v18  }
0x462: {  	v32 =	vld.idx.msk [tilespmem:v32+s2+$0x0], $0xffff;
	v34 =	vshll.u32 v33, $0x3  }
0x463: {  	v35 =	vor.u32 s6, v17;
	v33 =	vand.u32 $0x7F, v33;
	v34 =	vand.u32 $0xFFFFFC00, v34  }
0x464: {  	v33 =	vor.u32 v33, v34;
	_ =	sdelay $0x3  }
0x465: {  	[tilespmem:v35+s24+$0x0] =	vst.idx.msk $0xffff, v32;
	v32 =	vadd.s32 s0, v20  }
0x466: {  	v33 =	vld.idx.msk [tilespmem:v33+s2+$0x0], $0xffff;
	v34 =	vshll.u32 v32, $0x3  }
0x467: {  	v35 =	vor.u32 s6, v19;
	v32 =	vand.u32 $0x7F, v32;
	v34 =	vand.u32 $0xFFFFFC00, v34  }
0x468: {  	v32 =	vor.u32 v32, v34;
	_ =	sdelay $0x3  }
0x469: {  	[tilespmem:v35+s24+$0x0] =	vst.idx.msk $0xffff, v33;
	v33 =	vadd.s32 s0, v22  }
0x46a: {  	v32 =	vld.idx.msk [tilespmem:v32+s2+$0x0], $0xffff;
	v34 =	vshll.u32 v33, $0x3  }
0x46b: {  	v35 =	vor.u32 s6, v21;
	v33 =	vand.u32 $0x7F, v33;
	v34 =	vand.u32 $0xFFFFFC00, v34  }
0x46c: {  	v33 =	vor.u32 v33, v34;
	_ =	sdelay $0x3  }
0x46d: {  	[tilespmem:v35+s24+$0x0] =	vst.idx.msk $0xffff, v32;
	v32 =	vadd.s32 s0, v24  }
0x46e: {  	v33 =	vld.idx.msk [tilespmem:v33+s2+$0x0], $0xffff;
	v34 =	vshll.u32 v32, $0x3  }
0x46f: {  	v35 =	vor.u32 s6, v23;
	v32 =	vand.u32 $0x7F, v32;
	v34 =	vand.u32 $0xFFFFFC00, v34  }
0x470: {  	v32 =	vor.u32 v32, v34;
	_ =	sdelay $0x3  }
0x471: {  	[tilespmem:v35+s24+$0x0] =	vst.idx.msk $0xffff, v33;
	v33 =	vadd.s32 s0, v26  }
0x472: {  	v32 =	vld.idx.msk [tilespmem:v32+s2+$0x0], $0xffff;
	v34 =	vshll.u32 v33, $0x3  }
0x473: {  	v35 =	vor.u32 s6, v25;
	v33 =	vand.u32 $0x7F, v33;
	v34 =	vand.u32 $0xFFFFFC00, v34  }
0x474: {  	v33 =	vor.u32 v33, v34;
	_ =	sdelay $0x3  }
0x475: {  	[tilespmem:v35+s24+$0x0] =	vst.idx.msk $0xffff, v32;
	v32 =	vadd.s32 s0, v28  }
0x476: {  	v33 =	vld.idx.msk [tilespmem:v33+s2+$0x0], $0xffff;
	v34 =	vshll.u32 v32, $0x3  }
0x477: {  	v35 =	vor.u32 s6, v27;
	v32 =	vand.u32 $0x7F, v32;
	v34 =	vand.u32 $0xFFFFFC00, v34  }
0x478: {  	v32 =	vor.u32 v32, v34;
	_ =	sdelay $0x3  }
0x479: {  	[tilespmem:v35+s24+$0x0] =	vst.idx.msk $0xffff, v33;
	v33 =	vadd.s32 s0, v30;
	s0 =	smov.u32 s1  }
0x47a: {  	v34 =	vld.idx.msk [tilespmem:v32+s2+$0x0], $0xffff;
	v32 =	vshll.u32 v33, $0x3  }
0x47b: {  	v35 =	vor.u32 s6, v29;
	v33 =	vand.u32 $0x7F, v33;
	v32 =	vand.u32 $0xFFFFFC00, v32  }
.Ltmp14:
0x47c: {  	v32 =	vor.u32 v33, v32;
	(pc) =	sbr.rel @p1 .LBB2_21-.Ltmp14, $2  }
0x47d: {  	_ =	sdelay $0x2  }
0x47e: {  	s1 =	sadd.s32 $0x10, s1;
	v33 =	vadd.s32 s0, v0;
	[tilespmem:v35+s24+$0x0] =	vst.idx.msk $0xffff, v34  }
0x47f: {  	_ =	sdelay $0x2  }
0x480: {  	v34 =	vshll.u32 v33, $0x3  }
0x481: {  	v32 =	vld.idx.msk [tilespmem:v32+s2+$0x0], $0xffff;
	v45 =	vand.u32 $0x7F, v33;
	v35 =	vor.u32 s6, v31;
	v34 =	vand.u32 $0xFFFFFC00, v34  }
0x482: {  	v33 =	vor.u32 v45, v34;
	_ =	sdelay $0x2  }
0x483: {  	v46 =	vadd.s32 s0, v2  }
0x484: {  	s1 =	sadd.s32 $0x100, s6;
	v47 =	vshll.u32 v46, $0x3;
	[tilespmem:v35+s24+$0x0] =	vst.idx.msk $0xffff, v32  }
0x485: {  	v48 =	vor.u32 s1, v1;
	v34 =	vand.u32 $0x7F, v46;
	v32 =	vand.u32 $0xFFFFFC00, v47;
	v33 =	vld.idx.msk [tilespmem:v33+s2+$0x0], $0xffff  }
0x486: {  	v32 =	vor.u32 v34, v32;
	_ =	sdelay $0x2  }
0x487: {  	v49 =	vadd.s32 s0, v4  }
0x488: {  	v50 =	vshll.u32 v49, $0x3;
	[tilespmem:v48+s24+$0x0] =	vst.idx.msk $0xffff, v33  }
0x489: {  	v51 =	vor.u32 s1, v3;
	v34 =	vand.u32 $0x7F, v49;
	v33 =	vand.u32 $0xFFFFFC00, v50;
	v32 =	vld.idx.msk [tilespmem:v32+s2+$0x0], $0xffff  }
0x48a: {  	v33 =	vor.u32 v34, v33;
	_ =	sdelay $0x2  }
0x48b: {  	v52 =	vadd.s32 s0, v6  }
0x48c: {  	v53 =	vshll.u32 v52, $0x3;
	[tilespmem:v51+s24+$0x0] =	vst.idx.msk $0xffff, v32  }
0x48d: {  	v54 =	vor.u32 s1, v5;
	v34 =	vand.u32 $0x7F, v52;
	v32 =	vand.u32 $0xFFFFFC00, v53;
	v33 =	vld.idx.msk [tilespmem:v33+s2+$0x0], $0xffff  }
0x48e: {  	v32 =	vor.u32 v34, v32;
	_ =	sdelay $0x2  }
0x48f: {  	v55 =	vadd.s32 s0, v8  }
0x490: {  	v56 =	vshll.u32 v55, $0x3;
	[tilespmem:v54+s24+$0x0] =	vst.idx.msk $0xffff, v33  }
0x491: {  	v57 =	vor.u32 s1, v7;
	v34 =	vand.u32 $0x7F, v55;
	v33 =	vand.u32 $0xFFFFFC00, v56;
	v32 =	vld.idx.msk [tilespmem:v32+s2+$0x0], $0xffff  }
0x492: {  	v33 =	vor.u32 v34, v33;
	_ =	sdelay $0x2  }
0x493: {  	v58 =	vadd.s32 s0, v10  }
0x494: {  	v59 =	vshll.u32 v58, $0x3;
	[tilespmem:v57+s24+$0x0] =	vst.idx.msk $0xffff, v32  }
0x495: {  	v60 =	vor.u32 s1, v9;
	v34 =	vand.u32 $0x7F, v58;
	v32 =	vand.u32 $0xFFFFFC00, v59;
	v33 =	vld.idx.msk [tilespmem:v33+s2+$0x0], $0xffff  }
0x496: {  	v32 =	vor.u32 v34, v32;
	_ =	sdelay $0x2  }
0x497: {  	v61 =	vadd.s32 s0, v12  }
0x498: {  	v62 =	vshll.u32 v61, $0x3;
	[tilespmem:v60+s24+$0x0] =	vst.idx.msk $0xffff, v33  }
0x499: {  	v63 =	vor.u32 s1, v11;
	v34 =	vand.u32 $0x7F, v61;
	v33 =	vand.u32 $0xFFFFFC00, v62;
	v32 =	vld.idx.msk [tilespmem:v32+s2+$0x0], $0xffff  }
0x49a: {  	v33 =	vor.u32 v34, v33;
	_ =	sdelay $0x2  }
0x49b: {  	v36 =	vadd.s32 s0, v14  }
0x49c: {  	v37 =	vshll.u32 v36, $0x3;
	[tilespmem:v63+s24+$0x0] =	vst.idx.msk $0xffff, v32  }
0x49d: {  	v38 =	vor.u32 s1, v13;
	v34 =	vand.u32 $0x7F, v36;
	v32 =	vand.u32 $0xFFFFFC00, v37;
	v33 =	vld.idx.msk [tilespmem:v33+s2+$0x0], $0xffff  }
0x49e: {  	v32 =	vor.u32 v34, v32;
	_ =	sdelay $0x2  }
0x49f: {  	v39 =	vadd.s32 s0, v16  }
0x4a0: {  	v40 =	vshll.u32 v39, $0x3;
	[tilespmem:v38+s24+$0x0] =	vst.idx.msk $0xffff, v33  }
0x4a1: {  	v41 =	vor.u32 s1, v15;
	v34 =	vand.u32 $0x7F, v39;
	v33 =	vand.u32 $0xFFFFFC00, v40;
	v32 =	vld.idx.msk [tilespmem:v32+s2+$0x0], $0xffff  }
0x4a2: {  	v33 =	vor.u32 v34, v33;
	_ =	sdelay $0x2  }
0x4a3: {  	v42 =	vadd.s32 s0, v18  }
0x4a4: {  	v43 =	vshll.u32 v42, $0x3;
	[tilespmem:v41+s24+$0x0] =	vst.idx.msk $0xffff, v32  }
0x4a5: {  	v44 =	vor.u32 s1, v17;
	v34 =	vand.u32 $0x7F, v42;
	v32 =	vand.u32 $0xFFFFFC00, v43;
	v33 =	vld.idx.msk [tilespmem:v33+s2+$0x0], $0xffff  }
0x4a6: {  	v32 =	vor.u32 v34, v32;
	_ =	sdelay $0x2  }
0x4a7: {  	v45 =	vadd.s32 s0, v20  }
0x4a8: {  	v46 =	vshll.u32 v45, $0x3;
	[tilespmem:v44+s24+$0x0] =	vst.idx.msk $0xffff, v33  }
0x4a9: {  	v47 =	vor.u32 s1, v19;
	v34 =	vand.u32 $0x7F, v45;
	v33 =	vand.u32 $0xFFFFFC00, v46;
	v32 =	vld.idx.msk [tilespmem:v32+s2+$0x0], $0xffff  }
0x4aa: {  	v33 =	vor.u32 v34, v33;
	_ =	sdelay $0x2  }
0x4ab: {  	v48 =	vadd.s32 s0, v22  }
0x4ac: {  	v49 =	vshll.u32 v48, $0x3;
	[tilespmem:v47+s24+$0x0] =	vst.idx.msk $0xffff, v32  }
0x4ad: {  	v50 =	vor.u32 s1, v21;
	v34 =	vand.u32 $0x7F, v48;
	v32 =	vand.u32 $0xFFFFFC00, v49;
	v33 =	vld.idx.msk [tilespmem:v33+s2+$0x0], $0xffff  }
0x4ae: {  	v32 =	vor.u32 v34, v32;
	_ =	sdelay $0x2  }
0x4af: {  	v51 =	vadd.s32 s0, v24  }
0x4b0: {  	v52 =	vshll.u32 v51, $0x3;
	[tilespmem:v50+s24+$0x0] =	vst.idx.msk $0xffff, v33  }
0x4b1: {  	v53 =	vor.u32 s1, v23;
	v34 =	vand.u32 $0x7F, v51;
	v33 =	vand.u32 $0xFFFFFC00, v52;
	v32 =	vld.idx.msk [tilespmem:v32+s2+$0x0], $0xffff  }
0x4b2: {  	v33 =	vor.u32 v34, v33;
	_ =	sdelay $0x2  }
0x4b3: {  	v54 =	vadd.s32 s0, v26  }
0x4b4: {  	v55 =	vshll.u32 v54, $0x3;
	[tilespmem:v53+s24+$0x0] =	vst.idx.msk $0xffff, v32  }
0x4b5: {  	v56 =	vor.u32 s1, v25;
	v34 =	vand.u32 $0x7F, v54;
	v32 =	vand.u32 $0xFFFFFC00, v55;
	v33 =	vld.idx.msk [tilespmem:v33+s2+$0x0], $0xffff  }
0x4b6: {  	v32 =	vor.u32 v34, v32;
	_ =	sdelay $0x2  }
0x4b7: {  	v57 =	vadd.s32 s0, v28  }
0x4b8: {  	v58 =	vshll.u32 v57, $0x3;
	[tilespmem:v56+s24+$0x0] =	vst.idx.msk $0xffff, v33  }
0x4b9: {  	v59 =	vor.u32 s1, v27;
	v34 =	vand.u32 $0x7F, v57;
	v33 =	vand.u32 $0xFFFFFC00, v58;
	v32 =	vld.idx.msk [tilespmem:v32+s2+$0x0], $0xffff  }
0x4ba: {  	v33 =	vor.u32 v34, v33;
	_ =	sdelay $0x2  }
0x4bb: {  	v60 =	vadd.s32 s0, v30  }
0x4bc: {  	v61 =	vshll.u32 v60, $0x3;
	[tilespmem:v59+s24+$0x0] =	vst.idx.msk $0xffff, v32  }
0x4bd: {  	v62 =	vor.u32 s1, v29;
	v34 =	vand.u32 $0x7F, v60;
	v32 =	vand.u32 $0xFFFFFC00, v61;
	v33 =	vld.idx.msk [tilespmem:v33+s2+$0x0], $0xffff  }
0x4be: {  	v32 =	vor.u32 v34, v32;
	_ =	sdelay $0x3  }
0x4bf: {  	[tilespmem:v62+s24+$0x0] =	vst.idx.msk $0xffff, v33  }
0x4c0: {  	v63 =	vor.u32 s1, v31;
	v32 =	vld.idx.msk [tilespmem:v32+s2+$0x0], $0xffff;
	_ =	sdelay $0x4  }
.Ltmp15:
0x4c1: {  	s17 =	rddreg [dreg:$0x8];
	[tilespmem:v63+s24+$0x0] =	vst.idx.msk $0xffff, v32;
	(pc) =	sbr.rel .LBB2_23-.Ltmp15, $4  }
0x4c2: {  	[hbm4b:s17+s2] =	stream.linear.scatter [tilespmem:s24], [sflag:$0x9], $0x400, $0x38;
	[tilespmem:$0x10000] =	vst v63  }
0x4c3: {  	_ =	swait.ge [sflag:s8], $0x400  }
0x4c4: {  	[sflag:s8] =	ssyncset.done $0x0  }
0x4c5: {  	[sflag:s8] =	ssyncadd.s32 $0xFFFFFC00  }
.LBB2_24:
0x4c6: {  	_ =	sfence.sel $0x180000  }
0x4c7: {  	[bflag:$0x0] =	sbarrier.arrive $0xFFFF  }
0x4c8: {  	_ =	strace $0x90000047  }
0x4c9: {  	s0 =	stileid.u32;
	[bflag:$0x2] =	sbarrier.arrive $0xFFFF  }
0x4ca: {  	p0 =	sne.s32 s0, $0x0;
	s0 =	rddreg [dreg:$0x2]  }
0x4cb: {  	s0 =	sadd.s32 @!p0 $0x100000, s0  }
0x4cc: {  	[sflag:s0] =	ssyncadd.tile.s32 @!p0 $0x1;
	_ =	shalt  }
.Lfunc_end2:
_tile_overlayer_lowered:
.L_overlay_start_2:
0x4cd: {  	(tag) =	ssettag $0x2  }
0x4ce: {  	s0 =	rddreg [dreg:$0x0];
	s2 =	stileid.u32  }
0x4cf: {  	s1 =	rddreg [dreg:$0x1];
	p0 =	sne.s32 s2, $0x0  }
0x4d0: {  	s3 =	rddreg [dreg:$0x2];
	[bflag:$0x3] =	sbarrier.arrive $0xFFFF;
	s2 =	simm.s32 @!p0 $0x1C09  }
0x4d1: {  	[timem:s3], [sflag:s2] =	dma.local @!p0 [hbm:s0], s1  }
0x4d2: {  	s0 =	simm.s32 @!p0 $0x9  }
0x4d3: {  	_ =	swait.ge @!p0 [sflag:s0], s1  }
0x4d4: {  	s1 =	ssub.s32 @!p0 $0x0, s1;
	[sflag:s0] =	ssyncset.done @!p0 $0x0  }
0x4d5: {  	[sflag:s0] =	ssyncadd.s32 @!p0 s1  }
0x4d6: {  	[bflag:$0x3] =	sbarrier.arrive $0xFFFF  }
0x4d7: {  	_ =	shalt  }

// kernel: kernel.7.cloned.1.call-start
scs
__scs_entry_jumppad:
0x0: {  	(pc) =	sbr.rel $0x88, $3  }
0x1: {  	(tag) =	ssettag $0x0;
	lr =	simm.s32 $0x1  }
0x2: {  	[smem:$0x3F9F] =	sst lr;
	_ =	strace $0xD0000000  }
0x3: {  	_ = 	snop  }
0x4: {  	_ = 	snop  }
0x5: {  	_ = 	snop  }
0x6: {  	_ = 	snop  }
0x7: {  	_ = 	snop  }
__scs_overlays_trampoline_lowered:
0x8: {  	[smem:$0x3FAE] =	sst s0  }
0x9: {  	[smem:$0x3FAF] =	sst s1  }
0xa: {  	[smem:$0x3FB0] =	sst s2  }
0xb: {  	[smem:$0x3FB1] =	sst s3  }
0xc: {  	[smem:$0x3FB2] =	sst s4  }
0xd: {  	[smem:$0x3FB3] =	sst s5  }
0xe: {  	[smem:$0x3FB4] =	sst s6  }
0xf: {  	[smem:$0x3FB5] =	sst s7  }
0x10: {  	[smem:$0x3FB6] =	sst s8  }
0x11: {  	[smem:$0x3FB7] =	sst s9;
	s0 =	simm.s32 @!p0 $0x0  }
0x12: {  	s1 =	sld [smem:$0x3F9D];
	s0 =	simm.s32 @p0 $0x1  }
0x13: {  	[smem:$0x3FB8] =	sst s0;
	s0 =	simm.s32 @!p1 $0x0  }
0x14: {  	s2 =	sld [smem:$0x3F9C];
	s0 =	simm.s32 @p1 $0x1  }
0x15: {  	[smem:$0x3FB9] =	sst s0;
	s0 =	simm.s32 @!p2 $0x0  }
0x16: {  	s3 =	sld [smem:$0x3FDB];
	s0 =	simm.s32 @p2 $0x1  }
0x17: {  	s4 =	simm.s32 $0x1BF5;
	[smem:$0x3FBB] =	sst s0  }
0x18: {  	s0 =	sld [smem:$0x3F9E];
	_ =	swait.ge [sflag:s4], $0x0  }
0x19: {  	s7 =	sld [smem:$0x3F9F]  }
0x1a: {  	s8 =	sadd.s32 $0xFFFFE003, lr  }
0x1b: {  	s9 =	sadd.s32 $0xFFFFFEF7, lr;
	s5 =	simm.s32 $0xFFFFFFFF;
	p2 =	slt.u32 s8, $0xFFFFF086  }
0x1c: {  	p1 =	slt.u32 s9, $0xF7A;
	s5 =	simm.s32 @!p2 $0x0  }
0x1d: {  	s5 =	simm.s32 @p1 $0x1;
	p0 =	seq.s32 s7, s2  }
0x1e: {  	s7 =	smul.u32 @!p0 $0xF7A, s2;
	p2 =	seq.s32 @!p0 s5, $0x0  }
0x1f: {  	s9 =	smul.u32 $0xF7A, s1;
	s8 =	simm.s32 @!p0 $0x1BF5;
	p2 =	por !p2, p0  }
0x20: {  	[sflag:s8] =	ssyncset.s32 @!p0 $0xFFFFF086;
	s6 =	sadd.s32 @!p0 s3, s7;
	s7 =	simm.s32 @!p0 $0x108  }
0x21: {  	s3 =	sadd.s32 s3, s9;
	s6 =	sadd.s32 @!p0 $0x88, s6;
	s7 =	simm.s32 @p2 $0x1082  }
0x22: {  	[simem:s7], [sflag:s8] =	dma.local @!p0 [hbm:s6], $0xF7A  }
0x23: {  	s9 =	sor.u32 $0xD0000000, s2;
	s6 =	simm.s32 $0x108;
	_ =	swait.ge @!p0 [sflag:s8], $0x0  }
0x24: {  	s3 =	sadd.s32 $0x88, s3;
	s6 =	simm.s32 @!p1 $0x1082;
	[sflag:s4] =	ssyncset.s32 $0xFFFFF086  }
0x25: {  	[simem:s6], [sflag:s4] =	dma.local [hbm:s3], $0xF7A  }
0x26: {  	[smem:$0x3F9F] =	sst s1;
	(tag) =	ssettag s2;
	_ =	strace s9  }
0x27: {  	s1 =	sld [smem:$0x3FAF]  }
0x28: {  	s2 =	sld [smem:$0x3FB0]  }
0x29: {  	s4 =	sld [smem:$0x3FB2]  }
0x2a: {  	p0 =	seq.s32 s5, $0x0;
	s5 =	sld [smem:$0x3FB3]  }
0x2b: {  	s6 =	sld [smem:$0x3FB4]  }
0x2c: {  	s7 =	sld [smem:$0x3FB5]  }
0x2d: {  	s3 =	simm.s32 $0x108;
	s8 =	sld [smem:$0x3FB6]  }
0x2e: {  	s3 =	simm.s32 @!p0 $0x1082;
	s9 =	sld [smem:$0x3FB7]  }
0x2f: {  	lr =	sadd.s32 s0, s3;
	s0 =	sld [smem:$0x3FAE]  }
0x30: {  	s3 =	sld [smem:$0x3FB1]  }
0x31: {  	[smem:$0x3FBA] =	sst s10  }
0x32: {  	s10 =	sld [smem:$0x3FB8];
	_ =	sdelay $0x3  }
0x33: {  	p0 =	seq.s32 s10, $0x1;
	s10 =	sld [smem:$0x3FBA];
	_ =	sdelay $0x3  }
0x34: {  	[smem:$0x3FBA] =	sst s10  }
0x35: {  	s10 =	sld [smem:$0x3FB9];
	_ =	sdelay $0x3  }
0x36: {  	p1 =	seq.s32 s10, $0x1;
	s10 =	sld [smem:$0x3FBA];
	_ =	sdelay $0x3  }
0x37: {  	[smem:$0x3FBA] =	sst s10  }
0x38: {  	s10 =	sld [smem:$0x3FBB]  }
0x39: {  	_ = 	snop;
	(pc) =	sbr.ind lr, $3  }
0x3a: {  	_ = 	snop  }
0x3b: {  	_ = 	snop  }
0x3c: {  	p2 =	seq.s32 s10, $0x1;
	s10 =	sld [smem:$0x3FBA]  }
0x3d: {  	_ =	shalt  }
0x3e: {  	_ =	shalt  }
0x3f: {  	_ =	shalt  }
0x40: {  	_ =	shalt  }
0x41: {  	_ =	shalt  }
0x42: {  	_ =	shalt  }
0x43: {  	_ =	shalt  }
0x44: {  	_ =	shalt  }
0x45: {  	_ =	shalt  }
0x46: {  	_ =	shalt  }
0x47: {  	_ =	shalt  }
0x48: {  	_ =	shalt  }
0x49: {  	_ =	shalt  }
0x4a: {  	_ =	shalt  }
0x4b: {  	_ =	shalt  }
0x4c: {  	_ =	shalt  }
0x4d: {  	_ =	shalt  }
0x4e: {  	_ =	shalt  }
0x4f: {  	_ =	shalt  }
0x50: {  	_ =	shalt  }
0x51: {  	_ =	shalt  }
0x52: {  	_ =	shalt  }
0x53: {  	_ =	shalt  }
0x54: {  	_ =	shalt  }
0x55: {  	_ =	shalt  }
0x56: {  	_ =	shalt  }
0x57: {  	_ =	shalt  }
0x58: {  	_ =	shalt  }
0x59: {  	_ =	shalt  }
0x5a: {  	_ =	shalt  }
0x5b: {  	_ =	shalt  }
0x5c: {  	_ =	shalt  }
0x5d: {  	_ =	shalt  }
0x5e: {  	_ =	shalt  }
0x5f: {  	_ =	shalt  }
0x60: {  	_ =	shalt  }
0x61: {  	_ =	shalt  }
0x62: {  	_ =	shalt  }
0x63: {  	_ =	shalt  }
0x64: {  	_ =	shalt  }
0x65: {  	_ =	shalt  }
0x66: {  	_ =	shalt  }
0x67: {  	_ =	shalt  }
0x68: {  	_ =	shalt  }
0x69: {  	_ =	shalt  }
0x6a: {  	_ =	shalt  }
0x6b: {  	_ =	shalt  }
0x6c: {  	_ =	shalt  }
0x6d: {  	_ =	shalt  }
0x6e: {  	_ =	shalt  }
0x6f: {  	_ =	shalt  }
0x70: {  	_ =	shalt  }
0x71: {  	_ =	shalt  }
0x72: {  	_ =	shalt  }
0x73: {  	_ =	shalt  }
0x74: {  	_ =	shalt  }
0x75: {  	_ =	shalt  }
0x76: {  	_ =	shalt  }
0x77: {  	_ =	shalt  }
0x78: {  	_ =	shalt  }
0x79: {  	_ =	shalt  }
0x7a: {  	_ =	shalt  }
0x7b: {  	_ =	shalt  }
0x7c: {  	_ =	shalt  }
0x7d: {  	_ =	shalt  }
0x7e: {  	_ =	shalt  }
0x7f: {  	_ =	shalt  }
0x80: {  	_ =	shalt  }
0x81: {  	_ =	shalt  }
0x82: {  	_ =	shalt  }
0x83: {  	_ =	shalt  }
0x84: {  	_ =	shalt  }
0x85: {  	_ =	shalt  }
0x86: {  	_ =	shalt  }
0x87: {  	_ =	shalt  }
.Lfunc_end0:
.L_simem_size_0:
called_computation.1_lowered:
.L_overlay_start_0:
0x88: {  	s2 =	sld [smem:$0x3FD9]  }
0x89: {  	s3 =	sld [smem:$0x3FFE];
	_ =	sdelay $0x1  }
0x8a: {  	s1 =	srdreg.scid  }
0x8b: {  	s0 =	sand.u32 $0x1, s1  }
0x8c: {  	s17 =	sshll.u32 s0, $0xA;
	s2 =	sadd.s32 s3, s2  }
0x8d: {  	s2 =	sadd.s32 s2, s17  }
0x8e: {  	[smem:$0x3FC6] =	sst s2  }
0x8f: {  	_ = 	snop  }
0x90: {  	s2 =	sld [smem:$0x3FD0];
	(tm) =	ssettm $0x1  }
0x91: {  	s18 =	sld [smem:$0x3FFB];
	_ =	sdelay $0x3  }
0x92: {  	_ =	strace s18  }
0x93: {  	s3 =	sld [smem:$0x3FFC];
	_ =	sdelay $0x3  }
0x94: {  	_ =	strace s3  }
0x95: {  	s3 =	sld [smem:$0x3FFD];
	_ =	sdelay $0x3  }
0x96: {  	_ =	strace s3  }
0x97: {  	_ =	strace $0x8FFFFFFF  }
0x98: {  	s19 =	sld [smem:$0x3FDB];
	_ =	sdelay $0x1  }
0x99: {  	s4 =	simm.s32 $_scs_section_size  }
0x9a: {  	s5 =	simm.s32 $_size__tile_overlayer_lowered;
	s6 =	simm.s32 $_tile_overlayer_lowered  }
0x9b: {  	s22 =	simm.s32 $0x1BFF;
	s21 =	sshll.u32 s6, $0x1;
	s3 =	sadd.s32 s4, s19  }
0x9c: {  	s7 =	simm.s32 $0x0;
	s20 =	sshll.u32 s5, $0x1;
	s5 =	sadd.s32 s21, s3  }
0x9d: {  	[timem:s7], [sflag:s22] =	dma.local [hbm:s5], s20  }
0x9e: {  	_ =	swait.ge [sflag:s22], s20  }
0x9f: {  	s4 =	ssub.s32 $0x0, s20;
	[sflag:s22] =	ssyncset.done $0x0  }
0xa0: {  	[sflag:s22] =	ssyncadd.s32 s4;
	_ =	sdelay $0x1  }
0xa1: {  	s23 =	simm.s32 $0x1B8B  }
0xa2: {  	_ =	swait.ge [sflag:s23], $0x1  }
0xa3: {  	[sflag:s23] =	ssyncset.done $0x0  }
0xa4: {  	s25 =	simm.s32 $0x1B8E;
	s24 =	sld [smem:$0x3FFE];
	[sflag:s23] =	ssyncadd.s32 $0xFFFFFFFF  }
0xa5: {  	s26 =	simm.s32 $execute0_lowered;
	[smem:$0x3FD2] =	sst s25  }
0xa6: {  	s5 =	sshll.u32 s26, $0x1;
	_ =	strace $0x80000049;
	[dreg:$0x1] =	wrdreg $0xFFFFFFFF  }
0xa7: {  	s28 =	simm.s32 $_size_execute0_lowered;
	s3 =	sadd.s32 s3, s5;
	[dreg:$0x0] =	wrdreg $0x0  }
0xa8: {  	s5 =	sshll.u32 s28, $0x1;
	[dreg:$0x2] =	wrdreg s3  }
0xa9: {  	[dreg:$0x3] =	wrdreg s5  }
0xaa: {  	[dreg:$0x4] =	wrdreg $0xC0  }
0xab: {  	_ =	task [dreg:s7], $0x5FFFF  }
0xac: {  	[dreg:$0x1] =	wrdreg $0xFFFFFFFF  }
0xad: {  	[dreg:$0x0] =	wrdreg $0x60  }
0xae: {  	[dreg:$0x2] =	wrdreg s24  }
0xaf: {  	[dreg:$0x3] =	wrdreg s2  }
0xb0: {  	[dreg:$0x4] =	wrdreg $0x9  }
0xb1: {  	_ =	task.clear_ibuf [dreg:s7], $0x5FFFF;
	_ =	strace $0x90000049  }
0xb2: {  	s29 =	simm.s32 $0x9;
	_ =	strace $0x8000004B  }
0xb3: {  	_ =	swait.ge [sflag:s29], $0x1  }
0xb4: {  	[sflag:s29] =	ssyncadd.s32 $0xFFFFFFFF  }
0xb5: {  	_ =	strace $0x9000004B  }
0xb6: {  	_ =	sfence  }
0xb7: {  	s30 =	sld [smem:$0x0];
	_ =	sdelay $0x2  }
0xb8: {  	s31 =	sshll.u32 s1, $0xD;
	s1 =	sshrl.u32 s1, $0x2  }
0xb9: {  	s3 =	sand.u32 $0x4000, s31;
	s1 =	sadd.s32 s1, s30  }
0xba: {  	s0 =	sor.u32 s3, s0;
	s1 =	sshll.u32 s1, $0x11  }
0xbb: {  	s0 =	sor.u32 s1, s0  }
0xbc: {  	s0 =	sadd.s32 $0x8F2B, s0  }
0xbd: {  	[sflag:s0] =	ssyncadd.remote.s32 $0x1  }
0xbe: {  	_ =	sfence.sel $0xFFFF  }
0xbf: {  	[dreg:$0x0] =	wrdreg $0xFFFFFFFF;
	(pc) =	sbr.abs _section_cstart, $3  }
0xc0: {  	[dreg:$0x1] =	wrdreg $0xFFFFFFFF  }
0xc1: {  	_ =	task.clear_ibuf [dreg:s7], $0x2FFFF;
	_ =	strace $0x9FFFFFFF  }
0xc2: {  	(tm) =	ssettm $0x7FFFFFFF  }
0xc3: {  	_ =	shalt  }
tec
execute0_lowered:
.L_overlay_start_1:
0x0: {  	(tag) =	ssettag $0x1  }
0x1: {  	s0 =	rddreg [dreg:$0x0]  }
0x2: {  	s1 =	rddreg [dreg:$0x1];
	s2 =	simm.s32 $0x0  }
0x3: {  	s3 =	srdreg.scid;
	s5 =	stileid.u32;
	s10 =	simm.s32 $0x3  }
0x4: {  	s11 =	simm.s32 $0x80;
	s14 =	simm.s32 $0xC80;
	s29 =	simm.s32 $0x17100  }
0x5: {  	s30 =	simm.s32 $0x1600;
	s31 =	simm.s32 $0x17900;
	s9 =	simm.s32 $0x18900  }
0x6: {  	s12 =	simm.s32 $0x1780;
	s13 =	simm.s32 $0x19100;
	s15 =	simm.s32 $0x19900  }
0x7: {  	s16 =	simm.s32 $0x1880;
	s17 =	simm.s32 $0x1A100;
	s18 =	simm.s32 $0x1  }
0x8: {  	s19 =	simm.s32 $0x1A900;
	s20 =	simm.s32 $0x2;
	s22 =	simm.s32 $0x0  }
0x9: {  	[smem:$0x7FF] =	sst s2;
	s4 =	sand.u32 $0x1, s3;
	s5 =	sshll.u32 s5, $0x1  }
0xa: {  	s3 =	sadd.s32 $0x1E9000, s0;
	_ =	strace $0x8000004A;
	s6 =	ssub.s32 $0x2, s4  }
0xb: {  	s7 =	sor.u32 s4, s5;
	s4 =	sadd.s32 $0xA00, s0;
	s24 =	sshrl.u32 s6, $0x1  }
0xc: {  	s8 =	smul.u32 $0x3200, s7;
	s5 =	sshll.u32 s7, $0x5;
	s25 =	sshll.u32 s7, $0xA  }
0xd: {  	s0 =	ssub.s32 s6, s24;
	s7 =	sadd.s32 s1, s25;
	s28 =	sor.u32 $0x2, s5  }
0xe: {  	s1 =	simm.s32 $0x18100;
	s26 =	sadd.s32 s3, s8;
	[dreg:$0x4] =	wrdreg s28  }
0xf: {  	s6 =	simm.s32 $0x1700;
	s0 =	smax.u32 s0, $0x1;
	[dreg:$0x3] =	wrdreg s26  }
0x10: {  	s8 =	simm.s32 $0x1800;
	[dreg:$0x5] =	wrdreg s0;
	s0 =	simm.s32 $0x1680  }
.LBB2_1:
0x11: {  	[dreg:$0x6] =	wrdreg s22  }
0x12: {  	s21 =	rddreg [dreg:$0x3]  }
0x13: {  	[tilespmem:s2], [sflag:$0x3] =	stream.linear.gather [hbm4b:s21+s2], $0xC80, $0x38;
	[tilespmem:$0x1AA00] =	vst v63  }
0x14: {  	_ =	swait.ge [sflag:s10], $0xC80  }
0x15: {  	[sflag:s10] =	ssyncset.done $0x0  }
0x16: {  	s22 =	simm.s32 $0x1900;
	[sflag:s10] =	ssyncadd.s32 $0xFFFFF380  }
0x17: {  	[tilespmem:s22], [sflag:$0x1] =	stream.indirect.gather [hbm4b:s4+s11], $0x10, s2, s11, $0xb8;
	[tilespmem:$0x1AA00] =	vst v63  }
0x18: {  	s23 =	simm.s32 $0x2100  }
0x19: {  	[tilespmem:s23], [sflag:$0x1] =	stream.indirect.gather [hbm4b:s4+s11], $0x10, s11, s11, $0xb8;
	[tilespmem:$0x1AA00] =	vst v63  }
0x1a: {  	s24 =	simm.s32 $0x100;
	s25 =	simm.s32 $0x2900  }
0x1b: {  	[tilespmem:s25], [sflag:$0x1] =	stream.indirect.gather [hbm4b:s4+s11], $0x10, s24, s11, $0xb8;
	[tilespmem:$0x1AA00] =	vst v63  }
0x1c: {  	s26 =	simm.s32 $0x180;
	s28 =	simm.s32 $0x3100  }
0x1d: {  	[tilespmem:s28], [sflag:$0x1] =	stream.indirect.gather [hbm4b:s4+s11], $0x10, s26, s11, $0xb8;
	[tilespmem:$0x1AA00] =	vst v63  }
0x1e: {  	s22 =	simm.s32 $0x200;
	s23 =	simm.s32 $0x3900  }
0x1f: {  	[tilespmem:s23], [sflag:$0x1] =	stream.indirect.gather [hbm4b:s4+s11], $0x10, s22, s11, $0xb8;
	[tilespmem:$0x1AA00] =	vst v63  }
0x20: {  	s24 =	simm.s32 $0x280;
	s25 =	simm.s32 $0x4100  }
0x21: {  	[tilespmem:s25], [sflag:$0x1] =	stream.indirect.gather [hbm4b:s4+s11], $0x10, s24, s11, $0xb8;
	[tilespmem:$0x1AA00] =	vst v63  }
0x22: {  	s26 =	simm.s32 $0x300;
	s28 =	simm.s32 $0x4900  }
0x23: {  	[tilespmem:s28], [sflag:$0x1] =	stream.indirect.gather [hbm4b:s4+s11], $0x10, s26, s11, $0xb8;
	[tilespmem:$0x1AA00] =	vst v63  }
0x24: {  	s22 =	simm.s32 $0x380;
	s23 =	simm.s32 $0x5100  }
0x25: {  	[tilespmem:s23], [sflag:$0x1] =	stream.indirect.gather [hbm4b:s4+s11], $0x10, s22, s11, $0xb8;
	[tilespmem:$0x1AA00] =	vst v63  }
0x26: {  	s24 =	simm.s32 $0x400;
	s25 =	simm.s32 $0x5900  }
0x27: {  	[tilespmem:s25], [sflag:$0x1] =	stream.indirect.gather [hbm4b:s4+s11], $0x10, s24, s11, $0xb8;
	[tilespmem:$0x1AA00] =	vst v63  }
0x28: {  	s26 =	simm.s32 $0x480;
	s28 =	simm.s32 $0x6100  }
0x29: {  	[tilespmem:s28], [sflag:$0x1] =	stream.indirect.gather [hbm4b:s4+s11], $0x10, s26, s11, $0xb8;
	[tilespmem:$0x1AA00] =	vst v63  }
0x2a: {  	s22 =	simm.s32 $0x500;
	s23 =	simm.s32 $0x6900  }
0x2b: {  	[tilespmem:s23], [sflag:$0x1] =	stream.indirect.gather [hbm4b:s4+s11], $0x10, s22, s11, $0xb8;
	[tilespmem:$0x1AA00] =	vst v63  }
0x2c: {  	s24 =	simm.s32 $0x580;
	s25 =	simm.s32 $0x7100  }
0x2d: {  	[tilespmem:s25], [sflag:$0x1] =	stream.indirect.gather [hbm4b:s4+s11], $0x10, s24, s11, $0xb8;
	[tilespmem:$0x1AA00] =	vst v63  }
0x2e: {  	s26 =	simm.s32 $0x600;
	s28 =	simm.s32 $0x7900  }
0x2f: {  	[tilespmem:s28], [sflag:$0x1] =	stream.indirect.gather [hbm4b:s4+s11], $0x10, s26, s11, $0xb8;
	[tilespmem:$0x1AA00] =	vst v63  }
0x30: {  	s22 =	simm.s32 $0x680;
	s23 =	simm.s32 $0x8100  }
0x31: {  	[tilespmem:s23], [sflag:$0x1] =	stream.indirect.gather [hbm4b:s4+s11], $0x10, s22, s11, $0xb8;
	[tilespmem:$0x1AA00] =	vst v63  }
0x32: {  	s24 =	simm.s32 $0x700;
	s25 =	simm.s32 $0x8900  }
0x33: {  	[tilespmem:s25], [sflag:$0x1] =	stream.indirect.gather [hbm4b:s4+s11], $0x10, s24, s11, $0xb8;
	[tilespmem:$0x1AA00] =	vst v63  }
0x34: {  	s26 =	simm.s32 $0x780;
	s28 =	simm.s32 $0x9100  }
0x35: {  	[tilespmem:s28], [sflag:$0x1] =	stream.indirect.gather [hbm4b:s4+s11], $0x10, s26, s11, $0xb8;
	[tilespmem:$0x1AA00] =	vst v63  }
0x36: {  	s22 =	simm.s32 $0x800;
	s23 =	simm.s32 $0x9900  }
0x37: {  	[tilespmem:s23], [sflag:$0x1] =	stream.indirect.gather [hbm4b:s4+s11], $0x10, s22, s11, $0xb8;
	[tilespmem:$0x1AA00] =	vst v63  }
0x38: {  	s24 =	simm.s32 $0x880;
	s25 =	simm.s32 $0xA100  }
0x39: {  	[tilespmem:s25], [sflag:$0x1] =	stream.indirect.gather [hbm4b:s4+s11], $0x10, s24, s11, $0xb8;
	[tilespmem:$0x1AA00] =	vst v63  }
0x3a: {  	s26 =	simm.s32 $0x900;
	s28 =	simm.s32 $0xA900  }
0x3b: {  	[tilespmem:s28], [sflag:$0x1] =	stream.indirect.gather [hbm4b:s4+s11], $0x10, s26, s11, $0xb8;
	[tilespmem:$0x1AA00] =	vst v63  }
0x3c: {  	s22 =	simm.s32 $0x980;
	s23 =	simm.s32 $0xB100  }
0x3d: {  	[tilespmem:s23], [sflag:$0x1] =	stream.indirect.gather [hbm4b:s4+s11], $0x10, s22, s11, $0xb8;
	[tilespmem:$0x1AA00] =	vst v63  }
0x3e: {  	s24 =	simm.s32 $0xA00;
	s25 =	simm.s32 $0xB900  }
0x3f: {  	[tilespmem:s25], [sflag:$0x1] =	stream.indirect.gather [hbm4b:s4+s11], $0x10, s24, s11, $0xb8;
	[tilespmem:$0x1AA00] =	vst v63  }
0x40: {  	s26 =	simm.s32 $0xA80;
	s28 =	simm.s32 $0xC100  }
0x41: {  	[tilespmem:s28], [sflag:$0x1] =	stream.indirect.gather [hbm4b:s4+s11], $0x10, s26, s11, $0xb8;
	[tilespmem:$0x1AA00] =	vst v63  }
0x42: {  	s22 =	simm.s32 $0xB00;
	s23 =	simm.s32 $0xC900  }
0x43: {  	[tilespmem:s23], [sflag:$0x1] =	stream.indirect.gather [hbm4b:s4+s11], $0x10, s22, s11, $0xb8;
	[tilespmem:$0x1AA00] =	vst v63  }
0x44: {  	s24 =	simm.s32 $0xB80;
	s25 =	simm.s32 $0xD100  }
0x45: {  	[tilespmem:s25], [sflag:$0x1] =	stream.indirect.gather [hbm4b:s4+s11], $0x10, s24, s11, $0xb8;
	[tilespmem:$0x1AA00] =	vst v63  }
0x46: {  	s21 =	simm.s32 $0x0;
	s26 =	simm.s32 $0xC00;
	s28 =	simm.s32 $0xD900  }
0x47: {  	[tilespmem:s28], [sflag:$0x1] =	stream.indirect.gather [hbm4b:s4+s11], $0x10, s26, s11, $0xb8;
	[tilespmem:$0x1AA00] =	vst v63  }
.LBB2_2:
0x48: {  	s22 =	sshllo.u32 s21, $0x1  }
0x49: {  	s23 =	sadd.s32 s5, s22  }
0x4a: {  	s23 =	smul.u32 $0x190, s23;
	_ =	sdelay $0x1  }
0x4b: {  	s24 =	sadd.s32 s3, s23;
	s23 =	simm.s32 $0x0  }
0x4c: {  	[tilespmem:s14], [sflag:$0x3] =	stream.linear.gather [hbm4b:s24+s23], $0xC80, $0x38;
	[tilespmem:$0x1AA00] =	vst v63  }
0x4d: {  	_ =	swait.ge [sflag:s10], $0xC80  }
0x4e: {  	[sflag:s10] =	ssyncset.done $0x0  }
0x4f: {  	s26 =	simm.s32 $0xE100;
	[sflag:s10] =	ssyncadd.s32 $0xFFFFF380  }
0x50: {  	[tilespmem:s26], [sflag:$0x2] =	stream.indirect.gather [hbm4b:s4+s11], $0x10, s14, s11, $0xb8;
	[tilespmem:$0x1AA00] =	vst v63  }
0x51: {  	s28 =	simm.s32 $0xD00;
	s25 =	simm.s32 $0xE900  }
0x52: {  	[tilespmem:s25], [sflag:$0x2] =	stream.indirect.gather [hbm4b:s4+s11], $0x10, s28, s11, $0xb8;
	[tilespmem:$0x1AA00] =	vst v63  }
0x53: {  	s26 =	simm.s32 $0xD80;
	s28 =	simm.s32 $0xF100  }
0x54: {  	[tilespmem:s28], [sflag:$0x2] =	stream.indirect.gather [hbm4b:s4+s11], $0x10, s26, s11, $0xb8;
	[tilespmem:$0x1AA00] =	vst v63  }
0x55: {  	s26 =	simm.s32 $0xE00;
	s28 =	simm.s32 $0xF900  }
0x56: {  	[tilespmem:s28], [sflag:$0x2] =	stream.indirect.gather [hbm4b:s4+s11], $0x10, s26, s11, $0xb8;
	[tilespmem:$0x1AA00] =	vst v63  }
0x57: {  	s26 =	simm.s32 $0xE80;
	s28 =	simm.s32 $0x10100  }
0x58: {  	[tilespmem:s28], [sflag:$0x2] =	stream.indirect.gather [hbm4b:s4+s11], $0x10, s26, s11, $0xb8;
	[tilespmem:$0x1AA00] =	vst v63  }
0x59: {  	s26 =	simm.s32 $0xF00;
	s28 =	simm.s32 $0x10900  }
0x5a: {  	[tilespmem:s28], [sflag:$0x2] =	stream.indirect.gather [hbm4b:s4+s11], $0x10, s26, s11, $0xb8;
	[tilespmem:$0x1AA00] =	vst v63  }
0x5b: {  	s26 =	simm.s32 $0xF80;
	s28 =	simm.s32 $0x11100  }
0x5c: {  	[tilespmem:s28], [sflag:$0x2] =	stream.indirect.gather [hbm4b:s4+s11], $0x10, s26, s11, $0xb8;
	[tilespmem:$0x1AA00] =	vst v63  }
0x5d: {  	s26 =	simm.s32 $0x1000;
	s28 =	simm.s32 $0x11900  }
0x5e: {  	[tilespmem:s28], [sflag:$0x2] =	stream.indirect.gather [hbm4b:s4+s11], $0x10, s26, s11, $0xb8;
	[tilespmem:$0x1AA00] =	vst v63  }
0x5f: {  	s26 =	simm.s32 $0x1080;
	s28 =	simm.s32 $0x12100  }
0x60: {  	[tilespmem:s28], [sflag:$0x2] =	stream.indirect.gather [hbm4b:s4+s11], $0x10, s26, s11, $0xb8;
	[tilespmem:$0x1AA00] =	vst v63  }
0x61: {  	s26 =	simm.s32 $0x1100;
	s28 =	simm.s32 $0x12900  }
0x62: {  	[tilespmem:s28], [sflag:$0x2] =	stream.indirect.gather [hbm4b:s4+s11], $0x10, s26, s11, $0xb8;
	[tilespmem:$0x1AA00] =	vst v63  }
0x63: {  	s26 =	simm.s32 $0x1180;
	s28 =	simm.s32 $0x13100  }
0x64: {  	[tilespmem:s28], [sflag:$0x2] =	stream.indirect.gather [hbm4b:s4+s11], $0x10, s26, s11, $0xb8;
	[tilespmem:$0x1AA00] =	vst v63  }
0x65: {  	s26 =	simm.s32 $0x1200;
	s28 =	simm.s32 $0x13900  }
0x66: {  	[tilespmem:s28], [sflag:$0x2] =	stream.indirect.gather [hbm4b:s4+s11], $0x10, s26, s11, $0xb8;
	[tilespmem:$0x1AA00] =	vst v63  }
0x67: {  	s26 =	simm.s32 $0x1280;
	s28 =	simm.s32 $0x14100  }
0x68: {  	[tilespmem:s28], [sflag:$0x2] =	stream.indirect.gather [hbm4b:s4+s11], $0x10, s26, s11, $0xb8;
	[tilespmem:$0x1AA00] =	vst v63  }
0x69: {  	s26 =	simm.s32 $0x1300;
	s28 =	simm.s32 $0x14900  }
0x6a: {  	[tilespmem:s28], [sflag:$0x2] =	stream.indirect.gather [hbm4b:s4+s11], $0x10, s26, s11, $0xb8;
	[tilespmem:$0x1AA00] =	vst v63  }
0x6b: {  	s26 =	simm.s32 $0x1380;
	s28 =	simm.s32 $0x15100  }
0x6c: {  	[tilespmem:s28], [sflag:$0x2] =	stream.indirect.gather [hbm4b:s4+s11], $0x10, s26, s11, $0xb8;
	[tilespmem:$0x1AA00] =	vst v63  }
0x6d: {  	s26 =	simm.s32 $0x1400;
	s28 =	simm.s32 $0x15900  }
0x6e: {  	[tilespmem:s28], [sflag:$0x2] =	stream.indirect.gather [hbm4b:s4+s11], $0x10, s26, s11, $0xb8;
	[tilespmem:$0x1AA00] =	vst v63  }
0x6f: {  	s26 =	simm.s32 $0x1480;
	s28 =	simm.s32 $0x16100  }
0x70: {  	[tilespmem:s28], [sflag:$0x2] =	stream.indirect.gather [hbm4b:s4+s11], $0x10, s26, s11, $0xb8;
	[tilespmem:$0x1AA00] =	vst v63  }
0x71: {  	s25 =	simm.s32 $0x1500;
	s26 =	simm.s32 $0x16900  }
0x72: {  	[tilespmem:s26], [sflag:$0x2] =	stream.indirect.gather [hbm4b:s4+s11], $0x10, s25, s11, $0xb8;
	[tilespmem:$0x1AA00] =	vst v63  }
0x73: {  	s28 =	simm.s32 $0x1580  }
0x74: {  	[tilespmem:s29], [sflag:$0x2] =	stream.indirect.gather [hbm4b:s4+s11], $0x10, s28, s11, $0xb8;
	[tilespmem:$0x1AA00] =	vst v63  }
0x75: {  	_ = 	snop  }
0x76: {  	[tilespmem:s31], [sflag:$0x2] =	stream.indirect.gather [hbm4b:s4+s11], $0x10, s30, s11, $0xb8;
	[tilespmem:$0x1AA00] =	vst v63  }
0x77: {  	_ = 	snop  }
0x78: {  	[tilespmem:s1], [sflag:$0x2] =	stream.indirect.gather [hbm4b:s4+s11], $0x10, s0, s11, $0xb8;
	[tilespmem:$0x1AA00] =	vst v63  }
0x79: {  	_ = 	snop  }
0x7a: {  	[tilespmem:s9], [sflag:$0x2] =	stream.indirect.gather [hbm4b:s4+s11], $0x10, s6, s11, $0xb8;
	[tilespmem:$0x1AA00] =	vst v63  }
0x7b: {  	_ = 	snop  }
0x7c: {  	[tilespmem:s13], [sflag:$0x2] =	stream.indirect.gather [hbm4b:s4+s11], $0x10, s12, s11, $0xb8;
	[tilespmem:$0x1AA00] =	vst v63  }
0x7d: {  	_ = 	snop  }
0x7e: {  	[tilespmem:s15], [sflag:$0x2] =	stream.indirect.gather [hbm4b:s4+s11], $0x10, s8, s11, $0xb8;
	[tilespmem:$0x1AA00] =	vst v63  }
0x7f: {  	_ = 	snop  }
0x80: {  	[tilespmem:s17], [sflag:$0x2] =	stream.indirect.gather [hbm4b:s4+s11], $0x10, s16, s11, $0xb8;
	[tilespmem:$0x1AA00] =	vst v63  }
0x81: {  	_ =	swait.ge [sflag:s18], $0x800  }
0x82: {  	[sflag:s18] =	ssyncset.done $0x0  }
0x83: {  	[sflag:s18] =	ssyncadd.s32 $0xFFFFF800  }
0x84: {  	_ =	swait.ge [sflag:s18], $0x800  }
0x85: {  	[sflag:s18] =	ssyncset.done $0x0  }
0x86: {  	[sflag:s18] =	ssyncadd.s32 $0xFFFFF800  }
0x87: {  	_ =	swait.ge [sflag:s18], $0x800  }
0x88: {  	[sflag:s18] =	ssyncset.done $0x0  }
0x89: {  	[sflag:s18] =	ssyncadd.s32 $0xFFFFF800  }
0x8a: {  	_ =	swait.ge [sflag:s18], $0x800  }
0x8b: {  	[sflag:s18] =	ssyncset.done $0x0  }
0x8c: {  	[sflag:s18] =	ssyncadd.s32 $0xFFFFF800  }
0x8d: {  	_ =	swait.ge [sflag:s18], $0x800  }
0x8e: {  	[sflag:s18] =	ssyncset.done $0x0  }
0x8f: {  	[sflag:s18] =	ssyncadd.s32 $0xFFFFF800  }
0x90: {  	_ =	swait.ge [sflag:s18], $0x800  }
0x91: {  	[sflag:s18] =	ssyncset.done $0x0  }
0x92: {  	[sflag:s18] =	ssyncadd.s32 $0xFFFFF800  }
0x93: {  	_ =	swait.ge [sflag:s18], $0x800  }
0x94: {  	[sflag:s18] =	ssyncset.done $0x0  }
0x95: {  	[sflag:s18] =	ssyncadd.s32 $0xFFFFF800  }
0x96: {  	_ =	swait.ge [sflag:s18], $0x800  }
0x97: {  	[sflag:s18] =	ssyncset.done $0x0  }
0x98: {  	[sflag:s18] =	ssyncadd.s32 $0xFFFFF800  }
0x99: {  	_ =	swait.ge [sflag:s18], $0x800  }
0x9a: {  	[sflag:s18] =	ssyncset.done $0x0  }
0x9b: {  	[sflag:s18] =	ssyncadd.s32 $0xFFFFF800  }
0x9c: {  	_ =	swait.ge [sflag:s18], $0x800  }
0x9d: {  	[sflag:s18] =	ssyncset.done $0x0  }
0x9e: {  	[sflag:s18] =	ssyncadd.s32 $0xFFFFF800  }
0x9f: {  	_ =	swait.ge [sflag:s18], $0x800  }
0xa0: {  	[sflag:s18] =	ssyncset.done $0x0  }
0xa1: {  	[sflag:s18] =	ssyncadd.s32 $0xFFFFF800  }
0xa2: {  	_ =	swait.ge [sflag:s18], $0x800  }
0xa3: {  	[sflag:s18] =	ssyncset.done $0x0  }
0xa4: {  	[sflag:s18] =	ssyncadd.s32 $0xFFFFF800  }
0xa5: {  	_ =	swait.ge [sflag:s18], $0x800  }
0xa6: {  	[sflag:s18] =	ssyncset.done $0x0  }
0xa7: {  	[sflag:s18] =	ssyncadd.s32 $0xFFFFF800  }
0xa8: {  	_ =	swait.ge [sflag:s18], $0x800  }
0xa9: {  	[sflag:s18] =	ssyncset.done $0x0  }
0xaa: {  	[sflag:s18] =	ssyncadd.s32 $0xFFFFF800  }
0xab: {  	_ =	swait.ge [sflag:s18], $0x800  }
0xac: {  	[sflag:s18] =	ssyncset.done $0x0  }
0xad: {  	[sflag:s18] =	ssyncadd.s32 $0xFFFFF800  }
0xae: {  	_ =	swait.ge [sflag:s18], $0x800  }
0xaf: {  	[sflag:s18] =	ssyncset.done $0x0  }
0xb0: {  	[sflag:s18] =	ssyncadd.s32 $0xFFFFF800  }
0xb1: {  	_ =	swait.ge [sflag:s18], $0x800  }
0xb2: {  	[sflag:s18] =	ssyncset.done $0x0  }
0xb3: {  	[sflag:s18] =	ssyncadd.s32 $0xFFFFF800  }
0xb4: {  	_ =	swait.ge [sflag:s18], $0x800  }
0xb5: {  	[sflag:s18] =	ssyncset.done $0x0  }
0xb6: {  	[sflag:s18] =	ssyncadd.s32 $0xFFFFF800  }
0xb7: {  	_ =	swait.ge [sflag:s18], $0x800  }
0xb8: {  	[sflag:s18] =	ssyncset.done $0x0  }
0xb9: {  	[sflag:s18] =	ssyncadd.s32 $0xFFFFF800  }
0xba: {  	_ =	swait.ge [sflag:s18], $0x800  }
0xbb: {  	[sflag:s18] =	ssyncset.done $0x0  }
0xbc: {  	[sflag:s18] =	ssyncadd.s32 $0xFFFFF800  }
0xbd: {  	_ =	swait.ge [sflag:s18], $0x800  }
0xbe: {  	[sflag:s18] =	ssyncset.done $0x0  }
0xbf: {  	[sflag:s18] =	ssyncadd.s32 $0xFFFFF800  }
0xc0: {  	_ =	swait.ge [sflag:s18], $0x800  }
0xc1: {  	[sflag:s18] =	ssyncset.done $0x0  }
0xc2: {  	[sflag:s18] =	ssyncadd.s32 $0xFFFFF800  }
0xc3: {  	_ =	swait.ge [sflag:s18], $0x800  }
0xc4: {  	[sflag:s18] =	ssyncset.done $0x0  }
0xc5: {  	[sflag:s18] =	ssyncadd.s32 $0xFFFFF800  }
0xc6: {  	_ =	swait.ge [sflag:s18], $0x800  }
0xc7: {  	[sflag:s18] =	ssyncset.done $0x0  }
0xc8: {  	[sflag:s18] =	ssyncadd.s32 $0xFFFFF800  }
0xc9: {  	_ =	swait.ge [sflag:s18], $0x800  }
0xca: {  	[sflag:s18] =	ssyncset.done $0x0  }
0xcb: {  	s24 =	sshll.u32 s21, $0x1;
	s25 =	simm.s32 $0x1A40;
	[sflag:s18] =	ssyncadd.s32 $0xFFFFF800  }
.LBB2_3:
0xcc: {  	v0 =	vmov s25;
	_ =	sdelay $0x3  }
0xcd: {  	s26 =	simm.s32 $0x0  }
0xce: {  	v2 =	vld.idx.msk [tilespmem:v0+s26+$0x100 ss:$0x1], $0xffff  }
0xcf: {  	v4 =	vld.idx.msk [tilespmem:v0+s26+$0x110 ss:$0x1], $0xffff  }
0xd0: {  	v1 =	vld.idx.msk [tilespmem:v0+s26+$0xC0 ss:$0x1], $0xffff  }
0xd1: {  	v3 =	vld.idx.msk [tilespmem:v0+s26+$0xD0 ss:$0x1], $0xffff  }
0xd2: {  	v5 =	vld.idx.msk [tilespmem:v0+s26+$0x80 ss:$0x1], $0xffff  }
0xd3: {  	v6 =	vld.idx.msk [tilespmem:v0+s26+$0x90 ss:$0x1], $0xffff  }
0xd4: {  	v7 =	vld.idx.msk [tilespmem:v0+s26+$0x40 ss:$0x1], $0xffff  }
0xd5: {  	v8 =	vld.idx.msk [tilespmem:v0+s26+$0x50 ss:$0x1], $0xffff  }
0xd6: {  	v9 =	vld.idx.msk [tilespmem:v0+s26+$0x0 ss:$0x1], $0xffff  }
0xd7: {  	v10 =	vld.idx.msk [tilespmem:v0+s26+$0x10 ss:$0x1], $0xffff  }
0xd8: {  	v11 =	vld.idx.msk [tilespmem:v0+s26+$0xFFFFFFC0 ss:$0x1], $0xffff  }
0xd9: {  	v12 =	vld.idx.msk [tilespmem:v0+s26+$0xFFFFFFD0 ss:$0x1], $0xffff  }
0xda: {  	v13 =	vld.idx.msk [tilespmem:v0+s26+$0xFFFFFF80 ss:$0x1], $0xffff  }
0xdb: {  	v14 =	vld.idx.msk [tilespmem:v0+s26+$0xFFFFFF90 ss:$0x1], $0xffff  }
0xdc: {  	v15 =	vld.idx.msk [tilespmem:v0+s26+$0xFFFFFF40 ss:$0x1], $0xffff  }
0xdd: {  	v16 =	vld.idx.msk [tilespmem:v0+s26+$0xFFFFFF50 ss:$0x1], $0xffff  }
0xde: {  	v21 =	vld.idx.msk [tilespmem:v0+s26+$0xFFFFFF00 ss:$0x1], $0xffff  }
0xdf: {  	v22 =	vld.idx.msk [tilespmem:v0+s26+$0xFFFFFF10 ss:$0x1], $0xffff  }
0xe0: {  	v23 =	vld.idx.msk [tilespmem:v0+s26+$0xFFFFFEC0 ss:$0x1], $0xffff  }
0xe1: {  	v17 =	vimm.f32 $0.0e+00;
	v25 =	vld.idx.msk [tilespmem:v0+s26+$0xFFFFFED0 ss:$0x1], $0xffff  }
0xe2: {  	s28 =	simm.s32 $0xA00;
	v20 =	vimm.f32 $0.0e+00;
	v18 =	vimm.f32 $0.0e+00;
	v19 =	vimm.f32 $0.0e+00;
	v24 =	vld.idx.msk [tilespmem:v0+s26+$0xFFFFFEE0 ss:$0x1], $0xffff  }
.LBB2_4:
0xe3: {  	p0 =	sne.s32 s28, $0x2800;
	v26 =	vld.idx.msk [tilespmem:v0+s26+$0xFFFFFEF0 ss:$0x1], $0xffff  }
0xe4: {  	v27 =	vld.idx.msk [tilespmem:v0+s26+$0xFFFFFF20 ss:$0x1], $0xffff  }
0xe5: {  	v28 =	vld.idx.msk [tilespmem:v0+s26+$0xFFFFFF30 ss:$0x1], $0xffff  }
0xe6: {  	v29 =	vld.idx.msk [tilespmem:v0+s26+$0xFFFFFF60 ss:$0x1], $0xffff  }
0xe7: {  	v30 =	vld.idx.msk [tilespmem:v0+s26+$0xFFFFFF70 ss:$0x1], $0xffff  }
0xe8: {  	v17 =	vadd.f32 v23, v17;
	v20 =	vadd.f32 v25, v20;
	v23 =	vld.idx.msk [tilespmem:v0+s26+$0xFFFFFFA0 ss:$0x1], $0xffff  }
0xe9: {  	v18 =	vadd.f32 v24, v18;
	v19 =	vadd.f32 v26, v19;
	v24 =	vld.idx.msk [tilespmem:v0+s26+$0xFFFFFFB0 ss:$0x1], $0xffff  }
0xea: {  	v17 =	vadd.f32 v21, v17;
	v20 =	vadd.f32 v22, v20;
	v21 =	vld.idx.msk [tilespmem:v0+s26+$0xFFFFFFE0 ss:$0x1], $0xffff  }
0xeb: {  	v18 =	vadd.f32 v27, v18;
	v19 =	vadd.f32 v28, v19;
	v22 =	vld.idx.msk [tilespmem:v0+s26+$0xFFFFFFF0 ss:$0x1], $0xffff  }
0xec: {  	v15 =	vadd.f32 v15, v17;
	v16 =	vadd.f32 v16, v20;
	v17 =	vld.idx.msk [tilespmem:v0+s26+$0x20 ss:$0x1], $0xffff  }
0xed: {  	v18 =	vadd.f32 v29, v18;
	v19 =	vadd.f32 v30, v19;
	v20 =	vld.idx.msk [tilespmem:v0+s26+$0x30 ss:$0x1], $0xffff  }
0xee: {  	v13 =	vadd.f32 v13, v15;
	v14 =	vadd.f32 v14, v16;
	v15 =	vld.idx.msk [tilespmem:v0+s26+$0x60 ss:$0x1], $0xffff  }
0xef: {  	v16 =	vadd.f32 v23, v18;
	v18 =	vadd.f32 v24, v19;
	v19 =	vld.idx.msk [tilespmem:v0+s26+$0x70 ss:$0x1], $0xffff  }
0xf0: {  	v11 =	vadd.f32 v11, v13;
	v12 =	vadd.f32 v12, v14;
	v13 =	vld.idx.msk [tilespmem:v0+s26+$0xA0 ss:$0x1], $0xffff  }
0xf1: {  	v14 =	vadd.f32 v21, v16;
	v16 =	vadd.f32 v22, v18;
	v18 =	vld.idx.msk [tilespmem:v0+s26+$0xB0 ss:$0x1], $0xffff  }
0xf2: {  	v9 =	vadd.f32 v9, v11;
	v10 =	vadd.f32 v10, v12;
	v11 =	vld.idx.msk [tilespmem:v0+s26+$0xE0 ss:$0x1], $0xffff  }
0xf3: {  	v12 =	vadd.f32 v17, v14;
	v14 =	vadd.f32 v20, v16;
	v16 =	vld.idx.msk [tilespmem:v0+s26+$0xF0 ss:$0x1], $0xffff  }
0xf4: {  	v7 =	vadd.f32 v7, v9;
	v8 =	vadd.f32 v8, v10;
	v9 =	vld.idx.msk [tilespmem:v0+s26+$0x120 ss:$0x1], $0xffff  }
0xf5: {  	v10 =	vadd.f32 v15, v12;
	v12 =	vadd.f32 v19, v14;
	v14 =	vld.idx.msk [tilespmem:v0+s26+$0x130 ss:$0x1], $0xffff;
	s26 =	sshra.s32 s28, $0x2  }
0xf6: {  	v5 =	vadd.f32 v5, v7;
	v6 =	vadd.f32 v6, v8;
	v15 =	vld.idx.msk [tilespmem:v0+s26+$0x100 ss:$0x1], $0xffff  }
0xf7: {  	v7 =	vadd.f32 v13, v10;
	v8 =	vadd.f32 v18, v12;
	v21 =	vld.idx.msk [tilespmem:v0+s26+$0x110 ss:$0x1], $0xffff  }
0xf8: {  	v10 =	vadd.f32 v1, v5;
	v6 =	vadd.f32 v3, v6;
	v1 =	vld.idx.msk [tilespmem:v0+s26+$0xC0 ss:$0x1], $0xffff  }
0xf9: {  	v7 =	vadd.f32 v11, v7;
	v8 =	vadd.f32 v16, v8;
	v3 =	vld.idx.msk [tilespmem:v0+s26+$0xD0 ss:$0x1], $0xffff  }
0xfa: {  	v17 =	vadd.f32 v2, v10;
	v20 =	vadd.f32 v4, v6;
	v5 =	vld.idx.msk [tilespmem:v0+s26+$0x80 ss:$0x1], $0xffff  }
0xfb: {  	v18 =	vadd.f32 v9, v7;
	v19 =	vadd.f32 v14, v8;
	v6 =	vld.idx.msk [tilespmem:v0+s26+$0x90 ss:$0x1], $0xffff  }
0xfc: {  	v2 =	vmov v15;
	v7 =	vld.idx.msk [tilespmem:v0+s26+$0x40 ss:$0x1], $0xffff  }
0xfd: {  	v4 =	vmov v21;
	v8 =	vld.idx.msk [tilespmem:v0+s26+$0x50 ss:$0x1], $0xffff  }
0xfe: {  	v9 =	vld.idx.msk [tilespmem:v0+s26+$0x0 ss:$0x1], $0xffff  }
0xff: {  	v10 =	vld.idx.msk [tilespmem:v0+s26+$0x10 ss:$0x1], $0xffff  }
0x100: {  	v11 =	vld.idx.msk [tilespmem:v0+s26+$0xFFFFFFC0 ss:$0x1], $0xffff  }
0x101: {  	v12 =	vld.idx.msk [tilespmem:v0+s26+$0xFFFFFFD0 ss:$0x1], $0xffff  }
0x102: {  	v13 =	vld.idx.msk [tilespmem:v0+s26+$0xFFFFFF80 ss:$0x1], $0xffff  }
0x103: {  	v14 =	vld.idx.msk [tilespmem:v0+s26+$0xFFFFFF90 ss:$0x1], $0xffff  }
0x104: {  	v15 =	vld.idx.msk [tilespmem:v0+s26+$0xFFFFFF40 ss:$0x1], $0xffff  }
0x105: {  	v16 =	vld.idx.msk [tilespmem:v0+s26+$0xFFFFFF50 ss:$0x1], $0xffff  }
.Ltmp0:
0x106: {  	v21 =	vld.idx.msk [tilespmem:v0+s26+$0xFFFFFF00 ss:$0x1], $0xffff;
	(pc) =	sbr.rel @p0 .LBB2_4-.Ltmp0, $4  }
0x107: {  	v22 =	vld.idx.msk [tilespmem:v0+s26+$0xFFFFFF10 ss:$0x1], $0xffff  }
0x108: {  	v23 =	vld.idx.msk [tilespmem:v0+s26+$0xFFFFFEC0 ss:$0x1], $0xffff  }
0x109: {  	v25 =	vld.idx.msk [tilespmem:v0+s26+$0xFFFFFED0 ss:$0x1], $0xffff  }
0x10a: {  	s28 =	sadd.s32 $0xA00, s28;
	v24 =	vld.idx.msk [tilespmem:v0+s26+$0xFFFFFEE0 ss:$0x1], $0xffff  }
0x10b: {  	_ =	sdelay $0x3  }
0x10c: {  	v26 =	vld.idx.msk [tilespmem:v0+s26+$0xFFFFFEF0 ss:$0x1], $0xffff  }
0x10d: {  	v27 =	vld.idx.msk [tilespmem:v0+s26+$0xFFFFFF20 ss:$0x1], $0xffff  }
0x10e: {  	v28 =	vld.idx.msk [tilespmem:v0+s26+$0xFFFFFF30 ss:$0x1], $0xffff  }
0x10f: {  	v29 =	vld.idx.msk [tilespmem:v0+s26+$0xFFFFFF60 ss:$0x1], $0xffff  }
0x110: {  	v30 =	vld.idx.msk [tilespmem:v0+s26+$0xFFFFFF70 ss:$0x1], $0xffff;
	v17 =	vadd.f32 v23, v17;
	v20 =	vadd.f32 v25, v20  }
0x111: {  	v36 =	vld.idx.msk [tilespmem:v0+s26+$0xFFFFFFA0 ss:$0x1], $0xffff;
	v18 =	vadd.f32 v24, v18;
	v19 =	vadd.f32 v26, v19  }
0x112: {  	v37 =	vld.idx.msk [tilespmem:v0+s26+$0xFFFFFFB0 ss:$0x1], $0xffff;
	v17 =	vadd.f32 v21, v17;
	v20 =	vadd.f32 v22, v20  }
0x113: {  	v38 =	vld.idx.msk [tilespmem:v0+s26+$0xFFFFFFE0 ss:$0x1], $0xffff;
	v18 =	vadd.f32 v27, v18;
	v19 =	vadd.f32 v28, v19  }
0x114: {  	v39 =	vld.idx.msk [tilespmem:v0+s26+$0xFFFFFFF0 ss:$0x1], $0xffff;
	v15 =	vadd.f32 v15, v17;
	v16 =	vadd.f32 v16, v20  }
0x115: {  	v40 =	vld.idx.msk [tilespmem:v0+s26+$0x20 ss:$0x1], $0xffff;
	v18 =	vadd.f32 v29, v18;
	v19 =	vadd.f32 v30, v19  }
0x116: {  	v41 =	vld.idx.msk [tilespmem:v0+s26+$0x30 ss:$0x1], $0xffff;
	v13 =	vadd.f32 v13, v15;
	v14 =	vadd.f32 v14, v16  }
0x117: {  	v42 =	vld.idx.msk [tilespmem:v0+s26+$0x60 ss:$0x1], $0xffff;
	v43 =	vadd.f32 v36, v18;
	v44 =	vadd.f32 v37, v19  }
0x118: {  	v45 =	vld.idx.msk [tilespmem:v0+s26+$0x70 ss:$0x1], $0xffff;
	v11 =	vadd.f32 v11, v13;
	v12 =	vadd.f32 v12, v14  }
0x119: {  	v46 =	vld.idx.msk [tilespmem:v0+s26+$0xA0 ss:$0x1], $0xffff;
	v47 =	vadd.f32 v38, v43;
	v48 =	vadd.f32 v39, v44  }
0x11a: {  	v49 =	vld.idx.msk [tilespmem:v0+s26+$0xB0 ss:$0x1], $0xffff;
	v9 =	vadd.f32 v9, v11;
	v10 =	vadd.f32 v10, v12  }
0x11b: {  	v50 =	vld.idx.msk [tilespmem:v0+s26+$0xE0 ss:$0x1], $0xffff;
	v51 =	vadd.f32 v40, v47;
	v52 =	vadd.f32 v41, v48  }
0x11c: {  	v53 =	vld.idx.msk [tilespmem:v0+s26+$0xF0 ss:$0x1], $0xffff;
	v7 =	vadd.f32 v7, v9;
	v8 =	vadd.f32 v8, v10  }
0x11d: {  	v54 =	vld.idx.msk [tilespmem:v0+s26+$0x120 ss:$0x1], $0xffff;
	v55 =	vadd.f32 v42, v51;
	v56 =	vadd.f32 v45, v52  }
0x11e: {  	v57 =	vld.idx.msk [tilespmem:v0+s26+$0x130 ss:$0x1], $0xffff;
	v5 =	vadd.f32 v5, v7;
	v6 =	vadd.f32 v6, v8  }
0x11f: {  	v58 =	vadd.f32 v46, v55;
	v59 =	vadd.f32 v49, v56  }
0x120: {  	v1 =	vadd.f32 v1, v5;
	v3 =	vadd.f32 v3, v6  }
0x121: {  	v60 =	vadd.f32 v50, v58;
	v61 =	vadd.f32 v53, v59  }
0x122: {  	v1 =	vadd.f32 v2, v1;
	v62 =	vadd.f32 v4, v3  }
0x123: {  	v63 =	vadd.f32 v54, v60;
	v0 =	vadd.f32 v57, v61;
	_ =	sdelay $0x1  }
0x124: {  	s28 =	sshll.u32 s23, $0x4;
	s23 =	sadd.s32 $0x1, s23;
	v1 =	vadd.f32 v62, v1;
	v0 =	vadd.f32 v0, v63  }
0x125: {  	p0 =	sne.s32 s23, $0x10  }
.Ltmp1:
0x126: {  	v0 =	vadd.f32 v0, v1;
	(pc) =	sbr.rel @p0 .LBB2_3-.Ltmp1, $4  }
0x127: {  	_ = 	snop  }
0x128: {  	v0 =	vmul.f32 $4.999999890e-03, v0  }
0x129: {  	s26 =	sand.u32 $0x3FFFFFF0, s28  }
0x12a: {  	s25 =	sadd.s32 $0xC80, s25;
	[tilespmem:s26+$0x1A900] =	vst v0  }
0x12b: {  	s23 =	sshll.u32 s21, $0x6;
	p0 =	seq.s32 s21, $0xF  }
.Ltmp2:
0x12c: {  	s23 =	sadd.s32 s23, s7;
	(pc) =	sbr.rel @p0 .LBB2_8-.Ltmp2, $4  }
0x12d: {  	[hbm4b:s23+s2] =	stream.linear.scatter [tilespmem:s19], [sflag:$0x3], $0x100, $0x38;
	[tilespmem:$0x1AA00] =	vst v63  }
0x12e: {  	_ =	swait.ge [sflag:s10], $0x100  }
0x12f: {  	[sflag:s10] =	ssyncset.done $0x0  }
0x130: {  	[sflag:s10] =	ssyncadd.s32 $0xFFFFFF00  }
0x131: {  	s23 =	rddreg [dreg:$0x4]  }
0x132: {  	s23 =	sadd.s32 s24, s23  }
0x133: {  	s23 =	smul.u32 $0x190, s23;
	_ =	sdelay $0x1  }
0x134: {  	s23 =	sadd.s32 s3, s23  }
0x135: {  	[tilespmem:s2], [sflag:$0x3] =	stream.linear.gather [hbm4b:s23+s2], $0xC80, $0x38;
	[tilespmem:$0x1AA00] =	vst v63  }
0x136: {  	_ =	swait.ge [sflag:s10], $0xC80  }
0x137: {  	[sflag:s10] =	ssyncset.done $0x0  }
0x138: {  	s24 =	simm.s32 $0x1900;
	[sflag:s10] =	ssyncadd.s32 $0xFFFFF380  }
0x139: {  	[tilespmem:s24], [sflag:$0x1] =	stream.indirect.gather [hbm4b:s4+s11], $0x10, s2, s11, $0xb8;
	[tilespmem:$0x1AA00] =	vst v63  }
0x13a: {  	s25 =	simm.s32 $0x2100  }
0x13b: {  	[tilespmem:s25], [sflag:$0x1] =	stream.indirect.gather [hbm4b:s4+s11], $0x10, s11, s11, $0xb8;
	[tilespmem:$0x1AA00] =	vst v63  }
0x13c: {  	s26 =	simm.s32 $0x100;
	s28 =	simm.s32 $0x2900  }
0x13d: {  	[tilespmem:s28], [sflag:$0x1] =	stream.indirect.gather [hbm4b:s4+s11], $0x10, s26, s11, $0xb8;
	[tilespmem:$0x1AA00] =	vst v63  }
0x13e: {  	s24 =	simm.s32 $0x180;
	s25 =	simm.s32 $0x3100  }
0x13f: {  	[tilespmem:s25], [sflag:$0x1] =	stream.indirect.gather [hbm4b:s4+s11], $0x10, s24, s11, $0xb8;
	[tilespmem:$0x1AA00] =	vst v63  }
0x140: {  	s26 =	simm.s32 $0x200;
	s28 =	simm.s32 $0x3900  }
0x141: {  	[tilespmem:s28], [sflag:$0x1] =	stream.indirect.gather [hbm4b:s4+s11], $0x10, s26, s11, $0xb8;
	[tilespmem:$0x1AA00] =	vst v63  }
0x142: {  	s24 =	simm.s32 $0x280;
	s25 =	simm.s32 $0x4100  }
0x143: {  	[tilespmem:s25], [sflag:$0x1] =	stream.indirect.gather [hbm4b:s4+s11], $0x10, s24, s11, $0xb8;
	[tilespmem:$0x1AA00] =	vst v63  }
0x144: {  	s26 =	simm.s32 $0x300;
	s28 =	simm.s32 $0x4900  }
0x145: {  	[tilespmem:s28], [sflag:$0x1] =	stream.indirect.gather [hbm4b:s4+s11], $0x10, s26, s11, $0xb8;
	[tilespmem:$0x1AA00] =	vst v63  }
0x146: {  	s24 =	simm.s32 $0x380;
	s25 =	simm.s32 $0x5100  }
0x147: {  	[tilespmem:s25], [sflag:$0x1] =	stream.indirect.gather [hbm4b:s4+s11], $0x10, s24, s11, $0xb8;
	[tilespmem:$0x1AA00] =	vst v63  }
0x148: {  	s26 =	simm.s32 $0x400;
	s28 =	simm.s32 $0x5900  }
0x149: {  	[tilespmem:s28], [sflag:$0x1] =	stream.indirect.gather [hbm4b:s4+s11], $0x10, s26, s11, $0xb8;
	[tilespmem:$0x1AA00] =	vst v63  }
0x14a: {  	s24 =	simm.s32 $0x480;
	s25 =	simm.s32 $0x6100  }
0x14b: {  	[tilespmem:s25], [sflag:$0x1] =	stream.indirect.gather [hbm4b:s4+s11], $0x10, s24, s11, $0xb8;
	[tilespmem:$0x1AA00] =	vst v63  }
0x14c: {  	s26 =	simm.s32 $0x500;
	s28 =	simm.s32 $0x6900  }
0x14d: {  	[tilespmem:s28], [sflag:$0x1] =	stream.indirect.gather [hbm4b:s4+s11], $0x10, s26, s11, $0xb8;
	[tilespmem:$0x1AA00] =	vst v63  }
0x14e: {  	s24 =	simm.s32 $0x580;
	s25 =	simm.s32 $0x7100  }
0x14f: {  	[tilespmem:s25], [sflag:$0x1] =	stream.indirect.gather [hbm4b:s4+s11], $0x10, s24, s11, $0xb8;
	[tilespmem:$0x1AA00] =	vst v63  }
0x150: {  	s26 =	simm.s32 $0x600;
	s28 =	simm.s32 $0x7900  }
0x151: {  	[tilespmem:s28], [sflag:$0x1] =	stream.indirect.gather [hbm4b:s4+s11], $0x10, s26, s11, $0xb8;
	[tilespmem:$0x1AA00] =	vst v63  }
0x152: {  	s24 =	simm.s32 $0x680;
	s25 =	simm.s32 $0x8100  }
0x153: {  	[tilespmem:s25], [sflag:$0x1] =	stream.indirect.gather [hbm4b:s4+s11], $0x10, s24, s11, $0xb8;
	[tilespmem:$0x1AA00] =	vst v63  }
0x154: {  	s26 =	simm.s32 $0x700;
	s28 =	simm.s32 $0x8900  }
0x155: {  	[tilespmem:s28], [sflag:$0x1] =	stream.indirect.gather [hbm4b:s4+s11], $0x10, s26, s11, $0xb8;
	[tilespmem:$0x1AA00] =	vst v63  }
0x156: {  	s24 =	simm.s32 $0x780;
	s25 =	simm.s32 $0x9100  }
0x157: {  	[tilespmem:s25], [sflag:$0x1] =	stream.indirect.gather [hbm4b:s4+s11], $0x10, s24, s11, $0xb8;
	[tilespmem:$0x1AA00] =	vst v63  }
0x158: {  	s26 =	simm.s32 $0x800;
	s28 =	simm.s32 $0x9900  }
0x159: {  	[tilespmem:s28], [sflag:$0x1] =	stream.indirect.gather [hbm4b:s4+s11], $0x10, s26, s11, $0xb8;
	[tilespmem:$0x1AA00] =	vst v63  }
0x15a: {  	s24 =	simm.s32 $0x880;
	s25 =	simm.s32 $0xA100  }
0x15b: {  	[tilespmem:s25], [sflag:$0x1] =	stream.indirect.gather [hbm4b:s4+s11], $0x10, s24, s11, $0xb8;
	[tilespmem:$0x1AA00] =	vst v63  }
0x15c: {  	s26 =	simm.s32 $0x900;
	s28 =	simm.s32 $0xA900  }
0x15d: {  	[tilespmem:s28], [sflag:$0x1] =	stream.indirect.gather [hbm4b:s4+s11], $0x10, s26, s11, $0xb8;
	[tilespmem:$0x1AA00] =	vst v63  }
0x15e: {  	s24 =	simm.s32 $0x980;
	s25 =	simm.s32 $0xB100  }
0x15f: {  	[tilespmem:s25], [sflag:$0x1] =	stream.indirect.gather [hbm4b:s4+s11], $0x10, s24, s11, $0xb8;
	[tilespmem:$0x1AA00] =	vst v63  }
0x160: {  	s26 =	simm.s32 $0xA00;
	s28 =	simm.s32 $0xB900  }
0x161: {  	[tilespmem:s28], [sflag:$0x1] =	stream.indirect.gather [hbm4b:s4+s11], $0x10, s26, s11, $0xb8;
	[tilespmem:$0x1AA00] =	vst v63  }
0x162: {  	s24 =	simm.s32 $0xA80;
	s25 =	simm.s32 $0xC100  }
0x163: {  	[tilespmem:s25], [sflag:$0x1] =	stream.indirect.gather [hbm4b:s4+s11], $0x10, s24, s11, $0xb8;
	[tilespmem:$0x1AA00] =	vst v63  }
0x164: {  	s26 =	simm.s32 $0xB00;
	s28 =	simm.s32 $0xC900  }
0x165: {  	[tilespmem:s28], [sflag:$0x1] =	stream.indirect.gather [hbm4b:s4+s11], $0x10, s26, s11, $0xb8;
	[tilespmem:$0x1AA00] =	vst v63  }
0x166: {  	s24 =	simm.s32 $0xB80;
	s25 =	simm.s32 $0xD100  }
0x167: {  	[tilespmem:s25], [sflag:$0x1] =	stream.indirect.gather [hbm4b:s4+s11], $0x10, s24, s11, $0xb8;
	[tilespmem:$0x1AA00] =	vst v63  }
0x168: {  	s26 =	simm.s32 $0xC00;
	s28 =	simm.s32 $0xD900  }
0x169: {  	[tilespmem:s28], [sflag:$0x1] =	stream.indirect.gather [hbm4b:s4+s11], $0x10, s26, s11, $0xb8;
	[tilespmem:$0x1AA00] =	vst v63  }
.LBB2_8:
0x16a: {  	_ =	swait.ge [sflag:s20], $0x800  }
0x16b: {  	[sflag:s20] =	ssyncset.done $0x0  }
0x16c: {  	[sflag:s20] =	ssyncadd.s32 $0xFFFFF800  }
0x16d: {  	_ =	swait.ge [sflag:s20], $0x800  }
0x16e: {  	[sflag:s20] =	ssyncset.done $0x0  }
0x16f: {  	[sflag:s20] =	ssyncadd.s32 $0xFFFFF800  }
0x170: {  	_ =	swait.ge [sflag:s20], $0x800  }
0x171: {  	[sflag:s20] =	ssyncset.done $0x0  }
0x172: {  	[sflag:s20] =	ssyncadd.s32 $0xFFFFF800  }
0x173: {  	_ =	swait.ge [sflag:s20], $0x800  }
0x174: {  	[sflag:s20] =	ssyncset.done $0x0  }
0x175: {  	[sflag:s20] =	ssyncadd.s32 $0xFFFFF800  }
0x176: {  	_ =	swait.ge [sflag:s20], $0x800  }
0x177: {  	[sflag:s20] =	ssyncset.done $0x0  }
0x178: {  	[sflag:s20] =	ssyncadd.s32 $0xFFFFF800  }
0x179: {  	_ =	swait.ge [sflag:s20], $0x800  }
0x17a: {  	[sflag:s20] =	ssyncset.done $0x0  }
0x17b: {  	[sflag:s20] =	ssyncadd.s32 $0xFFFFF800  }
0x17c: {  	_ =	swait.ge [sflag:s20], $0x800  }
0x17d: {  	[sflag:s20] =	ssyncset.done $0x0  }
0x17e: {  	[sflag:s20] =	ssyncadd.s32 $0xFFFFF800  }
0x17f: {  	_ =	swait.ge [sflag:s20], $0x800  }
0x180: {  	[sflag:s20] =	ssyncset.done $0x0  }
0x181: {  	[sflag:s20] =	ssyncadd.s32 $0xFFFFF800  }
0x182: {  	_ =	swait.ge [sflag:s20], $0x800  }
0x183: {  	[sflag:s20] =	ssyncset.done $0x0  }
0x184: {  	[sflag:s20] =	ssyncadd.s32 $0xFFFFF800  }
0x185: {  	_ =	swait.ge [sflag:s20], $0x800  }
0x186: {  	[sflag:s20] =	ssyncset.done $0x0  }
0x187: {  	[sflag:s20] =	ssyncadd.s32 $0xFFFFF800  }
0x188: {  	_ =	swait.ge [sflag:s20], $0x800  }
0x189: {  	[sflag:s20] =	ssyncset.done $0x0  }
0x18a: {  	[sflag:s20] =	ssyncadd.s32 $0xFFFFF800  }
0x18b: {  	_ =	swait.ge [sflag:s20], $0x800  }
0x18c: {  	[sflag:s20] =	ssyncset.done $0x0  }
0x18d: {  	[sflag:s20] =	ssyncadd.s32 $0xFFFFF800  }
0x18e: {  	_ =	swait.ge [sflag:s20], $0x800  }
0x18f: {  	[sflag:s20] =	ssyncset.done $0x0  }
0x190: {  	[sflag:s20] =	ssyncadd.s32 $0xFFFFF800  }
0x191: {  	_ =	swait.ge [sflag:s20], $0x800  }
0x192: {  	[sflag:s20] =	ssyncset.done $0x0  }
0x193: {  	[sflag:s20] =	ssyncadd.s32 $0xFFFFF800  }
0x194: {  	_ =	swait.ge [sflag:s20], $0x800  }
0x195: {  	[sflag:s20] =	ssyncset.done $0x0  }
0x196: {  	[sflag:s20] =	ssyncadd.s32 $0xFFFFF800  }
0x197: {  	_ =	swait.ge [sflag:s20], $0x800  }
0x198: {  	[sflag:s20] =	ssyncset.done $0x0  }
0x199: {  	[sflag:s20] =	ssyncadd.s32 $0xFFFFF800  }
0x19a: {  	_ =	swait.ge [sflag:s20], $0x800  }
0x19b: {  	[sflag:s20] =	ssyncset.done $0x0  }
0x19c: {  	[sflag:s20] =	ssyncadd.s32 $0xFFFFF800  }
0x19d: {  	_ =	swait.ge [sflag:s20], $0x800  }
0x19e: {  	[sflag:s20] =	ssyncset.done $0x0  }
0x19f: {  	[sflag:s20] =	ssyncadd.s32 $0xFFFFF800  }
0x1a0: {  	_ =	swait.ge [sflag:s20], $0x800  }
0x1a1: {  	[sflag:s20] =	ssyncset.done $0x0  }
0x1a2: {  	[sflag:s20] =	ssyncadd.s32 $0xFFFFF800  }
0x1a3: {  	_ =	swait.ge [sflag:s20], $0x800  }
0x1a4: {  	[sflag:s20] =	ssyncset.done $0x0  }
0x1a5: {  	[sflag:s20] =	ssyncadd.s32 $0xFFFFF800  }
0x1a6: {  	_ =	swait.ge [sflag:s20], $0x800  }
0x1a7: {  	[sflag:s20] =	ssyncset.done $0x0  }
0x1a8: {  	[sflag:s20] =	ssyncadd.s32 $0xFFFFF800  }
0x1a9: {  	_ =	swait.ge [sflag:s20], $0x800  }
0x1aa: {  	[sflag:s20] =	ssyncset.done $0x0  }
0x1ab: {  	[sflag:s20] =	ssyncadd.s32 $0xFFFFF800  }
0x1ac: {  	_ =	swait.ge [sflag:s20], $0x800  }
0x1ad: {  	[sflag:s20] =	ssyncset.done $0x0  }
0x1ae: {  	[sflag:s20] =	ssyncadd.s32 $0xFFFFF800  }
0x1af: {  	_ =	swait.ge [sflag:s20], $0x800  }
0x1b0: {  	[sflag:s20] =	ssyncset.done $0x0  }
0x1b1: {  	[sflag:s20] =	ssyncadd.s32 $0xFFFFF800  }
0x1b2: {  	_ =	swait.ge [sflag:s20], $0x800  }
0x1b3: {  	[sflag:s20] =	ssyncset.done $0x0  }
0x1b4: {  	s23 =	simm.s32 $0x0;
	s24 =	simm.s32 $0xE240;
	[sflag:s20] =	ssyncadd.s32 $0xFFFFF800  }
.LBB2_9:
0x1b5: {  	v0 =	vmov s24;
	_ =	sdelay $0x3  }
0x1b6: {  	s25 =	simm.s32 $0x0  }
0x1b7: {  	v2 =	vld.idx.msk [tilespmem:v0+s25+$0x100 ss:$0x1], $0xffff  }
0x1b8: {  	v4 =	vld.idx.msk [tilespmem:v0+s25+$0x110 ss:$0x1], $0xffff  }
0x1b9: {  	v1 =	vld.idx.msk [tilespmem:v0+s25+$0xC0 ss:$0x1], $0xffff  }
0x1ba: {  	v3 =	vld.idx.msk [tilespmem:v0+s25+$0xD0 ss:$0x1], $0xffff  }
0x1bb: {  	v5 =	vld.idx.msk [tilespmem:v0+s25+$0x80 ss:$0x1], $0xffff  }
0x1bc: {  	v6 =	vld.idx.msk [tilespmem:v0+s25+$0x90 ss:$0x1], $0xffff  }
0x1bd: {  	v7 =	vld.idx.msk [tilespmem:v0+s25+$0x40 ss:$0x1], $0xffff  }
0x1be: {  	v8 =	vld.idx.msk [tilespmem:v0+s25+$0x50 ss:$0x1], $0xffff  }
0x1bf: {  	v9 =	vld.idx.msk [tilespmem:v0+s25+$0x0 ss:$0x1], $0xffff  }
0x1c0: {  	v10 =	vld.idx.msk [tilespmem:v0+s25+$0x10 ss:$0x1], $0xffff  }
0x1c1: {  	v11 =	vld.idx.msk [tilespmem:v0+s25+$0xFFFFFFC0 ss:$0x1], $0xffff  }
0x1c2: {  	v12 =	vld.idx.msk [tilespmem:v0+s25+$0xFFFFFFD0 ss:$0x1], $0xffff  }
0x1c3: {  	v13 =	vld.idx.msk [tilespmem:v0+s25+$0xFFFFFF80 ss:$0x1], $0xffff  }
0x1c4: {  	v14 =	vld.idx.msk [tilespmem:v0+s25+$0xFFFFFF90 ss:$0x1], $0xffff  }
0x1c5: {  	v15 =	vld.idx.msk [tilespmem:v0+s25+$0xFFFFFF40 ss:$0x1], $0xffff  }
0x1c6: {  	v16 =	vld.idx.msk [tilespmem:v0+s25+$0xFFFFFF50 ss:$0x1], $0xffff  }
0x1c7: {  	v21 =	vld.idx.msk [tilespmem:v0+s25+$0xFFFFFF00 ss:$0x1], $0xffff  }
0x1c8: {  	v22 =	vld.idx.msk [tilespmem:v0+s25+$0xFFFFFF10 ss:$0x1], $0xffff  }
0x1c9: {  	v23 =	vld.idx.msk [tilespmem:v0+s25+$0xFFFFFEC0 ss:$0x1], $0xffff  }
0x1ca: {  	v17 =	vimm.f32 $0.0e+00;
	v25 =	vld.idx.msk [tilespmem:v0+s25+$0xFFFFFED0 ss:$0x1], $0xffff  }
0x1cb: {  	s26 =	simm.s32 $0xA00;
	v20 =	vimm.f32 $0.0e+00;
	v18 =	vimm.f32 $0.0e+00;
	v19 =	vimm.f32 $0.0e+00;
	v24 =	vld.idx.msk [tilespmem:v0+s25+$0xFFFFFEE0 ss:$0x1], $0xffff  }
.LBB2_10:
0x1cc: {  	p0 =	sne.s32 s26, $0x2800;
	v26 =	vld.idx.msk [tilespmem:v0+s25+$0xFFFFFEF0 ss:$0x1], $0xffff  }
0x1cd: {  	v27 =	vld.idx.msk [tilespmem:v0+s25+$0xFFFFFF20 ss:$0x1], $0xffff  }
0x1ce: {  	v28 =	vld.idx.msk [tilespmem:v0+s25+$0xFFFFFF30 ss:$0x1], $0xffff  }
0x1cf: {  	v29 =	vld.idx.msk [tilespmem:v0+s25+$0xFFFFFF60 ss:$0x1], $0xffff  }
0x1d0: {  	v30 =	vld.idx.msk [tilespmem:v0+s25+$0xFFFFFF70 ss:$0x1], $0xffff  }
0x1d1: {  	v17 =	vadd.f32 v23, v17;
	v20 =	vadd.f32 v25, v20;
	v23 =	vld.idx.msk [tilespmem:v0+s25+$0xFFFFFFA0 ss:$0x1], $0xffff  }
0x1d2: {  	v18 =	vadd.f32 v24, v18;
	v19 =	vadd.f32 v26, v19;
	v24 =	vld.idx.msk [tilespmem:v0+s25+$0xFFFFFFB0 ss:$0x1], $0xffff  }
0x1d3: {  	v17 =	vadd.f32 v21, v17;
	v20 =	vadd.f32 v22, v20;
	v21 =	vld.idx.msk [tilespmem:v0+s25+$0xFFFFFFE0 ss:$0x1], $0xffff  }
0x1d4: {  	v18 =	vadd.f32 v27, v18;
	v19 =	vadd.f32 v28, v19;
	v22 =	vld.idx.msk [tilespmem:v0+s25+$0xFFFFFFF0 ss:$0x1], $0xffff  }
0x1d5: {  	v15 =	vadd.f32 v15, v17;
	v16 =	vadd.f32 v16, v20;
	v17 =	vld.idx.msk [tilespmem:v0+s25+$0x20 ss:$0x1], $0xffff  }
0x1d6: {  	v18 =	vadd.f32 v29, v18;
	v19 =	vadd.f32 v30, v19;
	v20 =	vld.idx.msk [tilespmem:v0+s25+$0x30 ss:$0x1], $0xffff  }
0x1d7: {  	v13 =	vadd.f32 v13, v15;
	v14 =	vadd.f32 v14, v16;
	v15 =	vld.idx.msk [tilespmem:v0+s25+$0x60 ss:$0x1], $0xffff  }
0x1d8: {  	v16 =	vadd.f32 v23, v18;
	v18 =	vadd.f32 v24, v19;
	v19 =	vld.idx.msk [tilespmem:v0+s25+$0x70 ss:$0x1], $0xffff  }
0x1d9: {  	v11 =	vadd.f32 v11, v13;
	v12 =	vadd.f32 v12, v14;
	v13 =	vld.idx.msk [tilespmem:v0+s25+$0xA0 ss:$0x1], $0xffff  }
0x1da: {  	v14 =	vadd.f32 v21, v16;
	v16 =	vadd.f32 v22, v18;
	v18 =	vld.idx.msk [tilespmem:v0+s25+$0xB0 ss:$0x1], $0xffff  }
0x1db: {  	v9 =	vadd.f32 v9, v11;
	v10 =	vadd.f32 v10, v12;
	v11 =	vld.idx.msk [tilespmem:v0+s25+$0xE0 ss:$0x1], $0xffff  }
0x1dc: {  	v12 =	vadd.f32 v17, v14;
	v14 =	vadd.f32 v20, v16;
	v16 =	vld.idx.msk [tilespmem:v0+s25+$0xF0 ss:$0x1], $0xffff  }
0x1dd: {  	v7 =	vadd.f32 v7, v9;
	v8 =	vadd.f32 v8, v10;
	v9 =	vld.idx.msk [tilespmem:v0+s25+$0x120 ss:$0x1], $0xffff  }
0x1de: {  	v10 =	vadd.f32 v15, v12;
	v12 =	vadd.f32 v19, v14;
	v14 =	vld.idx.msk [tilespmem:v0+s25+$0x130 ss:$0x1], $0xffff;
	s25 =	sshra.s32 s26, $0x2  }
0x1df: {  	v5 =	vadd.f32 v5, v7;
	v6 =	vadd.f32 v6, v8;
	v15 =	vld.idx.msk [tilespmem:v0+s25+$0x100 ss:$0x1], $0xffff  }
0x1e0: {  	v7 =	vadd.f32 v13, v10;
	v8 =	vadd.f32 v18, v12;
	v21 =	vld.idx.msk [tilespmem:v0+s25+$0x110 ss:$0x1], $0xffff  }
0x1e1: {  	v10 =	vadd.f32 v1, v5;
	v6 =	vadd.f32 v3, v6;
	v1 =	vld.idx.msk [tilespmem:v0+s25+$0xC0 ss:$0x1], $0xffff  }
0x1e2: {  	v7 =	vadd.f32 v11, v7;
	v8 =	vadd.f32 v16, v8;
	v3 =	vld.idx.msk [tilespmem:v0+s25+$0xD0 ss:$0x1], $0xffff  }
0x1e3: {  	v17 =	vadd.f32 v2, v10;
	v20 =	vadd.f32 v4, v6;
	v5 =	vld.idx.msk [tilespmem:v0+s25+$0x80 ss:$0x1], $0xffff  }
0x1e4: {  	v18 =	vadd.f32 v9, v7;
	v19 =	vadd.f32 v14, v8;
	v6 =	vld.idx.msk [tilespmem:v0+s25+$0x90 ss:$0x1], $0xffff  }
0x1e5: {  	v2 =	vmov v15;
	v7 =	vld.idx.msk [tilespmem:v0+s25+$0x40 ss:$0x1], $0xffff  }
0x1e6: {  	v4 =	vmov v21;
	v8 =	vld.idx.msk [tilespmem:v0+s25+$0x50 ss:$0x1], $0xffff  }
0x1e7: {  	v9 =	vld.idx.msk [tilespmem:v0+s25+$0x0 ss:$0x1], $0xffff  }
0x1e8: {  	v10 =	vld.idx.msk [tilespmem:v0+s25+$0x10 ss:$0x1], $0xffff  }
0x1e9: {  	v11 =	vld.idx.msk [tilespmem:v0+s25+$0xFFFFFFC0 ss:$0x1], $0xffff  }
0x1ea: {  	v12 =	vld.idx.msk [tilespmem:v0+s25+$0xFFFFFFD0 ss:$0x1], $0xffff  }
0x1eb: {  	v13 =	vld.idx.msk [tilespmem:v0+s25+$0xFFFFFF80 ss:$0x1], $0xffff  }
0x1ec: {  	v14 =	vld.idx.msk [tilespmem:v0+s25+$0xFFFFFF90 ss:$0x1], $0xffff  }
0x1ed: {  	v15 =	vld.idx.msk [tilespmem:v0+s25+$0xFFFFFF40 ss:$0x1], $0xffff  }
0x1ee: {  	v16 =	vld.idx.msk [tilespmem:v0+s25+$0xFFFFFF50 ss:$0x1], $0xffff  }
.Ltmp3:
0x1ef: {  	v21 =	vld.idx.msk [tilespmem:v0+s25+$0xFFFFFF00 ss:$0x1], $0xffff;
	(pc) =	sbr.rel @p0 .LBB2_10-.Ltmp3, $4  }
0x1f0: {  	v22 =	vld.idx.msk [tilespmem:v0+s25+$0xFFFFFF10 ss:$0x1], $0xffff  }
0x1f1: {  	v23 =	vld.idx.msk [tilespmem:v0+s25+$0xFFFFFEC0 ss:$0x1], $0xffff  }
0x1f2: {  	v25 =	vld.idx.msk [tilespmem:v0+s25+$0xFFFFFED0 ss:$0x1], $0xffff  }
0x1f3: {  	s26 =	sadd.s32 $0xA00, s26;
	v24 =	vld.idx.msk [tilespmem:v0+s25+$0xFFFFFEE0 ss:$0x1], $0xffff  }
0x1f4: {  	_ =	sdelay $0x3  }
0x1f5: {  	v26 =	vld.idx.msk [tilespmem:v0+s25+$0xFFFFFEF0 ss:$0x1], $0xffff  }
0x1f6: {  	v27 =	vld.idx.msk [tilespmem:v0+s25+$0xFFFFFF20 ss:$0x1], $0xffff  }
0x1f7: {  	v28 =	vld.idx.msk [tilespmem:v0+s25+$0xFFFFFF30 ss:$0x1], $0xffff  }
0x1f8: {  	v29 =	vld.idx.msk [tilespmem:v0+s25+$0xFFFFFF60 ss:$0x1], $0xffff  }
0x1f9: {  	v30 =	vld.idx.msk [tilespmem:v0+s25+$0xFFFFFF70 ss:$0x1], $0xffff;
	v17 =	vadd.f32 v23, v17;
	v20 =	vadd.f32 v25, v20  }
0x1fa: {  	v36 =	vld.idx.msk [tilespmem:v0+s25+$0xFFFFFFA0 ss:$0x1], $0xffff;
	v18 =	vadd.f32 v24, v18;
	v19 =	vadd.f32 v26, v19  }
0x1fb: {  	v37 =	vld.idx.msk [tilespmem:v0+s25+$0xFFFFFFB0 ss:$0x1], $0xffff;
	v17 =	vadd.f32 v21, v17;
	v20 =	vadd.f32 v22, v20  }
0x1fc: {  	v38 =	vld.idx.msk [tilespmem:v0+s25+$0xFFFFFFE0 ss:$0x1], $0xffff;
	v18 =	vadd.f32 v27, v18;
	v19 =	vadd.f32 v28, v19  }
0x1fd: {  	v39 =	vld.idx.msk [tilespmem:v0+s25+$0xFFFFFFF0 ss:$0x1], $0xffff;
	v15 =	vadd.f32 v15, v17;
	v16 =	vadd.f32 v16, v20  }
0x1fe: {  	v40 =	vld.idx.msk [tilespmem:v0+s25+$0x20 ss:$0x1], $0xffff;
	v18 =	vadd.f32 v29, v18;
	v19 =	vadd.f32 v30, v19  }
0x1ff: {  	v41 =	vld.idx.msk [tilespmem:v0+s25+$0x30 ss:$0x1], $0xffff;
	v13 =	vadd.f32 v13, v15;
	v14 =	vadd.f32 v14, v16  }
0x200: {  	v42 =	vld.idx.msk [tilespmem:v0+s25+$0x60 ss:$0x1], $0xffff;
	v43 =	vadd.f32 v36, v18;
	v44 =	vadd.f32 v37, v19  }
0x201: {  	v45 =	vld.idx.msk [tilespmem:v0+s25+$0x70 ss:$0x1], $0xffff;
	v11 =	vadd.f32 v11, v13;
	v12 =	vadd.f32 v12, v14  }
0x202: {  	v46 =	vld.idx.msk [tilespmem:v0+s25+$0xA0 ss:$0x1], $0xffff;
	v47 =	vadd.f32 v38, v43;
	v48 =	vadd.f32 v39, v44  }
0x203: {  	v49 =	vld.idx.msk [tilespmem:v0+s25+$0xB0 ss:$0x1], $0xffff;
	v9 =	vadd.f32 v9, v11;
	v10 =	vadd.f32 v10, v12  }
0x204: {  	v50 =	vld.idx.msk [tilespmem:v0+s25+$0xE0 ss:$0x1], $0xffff;
	v51 =	vadd.f32 v40, v47;
	v52 =	vadd.f32 v41, v48  }
0x205: {  	v53 =	vld.idx.msk [tilespmem:v0+s25+$0xF0 ss:$0x1], $0xffff;
	v7 =	vadd.f32 v7, v9;
	v8 =	vadd.f32 v8, v10  }
0x206: {  	v54 =	vld.idx.msk [tilespmem:v0+s25+$0x120 ss:$0x1], $0xffff;
	v55 =	vadd.f32 v42, v51;
	v56 =	vadd.f32 v45, v52  }
0x207: {  	v57 =	vld.idx.msk [tilespmem:v0+s25+$0x130 ss:$0x1], $0xffff;
	v5 =	vadd.f32 v5, v7;
	v6 =	vadd.f32 v6, v8  }
0x208: {  	v58 =	vadd.f32 v46, v55;
	v59 =	vadd.f32 v49, v56  }
0x209: {  	v1 =	vadd.f32 v1, v5;
	v3 =	vadd.f32 v3, v6  }
0x20a: {  	v60 =	vadd.f32 v50, v58;
	v61 =	vadd.f32 v53, v59  }
0x20b: {  	v1 =	vadd.f32 v2, v1;
	v62 =	vadd.f32 v4, v3  }
0x20c: {  	v63 =	vadd.f32 v54, v60;
	v0 =	vadd.f32 v57, v61;
	_ =	sdelay $0x1  }
0x20d: {  	s28 =	sshll.u32 s23, $0x4;
	s23 =	sadd.s32 $0x1, s23;
	v1 =	vadd.f32 v62, v1;
	v0 =	vadd.f32 v0, v63  }
0x20e: {  	p0 =	sne.s32 s23, $0x10  }
.Ltmp4:
0x20f: {  	v0 =	vadd.f32 v0, v1;
	(pc) =	sbr.rel @p0 .LBB2_9-.Ltmp4, $4  }
0x210: {  	_ = 	snop  }
0x211: {  	v0 =	vmul.f32 $4.999999890e-03, v0  }
0x212: {  	s25 =	sand.u32 $0x3FFFFFF0, s28  }
0x213: {  	s24 =	sadd.s32 $0xC80, s24;
	[tilespmem:s25+$0x1A900] =	vst v0  }
0x214: {  	s21 =	sadd.s32 $0x1, s21  }
0x215: {  	s22 =	sshll.u32 s22, $0x5;
	p0 =	sne.s32 s21, $0x10  }
.Ltmp5:
0x216: {  	s22 =	sadd.s32 s22, s7;
	(pc) =	sbr.rel @p0 .LBB2_2-.Ltmp5, $4  }
0x217: {  	[hbm4b:s22+s2] =	stream.linear.scatter [tilespmem:s19], [sflag:$0x3], $0x100, $0x38;
	[tilespmem:$0x1AA00] =	vst v63  }
0x218: {  	_ =	swait.ge [sflag:s10], $0x100  }
0x219: {  	[sflag:s10] =	ssyncset.done $0x0  }
0x21a: {  	[sflag:s10] =	ssyncadd.s32 $0xFFFFFF00  }
0x21b: {  	s22 =	rddreg [dreg:$0x6]  }
0x21c: {  	s21 =	rddreg [dreg:$0x5];
	s22 =	sadd.s32 $0x1, s22  }
0x21d: {  	p0 =	sne.s32 s22, s21  }
.Ltmp6:
0x21e: {  	_ = 	snop;
	(pc) =	sbr.rel @p0 .LBB2_1-.Ltmp6, $1  }
0x21f: {  	_ =	sdelay $0x3  }
0x220: {  	_ =	sfence.sel $0x180000  }
0x221: {  	[bflag:$0x0] =	sbarrier.arrive $0xFFFF  }
0x222: {  	_ =	strace $0x9000004A  }
0x223: {  	s0 =	stileid.u32;
	[bflag:$0x2] =	sbarrier.arrive $0xFFFF  }
0x224: {  	p0 =	sne.s32 s0, $0x0;
	s0 =	rddreg [dreg:$0x2]  }
0x225: {  	s0 =	sadd.s32 @!p0 $0x100000, s0  }
0x226: {  	[sflag:s0] =	ssyncadd.tile.s32 @!p0 $0x1;
	_ =	shalt  }
.Lfunc_end2:
_tile_overlayer_lowered:
.L_overlay_start_2:
0x227: {  	(tag) =	ssettag $0x2  }
0x228: {  	s0 =	rddreg [dreg:$0x0];
	s2 =	stileid.u32  }
0x229: {  	s1 =	rddreg [dreg:$0x1];
	p0 =	sne.s32 s2, $0x0  }
0x22a: {  	s3 =	rddreg [dreg:$0x2];
	[bflag:$0x3] =	sbarrier.arrive $0xFFFF;
	s2 =	simm.s32 @!p0 $0x1C03  }
0x22b: {  	[timem:s3], [sflag:s2] =	dma.local @!p0 [hbm:s0], s1  }
0x22c: {  	s0 =	simm.s32 @!p0 $0x3  }
0x22d: {  	_ =	swait.ge @!p0 [sflag:s0], s1  }
0x22e: {  	s1 =	ssub.s32 @!p0 $0x0, s1;
	[sflag:s0] =	ssyncset.done @!p0 $0x0  }
0x22f: {  	[sflag:s0] =	ssyncadd.s32 @!p0 s1  }
0x230: {  	[bflag:$0x3] =	sbarrier.arrive $0xFFFF  }
0x231: {  	_ =	shalt  }

</sc_bundles>
